<compile_context>
chip_gen: v7x
topology: tpu7x:2x2x1
jax: 0.10.2.dev20260603
libtpu: 0.0.44.dev20260713+nightly
codegen_flags: <defaults>
</compile_context>

<pallas_src>
import functools

import jax
import jax.numpy as jnp
import numpy as np
from jax import lax
from jax.experimental import pallas as pl
from jax.experimental.pallas import tpu as pltpu
from jax.experimental.pallas import tpu_sc as plsc

N_ATOMS = 100000
N_EDGES = 6400000
N_MOL = 1000

CUTON = 2.5
CUTOFF = 7.5
LR_CUTOFF = 10.0
CUTON16 = CUTON ** 16
CUT_RCONSTANT = LR_CUTOFF ** 15 / (LR_CUTOFF ** 16 + CUTON16) ** (17.0 / 16.0)
CUT_CONSTANT = (1.0 / (CUTON16 + LR_CUTOFF ** 16) ** (1.0 / 16.0)
                + LR_CUTOFF ** 16 / (LR_CUTOFF ** 16 + CUTON16) ** (17.0 / 16.0))

_NSLICE = 5
_EPS = N_EDGES // _NSLICE


_RB = 1000
_SLICE_ROWS = _EPS // 128


def _g_body(x_ref, y_ref, z_ref, o_ref):
    x = x_ref[...]
    y = y_ref[...]
    z = z_ref[...]
    d2 = x * x + y * y + z * z
    d = jnp.sqrt(d2)
    u = (d - CUTON) * (1.0 / (CUTOFF - CUTON))
    u = jnp.clip(u, 0.0, 1.0)
    u3 = u * u * u
    f = 1.0 + u3 * (-10.0 + u * (15.0 - 6.0 * u))
    coul = jnp.where(d < LR_CUTOFF,
                     1.0 / d + d * (1.0 / LR_CUTOFF ** 2) - 2.0 / LR_CUTOFF,
                     0.0)
    t = d2 * d2
    t = t * t
    t = t * t + CUTON16
    p = lax.rsqrt(t)
    p = jnp.sqrt(p)
    p = jnp.sqrt(p)
    p = jnp.sqrt(p)
    damped = p + (1.0 - f) * CUT_RCONSTANT * d - CUT_CONSTANT
    o_ref[...] = f * (damped - coul) + coul


def _g_factor_slice(Rij, s):
    lo = s * _EPS
    planes = [Rij[lo:lo + _EPS, c].reshape(_SLICE_ROWS, 128) for c in range(3)]
    spec = pl.BlockSpec((_RB, 128), lambda i: (i, 0))
    out = pl.pallas_call(
        _g_body,
        grid=(_SLICE_ROWS // _RB,),
        in_specs=[spec, spec, spec],
        out_specs=spec,
        out_shape=jax.ShapeDtypeStruct((_SLICE_ROWS, 128), jnp.float32),
    )(*planes)
    return out.reshape(_EPS)



_NC, _NS, _L = 2, 16, 16
_NW = _NC * _NS
_EPW = _EPS // _NW
_CH = 2000
_NCHUNK = _EPW // _CH
_MB = 1008
_QMASK = np.int32(-1024)
_MMASK = np.int32(1023)
_QSCALE = np.float32(np.sqrt(0.5))


def _sc_scatter_body(sbase, packed_hbm, idxi_hbm, idxj_hbm, g_hbm, out_hbm,
                     tab, bins, bi0, bi1, bj0, bj1, bg0, bg1, sem0, sem1):
    wid = lax.axis_index("s") * _NC + lax.axis_index("c")
    base = wid * _EPW
    bi = (bi0, bi1)
    bj = (bj0, bj1)
    bg = (bg0, bg1)
    sems = (sem0, sem1)

    pltpu.sync_copy(packed_hbm, tab)

    zz = jnp.zeros((_L,), jnp.float32)

    def zero_body(c, carry):
        s = pl.ds(c * _L, _L)
        for r in range(_L):
            bins[r, s] = zz
        return carry

    lax.fori_loop(0, _MB // _L, zero_body, None)

    rows = lax.broadcasted_iota(jnp.int32, (_L,), 0)

    def start(c, slot):
        off = base + c * _CH
        pltpu.async_copy(idxi_hbm.at[pl.ds(sbase + off, _CH)], bi[slot],
                         sems[slot])
        pltpu.async_copy(idxj_hbm.at[pl.ds(sbase + off, _CH)], bj[slot],
                         sems[slot])
        pltpu.async_copy(g_hbm.at[pl.ds(off, _CH)], bg[slot], sems[slot])

    def drain(slot):
        pltpu.make_async_copy(idxi_hbm.at[pl.ds(0, _CH)], bi[slot],
                              sems[slot]).wait()
        pltpu.make_async_copy(idxj_hbm.at[pl.ds(0, _CH)], bj[slot],
                              sems[slot]).wait()
        pltpu.make_async_copy(g_hbm.at[pl.ds(0, _CH)], bg[slot],
                              sems[slot]).wait()

    def compute(slot):
        @plsc.parallel_loop(0, _CH, _L, unroll=4)
        def _(i):
            s = pl.ds(i, _L)
            vi = bi[slot][s]
            vj = bj[slot][s]
            gv = bg[slot][s]
            pi = plsc.load_gather(tab, [vi])
            pj = plsc.load_gather(tab, [vj])
            qi = plsc.bitcast(pi & _QMASK, jnp.float32)
            qj = plsc.bitcast(pj & _QMASK, jnp.float32)
            m = pi & _MMASK
            plsc.addupdate_scatter(bins, [rows, m], qi * qj * gv)

    start(0, 0)

    def ring_body(h, carry):
        c0 = 2 * h
        start(c0 + 1, 1)
        drain(0)
        compute(0)

        @pl.when(c0 + 2 < _NCHUNK)
        def _():
            start(c0 + 2, 0)

        drain(1)
        compute(1)
        return carry

    lax.fori_loop(0, _NCHUNK // 2, ring_body, None)

    def red_body(c, carry):
        s = pl.ds(c * _L, _L)
        acc = bins[0, s]
        for r in range(1, _L):
            acc = acc + bins[r, s]
        bins[0, s] = acc
        return carry

    lax.fori_loop(0, _MB // _L, red_body, None)

    pltpu.sync_copy(bins.at[0], out_hbm.at[wid])


@functools.cache
def _sc_scatter_kernel(sbase):
    mesh = plsc.VectorSubcoreMesh(core_axis_name="c", subcore_axis_name="s",
                                  num_cores=_NC, num_subcores=_NS)
    return pl.kernel(
        functools.partial(_sc_scatter_body, sbase),
        out_type=jax.ShapeDtypeStruct((_NW, _MB), jnp.float32),
        mesh=mesh,
        compiler_params=pltpu.CompilerParams(needs_layout_passes=False),
        scratch_types=[
            pltpu.VMEM((N_ATOMS,), jnp.int32),
            pltpu.VMEM((_L, _MB), jnp.float32),
            pltpu.VMEM((_CH,), jnp.int32),
            pltpu.VMEM((_CH,), jnp.int32),
            pltpu.VMEM((_CH,), jnp.int32),
            pltpu.VMEM((_CH,), jnp.int32),
            pltpu.VMEM((_CH,), jnp.float32),
            pltpu.VMEM((_CH,), jnp.float32),
            pltpu.SemaphoreType.DMA,
            pltpu.SemaphoreType.DMA,
        ],
    )



def kernel(Z, partial_charges, Rij, idx_i, idx_j, idx_m):
    q = jnp.squeeze(partial_charges, -1) * _QSCALE
    qbits = lax.bitcast_convert_type(q, jnp.int32)
    packed = ((qbits + 512) & _QMASK) | idx_m.astype(jnp.int32)
    idx_i = idx_i.astype(jnp.int32)
    idx_j = idx_j.astype(jnp.int32)
    partials = []
    for s in range(_NSLICE):
        g = _g_factor_slice(Rij, s)
        partials.append(_sc_scatter_kernel(s * _EPS)(packed, idx_i, idx_j, g))
    total = partials[0]
    for p in partials[1:]:
        total = total + p
    return jnp.sum(total, axis=0)[:N_MOL]

# --- scband reference (transcript-rebuilt; emitter-appended) ---
"""Pipeline reference for scband-electrostatic-energy-81733227643306 (READ-ONLY COPY).

The authoritative reference and input builder live on the scoring server;
editing this copy changes nothing except your own understanding.
"""

import jax, jax.numpy as jnp
import numpy as np

N_ATOMS = 100000
N_EDGES = 6400000
N_MOL = 1000

KE = 1.0
CUTON = 2.5
CUTOFF = 7.5
LR_CUTOFF = 10.0
KEHALF = KE / 2.0  # note: original code divides the *unconverted* ke by 2
CUTON16 = CUTON ** 16
CUT_RCONSTANT = LR_CUTOFF ** 15 / (LR_CUTOFF ** 16 + CUTON16) ** (17.0 / 16.0)
CUT_CONSTANT = 1.0 / (CUTON16 + LR_CUTOFF ** 16) ** (1.0 / 16.0) + LR_CUTOFF ** 16 / (LR_CUTOFF ** 16 + CUTON16) ** (17.0 / 16.0)


def switch_function(d, cuton, cutoff):
    # PhysNet-style smooth switch: 1 below cuton, 0 above cutoff
    x = (d - cuton) / (cutoff - cuton)
    x3 = x ** 3
    x4 = x3 * x
    x5 = x4 * x
    sw = 1.0 - 6.0 * x5 + 15.0 * x4 - 10.0 * x3
    return jnp.where(x <= 0.0, jnp.ones_like(d), jnp.where(x >= 1.0, jnp.zeros_like(d), sw))


def setup_inputs(seed=0) -> dict:
    key = jax.random.key(seed)
    k0, k1, k2, k3, k4, k5 = jax.random.split(key, 6)
    Z = jax.random.randint(k0, (N_ATOMS,), 0, 100, dtype=jnp.int64)
    partial_charges = jax.random.normal(k1, (N_ATOMS, 1), dtype=jnp.float32)
    Rij = jax.random.normal(k2, (N_EDGES, 3), dtype=jnp.float32)
    idx_i = jax.random.randint(k3, (N_EDGES,), 0, N_ATOMS, dtype=jnp.int64)
    idx_j = jax.random.randint(k4, (N_EDGES,), 0, N_ATOMS, dtype=jnp.int64)
    idx_m = jnp.sort(jax.random.randint(k5, (N_ATOMS,), 0, N_MOL, dtype=jnp.int64))
    idx_m = idx_m.at[-1].set(N_MOL - 1)  # guarantee maxm == N_MOL
    return {"Z": Z, "partial_charges": partial_charges, "Rij": Rij,
            "idx_i": idx_i, "idx_j": idx_j, "idx_m": idx_m}


def reference(Z, partial_charges, Rij, idx_i, idx_j, idx_m):
    q = jnp.squeeze(partial_charges, -1)
    d_ij = jnp.linalg.norm(Rij, axis=1)
    N = Z.shape[0]
    maxm = N_MOL
    fac = KEHALF * jnp.take(q, idx_i, axis=0) * jnp.take(q, idx_j, axis=0)
    f = switch_function(d_ij, CUTON, CUTOFF)
    x_coulomb = 1.0 / d_ij + d_ij / LR_CUTOFF ** 2 - 2.0 / LR_CUTOFF
    coulomb = jnp.where(d_ij < LR_CUTOFF, x_coulomb, jnp.zeros_like(d_ij))
    damped = 1.0 / (d_ij ** 16 + CUTON16) ** (1.0 / 16.0) + (1.0 - f) * CUT_RCONSTANT * d_ij - CUT_CONSTANT
    per_edge = fac * (f * damped + (1.0 - f) * coulomb)
    y = jax.ops.segment_sum(per_edge, idx_i, num_segments=N)
    y = jax.ops.segment_sum(y, idx_m, num_segments=maxm)
    return y

if __name__ == "__main__":
    import jax
    _d = setup_inputs()
    print(jax.jit(kernel)(*tuple(_d.values())))

</pallas_src>

<mosaic_0001>
#map = affine_map<(d0, d1) -> (0)>
#map1 = affine_map<(d0, d1) -> (0, 0)>
module attributes {stable_mosaic.version = 14 : i64} {
  func.func @_sc_scatter_body(%arg0: i32, %arg1: i32, %arg2: memref<100000xi32, #tpu.memory_space<hbm>>, %arg3: memref<6400000xi32, #tpu.memory_space<hbm>>, %arg4: memref<6400000xi32, #tpu.memory_space<hbm>>, %arg5: memref<1280000xf32, #tpu.memory_space<hbm>>, %arg6: memref<32x1008xf32, #tpu.memory_space<hbm>>, %arg7: memref<100000xi32, #tpu.memory_space<vmem>>, %arg8: memref<16x1008xf32, #tpu.memory_space<vmem>>, %arg9: memref<2000xi32, #tpu.memory_space<vmem>>, %arg10: memref<2000xi32, #tpu.memory_space<vmem>>, %arg11: memref<2000xi32, #tpu.memory_space<vmem>>, %arg12: memref<2000xi32, #tpu.memory_space<vmem>>, %arg13: memref<2000xf32, #tpu.memory_space<vmem>>, %arg14: memref<2000xf32, #tpu.memory_space<vmem>>, %arg15: memref<!tpu.dma_semaphore, #tpu.memory_space<semaphore_mem>>, %arg16: memref<!tpu.dma_semaphore, #tpu.memory_space<semaphore_mem>>) attributes {dimension_semantics = [#tpu.dimension_semantics<core_parallel>, #tpu.dimension_semantics<subcore_parallel>], iteration_bounds = array<i64: 2, 16>, scalar_prefetch = 0 : i64, scratch_operands = 10 : i64, tpu.core_type = #tpu.core_type<sc_vector_subcore>, window_params = [{transform_indices = #map}, {transform_indices = #map}, {transform_indices = #map}, {transform_indices = #map}, {transform_indices = #map1}]} {
    %mul3A = arith.constant 2 : i32
    %mul3A_0 = arith.muli %arg1, %mul3A : i32
    %add3A = arith.addi %mul3A_0, %arg0 : i32
    %mul3A_1 = arith.constant 40000 : i32
    %mul3A_2 = arith.muli %add3A, %mul3A_1 : i32
    "tpu.region"() ({
      %run_scoped3A_29 = tpu.sem_alloc : memref<!tpu.dma_semaphore, #tpu.memory_space<semaphore_mem>>
      tpu.enqueue_dma source(%arg2 : memref<100000xi32, #tpu.memory_space<hbm>>) target(%arg7 : memref<100000xi32, #tpu.memory_space<vmem>>) target_semaphore(%run_scoped3A_29 : memref<!tpu.dma_semaphore, #tpu.memory_space<semaphore_mem>>)
      tpu.wait_dma2 semaphore(%run_scoped3A_29 : memref<!tpu.dma_semaphore, #tpu.memory_space<semaphore_mem>>) src(%arg2 : memref<100000xi32, #tpu.memory_space<hbm>>) dst(%arg7 : memref<100000xi32, #tpu.memory_space<vmem>>)
      tpu.yield
    }) : () -> ()
    %broadcast_in_dim3A = arith.constant 0.000000e+00 : f32
    %broadcast_in_dim3A_3 = vector.broadcast %broadcast_in_dim3A : f32 to vector<16xf32>
    %scan3A = arith.constant 0 : i32
    %scan3A_4 = arith.constant 63 : i32
    %scan3A_5 = arith.addi %scan3A, %scan3A_4 : i32
    %scan3A_6 = arith.constant 1 : i32
    scf.for %scan3A_29 = %scan3A to %scan3A_5 step %scan3A_6  : i32 {
      %mul3A_30 = arith.constant 16 : i32
      %mul3A_31 = arith.muli %scan3A_29, %mul3A_30 : i32
      %swap3A = arith.constant 0 : i32
      %swap3A_32 = arith.index_cast %swap3A : i32 to index
      %swap3A_33 = arith.index_cast %mul3A_31 : i32 to index
      %swap3A_34 = tpu.vector_load %arg8[%swap3A_32, %swap3A_33] {strides = array<i32>} : memref<16x1008xf32, #tpu.memory_space<vmem>>, vector<16xf32>,
      tpu.vector_store %arg8[%swap3A_32, %swap3A_33], %broadcast_in_dim3A_3 {strides = array<i32>} : memref<16x1008xf32, #tpu.memory_space<vmem>>, vector<16xf32>,
      %swap3A_35 = arith.constant 1 : i32
      %swap3A_36 = arith.index_cast %swap3A_35 : i32 to index
      %swap3A_37 = arith.index_cast %mul3A_31 : i32 to index
      %swap3A_38 = tpu.vector_load %arg8[%swap3A_36, %swap3A_37] {strides = array<i32>} : memref<16x1008xf32, #tpu.memory_space<vmem>>, vector<16xf32>,
      tpu.vector_store %arg8[%swap3A_36, %swap3A_37], %broadcast_in_dim3A_3 {strides = array<i32>} : memref<16x1008xf32, #tpu.memory_space<vmem>>, vector<16xf32>,
      %swap3A_39 = arith.constant 2 : i32
      %swap3A_40 = arith.index_cast %swap3A_39 : i32 to index
      %swap3A_41 = arith.index_cast %mul3A_31 : i32 to index
      %swap3A_42 = tpu.vector_load %arg8[%swap3A_40, %swap3A_41] {strides = array<i32>} : memref<16x1008xf32, #tpu.memory_space<vmem>>, vector<16xf32>,
      tpu.vector_store %arg8[%swap3A_40, %swap3A_41], %broadcast_in_dim3A_3 {strides = array<i32>} : memref<16x1008xf32, #tpu.memory_space<vmem>>, vector<16xf32>,
      %swap3A_43 = arith.constant 3 : i32
      %swap3A_44 = arith.index_cast %swap3A_43 : i32 to index
      %swap3A_45 = arith.index_cast %mul3A_31 : i32 to index
      %swap3A_46 = tpu.vector_load %arg8[%swap3A_44, %swap3A_45] {strides = array<i32>} : memref<16x1008xf32, #tpu.memory_space<vmem>>, vector<16xf32>,
      tpu.vector_store %arg8[%swap3A_44, %swap3A_45], %broadcast_in_dim3A_3 {strides = array<i32>} : memref<16x1008xf32, #tpu.memory_space<vmem>>, vector<16xf32>,
      %swap3A_47 = arith.constant 4 : i32
      %swap3A_48 = arith.index_cast %swap3A_47 : i32 to index
      %swap3A_49 = arith.index_cast %mul3A_31 : i32 to index
      %swap3A_50 = tpu.vector_load %arg8[%swap3A_48, %swap3A_49] {strides = array<i32>} : memref<16x1008xf32, #tpu.memory_space<vmem>>, vector<16xf32>,
      tpu.vector_store %arg8[%swap3A_48, %swap3A_49], %broadcast_in_dim3A_3 {strides = array<i32>} : memref<16x1008xf32, #tpu.memory_space<vmem>>, vector<16xf32>,
      %swap3A_51 = arith.constant 5 : i32
      %swap3A_52 = arith.index_cast %swap3A_51 : i32 to index
      %swap3A_53 = arith.index_cast %mul3A_31 : i32 to index
      %swap3A_54 = tpu.vector_load %arg8[%swap3A_52, %swap3A_53] {strides = array<i32>} : memref<16x1008xf32, #tpu.memory_space<vmem>>, vector<16xf32>,
      tpu.vector_store %arg8[%swap3A_52, %swap3A_53], %broadcast_in_dim3A_3 {strides = array<i32>} : memref<16x1008xf32, #tpu.memory_space<vmem>>, vector<16xf32>,
      %swap3A_55 = arith.constant 6 : i32
      %swap3A_56 = arith.index_cast %swap3A_55 : i32 to index
      %swap3A_57 = arith.index_cast %mul3A_31 : i32 to index
      %swap3A_58 = tpu.vector_load %arg8[%swap3A_56, %swap3A_57] {strides = array<i32>} : memref<16x1008xf32, #tpu.memory_space<vmem>>, vector<16xf32>,
      tpu.vector_store %arg8[%swap3A_56, %swap3A_57], %broadcast_in_dim3A_3 {strides = array<i32>} : memref<16x1008xf32, #tpu.memory_space<vmem>>, vector<16xf32>,
      %swap3A_59 = arith.constant 7 : i32
      %swap3A_60 = arith.index_cast %swap3A_59 : i32 to index
      %swap3A_61 = arith.index_cast %mul3A_31 : i32 to index
      %swap3A_62 = tpu.vector_load %arg8[%swap3A_60, %swap3A_61] {strides = array<i32>} : memref<16x1008xf32, #tpu.memory_space<vmem>>, vector<16xf32>,
      tpu.vector_store %arg8[%swap3A_60, %swap3A_61], %broadcast_in_dim3A_3 {strides = array<i32>} : memref<16x1008xf32, #tpu.memory_space<vmem>>, vector<16xf32>,
      %swap3A_63 = arith.constant 8 : i32
      %swap3A_64 = arith.index_cast %swap3A_63 : i32 to index
      %swap3A_65 = arith.index_cast %mul3A_31 : i32 to index
      %swap3A_66 = tpu.vector_load %arg8[%swap3A_64, %swap3A_65] {strides = array<i32>} : memref<16x1008xf32, #tpu.memory_space<vmem>>, vector<16xf32>,
      tpu.vector_store %arg8[%swap3A_64, %swap3A_65], %broadcast_in_dim3A_3 {strides = array<i32>} : memref<16x1008xf32, #tpu.memory_space<vmem>>, vector<16xf32>,
      %swap3A_67 = arith.constant 9 : i32
      %swap3A_68 = arith.index_cast %swap3A_67 : i32 to index
      %swap3A_69 = arith.index_cast %mul3A_31 : i32 to index
      %swap3A_70 = tpu.vector_load %arg8[%swap3A_68, %swap3A_69] {strides = array<i32>} : memref<16x1008xf32, #tpu.memory_space<vmem>>, vector<16xf32>,
      tpu.vector_store %arg8[%swap3A_68, %swap3A_69], %broadcast_in_dim3A_3 {strides = array<i32>} : memref<16x1008xf32, #tpu.memory_space<vmem>>, vector<16xf32>,
      %swap3A_71 = arith.constant 10 : i32
      %swap3A_72 = arith.index_cast %swap3A_71 : i32 to index
      %swap3A_73 = arith.index_cast %mul3A_31 : i32 to index
      %swap3A_74 = tpu.vector_load %arg8[%swap3A_72, %swap3A_73] {strides = array<i32>} : memref<16x1008xf32, #tpu.memory_space<vmem>>, vector<16xf32>,
      tpu.vector_store %arg8[%swap3A_72, %swap3A_73], %broadcast_in_dim3A_3 {strides = array<i32>} : memref<16x1008xf32, #tpu.memory_space<vmem>>, vector<16xf32>,
      %swap3A_75 = arith.constant 11 : i32
      %swap3A_76 = arith.index_cast %swap3A_75 : i32 to index
      %swap3A_77 = arith.index_cast %mul3A_31 : i32 to index
      %swap3A_78 = tpu.vector_load %arg8[%swap3A_76, %swap3A_77] {strides = array<i32>} : memref<16x1008xf32, #tpu.memory_space<vmem>>, vector<16xf32>,
      tpu.vector_store %arg8[%swap3A_76, %swap3A_77], %broadcast_in_dim3A_3 {strides = array<i32>} : memref<16x1008xf32, #tpu.memory_space<vmem>>, vector<16xf32>,
      %swap3A_79 = arith.constant 12 : i32
      %swap3A_80 = arith.index_cast %swap3A_79 : i32 to index
      %swap3A_81 = arith.index_cast %mul3A_31 : i32 to index
      %swap3A_82 = tpu.vector_load %arg8[%swap3A_80, %swap3A_81] {strides = array<i32>} : memref<16x1008xf32, #tpu.memory_space<vmem>>, vector<16xf32>,
      tpu.vector_store %arg8[%swap3A_80, %swap3A_81], %broadcast_in_dim3A_3 {strides = array<i32>} : memref<16x1008xf32, #tpu.memory_space<vmem>>, vector<16xf32>,
      %swap3A_83 = arith.constant 13 : i32
      %swap3A_84 = arith.index_cast %swap3A_83 : i32 to index
      %swap3A_85 = arith.index_cast %mul3A_31 : i32 to index
      %swap3A_86 = tpu.vector_load %arg8[%swap3A_84, %swap3A_85] {strides = array<i32>} : memref<16x1008xf32, #tpu.memory_space<vmem>>, vector<16xf32>,
      tpu.vector_store %arg8[%swap3A_84, %swap3A_85], %broadcast_in_dim3A_3 {strides = array<i32>} : memref<16x1008xf32, #tpu.memory_space<vmem>>, vector<16xf32>,
      %swap3A_87 = arith.constant 14 : i32
      %swap3A_88 = arith.index_cast %swap3A_87 : i32 to index
      %swap3A_89 = arith.index_cast %mul3A_31 : i32 to index
      %swap3A_90 = tpu.vector_load %arg8[%swap3A_88, %swap3A_89] {strides = array<i32>} : memref<16x1008xf32, #tpu.memory_space<vmem>>, vector<16xf32>,
      tpu.vector_store %arg8[%swap3A_88, %swap3A_89], %broadcast_in_dim3A_3 {strides = array<i32>} : memref<16x1008xf32, #tpu.memory_space<vmem>>, vector<16xf32>,
      %swap3A_91 = arith.constant 15 : i32
      %swap3A_92 = arith.index_cast %swap3A_91 : i32 to index
      %swap3A_93 = arith.index_cast %mul3A_31 : i32 to index
      %swap3A_94 = tpu.vector_load %arg8[%swap3A_92, %swap3A_93] {strides = array<i32>} : memref<16x1008xf32, #tpu.memory_space<vmem>>, vector<16xf32>,
      tpu.vector_store %arg8[%swap3A_92, %swap3A_93], %broadcast_in_dim3A_3 {strides = array<i32>} : memref<16x1008xf32, #tpu.memory_space<vmem>>, vector<16xf32>,
    }
    %scan3A_7 = arith.constant 63 : i32
    %iota3A = tpu.iota {dimensions = array<i32: 0>} : vector<16xi32>
    %add3A_8 = arith.constant 0 : i32
    %add3A_9 = arith.addi %mul3A_2, %add3A_8 : i32
    %add3A_10 = arith.constant 3840000 : i32
    %add3A_11 = arith.addi %add3A_10, %add3A_9 : i32
    %dma_start3A = tpu.memref_slice %arg3[%add3A_11] : memref<6400000xi32, #tpu.memory_space<hbm>> -> memref<2000xi32, #tpu.memory_space<hbm>>
    %dma_start3A_12 = tpu.memref_slice %arg3[%add3A_11] : memref<6400000xi32, #tpu.memory_space<hbm>> -> memref<2000xi32, #tpu.memory_space<hbm>>
    tpu.enqueue_dma source(%dma_start3A_12 : memref<2000xi32, #tpu.memory_space<hbm>>) target(%arg9 : memref<2000xi32, #tpu.memory_space<vmem>>) target_semaphore(%arg15 : memref<!tpu.dma_semaphore, #tpu.memory_space<semaphore_mem>>)
    %add3A_13 = arith.constant 3840000 : i32
    %add3A_14 = arith.addi %add3A_13, %add3A_9 : i32
    %dma_start3A_15 = tpu.memref_slice %arg4[%add3A_14] : memref<6400000xi32, #tpu.memory_space<hbm>> -> memref<2000xi32, #tpu.memory_space<hbm>>
    %dma_start3A_16 = tpu.memref_slice %arg4[%add3A_14] : memref<6400000xi32, #tpu.memory_space<hbm>> -> memref<2000xi32, #tpu.memory_space<hbm>>
    tpu.enqueue_dma source(%dma_start3A_16 : memref<2000xi32, #tpu.memory_space<hbm>>) target(%arg11 : memref<2000xi32, #tpu.memory_space<vmem>>) target_semaphore(%arg15 : memref<!tpu.dma_semaphore, #tpu.memory_space<semaphore_mem>>)
    %dma_start3A_17 = tpu.memref_slice %arg5[%add3A_9] : memref<1280000xf32, #tpu.memory_space<hbm>> -> memref<2000xf32, #tpu.memory_space<hbm>>
    %dma_start3A_18 = tpu.memref_slice %arg5[%add3A_9] : memref<1280000xf32, #tpu.memory_space<hbm>> -> memref<2000xf32, #tpu.memory_space<hbm>>
    tpu.enqueue_dma source(%dma_start3A_18 : memref<2000xf32, #tpu.memory_space<hbm>>) target(%arg13 : memref<2000xf32, #tpu.memory_space<vmem>>) target_semaphore(%arg15 : memref<!tpu.dma_semaphore, #tpu.memory_space<semaphore_mem>>)
    %scan3A_19 = arith.constant 0 : i32
    %scan3A_20 = arith.constant 10 : i32
    %scan3A_21 = arith.addi %scan3A_19, %scan3A_20 : i32
    %scan3A_22 = arith.constant 1 : i32
    scf.for %scan3A_29 = %scan3A_19 to %scan3A_21 step %scan3A_22  : i32 {
      %mul3A_30 = arith.constant 2 : i32
      %mul3A_31 = arith.muli %mul3A_30, %scan3A_29 : i32
      %add3A_32 = arith.constant 1 : i32
      %add3A_33 = arith.addi %mul3A_31, %add3A_32 : i32
      %mul3A_34 = arith.constant 2000 : i32
      %mul3A_35 = arith.muli %add3A_33, %mul3A_34 : i32
      %add3A_36 = arith.addi %mul3A_2, %mul3A_35 : i32
      %add3A_37 = arith.constant 3840000 : i32
      %add3A_38 = arith.addi %add3A_37, %add3A_36 : i32
      %dma_start3A_39 = tpu.memref_slice %arg3[%add3A_38] : memref<6400000xi32, #tpu.memory_space<hbm>> -> memref<2000xi32, #tpu.memory_space<hbm>>
      %dma_start3A_40 = tpu.memref_slice %arg3[%add3A_38] : memref<6400000xi32, #tpu.memory_space<hbm>> -> memref<2000xi32, #tpu.memory_space<hbm>>
      tpu.enqueue_dma source(%dma_start3A_40 : memref<2000xi32, #tpu.memory_space<hbm>>) target(%arg10 : memref<2000xi32, #tpu.memory_space<vmem>>) target_semaphore(%arg16 : memref<!tpu.dma_semaphore, #tpu.memory_space<semaphore_mem>>)
      %add3A_41 = arith.constant 3840000 : i32
      %add3A_42 = arith.addi %add3A_41, %add3A_36 : i32
      %dma_start3A_43 = tpu.memref_slice %arg4[%add3A_42] : memref<6400000xi32, #tpu.memory_space<hbm>> -> memref<2000xi32, #tpu.memory_space<hbm>>
      %dma_start3A_44 = tpu.memref_slice %arg4[%add3A_42] : memref<6400000xi32, #tpu.memory_space<hbm>> -> memref<2000xi32, #tpu.memory_space<hbm>>
      tpu.enqueue_dma source(%dma_start3A_44 : memref<2000xi32, #tpu.memory_space<hbm>>) target(%arg12 : memref<2000xi32, #tpu.memory_space<vmem>>) target_semaphore(%arg16 : memref<!tpu.dma_semaphore, #tpu.memory_space<semaphore_mem>>)
      %dma_start3A_45 = tpu.memref_slice %arg5[%add3A_36] : memref<1280000xf32, #tpu.memory_space<hbm>> -> memref<2000xf32, #tpu.memory_space<hbm>>
      %dma_start3A_46 = tpu.memref_slice %arg5[%add3A_36] : memref<1280000xf32, #tpu.memory_space<hbm>> -> memref<2000xf32, #tpu.memory_space<hbm>>
      tpu.enqueue_dma source(%dma_start3A_46 : memref<2000xf32, #tpu.memory_space<hbm>>) target(%arg14 : memref<2000xf32, #tpu.memory_space<vmem>>) target_semaphore(%arg16 : memref<!tpu.dma_semaphore, #tpu.memory_space<semaphore_mem>>)
      %dma_wait3A = arith.constant 0 : i32
      %dma_wait3A_47 = tpu.memref_slice %arg3[%dma_wait3A] : memref<6400000xi32, #tpu.memory_space<hbm>> -> memref<2000xi32, #tpu.memory_space<hbm>>
      %dma_wait3A_48 = arith.constant 0 : i32
      %dma_wait3A_49 = tpu.memref_slice %arg3[%dma_wait3A_48] : memref<6400000xi32, #tpu.memory_space<hbm>> -> memref<2000xi32, #tpu.memory_space<hbm>>
      tpu.wait_dma2 semaphore(%arg15 : memref<!tpu.dma_semaphore, #tpu.memory_space<semaphore_mem>>) src(%dma_wait3A_49 : memref<2000xi32, #tpu.memory_space<hbm>>) dst(%arg9 : memref<2000xi32, #tpu.memory_space<vmem>>)
      %dma_wait3A_50 = arith.constant 0 : i32
      %dma_wait3A_51 = tpu.memref_slice %arg4[%dma_wait3A_50] : memref<6400000xi32, #tpu.memory_space<hbm>> -> memref<2000xi32, #tpu.memory_space<hbm>>
      %dma_wait3A_52 = arith.constant 0 : i32
      %dma_wait3A_53 = tpu.memref_slice %arg4[%dma_wait3A_52] : memref<6400000xi32, #tpu.memory_space<hbm>> -> memref<2000xi32, #tpu.memory_space<hbm>>
      tpu.wait_dma2 semaphore(%arg15 : memref<!tpu.dma_semaphore, #tpu.memory_space<semaphore_mem>>) src(%dma_wait3A_53 : memref<2000xi32, #tpu.memory_space<hbm>>) dst(%arg11 : memref<2000xi32, #tpu.memory_space<vmem>>)
      %dma_wait3A_54 = arith.constant 0 : i32
      %dma_wait3A_55 = tpu.memref_slice %arg5[%dma_wait3A_54] : memref<1280000xf32, #tpu.memory_space<hbm>> -> memref<2000xf32, #tpu.memory_space<hbm>>
      %dma_wait3A_56 = arith.constant 0 : i32
      %dma_wait3A_57 = tpu.memref_slice %arg5[%dma_wait3A_56] : memref<1280000xf32, #tpu.memory_space<hbm>> -> memref<2000xf32, #tpu.memory_space<hbm>>
      tpu.wait_dma2 semaphore(%arg15 : memref<!tpu.dma_semaphore, #tpu.memory_space<semaphore_mem>>) src(%dma_wait3A_57 : memref<2000xf32, #tpu.memory_space<hbm>>) dst(%arg13 : memref<2000xf32, #tpu.memory_space<vmem>>)
      %parallel_loop3A = arith.constant 0 : i32
      %parallel_loop3A_58 = arith.constant 2000 : i32
      %parallel_loop3A_59 = arith.constant 16 : i32
      scf.for %parallel_loop3A_79 = %parallel_loop3A to %parallel_loop3A_58 step %parallel_loop3A_59  : i32 {
        %parallel_loop3A_80 = arith.index_cast %parallel_loop3A_79 : i32 to index
        %parallel_loop3A_81 = tpu.vector_load %arg9[%parallel_loop3A_80] {strides = array<i32>} : memref<2000xi32, #tpu.memory_space<vmem>>, vector<16xi32>,
        %parallel_loop3A_82 = arith.index_cast %parallel_loop3A_79 : i32 to index
        %parallel_loop3A_83 = tpu.vector_load %arg11[%parallel_loop3A_82] {strides = array<i32>} : memref<2000xi32, #tpu.memory_space<vmem>>, vector<16xi32>,
        %parallel_loop3A_84 = arith.index_cast %parallel_loop3A_79 : i32 to index
        %parallel_loop3A_85 = tpu.vector_load %arg13[%parallel_loop3A_84] {strides = array<i32>} : memref<2000xf32, #tpu.memory_space<vmem>>, vector<16xf32>,
        %parallel_loop3A_86 = tpu.vector_load_idx %arg7[%parallel_loop3A_81] : memref<100000xi32, #tpu.memory_space<vmem>>[vector<16xi32>], vector<16xi32>,
        %parallel_loop3A_87 = tpu.vector_load_idx %arg7[%parallel_loop3A_83] : memref<100000xi32, #tpu.memory_space<vmem>>[vector<16xi32>], vector<16xi32>,
        %parallel_loop3A_88 = arith.constant -1024 : i32
        %parallel_loop3A_89 = vector.broadcast %parallel_loop3A_88 : i32 to vector<16xi32>
        %parallel_loop3A_90 = arith.andi %parallel_loop3A_86, %parallel_loop3A_89 : vector<16xi32>
        %parallel_loop3A_91 = vector.bitcast %parallel_loop3A_90 : vector<16xi32> to vector<16xf32>
        %parallel_loop3A_92 = arith.constant -1024 : i32
        %parallel_loop3A_93 = vector.broadcast %parallel_loop3A_92 : i32 to vector<16xi32>
        %parallel_loop3A_94 = arith.andi %parallel_loop3A_87, %parallel_loop3A_93 : vector<16xi32>
        %parallel_loop3A_95 = vector.bitcast %parallel_loop3A_94 : vector<16xi32> to vector<16xf32>
        %parallel_loop3A_96 = arith.constant 1023 : i32
        %parallel_loop3A_97 = vector.broadcast %parallel_loop3A_96 : i32 to vector<16xi32>
        %parallel_loop3A_98 = arith.andi %parallel_loop3A_86, %parallel_loop3A_97 : vector<16xi32>
        %parallel_loop3A_99 = arith.mulf %parallel_loop3A_91, %parallel_loop3A_95 : vector<16xf32>
        %parallel_loop3A_100 = arith.mulf %parallel_loop3A_99, %parallel_loop3A_85 : vector<16xf32>
        tpu.vector_store_idx %arg8[%iota3A, %parallel_loop3A_98], %parallel_loop3A_100 {add = true} : memref<16x1008xf32, #tpu.memory_space<vmem>>[vector<16xi32>, vector<16xi32>], vector<16xf32>,
      } {sc.loop_unroll_factor = 4 : i64, sc.parallel_access}
      %add3A_60 = arith.constant 2 : i32
      %add3A_61 = arith.addi %mul3A_31, %add3A_60 : i32
      %lt3A = arith.constant 20 : i32
      %lt3A_62 = arith.cmpi slt, %add3A_61, %lt3A : i32
      %convert_element_type3A = arith.extui %lt3A_62 : i1 to i32
      %cond3A = arith.constant 0 : i32
      %cond3A_63 = arith.cmpi ne, %convert_element_type3A, %cond3A : i32
      scf.if %cond3A_63 {
        %add3A_79 = arith.constant 2 : i32
        %add3A_80 = arith.addi %mul3A_31, %add3A_79 : i32
        %mul3A_81 = arith.constant 2000 : i32
        %mul3A_82 = arith.muli %add3A_80, %mul3A_81 : i32
        %add3A_83 = arith.addi %mul3A_2, %mul3A_82 : i32
        %add3A_84 = arith.constant 3840000 : i32
        %add3A_85 = arith.addi %add3A_84, %add3A_83 : i32
        %dma_start3A_86 = tpu.memref_slice %arg3[%add3A_85] : memref<6400000xi32, #tpu.memory_space<hbm>> -> memref<2000xi32, #tpu.memory_space<hbm>>
        %dma_start3A_87 = tpu.memref_slice %arg3[%add3A_85] : memref<6400000xi32, #tpu.memory_space<hbm>> -> memref<2000xi32, #tpu.memory_space<hbm>>
        tpu.enqueue_dma source(%dma_start3A_87 : memref<2000xi32, #tpu.memory_space<hbm>>) target(%arg9 : memref<2000xi32, #tpu.memory_space<vmem>>) target_semaphore(%arg15 : memref<!tpu.dma_semaphore, #tpu.memory_space<semaphore_mem>>)
        %add3A_88 = arith.constant 3840000 : i32
        %add3A_89 = arith.addi %add3A_88, %add3A_83 : i32
        %dma_start3A_90 = tpu.memref_slice %arg4[%add3A_89] : memref<6400000xi32, #tpu.memory_space<hbm>> -> memref<2000xi32, #tpu.memory_space<hbm>>
        %dma_start3A_91 = tpu.memref_slice %arg4[%add3A_89] : memref<6400000xi32, #tpu.memory_space<hbm>> -> memref<2000xi32, #tpu.memory_space<hbm>>
        tpu.enqueue_dma source(%dma_start3A_91 : memref<2000xi32, #tpu.memory_space<hbm>>) target(%arg11 : memref<2000xi32, #tpu.memory_space<vmem>>) target_semaphore(%arg15 : memref<!tpu.dma_semaphore, #tpu.memory_space<semaphore_mem>>)
        %dma_start3A_92 = tpu.memref_slice %arg5[%add3A_83] : memref<1280000xf32, #tpu.memory_space<hbm>> -> memref<2000xf32, #tpu.memory_space<hbm>>
        %dma_start3A_93 = tpu.memref_slice %arg5[%add3A_83] : memref<1280000xf32, #tpu.memory_space<hbm>> -> memref<2000xf32, #tpu.memory_space<hbm>>
        tpu.enqueue_dma source(%dma_start3A_93 : memref<2000xf32, #tpu.memory_space<hbm>>) target(%arg13 : memref<2000xf32, #tpu.memory_space<vmem>>) target_semaphore(%arg15 : memref<!tpu.dma_semaphore, #tpu.memory_space<semaphore_mem>>)
      } else {
      }
      %dma_wait3A_64 = arith.constant 0 : i32
      %dma_wait3A_65 = tpu.memref_slice %arg3[%dma_wait3A_64] : memref<6400000xi32, #tpu.memory_space<hbm>> -> memref<2000xi32, #tpu.memory_space<hbm>>
      %dma_wait3A_66 = arith.constant 0 : i32
      %dma_wait3A_67 = tpu.memref_slice %arg3[%dma_wait3A_66] : memref<6400000xi32, #tpu.memory_space<hbm>> -> memref<2000xi32, #tpu.memory_space<hbm>>
      tpu.wait_dma2 semaphore(%arg16 : memref<!tpu.dma_semaphore, #tpu.memory_space<semaphore_mem>>) src(%dma_wait3A_67 : memref<2000xi32, #tpu.memory_space<hbm>>) dst(%arg10 : memref<2000xi32, #tpu.memory_space<vmem>>)
      %dma_wait3A_68 = arith.constant 0 : i32
      %dma_wait3A_69 = tpu.memref_slice %arg4[%dma_wait3A_68] : memref<6400000xi32, #tpu.memory_space<hbm>> -> memref<2000xi32, #tpu.memory_space<hbm>>
      %dma_wait3A_70 = arith.constant 0 : i32
      %dma_wait3A_71 = tpu.memref_slice %arg4[%dma_wait3A_70] : memref<6400000xi32, #tpu.memory_space<hbm>> -> memref<2000xi32, #tpu.memory_space<hbm>>
      tpu.wait_dma2 semaphore(%arg16 : memref<!tpu.dma_semaphore, #tpu.memory_space<semaphore_mem>>) src(%dma_wait3A_71 : memref<2000xi32, #tpu.memory_space<hbm>>) dst(%arg12 : memref<2000xi32, #tpu.memory_space<vmem>>)
      %dma_wait3A_72 = arith.constant 0 : i32
      %dma_wait3A_73 = tpu.memref_slice %arg5[%dma_wait3A_72] : memref<1280000xf32, #tpu.memory_space<hbm>> -> memref<2000xf32, #tpu.memory_space<hbm>>
      %dma_wait3A_74 = arith.constant 0 : i32
      %dma_wait3A_75 = tpu.memref_slice %arg5[%dma_wait3A_74] : memref<1280000xf32, #tpu.memory_space<hbm>> -> memref<2000xf32, #tpu.memory_space<hbm>>
      tpu.wait_dma2 semaphore(%arg16 : memref<!tpu.dma_semaphore, #tpu.memory_space<semaphore_mem>>) src(%dma_wait3A_75 : memref<2000xf32, #tpu.memory_space<hbm>>) dst(%arg14 : memref<2000xf32, #tpu.memory_space<vmem>>)
      %parallel_loop3A_76 = arith.constant 0 : i32
      %parallel_loop3A_77 = arith.constant 2000 : i32
      %parallel_loop3A_78 = arith.constant 16 : i32
      scf.for %parallel_loop3A_79 = %parallel_loop3A_76 to %parallel_loop3A_77 step %parallel_loop3A_78  : i32 {
        %parallel_loop3A_80 = arith.index_cast %parallel_loop3A_79 : i32 to index
        %parallel_loop3A_81 = tpu.vector_load %arg10[%parallel_loop3A_80] {strides = array<i32>} : memref<2000xi32, #tpu.memory_space<vmem>>, vector<16xi32>,
        %parallel_loop3A_82 = arith.index_cast %parallel_loop3A_79 : i32 to index
        %parallel_loop3A_83 = tpu.vector_load %arg12[%parallel_loop3A_82] {strides = array<i32>} : memref<2000xi32, #tpu.memory_space<vmem>>, vector<16xi32>,
        %parallel_loop3A_84 = arith.index_cast %parallel_loop3A_79 : i32 to index
        %parallel_loop3A_85 = tpu.vector_load %arg14[%parallel_loop3A_84] {strides = array<i32>} : memref<2000xf32, #tpu.memory_space<vmem>>, vector<16xf32>,
        %parallel_loop3A_86 = tpu.vector_load_idx %arg7[%parallel_loop3A_81] : memref<100000xi32, #tpu.memory_space<vmem>>[vector<16xi32>], vector<16xi32>,
        %parallel_loop3A_87 = tpu.vector_load_idx %arg7[%parallel_loop3A_83] : memref<100000xi32, #tpu.memory_space<vmem>>[vector<16xi32>], vector<16xi32>,
        %parallel_loop3A_88 = arith.constant -1024 : i32
        %parallel_loop3A_89 = vector.broadcast %parallel_loop3A_88 : i32 to vector<16xi32>
        %parallel_loop3A_90 = arith.andi %parallel_loop3A_86, %parallel_loop3A_89 : vector<16xi32>
        %parallel_loop3A_91 = vector.bitcast %parallel_loop3A_90 : vector<16xi32> to vector<16xf32>
        %parallel_loop3A_92 = arith.constant -1024 : i32
        %parallel_loop3A_93 = vector.broadcast %parallel_loop3A_92 : i32 to vector<16xi32>
        %parallel_loop3A_94 = arith.andi %parallel_loop3A_87, %parallel_loop3A_93 : vector<16xi32>
        %parallel_loop3A_95 = vector.bitcast %parallel_loop3A_94 : vector<16xi32> to vector<16xf32>
        %parallel_loop3A_96 = arith.constant 1023 : i32
        %parallel_loop3A_97 = vector.broadcast %parallel_loop3A_96 : i32 to vector<16xi32>
        %parallel_loop3A_98 = arith.andi %parallel_loop3A_86, %parallel_loop3A_97 : vector<16xi32>
        %parallel_loop3A_99 = arith.mulf %parallel_loop3A_91, %parallel_loop3A_95 : vector<16xf32>
        %parallel_loop3A_100 = arith.mulf %parallel_loop3A_99, %parallel_loop3A_85 : vector<16xf32>
        tpu.vector_store_idx %arg8[%iota3A, %parallel_loop3A_98], %parallel_loop3A_100 {add = true} : memref<16x1008xf32, #tpu.memory_space<vmem>>[vector<16xi32>, vector<16xi32>], vector<16xf32>,
      } {sc.loop_unroll_factor = 4 : i64, sc.parallel_access}
    }
    %scan3A_23 = arith.constant 10 : i32
    %scan3A_24 = arith.constant 0 : i32
    %scan3A_25 = arith.constant 63 : i32
    %scan3A_26 = arith.addi %scan3A_24, %scan3A_25 : i32
    %scan3A_27 = arith.constant 1 : i32
    scf.for %scan3A_29 = %scan3A_24 to %scan3A_26 step %scan3A_27  : i32 {
      %mul3A_30 = arith.constant 16 : i32
      %mul3A_31 = arith.muli %scan3A_29, %mul3A_30 : i32
      %get3A = arith.constant 0 : i32
      %get3A_32 = arith.index_cast %get3A : i32 to index
      %get3A_33 = arith.index_cast %mul3A_31 : i32 to index
      %get3A_34 = tpu.vector_load %arg8[%get3A_32, %get3A_33] {strides = array<i32>} : memref<16x1008xf32, #tpu.memory_space<vmem>>, vector<16xf32>,
      %get3A_35 = arith.constant 1 : i32
      %get3A_36 = arith.index_cast %get3A_35 : i32 to index
      %get3A_37 = arith.index_cast %mul3A_31 : i32 to index
      %get3A_38 = tpu.vector_load %arg8[%get3A_36, %get3A_37] {strides = array<i32>} : memref<16x1008xf32, #tpu.memory_space<vmem>>, vector<16xf32>,
      %add3A_39 = arith.addf %get3A_34, %get3A_38 : vector<16xf32>
      %get3A_40 = arith.constant 2 : i32
      %get3A_41 = arith.index_cast %get3A_40 : i32 to index
      %get3A_42 = arith.index_cast %mul3A_31 : i32 to index
      %get3A_43 = tpu.vector_load %arg8[%get3A_41, %get3A_42] {strides = array<i32>} : memref<16x1008xf32, #tpu.memory_space<vmem>>, vector<16xf32>,
      %add3A_44 = arith.addf %add3A_39, %get3A_43 : vector<16xf32>
      %get3A_45 = arith.constant 3 : i32
      %get3A_46 = arith.index_cast %get3A_45 : i32 to index
      %get3A_47 = arith.index_cast %mul3A_31 : i32 to index
      %get3A_48 = tpu.vector_load %arg8[%get3A_46, %get3A_47] {strides = array<i32>} : memref<16x1008xf32, #tpu.memory_space<vmem>>, vector<16xf32>,
      %add3A_49 = arith.addf %add3A_44, %get3A_48 : vector<16xf32>
      %get3A_50 = arith.constant 4 : i32
      %get3A_51 = arith.index_cast %get3A_50 : i32 to index
      %get3A_52 = arith.index_cast %mul3A_31 : i32 to index
      %get3A_53 = tpu.vector_load %arg8[%get3A_51, %get3A_52] {strides = array<i32>} : memref<16x1008xf32, #tpu.memory_space<vmem>>, vector<16xf32>,
      %add3A_54 = arith.addf %add3A_49, %get3A_53 : vector<16xf32>
      %get3A_55 = arith.constant 5 : i32
      %get3A_56 = arith.index_cast %get3A_55 : i32 to index
      %get3A_57 = arith.index_cast %mul3A_31 : i32 to index
      %get3A_58 = tpu.vector_load %arg8[%get3A_56, %get3A_57] {strides = array<i32>} : memref<16x1008xf32, #tpu.memory_space<vmem>>, vector<16xf32>,
      %add3A_59 = arith.addf %add3A_54, %get3A_58 : vector<16xf32>
      %get3A_60 = arith.constant 6 : i32
      %get3A_61 = arith.index_cast %get3A_60 : i32 to index
      %get3A_62 = arith.index_cast %mul3A_31 : i32 to index
      %get3A_63 = tpu.vector_load %arg8[%get3A_61, %get3A_62] {strides = array<i32>} : memref<16x1008xf32, #tpu.memory_space<vmem>>, vector<16xf32>,
      %add3A_64 = arith.addf %add3A_59, %get3A_63 : vector<16xf32>
      %get3A_65 = arith.constant 7 : i32
      %get3A_66 = arith.index_cast %get3A_65 : i32 to index
      %get3A_67 = arith.index_cast %mul3A_31 : i32 to index
      %get3A_68 = tpu.vector_load %arg8[%get3A_66, %get3A_67] {strides = array<i32>} : memref<16x1008xf32, #tpu.memory_space<vmem>>, vector<16xf32>,
      %add3A_69 = arith.addf %add3A_64, %get3A_68 : vector<16xf32>
      %get3A_70 = arith.constant 8 : i32
      %get3A_71 = arith.index_cast %get3A_70 : i32 to index
      %get3A_72 = arith.index_cast %mul3A_31 : i32 to index
      %get3A_73 = tpu.vector_load %arg8[%get3A_71, %get3A_72] {strides = array<i32>} : memref<16x1008xf32, #tpu.memory_space<vmem>>, vector<16xf32>,
      %add3A_74 = arith.addf %add3A_69, %get3A_73 : vector<16xf32>
      %get3A_75 = arith.constant 9 : i32
      %get3A_76 = arith.index_cast %get3A_75 : i32 to index
      %get3A_77 = arith.index_cast %mul3A_31 : i32 to index
      %get3A_78 = tpu.vector_load %arg8[%get3A_76, %get3A_77] {strides = array<i32>} : memref<16x1008xf32, #tpu.memory_space<vmem>>, vector<16xf32>,
      %add3A_79 = arith.addf %add3A_74, %get3A_78 : vector<16xf32>
      %get3A_80 = arith.constant 10 : i32
      %get3A_81 = arith.index_cast %get3A_80 : i32 to index
      %get3A_82 = arith.index_cast %mul3A_31 : i32 to index
      %get3A_83 = tpu.vector_load %arg8[%get3A_81, %get3A_82] {strides = array<i32>} : memref<16x1008xf32, #tpu.memory_space<vmem>>, vector<16xf32>,
      %add3A_84 = arith.addf %add3A_79, %get3A_83 : vector<16xf32>
      %get3A_85 = arith.constant 11 : i32
      %get3A_86 = arith.index_cast %get3A_85 : i32 to index
      %get3A_87 = arith.index_cast %mul3A_31 : i32 to index
      %get3A_88 = tpu.vector_load %arg8[%get3A_86, %get3A_87] {strides = array<i32>} : memref<16x1008xf32, #tpu.memory_space<vmem>>, vector<16xf32>,
      %add3A_89 = arith.addf %add3A_84, %get3A_88 : vector<16xf32>
      %get3A_90 = arith.constant 12 : i32
      %get3A_91 = arith.index_cast %get3A_90 : i32 to index
      %get3A_92 = arith.index_cast %mul3A_31 : i32 to index
      %get3A_93 = tpu.vector_load %arg8[%get3A_91, %get3A_92] {strides = array<i32>} : memref<16x1008xf32, #tpu.memory_space<vmem>>, vector<16xf32>,
      %add3A_94 = arith.addf %add3A_89, %get3A_93 : vector<16xf32>
      %get3A_95 = arith.constant 13 : i32
      %get3A_96 = arith.index_cast %get3A_95 : i32 to index
      %get3A_97 = arith.index_cast %mul3A_31 : i32 to index
      %get3A_98 = tpu.vector_load %arg8[%get3A_96, %get3A_97] {strides = array<i32>} : memref<16x1008xf32, #tpu.memory_space<vmem>>, vector<16xf32>,
      %add3A_99 = arith.addf %add3A_94, %get3A_98 : vector<16xf32>
      %get3A_100 = arith.constant 14 : i32
      %get3A_101 = arith.index_cast %get3A_100 : i32 to index
      %get3A_102 = arith.index_cast %mul3A_31 : i32 to index
      %get3A_103 = tpu.vector_load %arg8[%get3A_101, %get3A_102] {strides = array<i32>} : memref<16x1008xf32, #tpu.memory_space<vmem>>, vector<16xf32>,
      %add3A_104 = arith.addf %add3A_99, %get3A_103 : vector<16xf32>
      %get3A_105 = arith.constant 15 : i32
      %get3A_106 = arith.index_cast %get3A_105 : i32 to index
      %get3A_107 = arith.index_cast %mul3A_31 : i32 to index
      %get3A_108 = tpu.vector_load %arg8[%get3A_106, %get3A_107] {strides = array<i32>} : memref<16x1008xf32, #tpu.memory_space<vmem>>, vector<16xf32>,
      %add3A_109 = arith.addf %add3A_104, %get3A_108 : vector<16xf32>
      %swap3A = arith.constant 0 : i32
      %swap3A_110 = arith.index_cast %swap3A : i32 to index
      %swap3A_111 = arith.index_cast %mul3A_31 : i32 to index
      %swap3A_112 = tpu.vector_load %arg8[%swap3A_110, %swap3A_111] {strides = array<i32>} : memref<16x1008xf32, #tpu.memory_space<vmem>>, vector<16xf32>,
      tpu.vector_store %arg8[%swap3A_110, %swap3A_111], %add3A_109 {strides = array<i32>} : memref<16x1008xf32, #tpu.memory_space<vmem>>, vector<16xf32>,
    }
    %scan3A_28 = arith.constant 63 : i32
    %run_scoped3A = arith.constant 0 : i32
    "tpu.region"() ({
      %run_scoped3A_29 = tpu.sem_alloc : memref<!tpu.dma_semaphore, #tpu.memory_space<semaphore_mem>>
      %dma_start3A_30 = arith.constant 0 : i32
      %dma_start3A_31 = tpu.memref_slice %arg8[%run_scoped3A, %dma_start3A_30] : memref<16x1008xf32, #tpu.memory_space<vmem>> -> memref<1x1008xf32, #tpu.memory_space<vmem>>
      %dma_start3A_32 = tpu.memref_squeeze %dma_start3A_31 : memref<1x1008xf32, #tpu.memory_space<vmem>> -> memref<1008xf32, #tpu.memory_space<vmem>>
      %dma_start3A_33 = arith.constant 0 : i32
      %dma_start3A_34 = tpu.memref_slice %arg6[%add3A, %dma_start3A_33] : memref<32x1008xf32, #tpu.memory_space<hbm>> -> memref<1x1008xf32, #tpu.memory_space<hbm>>
      %dma_start3A_35 = tpu.memref_squeeze %dma_start3A_34 : memref<1x1008xf32, #tpu.memory_space<hbm>> -> memref<1008xf32, #tpu.memory_space<hbm>>
      %dma_start3A_36 = arith.constant 0 : i32
      %dma_start3A_37 = tpu.memref_slice %arg6[%add3A, %dma_start3A_36] : memref<32x1008xf32, #tpu.memory_space<hbm>> -> memref<1x1008xf32, #tpu.memory_space<hbm>>
      %dma_start3A_38 = tpu.memref_squeeze %dma_start3A_37 : memref<1x1008xf32, #tpu.memory_space<hbm>> -> memref<1008xf32, #tpu.memory_space<hbm>>
      %dma_start3A_39 = arith.constant 0 : i32
      %dma_start3A_40 = tpu.memref_slice %arg8[%run_scoped3A, %dma_start3A_39] : memref<16x1008xf32, #tpu.memory_space<vmem>> -> memref<1x1008xf32, #tpu.memory_space<vmem>>
      %dma_start3A_41 = tpu.memref_squeeze %dma_start3A_40 : memref<1x1008xf32, #tpu.memory_space<vmem>> -> memref<1008xf32, #tpu.memory_space<vmem>>
      tpu.enqueue_dma source(%dma_start3A_41 : memref<1008xf32, #tpu.memory_space<vmem>>) target(%dma_start3A_38 : memref<1008xf32, #tpu.memory_space<hbm>>) target_semaphore(%run_scoped3A_29 : memref<!tpu.dma_semaphore, #tpu.memory_space<semaphore_mem>>)
      %dma_wait3A = arith.constant 0 : i32
      %dma_wait3A_42 = tpu.memref_slice %arg8[%run_scoped3A, %dma_wait3A] : memref<16x1008xf32, #tpu.memory_space<vmem>> -> memref<1x1008xf32, #tpu.memory_space<vmem>>
      %dma_wait3A_43 = tpu.memref_squeeze %dma_wait3A_42 : memref<1x1008xf32, #tpu.memory_space<vmem>> -> memref<1008xf32, #tpu.memory_space<vmem>>
      %dma_wait3A_44 = arith.constant 0 : i32
      %dma_wait3A_45 = tpu.memref_slice %arg6[%add3A, %dma_wait3A_44] : memref<32x1008xf32, #tpu.memory_space<hbm>> -> memref<1x1008xf32, #tpu.memory_space<hbm>>
      %dma_wait3A_46 = tpu.memref_squeeze %dma_wait3A_45 : memref<1x1008xf32, #tpu.memory_space<hbm>> -> memref<1008xf32, #tpu.memory_space<hbm>>
      %dma_wait3A_47 = arith.constant 0 : i32
      %dma_wait3A_48 = tpu.memref_slice %arg6[%add3A, %dma_wait3A_47] : memref<32x1008xf32, #tpu.memory_space<hbm>> -> memref<1x1008xf32, #tpu.memory_space<hbm>>
      %dma_wait3A_49 = tpu.memref_squeeze %dma_wait3A_48 : memref<1x1008xf32, #tpu.memory_space<hbm>> -> memref<1008xf32, #tpu.memory_space<hbm>>
      %dma_wait3A_50 = arith.constant 0 : i32
      %dma_wait3A_51 = tpu.memref_slice %arg8[%run_scoped3A, %dma_wait3A_50] : memref<16x1008xf32, #tpu.memory_space<vmem>> -> memref<1x1008xf32, #tpu.memory_space<vmem>>
      %dma_wait3A_52 = tpu.memref_squeeze %dma_wait3A_51 : memref<1x1008xf32, #tpu.memory_space<vmem>> -> memref<1008xf32, #tpu.memory_space<vmem>>
      tpu.wait_dma2 semaphore(%run_scoped3A_29 : memref<!tpu.dma_semaphore, #tpu.memory_space<semaphore_mem>>) src(%dma_wait3A_52 : memref<1008xf32, #tpu.memory_space<vmem>>) dst(%dma_wait3A_49 : memref<1008xf32, #tpu.memory_space<hbm>>)
      tpu.yield
    }) : () -> ()
    return
  }
}

#map = affine_map<(d0, d1) -> (0)>
#map1 = affine_map<(d0, d1) -> (0, 0)>
module attributes {stable_mosaic.version = 14 : i64} {
  func.func @_sc_scatter_body(%arg0: i32, %arg1: i32, %arg2: memref<100000xi32, #tpu.memory_space<hbm>>, %arg3: memref<6400000xi32, #tpu.memory_space<hbm>>, %arg4: memref<6400000xi32, #tpu.memory_space<hbm>>, %arg5: memref<1280000xf32, #tpu.memory_space<hbm>>, %arg6: memref<32x1008xf32, #tpu.memory_space<hbm>>, %arg7: memref<100000xi32, #tpu.memory_space<vmem>>, %arg8: memref<16x1008xf32, #tpu.memory_space<vmem>>, %arg9: memref<2000xi32, #tpu.memory_space<vmem>>, %arg10: memref<2000xi32, #tpu.memory_space<vmem>>, %arg11: memref<2000xi32, #tpu.memory_space<vmem>>, %arg12: memref<2000xi32, #tpu.memory_space<vmem>>, %arg13: memref<2000xf32, #tpu.memory_space<vmem>>, %arg14: memref<2000xf32, #tpu.memory_space<vmem>>, %arg15: memref<!tpu.dma_semaphore, #tpu.memory_space<semaphore_mem>>, %arg16: memref<!tpu.dma_semaphore, #tpu.memory_space<semaphore_mem>>) attributes {dimension_semantics = [#tpu.dimension_semantics<core_parallel>, #tpu.dimension_semantics<subcore_parallel>], iteration_bounds = array<i64: 2, 16>, scalar_prefetch = 0 : i64, scratch_operands = 10 : i64, tpu.core_type = #tpu.core_type<sc_vector_subcore>, window_params = [{transform_indices = #map}, {transform_indices = #map}, {transform_indices = #map}, {transform_indices = #map}, {transform_indices = #map1}]} {
    %mul3A = arith.constant 2 : i32
    %mul3A_0 = arith.muli %arg1, %mul3A : i32
    %add3A = arith.addi %mul3A_0, %arg0 : i32
    %mul3A_1 = arith.constant 40000 : i32
    %mul3A_2 = arith.muli %add3A, %mul3A_1 : i32
    "tpu.region"() ({
      %run_scoped3A_29 = tpu.sem_alloc : memref<!tpu.dma_semaphore, #tpu.memory_space<semaphore_mem>>
      tpu.enqueue_dma source(%arg2 : memref<100000xi32, #tpu.memory_space<hbm>>) target(%arg7 : memref<100000xi32, #tpu.memory_space<vmem>>) target_semaphore(%run_scoped3A_29 : memref<!tpu.dma_semaphore, #tpu.memory_space<semaphore_mem>>)
      tpu.wait_dma2 semaphore(%run_scoped3A_29 : memref<!tpu.dma_semaphore, #tpu.memory_space<semaphore_mem>>) src(%arg2 : memref<100000xi32, #tpu.memory_space<hbm>>) dst(%arg7 : memref<100000xi32, #tpu.memory_space<vmem>>)
      tpu.yield
    }) : () -> ()
    %broadcast_in_dim3A = arith.constant 0.000000e+00 : f32
    %broadcast_in_dim3A_3 = vector.broadcast %broadcast_in_dim3A : f32 to vector<16xf32>
    %scan3A = arith.constant 0 : i32
    %scan3A_4 = arith.constant 63 : i32
    %scan3A_5 = arith.addi %scan3A, %scan3A_4 : i32
    %scan3A_6 = arith.constant 1 : i32
    scf.for %scan3A_29 = %scan3A to %scan3A_5 step %scan3A_6  : i32 {
      %mul3A_30 = arith.constant 16 : i32
      %mul3A_31 = arith.muli %scan3A_29, %mul3A_30 : i32
      %swap3A = arith.constant 0 : i32
      %swap3A_32 = arith.index_cast %swap3A : i32 to index
      %swap3A_33 = arith.index_cast %mul3A_31 : i32 to index
      %swap3A_34 = tpu.vector_load %arg8[%swap3A_32, %swap3A_33] {strides = array<i32>} : memref<16x1008xf32, #tpu.memory_space<vmem>>, vector<16xf32>,
      tpu.vector_store %arg8[%swap3A_32, %swap3A_33], %broadcast_in_dim3A_3 {strides = array<i32>} : memref<16x1008xf32, #tpu.memory_space<vmem>>, vector<16xf32>,
      %swap3A_35 = arith.constant 1 : i32
      %swap3A_36 = arith.index_cast %swap3A_35 : i32 to index
      %swap3A_37 = arith.index_cast %mul3A_31 : i32 to index
      %swap3A_38 = tpu.vector_load %arg8[%swap3A_36, %swap3A_37] {strides = array<i32>} : memref<16x1008xf32, #tpu.memory_space<vmem>>, vector<16xf32>,
      tpu.vector_store %arg8[%swap3A_36, %swap3A_37], %broadcast_in_dim3A_3 {strides = array<i32>} : memref<16x1008xf32, #tpu.memory_space<vmem>>, vector<16xf32>,
      %swap3A_39 = arith.constant 2 : i32
      %swap3A_40 = arith.index_cast %swap3A_39 : i32 to index
      %swap3A_41 = arith.index_cast %mul3A_31 : i32 to index
      %swap3A_42 = tpu.vector_load %arg8[%swap3A_40, %swap3A_41] {strides = array<i32>} : memref<16x1008xf32, #tpu.memory_space<vmem>>, vector<16xf32>,
      tpu.vector_store %arg8[%swap3A_40, %swap3A_41], %broadcast_in_dim3A_3 {strides = array<i32>} : memref<16x1008xf32, #tpu.memory_space<vmem>>, vector<16xf32>,
      %swap3A_43 = arith.constant 3 : i32
      %swap3A_44 = arith.index_cast %swap3A_43 : i32 to index
      %swap3A_45 = arith.index_cast %mul3A_31 : i32 to index
      %swap3A_46 = tpu.vector_load %arg8[%swap3A_44, %swap3A_45] {strides = array<i32>} : memref<16x1008xf32, #tpu.memory_space<vmem>>, vector<16xf32>,
      tpu.vector_store %arg8[%swap3A_44, %swap3A_45], %broadcast_in_dim3A_3 {strides = array<i32>} : memref<16x1008xf32, #tpu.memory_space<vmem>>, vector<16xf32>,
      %swap3A_47 = arith.constant 4 : i32
      %swap3A_48 = arith.index_cast %swap3A_47 : i32 to index
      %swap3A_49 = arith.index_cast %mul3A_31 : i32 to index
      %swap3A_50 = tpu.vector_load %arg8[%swap3A_48, %swap3A_49] {strides = array<i32>} : memref<16x1008xf32, #tpu.memory_space<vmem>>, vector<16xf32>,
      tpu.vector_store %arg8[%swap3A_48, %swap3A_49], %broadcast_in_dim3A_3 {strides = array<i32>} : memref<16x1008xf32, #tpu.memory_space<vmem>>, vector<16xf32>,
      %swap3A_51 = arith.constant 5 : i32
      %swap3A_52 = arith.index_cast %swap3A_51 : i32 to index
      %swap3A_53 = arith.index_cast %mul3A_31 : i32 to index
      %swap3A_54 = tpu.vector_load %arg8[%swap3A_52, %swap3A_53] {strides = array<i32>} : memref<16x1008xf32, #tpu.memory_space<vmem>>, vector<16xf32>,
      tpu.vector_store %arg8[%swap3A_52, %swap3A_53], %broadcast_in_dim3A_3 {strides = array<i32>} : memref<16x1008xf32, #tpu.memory_space<vmem>>, vector<16xf32>,
      %swap3A_55 = arith.constant 6 : i32
      %swap3A_56 = arith.index_cast %swap3A_55 : i32 to index
      %swap3A_57 = arith.index_cast %mul3A_31 : i32 to index
      %swap3A_58 = tpu.vector_load %arg8[%swap3A_56, %swap3A_57] {strides = array<i32>} : memref<16x1008xf32, #tpu.memory_space<vmem>>, vector<16xf32>,
      tpu.vector_store %arg8[%swap3A_56, %swap3A_57], %broadcast_in_dim3A_3 {strides = array<i32>} : memref<16x1008xf32, #tpu.memory_space<vmem>>, vector<16xf32>,
      %swap3A_59 = arith.constant 7 : i32
      %swap3A_60 = arith.index_cast %swap3A_59 : i32 to index
      %swap3A_61 = arith.index_cast %mul3A_31 : i32 to index
      %swap3A_62 = tpu.vector_load %arg8[%swap3A_60, %swap3A_61] {strides = array<i32>} : memref<16x1008xf32, #tpu.memory_space<vmem>>, vector<16xf32>,
      tpu.vector_store %arg8[%swap3A_60, %swap3A_61], %broadcast_in_dim3A_3 {strides = array<i32>} : memref<16x1008xf32, #tpu.memory_space<vmem>>, vector<16xf32>,
      %swap3A_63 = arith.constant 8 : i32
      %swap3A_64 = arith.index_cast %swap3A_63 : i32 to index
      %swap3A_65 = arith.index_cast %mul3A_31 : i32 to index
      %swap3A_66 = tpu.vector_load %arg8[%swap3A_64, %swap3A_65] {strides = array<i32>} : memref<16x1008xf32, #tpu.memory_space<vmem>>, vector<16xf32>,
      tpu.vector_store %arg8[%swap3A_64, %swap3A_65], %broadcast_in_dim3A_3 {strides = array<i32>} : memref<16x1008xf32, #tpu.memory_space<vmem>>, vector<16xf32>,
      %swap3A_67 = arith.constant 9 : i32
      %swap3A_68 = arith.index_cast %swap3A_67 : i32 to index
      %swap3A_69 = arith.index_cast %mul3A_31 : i32 to index
      %swap3A_70 = tpu.vector_load %arg8[%swap3A_68, %swap3A_69] {strides = array<i32>} : memref<16x1008xf32, #tpu.memory_space<vmem>>, vector<16xf32>,
      tpu.vector_store %arg8[%swap3A_68, %swap3A_69], %broadcast_in_dim3A_3 {strides = array<i32>} : memref<16x1008xf32, #tpu.memory_space<vmem>>, vector<16xf32>,
      %swap3A_71 = arith.constant 10 : i32
      %swap3A_72 = arith.index_cast %swap3A_71 : i32 to index
      %swap3A_73 = arith.index_cast %mul3A_31 : i32 to index
      %swap3A_74 = tpu.vector_load %arg8[%swap3A_72, %swap3A_73] {strides = array<i32>} : memref<16x1008xf32, #tpu.memory_space<vmem>>, vector<16xf32>,
      tpu.vector_store %arg8[%swap3A_72, %swap3A_73], %broadcast_in_dim3A_3 {strides = array<i32>} : memref<16x1008xf32, #tpu.memory_space<vmem>>, vector<16xf32>,
      %swap3A_75 = arith.constant 11 : i32
      %swap3A_76 = arith.index_cast %swap3A_75 : i32 to index
      %swap3A_77 = arith.index_cast %mul3A_31 : i32 to index
      %swap3A_78 = tpu.vector_load %arg8[%swap3A_76, %swap3A_77] {strides = array<i32>} : memref<16x1008xf32, #tpu.memory_space<vmem>>, vector<16xf32>,
      tpu.vector_store %arg8[%swap3A_76, %swap3A_77], %broadcast_in_dim3A_3 {strides = array<i32>} : memref<16x1008xf32, #tpu.memory_space<vmem>>, vector<16xf32>,
      %swap3A_79 = arith.constant 12 : i32
      %swap3A_80 = arith.index_cast %swap3A_79 : i32 to index
      %swap3A_81 = arith.index_cast %mul3A_31 : i32 to index
      %swap3A_82 = tpu.vector_load %arg8[%swap3A_80, %swap3A_81] {strides = array<i32>} : memref<16x1008xf32, #tpu.memory_space<vmem>>, vector<16xf32>,
      tpu.vector_store %arg8[%swap3A_80, %swap3A_81], %broadcast_in_dim3A_3 {strides = array<i32>} : memref<16x1008xf32, #tpu.memory_space<vmem>>, vector<16xf32>,
      %swap3A_83 = arith.constant 13 : i32
      %swap3A_84 = arith.index_cast %swap3A_83 : i32 to index
      %swap3A_85 = arith.index_cast %mul3A_31 : i32 to index
      %swap3A_86 = tpu.vector_load %arg8[%swap3A_84, %swap3A_85] {strides = array<i32>} : memref<16x1008xf32, #tpu.memory_space<vmem>>, vector<16xf32>,
      tpu.vector_store %arg8[%swap3A_84, %swap3A_85], %broadcast_in_dim3A_3 {strides = array<i32>} : memref<16x1008xf32, #tpu.memory_space<vmem>>, vector<16xf32>,
      %swap3A_87 = arith.constant 14 : i32
      %swap3A_88 = arith.index_cast %swap3A_87 : i32 to index
      %swap3A_89 = arith.index_cast %mul3A_31 : i32 to index
      %swap3A_90 = tpu.vector_load %arg8[%swap3A_88, %swap3A_89] {strides = array<i32>} : memref<16x1008xf32, #tpu.memory_space<vmem>>, vector<16xf32>,
      tpu.vector_store %arg8[%swap3A_88, %swap3A_89], %broadcast_in_dim3A_3 {strides = array<i32>} : memref<16x1008xf32, #tpu.memory_space<vmem>>, vector<16xf32>,
      %swap3A_91 = arith.constant 15 : i32
      %swap3A_92 = arith.index_cast %swap3A_91 : i32 to index
      %swap3A_93 = arith.index_cast %mul3A_31 : i32 to index
      %swap3A_94 = tpu.vector_load %arg8[%swap3A_92, %swap3A_93] {strides = array<i32>} : memref<16x1008xf32, #tpu.memory_space<vmem>>, vector<16xf32>,
      tpu.vector_store %arg8[%swap3A_92, %swap3A_93], %broadcast_in_dim3A_3 {strides = array<i32>} : memref<16x1008xf32, #tpu.memory_space<vmem>>, vector<16xf32>,
    }
    %scan3A_7 = arith.constant 63 : i32
    %iota3A = tpu.iota {dimensions = array<i32: 0>} : vector<16xi32>
    %add3A_8 = arith.constant 0 : i32
    %add3A_9 = arith.addi %mul3A_2, %add3A_8 : i32
    %add3A_10 = arith.constant 2560000 : i32
    %add3A_11 = arith.addi %add3A_10, %add3A_9 : i32
    %dma_start3A = tpu.memref_slice %arg3[%add3A_11] : memref<6400000xi32, #tpu.memory_space<hbm>> -> memref<2000xi32, #tpu.memory_space<hbm>>
    %dma_start3A_12 = tpu.memref_slice %arg3[%add3A_11] : memref<6400000xi32, #tpu.memory_space<hbm>> -> memref<2000xi32, #tpu.memory_space<hbm>>
    tpu.enqueue_dma source(%dma_start3A_12 : memref<2000xi32, #tpu.memory_space<hbm>>) target(%arg9 : memref<2000xi32, #tpu.memory_space<vmem>>) target_semaphore(%arg15 : memref<!tpu.dma_semaphore, #tpu.memory_space<semaphore_mem>>)
    %add3A_13 = arith.constant 2560000 : i32
    %add3A_14 = arith.addi %add3A_13, %add3A_9 : i32
    %dma_start3A_15 = tpu.memref_slice %arg4[%add3A_14] : memref<6400000xi32, #tpu.memory_space<hbm>> -> memref<2000xi32, #tpu.memory_space<hbm>>
    %dma_start3A_16 = tpu.memref_slice %arg4[%add3A_14] : memref<6400000xi32, #tpu.memory_space<hbm>> -> memref<2000xi32, #tpu.memory_space<hbm>>
    tpu.enqueue_dma source(%dma_start3A_16 : memref<2000xi32, #tpu.memory_space<hbm>>) target(%arg11 : memref<2000xi32, #tpu.memory_space<vmem>>) target_semaphore(%arg15 : memref<!tpu.dma_semaphore, #tpu.memory_space<semaphore_mem>>)
    %dma_start3A_17 = tpu.memref_slice %arg5[%add3A_9] : memref<1280000xf32, #tpu.memory_space<hbm>> -> memref<2000xf32, #tpu.memory_space<hbm>>
    %dma_start3A_18 = tpu.memref_slice %arg5[%add3A_9] : memref<1280000xf32, #tpu.memory_space<hbm>> -> memref<2000xf32, #tpu.memory_space<hbm>>
    tpu.enqueue_dma source(%dma_start3A_18 : memref<2000xf32, #tpu.memory_space<hbm>>) target(%arg13 : memref<2000xf32, #tpu.memory_space<vmem>>) target_semaphore(%arg15 : memref<!tpu.dma_semaphore, #tpu.memory_space<semaphore_mem>>)
    %scan3A_19 = arith.constant 0 : i32
    %scan3A_20 = arith.constant 10 : i32
    %scan3A_21 = arith.addi %scan3A_19, %scan3A_20 : i32
    %scan3A_22 = arith.constant 1 : i32
    scf.for %scan3A_29 = %scan3A_19 to %scan3A_21 step %scan3A_22  : i32 {
      %mul3A_30 = arith.constant 2 : i32
      %mul3A_31 = arith.muli %mul3A_30, %scan3A_29 : i32
      %add3A_32 = arith.constant 1 : i32
      %add3A_33 = arith.addi %mul3A_31, %add3A_32 : i32
      %mul3A_34 = arith.constant 2000 : i32
      %mul3A_35 = arith.muli %add3A_33, %mul3A_34 : i32
      %add3A_36 = arith.addi %mul3A_2, %mul3A_35 : i32
      %add3A_37 = arith.constant 2560000 : i32
      %add3A_38 = arith.addi %add3A_37, %add3A_36 : i32
      %dma_start3A_39 = tpu.memref_slice %arg3[%add3A_38] : memref<6400000xi32, #tpu.memory_space<hbm>> -> memref<2000xi32, #tpu.memory_space<hbm>>
      %dma_start3A_40 = tpu.memref_slice %arg3[%add3A_38] : memref<6400000xi32, #tpu.memory_space<hbm>> -> memref<2000xi32, #tpu.memory_space<hbm>>
      tpu.enqueue_dma source(%dma_start3A_40 : memref<2000xi32, #tpu.memory_space<hbm>>) target(%arg10 : memref<2000xi32, #tpu.memory_space<vmem>>) target_semaphore(%arg16 : memref<!tpu.dma_semaphore, #tpu.memory_space<semaphore_mem>>)
      %add3A_41 = arith.constant 2560000 : i32
      %add3A_42 = arith.addi %add3A_41, %add3A_36 : i32
      %dma_start3A_43 = tpu.memref_slice %arg4[%add3A_42] : memref<6400000xi32, #tpu.memory_space<hbm>> -> memref<2000xi32, #tpu.memory_space<hbm>>
      %dma_start3A_44 = tpu.memref_slice %arg4[%add3A_42] : memref<6400000xi32, #tpu.memory_space<hbm>> -> memref<2000xi32, #tpu.memory_space<hbm>>
      tpu.enqueue_dma source(%dma_start3A_44 : memref<2000xi32, #tpu.memory_space<hbm>>) target(%arg12 : memref<2000xi32, #tpu.memory_space<vmem>>) target_semaphore(%arg16 : memref<!tpu.dma_semaphore, #tpu.memory_space<semaphore_mem>>)
      %dma_start3A_45 = tpu.memref_slice %arg5[%add3A_36] : memref<1280000xf32, #tpu.memory_space<hbm>> -> memref<2000xf32, #tpu.memory_space<hbm>>
      %dma_start3A_46 = tpu.memref_slice %arg5[%add3A_36] : memref<1280000xf32, #tpu.memory_space<hbm>> -> memref<2000xf32, #tpu.memory_space<hbm>>
      tpu.enqueue_dma source(%dma_start3A_46 : memref<2000xf32, #tpu.memory_space<hbm>>) target(%arg14 : memref<2000xf32, #tpu.memory_space<vmem>>) target_semaphore(%arg16 : memref<!tpu.dma_semaphore, #tpu.memory_space<semaphore_mem>>)
      %dma_wait3A = arith.constant 0 : i32
      %dma_wait3A_47 = tpu.memref_slice %arg3[%dma_wait3A] : memref<6400000xi32, #tpu.memory_space<hbm>> -> memref<2000xi32, #tpu.memory_space<hbm>>
      %dma_wait3A_48 = arith.constant 0 : i32
      %dma_wait3A_49 = tpu.memref_slice %arg3[%dma_wait3A_48] : memref<6400000xi32, #tpu.memory_space<hbm>> -> memref<2000xi32, #tpu.memory_space<hbm>>
      tpu.wait_dma2 semaphore(%arg15 : memref<!tpu.dma_semaphore, #tpu.memory_space<semaphore_mem>>) src(%dma_wait3A_49 : memref<2000xi32, #tpu.memory_space<hbm>>) dst(%arg9 : memref<2000xi32, #tpu.memory_space<vmem>>)
      %dma_wait3A_50 = arith.constant 0 : i32
      %dma_wait3A_51 = tpu.memref_slice %arg4[%dma_wait3A_50] : memref<6400000xi32, #tpu.memory_space<hbm>> -> memref<2000xi32, #tpu.memory_space<hbm>>
      %dma_wait3A_52 = arith.constant 0 : i32
      %dma_wait3A_53 = tpu.memref_slice %arg4[%dma_wait3A_52] : memref<6400000xi32, #tpu.memory_space<hbm>> -> memref<2000xi32, #tpu.memory_space<hbm>>
      tpu.wait_dma2 semaphore(%arg15 : memref<!tpu.dma_semaphore, #tpu.memory_space<semaphore_mem>>) src(%dma_wait3A_53 : memref<2000xi32, #tpu.memory_space<hbm>>) dst(%arg11 : memref<2000xi32, #tpu.memory_space<vmem>>)
      %dma_wait3A_54 = arith.constant 0 : i32
      %dma_wait3A_55 = tpu.memref_slice %arg5[%dma_wait3A_54] : memref<1280000xf32, #tpu.memory_space<hbm>> -> memref<2000xf32, #tpu.memory_space<hbm>>
      %dma_wait3A_56 = arith.constant 0 : i32
      %dma_wait3A_57 = tpu.memref_slice %arg5[%dma_wait3A_56] : memref<1280000xf32, #tpu.memory_space<hbm>> -> memref<2000xf32, #tpu.memory_space<hbm>>
      tpu.wait_dma2 semaphore(%arg15 : memref<!tpu.dma_semaphore, #tpu.memory_space<semaphore_mem>>) src(%dma_wait3A_57 : memref<2000xf32, #tpu.memory_space<hbm>>) dst(%arg13 : memref<2000xf32, #tpu.memory_space<vmem>>)
      %parallel_loop3A = arith.constant 0 : i32
      %parallel_loop3A_58 = arith.constant 2000 : i32
      %parallel_loop3A_59 = arith.constant 16 : i32
      scf.for %parallel_loop3A_79 = %parallel_loop3A to %parallel_loop3A_58 step %parallel_loop3A_59  : i32 {
        %parallel_loop3A_80 = arith.index_cast %parallel_loop3A_79 : i32 to index
        %parallel_loop3A_81 = tpu.vector_load %arg9[%parallel_loop3A_80] {strides = array<i32>} : memref<2000xi32, #tpu.memory_space<vmem>>, vector<16xi32>,
        %parallel_loop3A_82 = arith.index_cast %parallel_loop3A_79 : i32 to index
        %parallel_loop3A_83 = tpu.vector_load %arg11[%parallel_loop3A_82] {strides = array<i32>} : memref<2000xi32, #tpu.memory_space<vmem>>, vector<16xi32>,
        %parallel_loop3A_84 = arith.index_cast %parallel_loop3A_79 : i32 to index
        %parallel_loop3A_85 = tpu.vector_load %arg13[%parallel_loop3A_84] {strides = array<i32>} : memref<2000xf32, #tpu.memory_space<vmem>>, vector<16xf32>,
        %parallel_loop3A_86 = tpu.vector_load_idx %arg7[%parallel_loop3A_81] : memref<100000xi32, #tpu.memory_space<vmem>>[vector<16xi32>], vector<16xi32>,
        %parallel_loop3A_87 = tpu.vector_load_idx %arg7[%parallel_loop3A_83] : memref<100000xi32, #tpu.memory_space<vmem>>[vector<16xi32>], vector<16xi32>,
        %parallel_loop3A_88 = arith.constant -1024 : i32
        %parallel_loop3A_89 = vector.broadcast %parallel_loop3A_88 : i32 to vector<16xi32>
        %parallel_loop3A_90 = arith.andi %parallel_loop3A_86, %parallel_loop3A_89 : vector<16xi32>
        %parallel_loop3A_91 = vector.bitcast %parallel_loop3A_90 : vector<16xi32> to vector<16xf32>
        %parallel_loop3A_92 = arith.constant -1024 : i32
        %parallel_loop3A_93 = vector.broadcast %parallel_loop3A_92 : i32 to vector<16xi32>
        %parallel_loop3A_94 = arith.andi %parallel_loop3A_87, %parallel_loop3A_93 : vector<16xi32>
        %parallel_loop3A_95 = vector.bitcast %parallel_loop3A_94 : vector<16xi32> to vector<16xf32>
        %parallel_loop3A_96 = arith.constant 1023 : i32
        %parallel_loop3A_97 = vector.broadcast %parallel_loop3A_96 : i32 to vector<16xi32>
        %parallel_loop3A_98 = arith.andi %parallel_loop3A_86, %parallel_loop3A_97 : vector<16xi32>
        %parallel_loop3A_99 = arith.mulf %parallel_loop3A_91, %parallel_loop3A_95 : vector<16xf32>
        %parallel_loop3A_100 = arith.mulf %parallel_loop3A_99, %parallel_loop3A_85 : vector<16xf32>
        tpu.vector_store_idx %arg8[%iota3A, %parallel_loop3A_98], %parallel_loop3A_100 {add = true} : memref<16x1008xf32, #tpu.memory_space<vmem>>[vector<16xi32>, vector<16xi32>], vector<16xf32>,
      } {sc.loop_unroll_factor = 4 : i64, sc.parallel_access}
      %add3A_60 = arith.constant 2 : i32
      %add3A_61 = arith.addi %mul3A_31, %add3A_60 : i32
      %lt3A = arith.constant 20 : i32
      %lt3A_62 = arith.cmpi slt, %add3A_61, %lt3A : i32
      %convert_element_type3A = arith.extui %lt3A_62 : i1 to i32
      %cond3A = arith.constant 0 : i32
      %cond3A_63 = arith.cmpi ne, %convert_element_type3A, %cond3A : i32
      scf.if %cond3A_63 {
        %add3A_79 = arith.constant 2 : i32
        %add3A_80 = arith.addi %mul3A_31, %add3A_79 : i32
        %mul3A_81 = arith.constant 2000 : i32
        %mul3A_82 = arith.muli %add3A_80, %mul3A_81 : i32
        %add3A_83 = arith.addi %mul3A_2, %mul3A_82 : i32
        %add3A_84 = arith.constant 2560000 : i32
        %add3A_85 = arith.addi %add3A_84, %add3A_83 : i32
        %dma_start3A_86 = tpu.memref_slice %arg3[%add3A_85] : memref<6400000xi32, #tpu.memory_space<hbm>> -> memref<2000xi32, #tpu.memory_space<hbm>>
        %dma_start3A_87 = tpu.memref_slice %arg3[%add3A_85] : memref<6400000xi32, #tpu.memory_space<hbm>> -> memref<2000xi32, #tpu.memory_space<hbm>>
        tpu.enqueue_dma source(%dma_start3A_87 : memref<2000xi32, #tpu.memory_space<hbm>>) target(%arg9 : memref<2000xi32, #tpu.memory_space<vmem>>) target_semaphore(%arg15 : memref<!tpu.dma_semaphore, #tpu.memory_space<semaphore_mem>>)
        %add3A_88 = arith.constant 2560000 : i32
        %add3A_89 = arith.addi %add3A_88, %add3A_83 : i32
        %dma_start3A_90 = tpu.memref_slice %arg4[%add3A_89] : memref<6400000xi32, #tpu.memory_space<hbm>> -> memref<2000xi32, #tpu.memory_space<hbm>>
        %dma_start3A_91 = tpu.memref_slice %arg4[%add3A_89] : memref<6400000xi32, #tpu.memory_space<hbm>> -> memref<2000xi32, #tpu.memory_space<hbm>>
        tpu.enqueue_dma source(%dma_start3A_91 : memref<2000xi32, #tpu.memory_space<hbm>>) target(%arg11 : memref<2000xi32, #tpu.memory_space<vmem>>) target_semaphore(%arg15 : memref<!tpu.dma_semaphore, #tpu.memory_space<semaphore_mem>>)
        %dma_start3A_92 = tpu.memref_slice %arg5[%add3A_83] : memref<1280000xf32, #tpu.memory_space<hbm>> -> memref<2000xf32, #tpu.memory_space<hbm>>
        %dma_start3A_93 = tpu.memref_slice %arg5[%add3A_83] : memref<1280000xf32, #tpu.memory_space<hbm>> -> memref<2000xf32, #tpu.memory_space<hbm>>
        tpu.enqueue_dma source(%dma_start3A_93 : memref<2000xf32, #tpu.memory_space<hbm>>) target(%arg13 : memref<2000xf32, #tpu.memory_space<vmem>>) target_semaphore(%arg15 : memref<!tpu.dma_semaphore, #tpu.memory_space<semaphore_mem>>)
      } else {
      }
      %dma_wait3A_64 = arith.constant 0 : i32
      %dma_wait3A_65 = tpu.memref_slice %arg3[%dma_wait3A_64] : memref<6400000xi32, #tpu.memory_space<hbm>> -> memref<2000xi32, #tpu.memory_space<hbm>>
      %dma_wait3A_66 = arith.constant 0 : i32
      %dma_wait3A_67 = tpu.memref_slice %arg3[%dma_wait3A_66] : memref<6400000xi32, #tpu.memory_space<hbm>> -> memref<2000xi32, #tpu.memory_space<hbm>>
      tpu.wait_dma2 semaphore(%arg16 : memref<!tpu.dma_semaphore, #tpu.memory_space<semaphore_mem>>) src(%dma_wait3A_67 : memref<2000xi32, #tpu.memory_space<hbm>>) dst(%arg10 : memref<2000xi32, #tpu.memory_space<vmem>>)
      %dma_wait3A_68 = arith.constant 0 : i32
      %dma_wait3A_69 = tpu.memref_slice %arg4[%dma_wait3A_68] : memref<6400000xi32, #tpu.memory_space<hbm>> -> memref<2000xi32, #tpu.memory_space<hbm>>
      %dma_wait3A_70 = arith.constant 0 : i32
      %dma_wait3A_71 = tpu.memref_slice %arg4[%dma_wait3A_70] : memref<6400000xi32, #tpu.memory_space<hbm>> -> memref<2000xi32, #tpu.memory_space<hbm>>
      tpu.wait_dma2 semaphore(%arg16 : memref<!tpu.dma_semaphore, #tpu.memory_space<semaphore_mem>>) src(%dma_wait3A_71 : memref<2000xi32, #tpu.memory_space<hbm>>) dst(%arg12 : memref<2000xi32, #tpu.memory_space<vmem>>)
      %dma_wait3A_72 = arith.constant 0 : i32
      %dma_wait3A_73 = tpu.memref_slice %arg5[%dma_wait3A_72] : memref<1280000xf32, #tpu.memory_space<hbm>> -> memref<2000xf32, #tpu.memory_space<hbm>>
      %dma_wait3A_74 = arith.constant 0 : i32
      %dma_wait3A_75 = tpu.memref_slice %arg5[%dma_wait3A_74] : memref<1280000xf32, #tpu.memory_space<hbm>> -> memref<2000xf32, #tpu.memory_space<hbm>>
      tpu.wait_dma2 semaphore(%arg16 : memref<!tpu.dma_semaphore, #tpu.memory_space<semaphore_mem>>) src(%dma_wait3A_75 : memref<2000xf32, #tpu.memory_space<hbm>>) dst(%arg14 : memref<2000xf32, #tpu.memory_space<vmem>>)
      %parallel_loop3A_76 = arith.constant 0 : i32
      %parallel_loop3A_77 = arith.constant 2000 : i32
      %parallel_loop3A_78 = arith.constant 16 : i32
      scf.for %parallel_loop3A_79 = %parallel_loop3A_76 to %parallel_loop3A_77 step %parallel_loop3A_78  : i32 {
        %parallel_loop3A_80 = arith.index_cast %parallel_loop3A_79 : i32 to index
        %parallel_loop3A_81 = tpu.vector_load %arg10[%parallel_loop3A_80] {strides = array<i32>} : memref<2000xi32, #tpu.memory_space<vmem>>, vector<16xi32>,
        %parallel_loop3A_82 = arith.index_cast %parallel_loop3A_79 : i32 to index
        %parallel_loop3A_83 = tpu.vector_load %arg12[%parallel_loop3A_82] {strides = array<i32>} : memref<2000xi32, #tpu.memory_space<vmem>>, vector<16xi32>,
        %parallel_loop3A_84 = arith.index_cast %parallel_loop3A_79 : i32 to index
        %parallel_loop3A_85 = tpu.vector_load %arg14[%parallel_loop3A_84] {strides = array<i32>} : memref<2000xf32, #tpu.memory_space<vmem>>, vector<16xf32>,
        %parallel_loop3A_86 = tpu.vector_load_idx %arg7[%parallel_loop3A_81] : memref<100000xi32, #tpu.memory_space<vmem>>[vector<16xi32>], vector<16xi32>,
        %parallel_loop3A_87 = tpu.vector_load_idx %arg7[%parallel_loop3A_83] : memref<100000xi32, #tpu.memory_space<vmem>>[vector<16xi32>], vector<16xi32>,
        %parallel_loop3A_88 = arith.constant -1024 : i32
        %parallel_loop3A_89 = vector.broadcast %parallel_loop3A_88 : i32 to vector<16xi32>
        %parallel_loop3A_90 = arith.andi %parallel_loop3A_86, %parallel_loop3A_89 : vector<16xi32>
        %parallel_loop3A_91 = vector.bitcast %parallel_loop3A_90 : vector<16xi32> to vector<16xf32>
        %parallel_loop3A_92 = arith.constant -1024 : i32
        %parallel_loop3A_93 = vector.broadcast %parallel_loop3A_92 : i32 to vector<16xi32>
        %parallel_loop3A_94 = arith.andi %parallel_loop3A_87, %parallel_loop3A_93 : vector<16xi32>
        %parallel_loop3A_95 = vector.bitcast %parallel_loop3A_94 : vector<16xi32> to vector<16xf32>
        %parallel_loop3A_96 = arith.constant 1023 : i32
        %parallel_loop3A_97 = vector.broadcast %parallel_loop3A_96 : i32 to vector<16xi32>
        %parallel_loop3A_98 = arith.andi %parallel_loop3A_86, %parallel_loop3A_97 : vector<16xi32>
        %parallel_loop3A_99 = arith.mulf %parallel_loop3A_91, %parallel_loop3A_95 : vector<16xf32>
        %parallel_loop3A_100 = arith.mulf %parallel_loop3A_99, %parallel_loop3A_85 : vector<16xf32>
        tpu.vector_store_idx %arg8[%iota3A, %parallel_loop3A_98], %parallel_loop3A_100 {add = true} : memref<16x1008xf32, #tpu.memory_space<vmem>>[vector<16xi32>, vector<16xi32>], vector<16xf32>,
      } {sc.loop_unroll_factor = 4 : i64, sc.parallel_access}
    }
    %scan3A_23 = arith.constant 10 : i32
    %scan3A_24 = arith.constant 0 : i32
    %scan3A_25 = arith.constant 63 : i32
    %scan3A_26 = arith.addi %scan3A_24, %scan3A_25 : i32
    %scan3A_27 = arith.constant 1 : i32
    scf.for %scan3A_29 = %scan3A_24 to %scan3A_26 step %scan3A_27  : i32 {
      %mul3A_30 = arith.constant 16 : i32
      %mul3A_31 = arith.muli %scan3A_29, %mul3A_30 : i32
      %get3A = arith.constant 0 : i32
      %get3A_32 = arith.index_cast %get3A : i32 to index
      %get3A_33 = arith.index_cast %mul3A_31 : i32 to index
      %get3A_34 = tpu.vector_load %arg8[%get3A_32, %get3A_33] {strides = array<i32>} : memref<16x1008xf32, #tpu.memory_space<vmem>>, vector<16xf32>,
      %get3A_35 = arith.constant 1 : i32
      %get3A_36 = arith.index_cast %get3A_35 : i32 to index
      %get3A_37 = arith.index_cast %mul3A_31 : i32 to index
      %get3A_38 = tpu.vector_load %arg8[%get3A_36, %get3A_37] {strides = array<i32>} : memref<16x1008xf32, #tpu.memory_space<vmem>>, vector<16xf32>,
      %add3A_39 = arith.addf %get3A_34, %get3A_38 : vector<16xf32>
      %get3A_40 = arith.constant 2 : i32
      %get3A_41 = arith.index_cast %get3A_40 : i32 to index
      %get3A_42 = arith.index_cast %mul3A_31 : i32 to index
      %get3A_43 = tpu.vector_load %arg8[%get3A_41, %get3A_42] {strides = array<i32>} : memref<16x1008xf32, #tpu.memory_space<vmem>>, vector<16xf32>,
      %add3A_44 = arith.addf %add3A_39, %get3A_43 : vector<16xf32>
      %get3A_45 = arith.constant 3 : i32
      %get3A_46 = arith.index_cast %get3A_45 : i32 to index
      %get3A_47 = arith.index_cast %mul3A_31 : i32 to index
      %get3A_48 = tpu.vector_load %arg8[%get3A_46, %get3A_47] {strides = array<i32>} : memref<16x1008xf32, #tpu.memory_space<vmem>>, vector<16xf32>,
      %add3A_49 = arith.addf %add3A_44, %get3A_48 : vector<16xf32>
      %get3A_50 = arith.constant 4 : i32
      %get3A_51 = arith.index_cast %get3A_50 : i32 to index
      %get3A_52 = arith.index_cast %mul3A_31 : i32 to index
      %get3A_53 = tpu.vector_load %arg8[%get3A_51, %get3A_52] {strides = array<i32>} : memref<16x1008xf32, #tpu.memory_space<vmem>>, vector<16xf32>,
      %add3A_54 = arith.addf %add3A_49, %get3A_53 : vector<16xf32>
      %get3A_55 = arith.constant 5 : i32
      %get3A_56 = arith.index_cast %get3A_55 : i32 to index
      %get3A_57 = arith.index_cast %mul3A_31 : i32 to index
      %get3A_58 = tpu.vector_load %arg8[%get3A_56, %get3A_57] {strides = array<i32>} : memref<16x1008xf32, #tpu.memory_space<vmem>>, vector<16xf32>,
      %add3A_59 = arith.addf %add3A_54, %get3A_58 : vector<16xf32>
      %get3A_60 = arith.constant 6 : i32
      %get3A_61 = arith.index_cast %get3A_60 : i32 to index
      %get3A_62 = arith.index_cast %mul3A_31 : i32 to index
      %get3A_63 = tpu.vector_load %arg8[%get3A_61, %get3A_62] {strides = array<i32>} : memref<16x1008xf32, #tpu.memory_space<vmem>>, vector<16xf32>,
      %add3A_64 = arith.addf %add3A_59, %get3A_63 : vector<16xf32>
      %get3A_65 = arith.constant 7 : i32
      %get3A_66 = arith.index_cast %get3A_65 : i32 to index
      %get3A_67 = arith.index_cast %mul3A_31 : i32 to index
      %get3A_68 = tpu.vector_load %arg8[%get3A_66, %get3A_67] {strides = array<i32>} : memref<16x1008xf32, #tpu.memory_space<vmem>>, vector<16xf32>,
      %add3A_69 = arith.addf %add3A_64, %get3A_68 : vector<16xf32>
      %get3A_70 = arith.constant 8 : i32
      %get3A_71 = arith.index_cast %get3A_70 : i32 to index
      %get3A_72 = arith.index_cast %mul3A_31 : i32 to index
      %get3A_73 = tpu.vector_load %arg8[%get3A_71, %get3A_72] {strides = array<i32>} : memref<16x1008xf32, #tpu.memory_space<vmem>>, vector<16xf32>,
      %add3A_74 = arith.addf %add3A_69, %get3A_73 : vector<16xf32>
      %get3A_75 = arith.constant 9 : i32
      %get3A_76 = arith.index_cast %get3A_75 : i32 to index
      %get3A_77 = arith.index_cast %mul3A_31 : i32 to index
      %get3A_78 = tpu.vector_load %arg8[%get3A_76, %get3A_77] {strides = array<i32>} : memref<16x1008xf32, #tpu.memory_space<vmem>>, vector<16xf32>,
      %add3A_79 = arith.addf %add3A_74, %get3A_78 : vector<16xf32>
      %get3A_80 = arith.constant 10 : i32
      %get3A_81 = arith.index_cast %get3A_80 : i32 to index
      %get3A_82 = arith.index_cast %mul3A_31 : i32 to index
      %get3A_83 = tpu.vector_load %arg8[%get3A_81, %get3A_82] {strides = array<i32>} : memref<16x1008xf32, #tpu.memory_space<vmem>>, vector<16xf32>,
      %add3A_84 = arith.addf %add3A_79, %get3A_83 : vector<16xf32>
      %get3A_85 = arith.constant 11 : i32
      %get3A_86 = arith.index_cast %get3A_85 : i32 to index
      %get3A_87 = arith.index_cast %mul3A_31 : i32 to index
      %get3A_88 = tpu.vector_load %arg8[%get3A_86, %get3A_87] {strides = array<i32>} : memref<16x1008xf32, #tpu.memory_space<vmem>>, vector<16xf32>,
      %add3A_89 = arith.addf %add3A_84, %get3A_88 : vector<16xf32>
      %get3A_90 = arith.constant 12 : i32
      %get3A_91 = arith.index_cast %get3A_90 : i32 to index
      %get3A_92 = arith.index_cast %mul3A_31 : i32 to index
      %get3A_93 = tpu.vector_load %arg8[%get3A_91, %get3A_92] {strides = array<i32>} : memref<16x1008xf32, #tpu.memory_space<vmem>>, vector<16xf32>,
      %add3A_94 = arith.addf %add3A_89, %get3A_93 : vector<16xf32>
      %get3A_95 = arith.constant 13 : i32
      %get3A_96 = arith.index_cast %get3A_95 : i32 to index
      %get3A_97 = arith.index_cast %mul3A_31 : i32 to index
      %get3A_98 = tpu.vector_load %arg8[%get3A_96, %get3A_97] {strides = array<i32>} : memref<16x1008xf32, #tpu.memory_space<vmem>>, vector<16xf32>,
      %add3A_99 = arith.addf %add3A_94, %get3A_98 : vector<16xf32>
      %get3A_100 = arith.constant 14 : i32
      %get3A_101 = arith.index_cast %get3A_100 : i32 to index
      %get3A_102 = arith.index_cast %mul3A_31 : i32 to index
      %get3A_103 = tpu.vector_load %arg8[%get3A_101, %get3A_102] {strides = array<i32>} : memref<16x1008xf32, #tpu.memory_space<vmem>>, vector<16xf32>,
      %add3A_104 = arith.addf %add3A_99, %get3A_103 : vector<16xf32>
      %get3A_105 = arith.constant 15 : i32
      %get3A_106 = arith.index_cast %get3A_105 : i32 to index
      %get3A_107 = arith.index_cast %mul3A_31 : i32 to index
      %get3A_108 = tpu.vector_load %arg8[%get3A_106, %get3A_107] {strides = array<i32>} : memref<16x1008xf32, #tpu.memory_space<vmem>>, vector<16xf32>,
      %add3A_109 = arith.addf %add3A_104, %get3A_108 : vector<16xf32>
      %swap3A = arith.constant 0 : i32
      %swap3A_110 = arith.index_cast %swap3A : i32 to index
      %swap3A_111 = arith.index_cast %mul3A_31 : i32 to index
      %swap3A_112 = tpu.vector_load %arg8[%swap3A_110, %swap3A_111] {strides = array<i32>} : memref<16x1008xf32, #tpu.memory_space<vmem>>, vector<16xf32>,
      tpu.vector_store %arg8[%swap3A_110, %swap3A_111], %add3A_109 {strides = array<i32>} : memref<16x1008xf32, #tpu.memory_space<vmem>>, vector<16xf32>,
    }
    %scan3A_28 = arith.constant 63 : i32
    %run_scoped3A = arith.constant 0 : i32
    "tpu.region"() ({
      %run_scoped3A_29 = tpu.sem_alloc : memref<!tpu.dma_semaphore, #tpu.memory_space<semaphore_mem>>
      %dma_start3A_30 = arith.constant 0 : i32
      %dma_start3A_31 = tpu.memref_slice %arg8[%run_scoped3A, %dma_start3A_30] : memref<16x1008xf32, #tpu.memory_space<vmem>> -> memref<1x1008xf32, #tpu.memory_space<vmem>>
      %dma_start3A_32 = tpu.memref_squeeze %dma_start3A_31 : memref<1x1008xf32, #tpu.memory_space<vmem>> -> memref<1008xf32, #tpu.memory_space<vmem>>
      %dma_start3A_33 = arith.constant 0 : i32
      %dma_start3A_34 = tpu.memref_slice %arg6[%add3A, %dma_start3A_33] : memref<32x1008xf32, #tpu.memory_space<hbm>> -> memref<1x1008xf32, #tpu.memory_space<hbm>>
      %dma_start3A_35 = tpu.memref_squeeze %dma_start3A_34 : memref<1x1008xf32, #tpu.memory_space<hbm>> -> memref<1008xf32, #tpu.memory_space<hbm>>
      %dma_start3A_36 = arith.constant 0 : i32
      %dma_start3A_37 = tpu.memref_slice %arg6[%add3A, %dma_start3A_36] : memref<32x1008xf32, #tpu.memory_space<hbm>> -> memref<1x1008xf32, #tpu.memory_space<hbm>>
      %dma_start3A_38 = tpu.memref_squeeze %dma_start3A_37 : memref<1x1008xf32, #tpu.memory_space<hbm>> -> memref<1008xf32, #tpu.memory_space<hbm>>
      %dma_start3A_39 = arith.constant 0 : i32
      %dma_start3A_40 = tpu.memref_slice %arg8[%run_scoped3A, %dma_start3A_39] : memref<16x1008xf32, #tpu.memory_space<vmem>> -> memref<1x1008xf32, #tpu.memory_space<vmem>>
      %dma_start3A_41 = tpu.memref_squeeze %dma_start3A_40 : memref<1x1008xf32, #tpu.memory_space<vmem>> -> memref<1008xf32, #tpu.memory_space<vmem>>
      tpu.enqueue_dma source(%dma_start3A_41 : memref<1008xf32, #tpu.memory_space<vmem>>) target(%dma_start3A_38 : memref<1008xf32, #tpu.memory_space<hbm>>) target_semaphore(%run_scoped3A_29 : memref<!tpu.dma_semaphore, #tpu.memory_space<semaphore_mem>>)
      %dma_wait3A = arith.constant 0 : i32
      %dma_wait3A_42 = tpu.memref_slice %arg8[%run_scoped3A, %dma_wait3A] : memref<16x1008xf32, #tpu.memory_space<vmem>> -> memref<1x1008xf32, #tpu.memory_space<vmem>>
      %dma_wait3A_43 = tpu.memref_squeeze %dma_wait3A_42 : memref<1x1008xf32, #tpu.memory_space<vmem>> -> memref<1008xf32, #tpu.memory_space<vmem>>
      %dma_wait3A_44 = arith.constant 0 : i32
      %dma_wait3A_45 = tpu.memref_slice %arg6[%add3A, %dma_wait3A_44] : memref<32x1008xf32, #tpu.memory_space<hbm>> -> memref<1x1008xf32, #tpu.memory_space<hbm>>
      %dma_wait3A_46 = tpu.memref_squeeze %dma_wait3A_45 : memref<1x1008xf32, #tpu.memory_space<hbm>> -> memref<1008xf32, #tpu.memory_space<hbm>>
      %dma_wait3A_47 = arith.constant 0 : i32
      %dma_wait3A_48 = tpu.memref_slice %arg6[%add3A, %dma_wait3A_47] : memref<32x1008xf32, #tpu.memory_space<hbm>> -> memref<1x1008xf32, #tpu.memory_space<hbm>>
      %dma_wait3A_49 = tpu.memref_squeeze %dma_wait3A_48 : memref<1x1008xf32, #tpu.memory_space<hbm>> -> memref<1008xf32, #tpu.memory_space<hbm>>
      %dma_wait3A_50 = arith.constant 0 : i32
      %dma_wait3A_51 = tpu.memref_slice %arg8[%run_scoped3A, %dma_wait3A_50] : memref<16x1008xf32, #tpu.memory_space<vmem>> -> memref<1x1008xf32, #tpu.memory_space<vmem>>
      %dma_wait3A_52 = tpu.memref_squeeze %dma_wait3A_51 : memref<1x1008xf32, #tpu.memory_space<vmem>> -> memref<1008xf32, #tpu.memory_space<vmem>>
      tpu.wait_dma2 semaphore(%run_scoped3A_29 : memref<!tpu.dma_semaphore, #tpu.memory_space<semaphore_mem>>) src(%dma_wait3A_52 : memref<1008xf32, #tpu.memory_space<vmem>>) dst(%dma_wait3A_49 : memref<1008xf32, #tpu.memory_space<hbm>>)
      tpu.yield
    }) : () -> ()
    return
  }
}

#map = affine_map<(d0, d1) -> (0)>
#map1 = affine_map<(d0, d1) -> (0, 0)>
module attributes {stable_mosaic.version = 14 : i64} {
  func.func @_sc_scatter_body(%arg0: i32, %arg1: i32, %arg2: memref<100000xi32, #tpu.memory_space<hbm>>, %arg3: memref<6400000xi32, #tpu.memory_space<hbm>>, %arg4: memref<6400000xi32, #tpu.memory_space<hbm>>, %arg5: memref<1280000xf32, #tpu.memory_space<hbm>>, %arg6: memref<32x1008xf32, #tpu.memory_space<hbm>>, %arg7: memref<100000xi32, #tpu.memory_space<vmem>>, %arg8: memref<16x1008xf32, #tpu.memory_space<vmem>>, %arg9: memref<2000xi32, #tpu.memory_space<vmem>>, %arg10: memref<2000xi32, #tpu.memory_space<vmem>>, %arg11: memref<2000xi32, #tpu.memory_space<vmem>>, %arg12: memref<2000xi32, #tpu.memory_space<vmem>>, %arg13: memref<2000xf32, #tpu.memory_space<vmem>>, %arg14: memref<2000xf32, #tpu.memory_space<vmem>>, %arg15: memref<!tpu.dma_semaphore, #tpu.memory_space<semaphore_mem>>, %arg16: memref<!tpu.dma_semaphore, #tpu.memory_space<semaphore_mem>>) attributes {dimension_semantics = [#tpu.dimension_semantics<core_parallel>, #tpu.dimension_semantics<subcore_parallel>], iteration_bounds = array<i64: 2, 16>, scalar_prefetch = 0 : i64, scratch_operands = 10 : i64, tpu.core_type = #tpu.core_type<sc_vector_subcore>, window_params = [{transform_indices = #map}, {transform_indices = #map}, {transform_indices = #map}, {transform_indices = #map}, {transform_indices = #map1}]} {
    %mul3A = arith.constant 2 : i32
    %mul3A_0 = arith.muli %arg1, %mul3A : i32
    %add3A = arith.addi %mul3A_0, %arg0 : i32
    %mul3A_1 = arith.constant 40000 : i32
    %mul3A_2 = arith.muli %add3A, %mul3A_1 : i32
    "tpu.region"() ({
      %run_scoped3A_29 = tpu.sem_alloc : memref<!tpu.dma_semaphore, #tpu.memory_space<semaphore_mem>>
      tpu.enqueue_dma source(%arg2 : memref<100000xi32, #tpu.memory_space<hbm>>) target(%arg7 : memref<100000xi32, #tpu.memory_space<vmem>>) target_semaphore(%run_scoped3A_29 : memref<!tpu.dma_semaphore, #tpu.memory_space<semaphore_mem>>)
      tpu.wait_dma2 semaphore(%run_scoped3A_29 : memref<!tpu.dma_semaphore, #tpu.memory_space<semaphore_mem>>) src(%arg2 : memref<100000xi32, #tpu.memory_space<hbm>>) dst(%arg7 : memref<100000xi32, #tpu.memory_space<vmem>>)
      tpu.yield
    }) : () -> ()
    %broadcast_in_dim3A = arith.constant 0.000000e+00 : f32
    %broadcast_in_dim3A_3 = vector.broadcast %broadcast_in_dim3A : f32 to vector<16xf32>
    %scan3A = arith.constant 0 : i32
    %scan3A_4 = arith.constant 63 : i32
    %scan3A_5 = arith.addi %scan3A, %scan3A_4 : i32
    %scan3A_6 = arith.constant 1 : i32
    scf.for %scan3A_29 = %scan3A to %scan3A_5 step %scan3A_6  : i32 {
      %mul3A_30 = arith.constant 16 : i32
      %mul3A_31 = arith.muli %scan3A_29, %mul3A_30 : i32
      %swap3A = arith.constant 0 : i32
      %swap3A_32 = arith.index_cast %swap3A : i32 to index
      %swap3A_33 = arith.index_cast %mul3A_31 : i32 to index
      %swap3A_34 = tpu.vector_load %arg8[%swap3A_32, %swap3A_33] {strides = array<i32>} : memref<16x1008xf32, #tpu.memory_space<vmem>>, vector<16xf32>,
      tpu.vector_store %arg8[%swap3A_32, %swap3A_33], %broadcast_in_dim3A_3 {strides = array<i32>} : memref<16x1008xf32, #tpu.memory_space<vmem>>, vector<16xf32>,
      %swap3A_35 = arith.constant 1 : i32
      %swap3A_36 = arith.index_cast %swap3A_35 : i32 to index
      %swap3A_37 = arith.index_cast %mul3A_31 : i32 to index
      %swap3A_38 = tpu.vector_load %arg8[%swap3A_36, %swap3A_37] {strides = array<i32>} : memref<16x1008xf32, #tpu.memory_space<vmem>>, vector<16xf32>,
      tpu.vector_store %arg8[%swap3A_36, %swap3A_37], %broadcast_in_dim3A_3 {strides = array<i32>} : memref<16x1008xf32, #tpu.memory_space<vmem>>, vector<16xf32>,
      %swap3A_39 = arith.constant 2 : i32
      %swap3A_40 = arith.index_cast %swap3A_39 : i32 to index
      %swap3A_41 = arith.index_cast %mul3A_31 : i32 to index
      %swap3A_42 = tpu.vector_load %arg8[%swap3A_40, %swap3A_41] {strides = array<i32>} : memref<16x1008xf32, #tpu.memory_space<vmem>>, vector<16xf32>,
      tpu.vector_store %arg8[%swap3A_40, %swap3A_41], %broadcast_in_dim3A_3 {strides = array<i32>} : memref<16x1008xf32, #tpu.memory_space<vmem>>, vector<16xf32>,
      %swap3A_43 = arith.constant 3 : i32
      %swap3A_44 = arith.index_cast %swap3A_43 : i32 to index
      %swap3A_45 = arith.index_cast %mul3A_31 : i32 to index
      %swap3A_46 = tpu.vector_load %arg8[%swap3A_44, %swap3A_45] {strides = array<i32>} : memref<16x1008xf32, #tpu.memory_space<vmem>>, vector<16xf32>,
      tpu.vector_store %arg8[%swap3A_44, %swap3A_45], %broadcast_in_dim3A_3 {strides = array<i32>} : memref<16x1008xf32, #tpu.memory_space<vmem>>, vector<16xf32>,
      %swap3A_47 = arith.constant 4 : i32
      %swap3A_48 = arith.index_cast %swap3A_47 : i32 to index
      %swap3A_49 = arith.index_cast %mul3A_31 : i32 to index
      %swap3A_50 = tpu.vector_load %arg8[%swap3A_48, %swap3A_49] {strides = array<i32>} : memref<16x1008xf32, #tpu.memory_space<vmem>>, vector<16xf32>,
      tpu.vector_store %arg8[%swap3A_48, %swap3A_49], %broadcast_in_dim3A_3 {strides = array<i32>} : memref<16x1008xf32, #tpu.memory_space<vmem>>, vector<16xf32>,
      %swap3A_51 = arith.constant 5 : i32
      %swap3A_52 = arith.index_cast %swap3A_51 : i32 to index
      %swap3A_53 = arith.index_cast %mul3A_31 : i32 to index
      %swap3A_54 = tpu.vector_load %arg8[%swap3A_52, %swap3A_53] {strides = array<i32>} : memref<16x1008xf32, #tpu.memory_space<vmem>>, vector<16xf32>,
      tpu.vector_store %arg8[%swap3A_52, %swap3A_53], %broadcast_in_dim3A_3 {strides = array<i32>} : memref<16x1008xf32, #tpu.memory_space<vmem>>, vector<16xf32>,
      %swap3A_55 = arith.constant 6 : i32
      %swap3A_56 = arith.index_cast %swap3A_55 : i32 to index
      %swap3A_57 = arith.index_cast %mul3A_31 : i32 to index
      %swap3A_58 = tpu.vector_load %arg8[%swap3A_56, %swap3A_57] {strides = array<i32>} : memref<16x1008xf32, #tpu.memory_space<vmem>>, vector<16xf32>,
      tpu.vector_store %arg8[%swap3A_56, %swap3A_57], %broadcast_in_dim3A_3 {strides = array<i32>} : memref<16x1008xf32, #tpu.memory_space<vmem>>, vector<16xf32>,
      %swap3A_59 = arith.constant 7 : i32
      %swap3A_60 = arith.index_cast %swap3A_59 : i32 to index
      %swap3A_61 = arith.index_cast %mul3A_31 : i32 to index
      %swap3A_62 = tpu.vector_load %arg8[%swap3A_60, %swap3A_61] {strides = array<i32>} : memref<16x1008xf32, #tpu.memory_space<vmem>>, vector<16xf32>,
      tpu.vector_store %arg8[%swap3A_60, %swap3A_61], %broadcast_in_dim3A_3 {strides = array<i32>} : memref<16x1008xf32, #tpu.memory_space<vmem>>, vector<16xf32>,
      %swap3A_63 = arith.constant 8 : i32
      %swap3A_64 = arith.index_cast %swap3A_63 : i32 to index
      %swap3A_65 = arith.index_cast %mul3A_31 : i32 to index
      %swap3A_66 = tpu.vector_load %arg8[%swap3A_64, %swap3A_65] {strides = array<i32>} : memref<16x1008xf32, #tpu.memory_space<vmem>>, vector<16xf32>,
      tpu.vector_store %arg8[%swap3A_64, %swap3A_65], %broadcast_in_dim3A_3 {strides = array<i32>} : memref<16x1008xf32, #tpu.memory_space<vmem>>, vector<16xf32>,
      %swap3A_67 = arith.constant 9 : i32
      %swap3A_68 = arith.index_cast %swap3A_67 : i32 to index
      %swap3A_69 = arith.index_cast %mul3A_31 : i32 to index
      %swap3A_70 = tpu.vector_load %arg8[%swap3A_68, %swap3A_69] {strides = array<i32>} : memref<16x1008xf32, #tpu.memory_space<vmem>>, vector<16xf32>,
      tpu.vector_store %arg8[%swap3A_68, %swap3A_69], %broadcast_in_dim3A_3 {strides = array<i32>} : memref<16x1008xf32, #tpu.memory_space<vmem>>, vector<16xf32>,
      %swap3A_71 = arith.constant 10 : i32
      %swap3A_72 = arith.index_cast %swap3A_71 : i32 to index
      %swap3A_73 = arith.index_cast %mul3A_31 : i32 to index
      %swap3A_74 = tpu.vector_load %arg8[%swap3A_72, %swap3A_73] {strides = array<i32>} : memref<16x1008xf32, #tpu.memory_space<vmem>>, vector<16xf32>,
      tpu.vector_store %arg8[%swap3A_72, %swap3A_73], %broadcast_in_dim3A_3 {strides = array<i32>} : memref<16x1008xf32, #tpu.memory_space<vmem>>, vector<16xf32>,
      %swap3A_75 = arith.constant 11 : i32
      %swap3A_76 = arith.index_cast %swap3A_75 : i32 to index
      %swap3A_77 = arith.index_cast %mul3A_31 : i32 to index
      %swap3A_78 = tpu.vector_load %arg8[%swap3A_76, %swap3A_77] {strides = array<i32>} : memref<16x1008xf32, #tpu.memory_space<vmem>>, vector<16xf32>,
      tpu.vector_store %arg8[%swap3A_76, %swap3A_77], %broadcast_in_dim3A_3 {strides = array<i32>} : memref<16x1008xf32, #tpu.memory_space<vmem>>, vector<16xf32>,
      %swap3A_79 = arith.constant 12 : i32
      %swap3A_80 = arith.index_cast %swap3A_79 : i32 to index
      %swap3A_81 = arith.index_cast %mul3A_31 : i32 to index
      %swap3A_82 = tpu.vector_load %arg8[%swap3A_80, %swap3A_81] {strides = array<i32>} : memref<16x1008xf32, #tpu.memory_space<vmem>>, vector<16xf32>,
      tpu.vector_store %arg8[%swap3A_80, %swap3A_81], %broadcast_in_dim3A_3 {strides = array<i32>} : memref<16x1008xf32, #tpu.memory_space<vmem>>, vector<16xf32>,
      %swap3A_83 = arith.constant 13 : i32
      %swap3A_84 = arith.index_cast %swap3A_83 : i32 to index
      %swap3A_85 = arith.index_cast %mul3A_31 : i32 to index
      %swap3A_86 = tpu.vector_load %arg8[%swap3A_84, %swap3A_85] {strides = array<i32>} : memref<16x1008xf32, #tpu.memory_space<vmem>>, vector<16xf32>,
      tpu.vector_store %arg8[%swap3A_84, %swap3A_85], %broadcast_in_dim3A_3 {strides = array<i32>} : memref<16x1008xf32, #tpu.memory_space<vmem>>, vector<16xf32>,
      %swap3A_87 = arith.constant 14 : i32
      %swap3A_88 = arith.index_cast %swap3A_87 : i32 to index
      %swap3A_89 = arith.index_cast %mul3A_31 : i32 to index
      %swap3A_90 = tpu.vector_load %arg8[%swap3A_88, %swap3A_89] {strides = array<i32>} : memref<16x1008xf32, #tpu.memory_space<vmem>>, vector<16xf32>,
      tpu.vector_store %arg8[%swap3A_88, %swap3A_89], %broadcast_in_dim3A_3 {strides = array<i32>} : memref<16x1008xf32, #tpu.memory_space<vmem>>, vector<16xf32>,
      %swap3A_91 = arith.constant 15 : i32
      %swap3A_92 = arith.index_cast %swap3A_91 : i32 to index
      %swap3A_93 = arith.index_cast %mul3A_31 : i32 to index
      %swap3A_94 = tpu.vector_load %arg8[%swap3A_92, %swap3A_93] {strides = array<i32>} : memref<16x1008xf32, #tpu.memory_space<vmem>>, vector<16xf32>,
      tpu.vector_store %arg8[%swap3A_92, %swap3A_93], %broadcast_in_dim3A_3 {strides = array<i32>} : memref<16x1008xf32, #tpu.memory_space<vmem>>, vector<16xf32>,
    }
    %scan3A_7 = arith.constant 63 : i32
    %iota3A = tpu.iota {dimensions = array<i32: 0>} : vector<16xi32>
    %add3A_8 = arith.constant 0 : i32
    %add3A_9 = arith.addi %mul3A_2, %add3A_8 : i32
    %add3A_10 = arith.constant 0 : i32
    %add3A_11 = arith.addi %add3A_10, %add3A_9 : i32
    %dma_start3A = tpu.memref_slice %arg3[%add3A_11] : memref<6400000xi32, #tpu.memory_space<hbm>> -> memref<2000xi32, #tpu.memory_space<hbm>>
    %dma_start3A_12 = tpu.memref_slice %arg3[%add3A_11] : memref<6400000xi32, #tpu.memory_space<hbm>> -> memref<2000xi32, #tpu.memory_space<hbm>>
    tpu.enqueue_dma source(%dma_start3A_12 : memref<2000xi32, #tpu.memory_space<hbm>>) target(%arg9 : memref<2000xi32, #tpu.memory_space<vmem>>) target_semaphore(%arg15 : memref<!tpu.dma_semaphore, #tpu.memory_space<semaphore_mem>>)
    %add3A_13 = arith.constant 0 : i32
    %add3A_14 = arith.addi %add3A_13, %add3A_9 : i32
    %dma_start3A_15 = tpu.memref_slice %arg4[%add3A_14] : memref<6400000xi32, #tpu.memory_space<hbm>> -> memref<2000xi32, #tpu.memory_space<hbm>>
    %dma_start3A_16 = tpu.memref_slice %arg4[%add3A_14] : memref<6400000xi32, #tpu.memory_space<hbm>> -> memref<2000xi32, #tpu.memory_space<hbm>>
    tpu.enqueue_dma source(%dma_start3A_16 : memref<2000xi32, #tpu.memory_space<hbm>>) target(%arg11 : memref<2000xi32, #tpu.memory_space<vmem>>) target_semaphore(%arg15 : memref<!tpu.dma_semaphore, #tpu.memory_space<semaphore_mem>>)
    %dma_start3A_17 = tpu.memref_slice %arg5[%add3A_9] : memref<1280000xf32, #tpu.memory_space<hbm>> -> memref<2000xf32, #tpu.memory_space<hbm>>
    %dma_start3A_18 = tpu.memref_slice %arg5[%add3A_9] : memref<1280000xf32, #tpu.memory_space<hbm>> -> memref<2000xf32, #tpu.memory_space<hbm>>
    tpu.enqueue_dma source(%dma_start3A_18 : memref<2000xf32, #tpu.memory_space<hbm>>) target(%arg13 : memref<2000xf32, #tpu.memory_space<vmem>>) target_semaphore(%arg15 : memref<!tpu.dma_semaphore, #tpu.memory_space<semaphore_mem>>)
    %scan3A_19 = arith.constant 0 : i32
    %scan3A_20 = arith.constant 10 : i32
    %scan3A_21 = arith.addi %scan3A_19, %scan3A_20 : i32
    %scan3A_22 = arith.constant 1 : i32
    scf.for %scan3A_29 = %scan3A_19 to %scan3A_21 step %scan3A_22  : i32 {
      %mul3A_30 = arith.constant 2 : i32
      %mul3A_31 = arith.muli %mul3A_30, %scan3A_29 : i32
      %add3A_32 = arith.constant 1 : i32
      %add3A_33 = arith.addi %mul3A_31, %add3A_32 : i32
      %mul3A_34 = arith.constant 2000 : i32
      %mul3A_35 = arith.muli %add3A_33, %mul3A_34 : i32
      %add3A_36 = arith.addi %mul3A_2, %mul3A_35 : i32
      %add3A_37 = arith.constant 0 : i32
      %add3A_38 = arith.addi %add3A_37, %add3A_36 : i32
      %dma_start3A_39 = tpu.memref_slice %arg3[%add3A_38] : memref<6400000xi32, #tpu.memory_space<hbm>> -> memref<2000xi32, #tpu.memory_space<hbm>>
      %dma_start3A_40 = tpu.memref_slice %arg3[%add3A_38] : memref<6400000xi32, #tpu.memory_space<hbm>> -> memref<2000xi32, #tpu.memory_space<hbm>>
      tpu.enqueue_dma source(%dma_start3A_40 : memref<2000xi32, #tpu.memory_space<hbm>>) target(%arg10 : memref<2000xi32, #tpu.memory_space<vmem>>) target_semaphore(%arg16 : memref<!tpu.dma_semaphore, #tpu.memory_space<semaphore_mem>>)
      %add3A_41 = arith.constant 0 : i32
      %add3A_42 = arith.addi %add3A_41, %add3A_36 : i32
      %dma_start3A_43 = tpu.memref_slice %arg4[%add3A_42] : memref<6400000xi32, #tpu.memory_space<hbm>> -> memref<2000xi32, #tpu.memory_space<hbm>>
      %dma_start3A_44 = tpu.memref_slice %arg4[%add3A_42] : memref<6400000xi32, #tpu.memory_space<hbm>> -> memref<2000xi32, #tpu.memory_space<hbm>>
      tpu.enqueue_dma source(%dma_start3A_44 : memref<2000xi32, #tpu.memory_space<hbm>>) target(%arg12 : memref<2000xi32, #tpu.memory_space<vmem>>) target_semaphore(%arg16 : memref<!tpu.dma_semaphore, #tpu.memory_space<semaphore_mem>>)
      %dma_start3A_45 = tpu.memref_slice %arg5[%add3A_36] : memref<1280000xf32, #tpu.memory_space<hbm>> -> memref<2000xf32, #tpu.memory_space<hbm>>
      %dma_start3A_46 = tpu.memref_slice %arg5[%add3A_36] : memref<1280000xf32, #tpu.memory_space<hbm>> -> memref<2000xf32, #tpu.memory_space<hbm>>
      tpu.enqueue_dma source(%dma_start3A_46 : memref<2000xf32, #tpu.memory_space<hbm>>) target(%arg14 : memref<2000xf32, #tpu.memory_space<vmem>>) target_semaphore(%arg16 : memref<!tpu.dma_semaphore, #tpu.memory_space<semaphore_mem>>)
      %dma_wait3A = arith.constant 0 : i32
      %dma_wait3A_47 = tpu.memref_slice %arg3[%dma_wait3A] : memref<6400000xi32, #tpu.memory_space<hbm>> -> memref<2000xi32, #tpu.memory_space<hbm>>
      %dma_wait3A_48 = arith.constant 0 : i32
      %dma_wait3A_49 = tpu.memref_slice %arg3[%dma_wait3A_48] : memref<6400000xi32, #tpu.memory_space<hbm>> -> memref<2000xi32, #tpu.memory_space<hbm>>
      tpu.wait_dma2 semaphore(%arg15 : memref<!tpu.dma_semaphore, #tpu.memory_space<semaphore_mem>>) src(%dma_wait3A_49 : memref<2000xi32, #tpu.memory_space<hbm>>) dst(%arg9 : memref<2000xi32, #tpu.memory_space<vmem>>)
      %dma_wait3A_50 = arith.constant 0 : i32
      %dma_wait3A_51 = tpu.memref_slice %arg4[%dma_wait3A_50] : memref<6400000xi32, #tpu.memory_space<hbm>> -> memref<2000xi32, #tpu.memory_space<hbm>>
      %dma_wait3A_52 = arith.constant 0 : i32
      %dma_wait3A_53 = tpu.memref_slice %arg4[%dma_wait3A_52] : memref<6400000xi32, #tpu.memory_space<hbm>> -> memref<2000xi32, #tpu.memory_space<hbm>>
      tpu.wait_dma2 semaphore(%arg15 : memref<!tpu.dma_semaphore, #tpu.memory_space<semaphore_mem>>) src(%dma_wait3A_53 : memref<2000xi32, #tpu.memory_space<hbm>>) dst(%arg11 : memref<2000xi32, #tpu.memory_space<vmem>>)
      %dma_wait3A_54 = arith.constant 0 : i32
      %dma_wait3A_55 = tpu.memref_slice %arg5[%dma_wait3A_54] : memref<1280000xf32, #tpu.memory_space<hbm>> -> memref<2000xf32, #tpu.memory_space<hbm>>
      %dma_wait3A_56 = arith.constant 0 : i32
      %dma_wait3A_57 = tpu.memref_slice %arg5[%dma_wait3A_56] : memref<1280000xf32, #tpu.memory_space<hbm>> -> memref<2000xf32, #tpu.memory_space<hbm>>
      tpu.wait_dma2 semaphore(%arg15 : memref<!tpu.dma_semaphore, #tpu.memory_space<semaphore_mem>>) src(%dma_wait3A_57 : memref<2000xf32, #tpu.memory_space<hbm>>) dst(%arg13 : memref<2000xf32, #tpu.memory_space<vmem>>)
      %parallel_loop3A = arith.constant 0 : i32
      %parallel_loop3A_58 = arith.constant 2000 : i32
      %parallel_loop3A_59 = arith.constant 16 : i32
      scf.for %parallel_loop3A_79 = %parallel_loop3A to %parallel_loop3A_58 step %parallel_loop3A_59  : i32 {
        %parallel_loop3A_80 = arith.index_cast %parallel_loop3A_79 : i32 to index
        %parallel_loop3A_81 = tpu.vector_load %arg9[%parallel_loop3A_80] {strides = array<i32>} : memref<2000xi32, #tpu.memory_space<vmem>>, vector<16xi32>,
        %parallel_loop3A_82 = arith.index_cast %parallel_loop3A_79 : i32 to index
        %parallel_loop3A_83 = tpu.vector_load %arg11[%parallel_loop3A_82] {strides = array<i32>} : memref<2000xi32, #tpu.memory_space<vmem>>, vector<16xi32>,
        %parallel_loop3A_84 = arith.index_cast %parallel_loop3A_79 : i32 to index
        %parallel_loop3A_85 = tpu.vector_load %arg13[%parallel_loop3A_84] {strides = array<i32>} : memref<2000xf32, #tpu.memory_space<vmem>>, vector<16xf32>,
        %parallel_loop3A_86 = tpu.vector_load_idx %arg7[%parallel_loop3A_81] : memref<100000xi32, #tpu.memory_space<vmem>>[vector<16xi32>], vector<16xi32>,
        %parallel_loop3A_87 = tpu.vector_load_idx %arg7[%parallel_loop3A_83] : memref<100000xi32, #tpu.memory_space<vmem>>[vector<16xi32>], vector<16xi32>,
        %parallel_loop3A_88 = arith.constant -1024 : i32
        %parallel_loop3A_89 = vector.broadcast %parallel_loop3A_88 : i32 to vector<16xi32>
        %parallel_loop3A_90 = arith.andi %parallel_loop3A_86, %parallel_loop3A_89 : vector<16xi32>
        %parallel_loop3A_91 = vector.bitcast %parallel_loop3A_90 : vector<16xi32> to vector<16xf32>
        %parallel_loop3A_92 = arith.constant -1024 : i32
        %parallel_loop3A_93 = vector.broadcast %parallel_loop3A_92 : i32 to vector<16xi32>
        %parallel_loop3A_94 = arith.andi %parallel_loop3A_87, %parallel_loop3A_93 : vector<16xi32>
        %parallel_loop3A_95 = vector.bitcast %parallel_loop3A_94 : vector<16xi32> to vector<16xf32>
        %parallel_loop3A_96 = arith.constant 1023 : i32
        %parallel_loop3A_97 = vector.broadcast %parallel_loop3A_96 : i32 to vector<16xi32>
        %parallel_loop3A_98 = arith.andi %parallel_loop3A_86, %parallel_loop3A_97 : vector<16xi32>
        %parallel_loop3A_99 = arith.mulf %parallel_loop3A_91, %parallel_loop3A_95 : vector<16xf32>
        %parallel_loop3A_100 = arith.mulf %parallel_loop3A_99, %parallel_loop3A_85 : vector<16xf32>
        tpu.vector_store_idx %arg8[%iota3A, %parallel_loop3A_98], %parallel_loop3A_100 {add = true} : memref<16x1008xf32, #tpu.memory_space<vmem>>[vector<16xi32>, vector<16xi32>], vector<16xf32>,
      } {sc.loop_unroll_factor = 4 : i64, sc.parallel_access}
      %add3A_60 = arith.constant 2 : i32
      %add3A_61 = arith.addi %mul3A_31, %add3A_60 : i32
      %lt3A = arith.constant 20 : i32
      %lt3A_62 = arith.cmpi slt, %add3A_61, %lt3A : i32
      %convert_element_type3A = arith.extui %lt3A_62 : i1 to i32
      %cond3A = arith.constant 0 : i32
      %cond3A_63 = arith.cmpi ne, %convert_element_type3A, %cond3A : i32
      scf.if %cond3A_63 {
        %add3A_79 = arith.constant 2 : i32
        %add3A_80 = arith.addi %mul3A_31, %add3A_79 : i32
        %mul3A_81 = arith.constant 2000 : i32
        %mul3A_82 = arith.muli %add3A_80, %mul3A_81 : i32
        %add3A_83 = arith.addi %mul3A_2, %mul3A_82 : i32
        %add3A_84 = arith.constant 0 : i32
        %add3A_85 = arith.addi %add3A_84, %add3A_83 : i32
        %dma_start3A_86 = tpu.memref_slice %arg3[%add3A_85] : memref<6400000xi32, #tpu.memory_space<hbm>> -> memref<2000xi32, #tpu.memory_space<hbm>>
        %dma_start3A_87 = tpu.memref_slice %arg3[%add3A_85] : memref<6400000xi32, #tpu.memory_space<hbm>> -> memref<2000xi32, #tpu.memory_space<hbm>>
        tpu.enqueue_dma source(%dma_start3A_87 : memref<2000xi32, #tpu.memory_space<hbm>>) target(%arg9 : memref<2000xi32, #tpu.memory_space<vmem>>) target_semaphore(%arg15 : memref<!tpu.dma_semaphore, #tpu.memory_space<semaphore_mem>>)
        %add3A_88 = arith.constant 0 : i32
        %add3A_89 = arith.addi %add3A_88, %add3A_83 : i32
        %dma_start3A_90 = tpu.memref_slice %arg4[%add3A_89] : memref<6400000xi32, #tpu.memory_space<hbm>> -> memref<2000xi32, #tpu.memory_space<hbm>>
        %dma_start3A_91 = tpu.memref_slice %arg4[%add3A_89] : memref<6400000xi32, #tpu.memory_space<hbm>> -> memref<2000xi32, #tpu.memory_space<hbm>>
        tpu.enqueue_dma source(%dma_start3A_91 : memref<2000xi32, #tpu.memory_space<hbm>>) target(%arg11 : memref<2000xi32, #tpu.memory_space<vmem>>) target_semaphore(%arg15 : memref<!tpu.dma_semaphore, #tpu.memory_space<semaphore_mem>>)
        %dma_start3A_92 = tpu.memref_slice %arg5[%add3A_83] : memref<1280000xf32, #tpu.memory_space<hbm>> -> memref<2000xf32, #tpu.memory_space<hbm>>
        %dma_start3A_93 = tpu.memref_slice %arg5[%add3A_83] : memref<1280000xf32, #tpu.memory_space<hbm>> -> memref<2000xf32, #tpu.memory_space<hbm>>
        tpu.enqueue_dma source(%dma_start3A_93 : memref<2000xf32, #tpu.memory_space<hbm>>) target(%arg13 : memref<2000xf32, #tpu.memory_space<vmem>>) target_semaphore(%arg15 : memref<!tpu.dma_semaphore, #tpu.memory_space<semaphore_mem>>)
      } else {
      }
      %dma_wait3A_64 = arith.constant 0 : i32
      %dma_wait3A_65 = tpu.memref_slice %arg3[%dma_wait3A_64] : memref<6400000xi32, #tpu.memory_space<hbm>> -> memref<2000xi32, #tpu.memory_space<hbm>>
      %dma_wait3A_66 = arith.constant 0 : i32
      %dma_wait3A_67 = tpu.memref_slice %arg3[%dma_wait3A_66] : memref<6400000xi32, #tpu.memory_space<hbm>> -> memref<2000xi32, #tpu.memory_space<hbm>>
      tpu.wait_dma2 semaphore(%arg16 : memref<!tpu.dma_semaphore, #tpu.memory_space<semaphore_mem>>) src(%dma_wait3A_67 : memref<2000xi32, #tpu.memory_space<hbm>>) dst(%arg10 : memref<2000xi32, #tpu.memory_space<vmem>>)
      %dma_wait3A_68 = arith.constant 0 : i32
      %dma_wait3A_69 = tpu.memref_slice %arg4[%dma_wait3A_68] : memref<6400000xi32, #tpu.memory_space<hbm>> -> memref<2000xi32, #tpu.memory_space<hbm>>
      %dma_wait3A_70 = arith.constant 0 : i32
      %dma_wait3A_71 = tpu.memref_slice %arg4[%dma_wait3A_70] : memref<6400000xi32, #tpu.memory_space<hbm>> -> memref<2000xi32, #tpu.memory_space<hbm>>
      tpu.wait_dma2 semaphore(%arg16 : memref<!tpu.dma_semaphore, #tpu.memory_space<semaphore_mem>>) src(%dma_wait3A_71 : memref<2000xi32, #tpu.memory_space<hbm>>) dst(%arg12 : memref<2000xi32, #tpu.memory_space<vmem>>)
      %dma_wait3A_72 = arith.constant 0 : i32
      %dma_wait3A_73 = tpu.memref_slice %arg5[%dma_wait3A_72] : memref<1280000xf32, #tpu.memory_space<hbm>> -> memref<2000xf32, #tpu.memory_space<hbm>>
      %dma_wait3A_74 = arith.constant 0 : i32
      %dma_wait3A_75 = tpu.memref_slice %arg5[%dma_wait3A_74] : memref<1280000xf32, #tpu.memory_space<hbm>> -> memref<2000xf32, #tpu.memory_space<hbm>>
      tpu.wait_dma2 semaphore(%arg16 : memref<!tpu.dma_semaphore, #tpu.memory_space<semaphore_mem>>) src(%dma_wait3A_75 : memref<2000xf32, #tpu.memory_space<hbm>>) dst(%arg14 : memref<2000xf32, #tpu.memory_space<vmem>>)
      %parallel_loop3A_76 = arith.constant 0 : i32
      %parallel_loop3A_77 = arith.constant 2000 : i32
      %parallel_loop3A_78 = arith.constant 16 : i32
      scf.for %parallel_loop3A_79 = %parallel_loop3A_76 to %parallel_loop3A_77 step %parallel_loop3A_78  : i32 {
        %parallel_loop3A_80 = arith.index_cast %parallel_loop3A_79 : i32 to index
        %parallel_loop3A_81 = tpu.vector_load %arg10[%parallel_loop3A_80] {strides = array<i32>} : memref<2000xi32, #tpu.memory_space<vmem>>, vector<16xi32>,
        %parallel_loop3A_82 = arith.index_cast %parallel_loop3A_79 : i32 to index
        %parallel_loop3A_83 = tpu.vector_load %arg12[%parallel_loop3A_82] {strides = array<i32>} : memref<2000xi32, #tpu.memory_space<vmem>>, vector<16xi32>,
        %parallel_loop3A_84 = arith.index_cast %parallel_loop3A_79 : i32 to index
        %parallel_loop3A_85 = tpu.vector_load %arg14[%parallel_loop3A_84] {strides = array<i32>} : memref<2000xf32, #tpu.memory_space<vmem>>, vector<16xf32>,
        %parallel_loop3A_86 = tpu.vector_load_idx %arg7[%parallel_loop3A_81] : memref<100000xi32, #tpu.memory_space<vmem>>[vector<16xi32>], vector<16xi32>,
        %parallel_loop3A_87 = tpu.vector_load_idx %arg7[%parallel_loop3A_83] : memref<100000xi32, #tpu.memory_space<vmem>>[vector<16xi32>], vector<16xi32>,
        %parallel_loop3A_88 = arith.constant -1024 : i32
        %parallel_loop3A_89 = vector.broadcast %parallel_loop3A_88 : i32 to vector<16xi32>
        %parallel_loop3A_90 = arith.andi %parallel_loop3A_86, %parallel_loop3A_89 : vector<16xi32>
        %parallel_loop3A_91 = vector.bitcast %parallel_loop3A_90 : vector<16xi32> to vector<16xf32>
        %parallel_loop3A_92 = arith.constant -1024 : i32
        %parallel_loop3A_93 = vector.broadcast %parallel_loop3A_92 : i32 to vector<16xi32>
        %parallel_loop3A_94 = arith.andi %parallel_loop3A_87, %parallel_loop3A_93 : vector<16xi32>
        %parallel_loop3A_95 = vector.bitcast %parallel_loop3A_94 : vector<16xi32> to vector<16xf32>
        %parallel_loop3A_96 = arith.constant 1023 : i32
        %parallel_loop3A_97 = vector.broadcast %parallel_loop3A_96 : i32 to vector<16xi32>
        %parallel_loop3A_98 = arith.andi %parallel_loop3A_86, %parallel_loop3A_97 : vector<16xi32>
        %parallel_loop3A_99 = arith.mulf %parallel_loop3A_91, %parallel_loop3A_95 : vector<16xf32>
        %parallel_loop3A_100 = arith.mulf %parallel_loop3A_99, %parallel_loop3A_85 : vector<16xf32>
        tpu.vector_store_idx %arg8[%iota3A, %parallel_loop3A_98], %parallel_loop3A_100 {add = true} : memref<16x1008xf32, #tpu.memory_space<vmem>>[vector<16xi32>, vector<16xi32>], vector<16xf32>,
      } {sc.loop_unroll_factor = 4 : i64, sc.parallel_access}
    }
    %scan3A_23 = arith.constant 10 : i32
    %scan3A_24 = arith.constant 0 : i32
    %scan3A_25 = arith.constant 63 : i32
    %scan3A_26 = arith.addi %scan3A_24, %scan3A_25 : i32
    %scan3A_27 = arith.constant 1 : i32
    scf.for %scan3A_29 = %scan3A_24 to %scan3A_26 step %scan3A_27  : i32 {
      %mul3A_30 = arith.constant 16 : i32
      %mul3A_31 = arith.muli %scan3A_29, %mul3A_30 : i32
      %get3A = arith.constant 0 : i32
      %get3A_32 = arith.index_cast %get3A : i32 to index
      %get3A_33 = arith.index_cast %mul3A_31 : i32 to index
      %get3A_34 = tpu.vector_load %arg8[%get3A_32, %get3A_33] {strides = array<i32>} : memref<16x1008xf32, #tpu.memory_space<vmem>>, vector<16xf32>,
      %get3A_35 = arith.constant 1 : i32
      %get3A_36 = arith.index_cast %get3A_35 : i32 to index
      %get3A_37 = arith.index_cast %mul3A_31 : i32 to index
      %get3A_38 = tpu.vector_load %arg8[%get3A_36, %get3A_37] {strides = array<i32>} : memref<16x1008xf32, #tpu.memory_space<vmem>>, vector<16xf32>,
      %add3A_39 = arith.addf %get3A_34, %get3A_38 : vector<16xf32>
      %get3A_40 = arith.constant 2 : i32
      %get3A_41 = arith.index_cast %get3A_40 : i32 to index
      %get3A_42 = arith.index_cast %mul3A_31 : i32 to index
      %get3A_43 = tpu.vector_load %arg8[%get3A_41, %get3A_42] {strides = array<i32>} : memref<16x1008xf32, #tpu.memory_space<vmem>>, vector<16xf32>,
      %add3A_44 = arith.addf %add3A_39, %get3A_43 : vector<16xf32>
      %get3A_45 = arith.constant 3 : i32
      %get3A_46 = arith.index_cast %get3A_45 : i32 to index
      %get3A_47 = arith.index_cast %mul3A_31 : i32 to index
      %get3A_48 = tpu.vector_load %arg8[%get3A_46, %get3A_47] {strides = array<i32>} : memref<16x1008xf32, #tpu.memory_space<vmem>>, vector<16xf32>,
      %add3A_49 = arith.addf %add3A_44, %get3A_48 : vector<16xf32>
      %get3A_50 = arith.constant 4 : i32
      %get3A_51 = arith.index_cast %get3A_50 : i32 to index
      %get3A_52 = arith.index_cast %mul3A_31 : i32 to index
      %get3A_53 = tpu.vector_load %arg8[%get3A_51, %get3A_52] {strides = array<i32>} : memref<16x1008xf32, #tpu.memory_space<vmem>>, vector<16xf32>,
      %add3A_54 = arith.addf %add3A_49, %get3A_53 : vector<16xf32>
      %get3A_55 = arith.constant 5 : i32
      %get3A_56 = arith.index_cast %get3A_55 : i32 to index
      %get3A_57 = arith.index_cast %mul3A_31 : i32 to index
      %get3A_58 = tpu.vector_load %arg8[%get3A_56, %get3A_57] {strides = array<i32>} : memref<16x1008xf32, #tpu.memory_space<vmem>>, vector<16xf32>,
      %add3A_59 = arith.addf %add3A_54, %get3A_58 : vector<16xf32>
      %get3A_60 = arith.constant 6 : i32
      %get3A_61 = arith.index_cast %get3A_60 : i32 to index
      %get3A_62 = arith.index_cast %mul3A_31 : i32 to index
      %get3A_63 = tpu.vector_load %arg8[%get3A_61, %get3A_62] {strides = array<i32>} : memref<16x1008xf32, #tpu.memory_space<vmem>>, vector<16xf32>,
      %add3A_64 = arith.addf %add3A_59, %get3A_63 : vector<16xf32>
      %get3A_65 = arith.constant 7 : i32
      %get3A_66 = arith.index_cast %get3A_65 : i32 to index
      %get3A_67 = arith.index_cast %mul3A_31 : i32 to index
      %get3A_68 = tpu.vector_load %arg8[%get3A_66, %get3A_67] {strides = array<i32>} : memref<16x1008xf32, #tpu.memory_space<vmem>>, vector<16xf32>,
      %add3A_69 = arith.addf %add3A_64, %get3A_68 : vector<16xf32>
      %get3A_70 = arith.constant 8 : i32
      %get3A_71 = arith.index_cast %get3A_70 : i32 to index
      %get3A_72 = arith.index_cast %mul3A_31 : i32 to index
      %get3A_73 = tpu.vector_load %arg8[%get3A_71, %get3A_72] {strides = array<i32>} : memref<16x1008xf32, #tpu.memory_space<vmem>>, vector<16xf32>,
      %add3A_74 = arith.addf %add3A_69, %get3A_73 : vector<16xf32>
      %get3A_75 = arith.constant 9 : i32
      %get3A_76 = arith.index_cast %get3A_75 : i32 to index
      %get3A_77 = arith.index_cast %mul3A_31 : i32 to index
      %get3A_78 = tpu.vector_load %arg8[%get3A_76, %get3A_77] {strides = array<i32>} : memref<16x1008xf32, #tpu.memory_space<vmem>>, vector<16xf32>,
      %add3A_79 = arith.addf %add3A_74, %get3A_78 : vector<16xf32>
      %get3A_80 = arith.constant 10 : i32
      %get3A_81 = arith.index_cast %get3A_80 : i32 to index
      %get3A_82 = arith.index_cast %mul3A_31 : i32 to index
      %get3A_83 = tpu.vector_load %arg8[%get3A_81, %get3A_82] {strides = array<i32>} : memref<16x1008xf32, #tpu.memory_space<vmem>>, vector<16xf32>,
      %add3A_84 = arith.addf %add3A_79, %get3A_83 : vector<16xf32>
      %get3A_85 = arith.constant 11 : i32
      %get3A_86 = arith.index_cast %get3A_85 : i32 to index
      %get3A_87 = arith.index_cast %mul3A_31 : i32 to index
      %get3A_88 = tpu.vector_load %arg8[%get3A_86, %get3A_87] {strides = array<i32>} : memref<16x1008xf32, #tpu.memory_space<vmem>>, vector<16xf32>,
      %add3A_89 = arith.addf %add3A_84, %get3A_88 : vector<16xf32>
      %get3A_90 = arith.constant 12 : i32
      %get3A_91 = arith.index_cast %get3A_90 : i32 to index
      %get3A_92 = arith.index_cast %mul3A_31 : i32 to index
      %get3A_93 = tpu.vector_load %arg8[%get3A_91, %get3A_92] {strides = array<i32>} : memref<16x1008xf32, #tpu.memory_space<vmem>>, vector<16xf32>,
      %add3A_94 = arith.addf %add3A_89, %get3A_93 : vector<16xf32>
      %get3A_95 = arith.constant 13 : i32
      %get3A_96 = arith.index_cast %get3A_95 : i32 to index
      %get3A_97 = arith.index_cast %mul3A_31 : i32 to index
      %get3A_98 = tpu.vector_load %arg8[%get3A_96, %get3A_97] {strides = array<i32>} : memref<16x1008xf32, #tpu.memory_space<vmem>>, vector<16xf32>,
      %add3A_99 = arith.addf %add3A_94, %get3A_98 : vector<16xf32>
      %get3A_100 = arith.constant 14 : i32
      %get3A_101 = arith.index_cast %get3A_100 : i32 to index
      %get3A_102 = arith.index_cast %mul3A_31 : i32 to index
      %get3A_103 = tpu.vector_load %arg8[%get3A_101, %get3A_102] {strides = array<i32>} : memref<16x1008xf32, #tpu.memory_space<vmem>>, vector<16xf32>,
      %add3A_104 = arith.addf %add3A_99, %get3A_103 : vector<16xf32>
      %get3A_105 = arith.constant 15 : i32
      %get3A_106 = arith.index_cast %get3A_105 : i32 to index
      %get3A_107 = arith.index_cast %mul3A_31 : i32 to index
      %get3A_108 = tpu.vector_load %arg8[%get3A_106, %get3A_107] {strides = array<i32>} : memref<16x1008xf32, #tpu.memory_space<vmem>>, vector<16xf32>,
      %add3A_109 = arith.addf %add3A_104, %get3A_108 : vector<16xf32>
      %swap3A = arith.constant 0 : i32
      %swap3A_110 = arith.index_cast %swap3A : i32 to index
      %swap3A_111 = arith.index_cast %mul3A_31 : i32 to index
      %swap3A_112 = tpu.vector_load %arg8[%swap3A_110, %swap3A_111] {strides = array<i32>} : memref<16x1008xf32, #tpu.memory_space<vmem>>, vector<16xf32>,
      tpu.vector_store %arg8[%swap3A_110, %swap3A_111], %add3A_109 {strides = array<i32>} : memref<16x1008xf32, #tpu.memory_space<vmem>>, vector<16xf32>,
    }
    %scan3A_28 = arith.constant 63 : i32
    %run_scoped3A = arith.constant 0 : i32
    "tpu.region"() ({
      %run_scoped3A_29 = tpu.sem_alloc : memref<!tpu.dma_semaphore, #tpu.memory_space<semaphore_mem>>
      %dma_start3A_30 = arith.constant 0 : i32
      %dma_start3A_31 = tpu.memref_slice %arg8[%run_scoped3A, %dma_start3A_30] : memref<16x1008xf32, #tpu.memory_space<vmem>> -> memref<1x1008xf32, #tpu.memory_space<vmem>>
      %dma_start3A_32 = tpu.memref_squeeze %dma_start3A_31 : memref<1x1008xf32, #tpu.memory_space<vmem>> -> memref<1008xf32, #tpu.memory_space<vmem>>
      %dma_start3A_33 = arith.constant 0 : i32
      %dma_start3A_34 = tpu.memref_slice %arg6[%add3A, %dma_start3A_33] : memref<32x1008xf32, #tpu.memory_space<hbm>> -> memref<1x1008xf32, #tpu.memory_space<hbm>>
      %dma_start3A_35 = tpu.memref_squeeze %dma_start3A_34 : memref<1x1008xf32, #tpu.memory_space<hbm>> -> memref<1008xf32, #tpu.memory_space<hbm>>
      %dma_start3A_36 = arith.constant 0 : i32
      %dma_start3A_37 = tpu.memref_slice %arg6[%add3A, %dma_start3A_36] : memref<32x1008xf32, #tpu.memory_space<hbm>> -> memref<1x1008xf32, #tpu.memory_space<hbm>>
      %dma_start3A_38 = tpu.memref_squeeze %dma_start3A_37 : memref<1x1008xf32, #tpu.memory_space<hbm>> -> memref<1008xf32, #tpu.memory_space<hbm>>
      %dma_start3A_39 = arith.constant 0 : i32
      %dma_start3A_40 = tpu.memref_slice %arg8[%run_scoped3A, %dma_start3A_39] : memref<16x1008xf32, #tpu.memory_space<vmem>> -> memref<1x1008xf32, #tpu.memory_space<vmem>>
      %dma_start3A_41 = tpu.memref_squeeze %dma_start3A_40 : memref<1x1008xf32, #tpu.memory_space<vmem>> -> memref<1008xf32, #tpu.memory_space<vmem>>
      tpu.enqueue_dma source(%dma_start3A_41 : memref<1008xf32, #tpu.memory_space<vmem>>) target(%dma_start3A_38 : memref<1008xf32, #tpu.memory_space<hbm>>) target_semaphore(%run_scoped3A_29 : memref<!tpu.dma_semaphore, #tpu.memory_space<semaphore_mem>>)
      %dma_wait3A = arith.constant 0 : i32
      %dma_wait3A_42 = tpu.memref_slice %arg8[%run_scoped3A, %dma_wait3A] : memref<16x1008xf32, #tpu.memory_space<vmem>> -> memref<1x1008xf32, #tpu.memory_space<vmem>>
      %dma_wait3A_43 = tpu.memref_squeeze %dma_wait3A_42 : memref<1x1008xf32, #tpu.memory_space<vmem>> -> memref<1008xf32, #tpu.memory_space<vmem>>
      %dma_wait3A_44 = arith.constant 0 : i32
      %dma_wait3A_45 = tpu.memref_slice %arg6[%add3A, %dma_wait3A_44] : memref<32x1008xf32, #tpu.memory_space<hbm>> -> memref<1x1008xf32, #tpu.memory_space<hbm>>
      %dma_wait3A_46 = tpu.memref_squeeze %dma_wait3A_45 : memref<1x1008xf32, #tpu.memory_space<hbm>> -> memref<1008xf32, #tpu.memory_space<hbm>>
      %dma_wait3A_47 = arith.constant 0 : i32
      %dma_wait3A_48 = tpu.memref_slice %arg6[%add3A, %dma_wait3A_47] : memref<32x1008xf32, #tpu.memory_space<hbm>> -> memref<1x1008xf32, #tpu.memory_space<hbm>>
      %dma_wait3A_49 = tpu.memref_squeeze %dma_wait3A_48 : memref<1x1008xf32, #tpu.memory_space<hbm>> -> memref<1008xf32, #tpu.memory_space<hbm>>
      %dma_wait3A_50 = arith.constant 0 : i32
      %dma_wait3A_51 = tpu.memref_slice %arg8[%run_scoped3A, %dma_wait3A_50] : memref<16x1008xf32, #tpu.memory_space<vmem>> -> memref<1x1008xf32, #tpu.memory_space<vmem>>
      %dma_wait3A_52 = tpu.memref_squeeze %dma_wait3A_51 : memref<1x1008xf32, #tpu.memory_space<vmem>> -> memref<1008xf32, #tpu.memory_space<vmem>>
      tpu.wait_dma2 semaphore(%run_scoped3A_29 : memref<!tpu.dma_semaphore, #tpu.memory_space<semaphore_mem>>) src(%dma_wait3A_52 : memref<1008xf32, #tpu.memory_space<vmem>>) dst(%dma_wait3A_49 : memref<1008xf32, #tpu.memory_space<hbm>>)
      tpu.yield
    }) : () -> ()
    return
  }
}

#map = affine_map<(d0, d1) -> (0)>
#map1 = affine_map<(d0, d1) -> (0, 0)>
module attributes {stable_mosaic.version = 14 : i64} {
  func.func @_sc_scatter_body(%arg0: i32, %arg1: i32, %arg2: memref<100000xi32, #tpu.memory_space<hbm>>, %arg3: memref<6400000xi32, #tpu.memory_space<hbm>>, %arg4: memref<6400000xi32, #tpu.memory_space<hbm>>, %arg5: memref<1280000xf32, #tpu.memory_space<hbm>>, %arg6: memref<32x1008xf32, #tpu.memory_space<hbm>>, %arg7: memref<100000xi32, #tpu.memory_space<vmem>>, %arg8: memref<16x1008xf32, #tpu.memory_space<vmem>>, %arg9: memref<2000xi32, #tpu.memory_space<vmem>>, %arg10: memref<2000xi32, #tpu.memory_space<vmem>>, %arg11: memref<2000xi32, #tpu.memory_space<vmem>>, %arg12: memref<2000xi32, #tpu.memory_space<vmem>>, %arg13: memref<2000xf32, #tpu.memory_space<vmem>>, %arg14: memref<2000xf32, #tpu.memory_space<vmem>>, %arg15: memref<!tpu.dma_semaphore, #tpu.memory_space<semaphore_mem>>, %arg16: memref<!tpu.dma_semaphore, #tpu.memory_space<semaphore_mem>>) attributes {dimension_semantics = [#tpu.dimension_semantics<core_parallel>, #tpu.dimension_semantics<subcore_parallel>], iteration_bounds = array<i64: 2, 16>, scalar_prefetch = 0 : i64, scratch_operands = 10 : i64, tpu.core_type = #tpu.core_type<sc_vector_subcore>, window_params = [{transform_indices = #map}, {transform_indices = #map}, {transform_indices = #map}, {transform_indices = #map}, {transform_indices = #map1}]} {
    %mul3A = arith.constant 2 : i32
    %mul3A_0 = arith.muli %arg1, %mul3A : i32
    %add3A = arith.addi %mul3A_0, %arg0 : i32
    %mul3A_1 = arith.constant 40000 : i32
    %mul3A_2 = arith.muli %add3A, %mul3A_1 : i32
    "tpu.region"() ({
      %run_scoped3A_29 = tpu.sem_alloc : memref<!tpu.dma_semaphore, #tpu.memory_space<semaphore_mem>>
      tpu.enqueue_dma source(%arg2 : memref<100000xi32, #tpu.memory_space<hbm>>) target(%arg7 : memref<100000xi32, #tpu.memory_space<vmem>>) target_semaphore(%run_scoped3A_29 : memref<!tpu.dma_semaphore, #tpu.memory_space<semaphore_mem>>)
      tpu.wait_dma2 semaphore(%run_scoped3A_29 : memref<!tpu.dma_semaphore, #tpu.memory_space<semaphore_mem>>) src(%arg2 : memref<100000xi32, #tpu.memory_space<hbm>>) dst(%arg7 : memref<100000xi32, #tpu.memory_space<vmem>>)
      tpu.yield
    }) : () -> ()
    %broadcast_in_dim3A = arith.constant 0.000000e+00 : f32
    %broadcast_in_dim3A_3 = vector.broadcast %broadcast_in_dim3A : f32 to vector<16xf32>
    %scan3A = arith.constant 0 : i32
    %scan3A_4 = arith.constant 63 : i32
    %scan3A_5 = arith.addi %scan3A, %scan3A_4 : i32
    %scan3A_6 = arith.constant 1 : i32
    scf.for %scan3A_29 = %scan3A to %scan3A_5 step %scan3A_6  : i32 {
      %mul3A_30 = arith.constant 16 : i32
      %mul3A_31 = arith.muli %scan3A_29, %mul3A_30 : i32
      %swap3A = arith.constant 0 : i32
      %swap3A_32 = arith.index_cast %swap3A : i32 to index
      %swap3A_33 = arith.index_cast %mul3A_31 : i32 to index
      %swap3A_34 = tpu.vector_load %arg8[%swap3A_32, %swap3A_33] {strides = array<i32>} : memref<16x1008xf32, #tpu.memory_space<vmem>>, vector<16xf32>,
      tpu.vector_store %arg8[%swap3A_32, %swap3A_33], %broadcast_in_dim3A_3 {strides = array<i32>} : memref<16x1008xf32, #tpu.memory_space<vmem>>, vector<16xf32>,
      %swap3A_35 = arith.constant 1 : i32
      %swap3A_36 = arith.index_cast %swap3A_35 : i32 to index
      %swap3A_37 = arith.index_cast %mul3A_31 : i32 to index
      %swap3A_38 = tpu.vector_load %arg8[%swap3A_36, %swap3A_37] {strides = array<i32>} : memref<16x1008xf32, #tpu.memory_space<vmem>>, vector<16xf32>,
      tpu.vector_store %arg8[%swap3A_36, %swap3A_37], %broadcast_in_dim3A_3 {strides = array<i32>} : memref<16x1008xf32, #tpu.memory_space<vmem>>, vector<16xf32>,
      %swap3A_39 = arith.constant 2 : i32
      %swap3A_40 = arith.index_cast %swap3A_39 : i32 to index
      %swap3A_41 = arith.index_cast %mul3A_31 : i32 to index
      %swap3A_42 = tpu.vector_load %arg8[%swap3A_40, %swap3A_41] {strides = array<i32>} : memref<16x1008xf32, #tpu.memory_space<vmem>>, vector<16xf32>,
      tpu.vector_store %arg8[%swap3A_40, %swap3A_41], %broadcast_in_dim3A_3 {strides = array<i32>} : memref<16x1008xf32, #tpu.memory_space<vmem>>, vector<16xf32>,
      %swap3A_43 = arith.constant 3 : i32
      %swap3A_44 = arith.index_cast %swap3A_43 : i32 to index
      %swap3A_45 = arith.index_cast %mul3A_31 : i32 to index
      %swap3A_46 = tpu.vector_load %arg8[%swap3A_44, %swap3A_45] {strides = array<i32>} : memref<16x1008xf32, #tpu.memory_space<vmem>>, vector<16xf32>,
      tpu.vector_store %arg8[%swap3A_44, %swap3A_45], %broadcast_in_dim3A_3 {strides = array<i32>} : memref<16x1008xf32, #tpu.memory_space<vmem>>, vector<16xf32>,
      %swap3A_47 = arith.constant 4 : i32
      %swap3A_48 = arith.index_cast %swap3A_47 : i32 to index
      %swap3A_49 = arith.index_cast %mul3A_31 : i32 to index
      %swap3A_50 = tpu.vector_load %arg8[%swap3A_48, %swap3A_49] {strides = array<i32>} : memref<16x1008xf32, #tpu.memory_space<vmem>>, vector<16xf32>,
      tpu.vector_store %arg8[%swap3A_48, %swap3A_49], %broadcast_in_dim3A_3 {strides = array<i32>} : memref<16x1008xf32, #tpu.memory_space<vmem>>, vector<16xf32>,
      %swap3A_51 = arith.constant 5 : i32
      %swap3A_52 = arith.index_cast %swap3A_51 : i32 to index
      %swap3A_53 = arith.index_cast %mul3A_31 : i32 to index
      %swap3A_54 = tpu.vector_load %arg8[%swap3A_52, %swap3A_53] {strides = array<i32>} : memref<16x1008xf32, #tpu.memory_space<vmem>>, vector<16xf32>,
      tpu.vector_store %arg8[%swap3A_52, %swap3A_53], %broadcast_in_dim3A_3 {strides = array<i32>} : memref<16x1008xf32, #tpu.memory_space<vmem>>, vector<16xf32>,
      %swap3A_55 = arith.constant 6 : i32
      %swap3A_56 = arith.index_cast %swap3A_55 : i32 to index
      %swap3A_57 = arith.index_cast %mul3A_31 : i32 to index
      %swap3A_58 = tpu.vector_load %arg8[%swap3A_56, %swap3A_57] {strides = array<i32>} : memref<16x1008xf32, #tpu.memory_space<vmem>>, vector<16xf32>,
      tpu.vector_store %arg8[%swap3A_56, %swap3A_57], %broadcast_in_dim3A_3 {strides = array<i32>} : memref<16x1008xf32, #tpu.memory_space<vmem>>, vector<16xf32>,
      %swap3A_59 = arith.constant 7 : i32
      %swap3A_60 = arith.index_cast %swap3A_59 : i32 to index
      %swap3A_61 = arith.index_cast %mul3A_31 : i32 to index
      %swap3A_62 = tpu.vector_load %arg8[%swap3A_60, %swap3A_61] {strides = array<i32>} : memref<16x1008xf32, #tpu.memory_space<vmem>>, vector<16xf32>,
      tpu.vector_store %arg8[%swap3A_60, %swap3A_61], %broadcast_in_dim3A_3 {strides = array<i32>} : memref<16x1008xf32, #tpu.memory_space<vmem>>, vector<16xf32>,
      %swap3A_63 = arith.constant 8 : i32
      %swap3A_64 = arith.index_cast %swap3A_63 : i32 to index
      %swap3A_65 = arith.index_cast %mul3A_31 : i32 to index
      %swap3A_66 = tpu.vector_load %arg8[%swap3A_64, %swap3A_65] {strides = array<i32>} : memref<16x1008xf32, #tpu.memory_space<vmem>>, vector<16xf32>,
      tpu.vector_store %arg8[%swap3A_64, %swap3A_65], %broadcast_in_dim3A_3 {strides = array<i32>} : memref<16x1008xf32, #tpu.memory_space<vmem>>, vector<16xf32>,
      %swap3A_67 = arith.constant 9 : i32
      %swap3A_68 = arith.index_cast %swap3A_67 : i32 to index
      %swap3A_69 = arith.index_cast %mul3A_31 : i32 to index
      %swap3A_70 = tpu.vector_load %arg8[%swap3A_68, %swap3A_69] {strides = array<i32>} : memref<16x1008xf32, #tpu.memory_space<vmem>>, vector<16xf32>,
      tpu.vector_store %arg8[%swap3A_68, %swap3A_69], %broadcast_in_dim3A_3 {strides = array<i32>} : memref<16x1008xf32, #tpu.memory_space<vmem>>, vector<16xf32>,
      %swap3A_71 = arith.constant 10 : i32
      %swap3A_72 = arith.index_cast %swap3A_71 : i32 to index
      %swap3A_73 = arith.index_cast %mul3A_31 : i32 to index
      %swap3A_74 = tpu.vector_load %arg8[%swap3A_72, %swap3A_73] {strides = array<i32>} : memref<16x1008xf32, #tpu.memory_space<vmem>>, vector<16xf32>,
      tpu.vector_store %arg8[%swap3A_72, %swap3A_73], %broadcast_in_dim3A_3 {strides = array<i32>} : memref<16x1008xf32, #tpu.memory_space<vmem>>, vector<16xf32>,
      %swap3A_75 = arith.constant 11 : i32
      %swap3A_76 = arith.index_cast %swap3A_75 : i32 to index
      %swap3A_77 = arith.index_cast %mul3A_31 : i32 to index
      %swap3A_78 = tpu.vector_load %arg8[%swap3A_76, %swap3A_77] {strides = array<i32>} : memref<16x1008xf32, #tpu.memory_space<vmem>>, vector<16xf32>,
      tpu.vector_store %arg8[%swap3A_76, %swap3A_77], %broadcast_in_dim3A_3 {strides = array<i32>} : memref<16x1008xf32, #tpu.memory_space<vmem>>, vector<16xf32>,
      %swap3A_79 = arith.constant 12 : i32
      %swap3A_80 = arith.index_cast %swap3A_79 : i32 to index
      %swap3A_81 = arith.index_cast %mul3A_31 : i32 to index
      %swap3A_82 = tpu.vector_load %arg8[%swap3A_80, %swap3A_81] {strides = array<i32>} : memref<16x1008xf32, #tpu.memory_space<vmem>>, vector<16xf32>,
      tpu.vector_store %arg8[%swap3A_80, %swap3A_81], %broadcast_in_dim3A_3 {strides = array<i32>} : memref<16x1008xf32, #tpu.memory_space<vmem>>, vector<16xf32>,
      %swap3A_83 = arith.constant 13 : i32
      %swap3A_84 = arith.index_cast %swap3A_83 : i32 to index
      %swap3A_85 = arith.index_cast %mul3A_31 : i32 to index
      %swap3A_86 = tpu.vector_load %arg8[%swap3A_84, %swap3A_85] {strides = array<i32>} : memref<16x1008xf32, #tpu.memory_space<vmem>>, vector<16xf32>,
      tpu.vector_store %arg8[%swap3A_84, %swap3A_85], %broadcast_in_dim3A_3 {strides = array<i32>} : memref<16x1008xf32, #tpu.memory_space<vmem>>, vector<16xf32>,
      %swap3A_87 = arith.constant 14 : i32
      %swap3A_88 = arith.index_cast %swap3A_87 : i32 to index
      %swap3A_89 = arith.index_cast %mul3A_31 : i32 to index
      %swap3A_90 = tpu.vector_load %arg8[%swap3A_88, %swap3A_89] {strides = array<i32>} : memref<16x1008xf32, #tpu.memory_space<vmem>>, vector<16xf32>,
      tpu.vector_store %arg8[%swap3A_88, %swap3A_89], %broadcast_in_dim3A_3 {strides = array<i32>} : memref<16x1008xf32, #tpu.memory_space<vmem>>, vector<16xf32>,
      %swap3A_91 = arith.constant 15 : i32
      %swap3A_92 = arith.index_cast %swap3A_91 : i32 to index
      %swap3A_93 = arith.index_cast %mul3A_31 : i32 to index
      %swap3A_94 = tpu.vector_load %arg8[%swap3A_92, %swap3A_93] {strides = array<i32>} : memref<16x1008xf32, #tpu.memory_space<vmem>>, vector<16xf32>,
      tpu.vector_store %arg8[%swap3A_92, %swap3A_93], %broadcast_in_dim3A_3 {strides = array<i32>} : memref<16x1008xf32, #tpu.memory_space<vmem>>, vector<16xf32>,
    }
    %scan3A_7 = arith.constant 63 : i32
    %iota3A = tpu.iota {dimensions = array<i32: 0>} : vector<16xi32>
    %add3A_8 = arith.constant 0 : i32
    %add3A_9 = arith.addi %mul3A_2, %add3A_8 : i32
    %add3A_10 = arith.constant 1280000 : i32
    %add3A_11 = arith.addi %add3A_10, %add3A_9 : i32
    %dma_start3A = tpu.memref_slice %arg3[%add3A_11] : memref<6400000xi32, #tpu.memory_space<hbm>> -> memref<2000xi32, #tpu.memory_space<hbm>>
    %dma_start3A_12 = tpu.memref_slice %arg3[%add3A_11] : memref<6400000xi32, #tpu.memory_space<hbm>> -> memref<2000xi32, #tpu.memory_space<hbm>>
    tpu.enqueue_dma source(%dma_start3A_12 : memref<2000xi32, #tpu.memory_space<hbm>>) target(%arg9 : memref<2000xi32, #tpu.memory_space<vmem>>) target_semaphore(%arg15 : memref<!tpu.dma_semaphore, #tpu.memory_space<semaphore_mem>>)
    %add3A_13 = arith.constant 1280000 : i32
    %add3A_14 = arith.addi %add3A_13, %add3A_9 : i32
    %dma_start3A_15 = tpu.memref_slice %arg4[%add3A_14] : memref<6400000xi32, #tpu.memory_space<hbm>> -> memref<2000xi32, #tpu.memory_space<hbm>>
    %dma_start3A_16 = tpu.memref_slice %arg4[%add3A_14] : memref<6400000xi32, #tpu.memory_space<hbm>> -> memref<2000xi32, #tpu.memory_space<hbm>>
    tpu.enqueue_dma source(%dma_start3A_16 : memref<2000xi32, #tpu.memory_space<hbm>>) target(%arg11 : memref<2000xi32, #tpu.memory_space<vmem>>) target_semaphore(%arg15 : memref<!tpu.dma_semaphore, #tpu.memory_space<semaphore_mem>>)
    %dma_start3A_17 = tpu.memref_slice %arg5[%add3A_9] : memref<1280000xf32, #tpu.memory_space<hbm>> -> memref<2000xf32, #tpu.memory_space<hbm>>
    %dma_start3A_18 = tpu.memref_slice %arg5[%add3A_9] : memref<1280000xf32, #tpu.memory_space<hbm>> -> memref<2000xf32, #tpu.memory_space<hbm>>
    tpu.enqueue_dma source(%dma_start3A_18 : memref<2000xf32, #tpu.memory_space<hbm>>) target(%arg13 : memref<2000xf32, #tpu.memory_space<vmem>>) target_semaphore(%arg15 : memref<!tpu.dma_semaphore, #tpu.memory_space<semaphore_mem>>)
    %scan3A_19 = arith.constant 0 : i32
    %scan3A_20 = arith.constant 10 : i32
    %scan3A_21 = arith.addi %scan3A_19, %scan3A_20 : i32
    %scan3A_22 = arith.constant 1 : i32
    scf.for %scan3A_29 = %scan3A_19 to %scan3A_21 step %scan3A_22  : i32 {
      %mul3A_30 = arith.constant 2 : i32
      %mul3A_31 = arith.muli %mul3A_30, %scan3A_29 : i32
      %add3A_32 = arith.constant 1 : i32
      %add3A_33 = arith.addi %mul3A_31, %add3A_32 : i32
      %mul3A_34 = arith.constant 2000 : i32
      %mul3A_35 = arith.muli %add3A_33, %mul3A_34 : i32
      %add3A_36 = arith.addi %mul3A_2, %mul3A_35 : i32
      %add3A_37 = arith.constant 1280000 : i32
      %add3A_38 = arith.addi %add3A_37, %add3A_36 : i32
      %dma_start3A_39 = tpu.memref_slice %arg3[%add3A_38] : memref<6400000xi32, #tpu.memory_space<hbm>> -> memref<2000xi32, #tpu.memory_space<hbm>>
      %dma_start3A_40 = tpu.memref_slice %arg3[%add3A_38] : memref<6400000xi32, #tpu.memory_space<hbm>> -> memref<2000xi32, #tpu.memory_space<hbm>>
      tpu.enqueue_dma source(%dma_start3A_40 : memref<2000xi32, #tpu.memory_space<hbm>>) target(%arg10 : memref<2000xi32, #tpu.memory_space<vmem>>) target_semaphore(%arg16 : memref<!tpu.dma_semaphore, #tpu.memory_space<semaphore_mem>>)
      %add3A_41 = arith.constant 1280000 : i32
      %add3A_42 = arith.addi %add3A_41, %add3A_36 : i32
      %dma_start3A_43 = tpu.memref_slice %arg4[%add3A_42] : memref<6400000xi32, #tpu.memory_space<hbm>> -> memref<2000xi32, #tpu.memory_space<hbm>>
      %dma_start3A_44 = tpu.memref_slice %arg4[%add3A_42] : memref<6400000xi32, #tpu.memory_space<hbm>> -> memref<2000xi32, #tpu.memory_space<hbm>>
      tpu.enqueue_dma source(%dma_start3A_44 : memref<2000xi32, #tpu.memory_space<hbm>>) target(%arg12 : memref<2000xi32, #tpu.memory_space<vmem>>) target_semaphore(%arg16 : memref<!tpu.dma_semaphore, #tpu.memory_space<semaphore_mem>>)
      %dma_start3A_45 = tpu.memref_slice %arg5[%add3A_36] : memref<1280000xf32, #tpu.memory_space<hbm>> -> memref<2000xf32, #tpu.memory_space<hbm>>
      %dma_start3A_46 = tpu.memref_slice %arg5[%add3A_36] : memref<1280000xf32, #tpu.memory_space<hbm>> -> memref<2000xf32, #tpu.memory_space<hbm>>
      tpu.enqueue_dma source(%dma_start3A_46 : memref<2000xf32, #tpu.memory_space<hbm>>) target(%arg14 : memref<2000xf32, #tpu.memory_space<vmem>>) target_semaphore(%arg16 : memref<!tpu.dma_semaphore, #tpu.memory_space<semaphore_mem>>)
      %dma_wait3A = arith.constant 0 : i32
      %dma_wait3A_47 = tpu.memref_slice %arg3[%dma_wait3A] : memref<6400000xi32, #tpu.memory_space<hbm>> -> memref<2000xi32, #tpu.memory_space<hbm>>
      %dma_wait3A_48 = arith.constant 0 : i32
      %dma_wait3A_49 = tpu.memref_slice %arg3[%dma_wait3A_48] : memref<6400000xi32, #tpu.memory_space<hbm>> -> memref<2000xi32, #tpu.memory_space<hbm>>
      tpu.wait_dma2 semaphore(%arg15 : memref<!tpu.dma_semaphore, #tpu.memory_space<semaphore_mem>>) src(%dma_wait3A_49 : memref<2000xi32, #tpu.memory_space<hbm>>) dst(%arg9 : memref<2000xi32, #tpu.memory_space<vmem>>)
      %dma_wait3A_50 = arith.constant 0 : i32
      %dma_wait3A_51 = tpu.memref_slice %arg4[%dma_wait3A_50] : memref<6400000xi32, #tpu.memory_space<hbm>> -> memref<2000xi32, #tpu.memory_space<hbm>>
      %dma_wait3A_52 = arith.constant 0 : i32
      %dma_wait3A_53 = tpu.memref_slice %arg4[%dma_wait3A_52] : memref<6400000xi32, #tpu.memory_space<hbm>> -> memref<2000xi32, #tpu.memory_space<hbm>>
      tpu.wait_dma2 semaphore(%arg15 : memref<!tpu.dma_semaphore, #tpu.memory_space<semaphore_mem>>) src(%dma_wait3A_53 : memref<2000xi32, #tpu.memory_space<hbm>>) dst(%arg11 : memref<2000xi32, #tpu.memory_space<vmem>>)
      %dma_wait3A_54 = arith.constant 0 : i32
      %dma_wait3A_55 = tpu.memref_slice %arg5[%dma_wait3A_54] : memref<1280000xf32, #tpu.memory_space<hbm>> -> memref<2000xf32, #tpu.memory_space<hbm>>
      %dma_wait3A_56 = arith.constant 0 : i32
      %dma_wait3A_57 = tpu.memref_slice %arg5[%dma_wait3A_56] : memref<1280000xf32, #tpu.memory_space<hbm>> -> memref<2000xf32, #tpu.memory_space<hbm>>
      tpu.wait_dma2 semaphore(%arg15 : memref<!tpu.dma_semaphore, #tpu.memory_space<semaphore_mem>>) src(%dma_wait3A_57 : memref<2000xf32, #tpu.memory_space<hbm>>) dst(%arg13 : memref<2000xf32, #tpu.memory_space<vmem>>)
      %parallel_loop3A = arith.constant 0 : i32
      %parallel_loop3A_58 = arith.constant 2000 : i32
      %parallel_loop3A_59 = arith.constant 16 : i32
      scf.for %parallel_loop3A_79 = %parallel_loop3A to %parallel_loop3A_58 step %parallel_loop3A_59  : i32 {
        %parallel_loop3A_80 = arith.index_cast %parallel_loop3A_79 : i32 to index
        %parallel_loop3A_81 = tpu.vector_load %arg9[%parallel_loop3A_80] {strides = array<i32>} : memref<2000xi32, #tpu.memory_space<vmem>>, vector<16xi32>,
        %parallel_loop3A_82 = arith.index_cast %parallel_loop3A_79 : i32 to index
        %parallel_loop3A_83 = tpu.vector_load %arg11[%parallel_loop3A_82] {strides = array<i32>} : memref<2000xi32, #tpu.memory_space<vmem>>, vector<16xi32>,
        %parallel_loop3A_84 = arith.index_cast %parallel_loop3A_79 : i32 to index
        %parallel_loop3A_85 = tpu.vector_load %arg13[%parallel_loop3A_84] {strides = array<i32>} : memref<2000xf32, #tpu.memory_space<vmem>>, vector<16xf32>,
        %parallel_loop3A_86 = tpu.vector_load_idx %arg7[%parallel_loop3A_81] : memref<100000xi32, #tpu.memory_space<vmem>>[vector<16xi32>], vector<16xi32>,
        %parallel_loop3A_87 = tpu.vector_load_idx %arg7[%parallel_loop3A_83] : memref<100000xi32, #tpu.memory_space<vmem>>[vector<16xi32>], vector<16xi32>,
        %parallel_loop3A_88 = arith.constant -1024 : i32
        %parallel_loop3A_89 = vector.broadcast %parallel_loop3A_88 : i32 to vector<16xi32>
        %parallel_loop3A_90 = arith.andi %parallel_loop3A_86, %parallel_loop3A_89 : vector<16xi32>
        %parallel_loop3A_91 = vector.bitcast %parallel_loop3A_90 : vector<16xi32> to vector<16xf32>
        %parallel_loop3A_92 = arith.constant -1024 : i32
        %parallel_loop3A_93 = vector.broadcast %parallel_loop3A_92 : i32 to vector<16xi32>
        %parallel_loop3A_94 = arith.andi %parallel_loop3A_87, %parallel_loop3A_93 : vector<16xi32>
        %parallel_loop3A_95 = vector.bitcast %parallel_loop3A_94 : vector<16xi32> to vector<16xf32>
        %parallel_loop3A_96 = arith.constant 1023 : i32
        %parallel_loop3A_97 = vector.broadcast %parallel_loop3A_96 : i32 to vector<16xi32>
        %parallel_loop3A_98 = arith.andi %parallel_loop3A_86, %parallel_loop3A_97 : vector<16xi32>
        %parallel_loop3A_99 = arith.mulf %parallel_loop3A_91, %parallel_loop3A_95 : vector<16xf32>
        %parallel_loop3A_100 = arith.mulf %parallel_loop3A_99, %parallel_loop3A_85 : vector<16xf32>
        tpu.vector_store_idx %arg8[%iota3A, %parallel_loop3A_98], %parallel_loop3A_100 {add = true} : memref<16x1008xf32, #tpu.memory_space<vmem>>[vector<16xi32>, vector<16xi32>], vector<16xf32>,
      } {sc.loop_unroll_factor = 4 : i64, sc.parallel_access}
      %add3A_60 = arith.constant 2 : i32
      %add3A_61 = arith.addi %mul3A_31, %add3A_60 : i32
      %lt3A = arith.constant 20 : i32
      %lt3A_62 = arith.cmpi slt, %add3A_61, %lt3A : i32
      %convert_element_type3A = arith.extui %lt3A_62 : i1 to i32
      %cond3A = arith.constant 0 : i32
      %cond3A_63 = arith.cmpi ne, %convert_element_type3A, %cond3A : i32
      scf.if %cond3A_63 {
        %add3A_79 = arith.constant 2 : i32
        %add3A_80 = arith.addi %mul3A_31, %add3A_79 : i32
        %mul3A_81 = arith.constant 2000 : i32
        %mul3A_82 = arith.muli %add3A_80, %mul3A_81 : i32
        %add3A_83 = arith.addi %mul3A_2, %mul3A_82 : i32
        %add3A_84 = arith.constant 1280000 : i32
        %add3A_85 = arith.addi %add3A_84, %add3A_83 : i32
        %dma_start3A_86 = tpu.memref_slice %arg3[%add3A_85] : memref<6400000xi32, #tpu.memory_space<hbm>> -> memref<2000xi32, #tpu.memory_space<hbm>>
        %dma_start3A_87 = tpu.memref_slice %arg3[%add3A_85] : memref<6400000xi32, #tpu.memory_space<hbm>> -> memref<2000xi32, #tpu.memory_space<hbm>>
        tpu.enqueue_dma source(%dma_start3A_87 : memref<2000xi32, #tpu.memory_space<hbm>>) target(%arg9 : memref<2000xi32, #tpu.memory_space<vmem>>) target_semaphore(%arg15 : memref<!tpu.dma_semaphore, #tpu.memory_space<semaphore_mem>>)
        %add3A_88 = arith.constant 1280000 : i32
        %add3A_89 = arith.addi %add3A_88, %add3A_83 : i32
        %dma_start3A_90 = tpu.memref_slice %arg4[%add3A_89] : memref<6400000xi32, #tpu.memory_space<hbm>> -> memref<2000xi32, #tpu.memory_space<hbm>>
        %dma_start3A_91 = tpu.memref_slice %arg4[%add3A_89] : memref<6400000xi32, #tpu.memory_space<hbm>> -> memref<2000xi32, #tpu.memory_space<hbm>>
        tpu.enqueue_dma source(%dma_start3A_91 : memref<2000xi32, #tpu.memory_space<hbm>>) target(%arg11 : memref<2000xi32, #tpu.memory_space<vmem>>) target_semaphore(%arg15 : memref<!tpu.dma_semaphore, #tpu.memory_space<semaphore_mem>>)
        %dma_start3A_92 = tpu.memref_slice %arg5[%add3A_83] : memref<1280000xf32, #tpu.memory_space<hbm>> -> memref<2000xf32, #tpu.memory_space<hbm>>
        %dma_start3A_93 = tpu.memref_slice %arg5[%add3A_83] : memref<1280000xf32, #tpu.memory_space<hbm>> -> memref<2000xf32, #tpu.memory_space<hbm>>
        tpu.enqueue_dma source(%dma_start3A_93 : memref<2000xf32, #tpu.memory_space<hbm>>) target(%arg13 : memref<2000xf32, #tpu.memory_space<vmem>>) target_semaphore(%arg15 : memref<!tpu.dma_semaphore, #tpu.memory_space<semaphore_mem>>)
      } else {
      }
      %dma_wait3A_64 = arith.constant 0 : i32
      %dma_wait3A_65 = tpu.memref_slice %arg3[%dma_wait3A_64] : memref<6400000xi32, #tpu.memory_space<hbm>> -> memref<2000xi32, #tpu.memory_space<hbm>>
      %dma_wait3A_66 = arith.constant 0 : i32
      %dma_wait3A_67 = tpu.memref_slice %arg3[%dma_wait3A_66] : memref<6400000xi32, #tpu.memory_space<hbm>> -> memref<2000xi32, #tpu.memory_space<hbm>>
      tpu.wait_dma2 semaphore(%arg16 : memref<!tpu.dma_semaphore, #tpu.memory_space<semaphore_mem>>) src(%dma_wait3A_67 : memref<2000xi32, #tpu.memory_space<hbm>>) dst(%arg10 : memref<2000xi32, #tpu.memory_space<vmem>>)
      %dma_wait3A_68 = arith.constant 0 : i32
      %dma_wait3A_69 = tpu.memref_slice %arg4[%dma_wait3A_68] : memref<6400000xi32, #tpu.memory_space<hbm>> -> memref<2000xi32, #tpu.memory_space<hbm>>
      %dma_wait3A_70 = arith.constant 0 : i32
      %dma_wait3A_71 = tpu.memref_slice %arg4[%dma_wait3A_70] : memref<6400000xi32, #tpu.memory_space<hbm>> -> memref<2000xi32, #tpu.memory_space<hbm>>
      tpu.wait_dma2 semaphore(%arg16 : memref<!tpu.dma_semaphore, #tpu.memory_space<semaphore_mem>>) src(%dma_wait3A_71 : memref<2000xi32, #tpu.memory_space<hbm>>) dst(%arg12 : memref<2000xi32, #tpu.memory_space<vmem>>)
      %dma_wait3A_72 = arith.constant 0 : i32
      %dma_wait3A_73 = tpu.memref_slice %arg5[%dma_wait3A_72] : memref<1280000xf32, #tpu.memory_space<hbm>> -> memref<2000xf32, #tpu.memory_space<hbm>>
      %dma_wait3A_74 = arith.constant 0 : i32
      %dma_wait3A_75 = tpu.memref_slice %arg5[%dma_wait3A_74] : memref<1280000xf32, #tpu.memory_space<hbm>> -> memref<2000xf32, #tpu.memory_space<hbm>>
      tpu.wait_dma2 semaphore(%arg16 : memref<!tpu.dma_semaphore, #tpu.memory_space<semaphore_mem>>) src(%dma_wait3A_75 : memref<2000xf32, #tpu.memory_space<hbm>>) dst(%arg14 : memref<2000xf32, #tpu.memory_space<vmem>>)
      %parallel_loop3A_76 = arith.constant 0 : i32
      %parallel_loop3A_77 = arith.constant 2000 : i32
      %parallel_loop3A_78 = arith.constant 16 : i32
      scf.for %parallel_loop3A_79 = %parallel_loop3A_76 to %parallel_loop3A_77 step %parallel_loop3A_78  : i32 {
        %parallel_loop3A_80 = arith.index_cast %parallel_loop3A_79 : i32 to index
        %parallel_loop3A_81 = tpu.vector_load %arg10[%parallel_loop3A_80] {strides = array<i32>} : memref<2000xi32, #tpu.memory_space<vmem>>, vector<16xi32>,
        %parallel_loop3A_82 = arith.index_cast %parallel_loop3A_79 : i32 to index
        %parallel_loop3A_83 = tpu.vector_load %arg12[%parallel_loop3A_82] {strides = array<i32>} : memref<2000xi32, #tpu.memory_space<vmem>>, vector<16xi32>,
        %parallel_loop3A_84 = arith.index_cast %parallel_loop3A_79 : i32 to index
        %parallel_loop3A_85 = tpu.vector_load %arg14[%parallel_loop3A_84] {strides = array<i32>} : memref<2000xf32, #tpu.memory_space<vmem>>, vector<16xf32>,
        %parallel_loop3A_86 = tpu.vector_load_idx %arg7[%parallel_loop3A_81] : memref<100000xi32, #tpu.memory_space<vmem>>[vector<16xi32>], vector<16xi32>,
        %parallel_loop3A_87 = tpu.vector_load_idx %arg7[%parallel_loop3A_83] : memref<100000xi32, #tpu.memory_space<vmem>>[vector<16xi32>], vector<16xi32>,
        %parallel_loop3A_88 = arith.constant -1024 : i32
        %parallel_loop3A_89 = vector.broadcast %parallel_loop3A_88 : i32 to vector<16xi32>
        %parallel_loop3A_90 = arith.andi %parallel_loop3A_86, %parallel_loop3A_89 : vector<16xi32>
        %parallel_loop3A_91 = vector.bitcast %parallel_loop3A_90 : vector<16xi32> to vector<16xf32>
        %parallel_loop3A_92 = arith.constant -1024 : i32
        %parallel_loop3A_93 = vector.broadcast %parallel_loop3A_92 : i32 to vector<16xi32>
        %parallel_loop3A_94 = arith.andi %parallel_loop3A_87, %parallel_loop3A_93 : vector<16xi32>
        %parallel_loop3A_95 = vector.bitcast %parallel_loop3A_94 : vector<16xi32> to vector<16xf32>
        %parallel_loop3A_96 = arith.constant 1023 : i32
        %parallel_loop3A_97 = vector.broadcast %parallel_loop3A_96 : i32 to vector<16xi32>
        %parallel_loop3A_98 = arith.andi %parallel_loop3A_86, %parallel_loop3A_97 : vector<16xi32>
        %parallel_loop3A_99 = arith.mulf %parallel_loop3A_91, %parallel_loop3A_95 : vector<16xf32>
        %parallel_loop3A_100 = arith.mulf %parallel_loop3A_99, %parallel_loop3A_85 : vector<16xf32>
        tpu.vector_store_idx %arg8[%iota3A, %parallel_loop3A_98], %parallel_loop3A_100 {add = true} : memref<16x1008xf32, #tpu.memory_space<vmem>>[vector<16xi32>, vector<16xi32>], vector<16xf32>,
      } {sc.loop_unroll_factor = 4 : i64, sc.parallel_access}
    }
    %scan3A_23 = arith.constant 10 : i32
    %scan3A_24 = arith.constant 0 : i32
    %scan3A_25 = arith.constant 63 : i32
    %scan3A_26 = arith.addi %scan3A_24, %scan3A_25 : i32
    %scan3A_27 = arith.constant 1 : i32
    scf.for %scan3A_29 = %scan3A_24 to %scan3A_26 step %scan3A_27  : i32 {
      %mul3A_30 = arith.constant 16 : i32
      %mul3A_31 = arith.muli %scan3A_29, %mul3A_30 : i32
      %get3A = arith.constant 0 : i32
      %get3A_32 = arith.index_cast %get3A : i32 to index
      %get3A_33 = arith.index_cast %mul3A_31 : i32 to index
      %get3A_34 = tpu.vector_load %arg8[%get3A_32, %get3A_33] {strides = array<i32>} : memref<16x1008xf32, #tpu.memory_space<vmem>>, vector<16xf32>,
      %get3A_35 = arith.constant 1 : i32
      %get3A_36 = arith.index_cast %get3A_35 : i32 to index
      %get3A_37 = arith.index_cast %mul3A_31 : i32 to index
      %get3A_38 = tpu.vector_load %arg8[%get3A_36, %get3A_37] {strides = array<i32>} : memref<16x1008xf32, #tpu.memory_space<vmem>>, vector<16xf32>,
      %add3A_39 = arith.addf %get3A_34, %get3A_38 : vector<16xf32>
      %get3A_40 = arith.constant 2 : i32
      %get3A_41 = arith.index_cast %get3A_40 : i32 to index
      %get3A_42 = arith.index_cast %mul3A_31 : i32 to index
      %get3A_43 = tpu.vector_load %arg8[%get3A_41, %get3A_42] {strides = array<i32>} : memref<16x1008xf32, #tpu.memory_space<vmem>>, vector<16xf32>,
      %add3A_44 = arith.addf %add3A_39, %get3A_43 : vector<16xf32>
      %get3A_45 = arith.constant 3 : i32
      %get3A_46 = arith.index_cast %get3A_45 : i32 to index
      %get3A_47 = arith.index_cast %mul3A_31 : i32 to index
      %get3A_48 = tpu.vector_load %arg8[%get3A_46, %get3A_47] {strides = array<i32>} : memref<16x1008xf32, #tpu.memory_space<vmem>>, vector<16xf32>,
      %add3A_49 = arith.addf %add3A_44, %get3A_48 : vector<16xf32>
      %get3A_50 = arith.constant 4 : i32
      %get3A_51 = arith.index_cast %get3A_50 : i32 to index
      %get3A_52 = arith.index_cast %mul3A_31 : i32 to index
      %get3A_53 = tpu.vector_load %arg8[%get3A_51, %get3A_52] {strides = array<i32>} : memref<16x1008xf32, #tpu.memory_space<vmem>>, vector<16xf32>,
      %add3A_54 = arith.addf %add3A_49, %get3A_53 : vector<16xf32>
      %get3A_55 = arith.constant 5 : i32
      %get3A_56 = arith.index_cast %get3A_55 : i32 to index
      %get3A_57 = arith.index_cast %mul3A_31 : i32 to index
      %get3A_58 = tpu.vector_load %arg8[%get3A_56, %get3A_57] {strides = array<i32>} : memref<16x1008xf32, #tpu.memory_space<vmem>>, vector<16xf32>,
      %add3A_59 = arith.addf %add3A_54, %get3A_58 : vector<16xf32>
      %get3A_60 = arith.constant 6 : i32
      %get3A_61 = arith.index_cast %get3A_60 : i32 to index
      %get3A_62 = arith.index_cast %mul3A_31 : i32 to index
      %get3A_63 = tpu.vector_load %arg8[%get3A_61, %get3A_62] {strides = array<i32>} : memref<16x1008xf32, #tpu.memory_space<vmem>>, vector<16xf32>,
      %add3A_64 = arith.addf %add3A_59, %get3A_63 : vector<16xf32>
      %get3A_65 = arith.constant 7 : i32
      %get3A_66 = arith.index_cast %get3A_65 : i32 to index
      %get3A_67 = arith.index_cast %mul3A_31 : i32 to index
      %get3A_68 = tpu.vector_load %arg8[%get3A_66, %get3A_67] {strides = array<i32>} : memref<16x1008xf32, #tpu.memory_space<vmem>>, vector<16xf32>,
      %add3A_69 = arith.addf %add3A_64, %get3A_68 : vector<16xf32>
      %get3A_70 = arith.constant 8 : i32
      %get3A_71 = arith.index_cast %get3A_70 : i32 to index
      %get3A_72 = arith.index_cast %mul3A_31 : i32 to index
      %get3A_73 = tpu.vector_load %arg8[%get3A_71, %get3A_72] {strides = array<i32>} : memref<16x1008xf32, #tpu.memory_space<vmem>>, vector<16xf32>,
      %add3A_74 = arith.addf %add3A_69, %get3A_73 : vector<16xf32>
      %get3A_75 = arith.constant 9 : i32
      %get3A_76 = arith.index_cast %get3A_75 : i32 to index
      %get3A_77 = arith.index_cast %mul3A_31 : i32 to index
      %get3A_78 = tpu.vector_load %arg8[%get3A_76, %get3A_77] {strides = array<i32>} : memref<16x1008xf32, #tpu.memory_space<vmem>>, vector<16xf32>,
      %add3A_79 = arith.addf %add3A_74, %get3A_78 : vector<16xf32>
      %get3A_80 = arith.constant 10 : i32
      %get3A_81 = arith.index_cast %get3A_80 : i32 to index
      %get3A_82 = arith.index_cast %mul3A_31 : i32 to index
      %get3A_83 = tpu.vector_load %arg8[%get3A_81, %get3A_82] {strides = array<i32>} : memref<16x1008xf32, #tpu.memory_space<vmem>>, vector<16xf32>,
      %add3A_84 = arith.addf %add3A_79, %get3A_83 : vector<16xf32>
      %get3A_85 = arith.constant 11 : i32
      %get3A_86 = arith.index_cast %get3A_85 : i32 to index
      %get3A_87 = arith.index_cast %mul3A_31 : i32 to index
      %get3A_88 = tpu.vector_load %arg8[%get3A_86, %get3A_87] {strides = array<i32>} : memref<16x1008xf32, #tpu.memory_space<vmem>>, vector<16xf32>,
      %add3A_89 = arith.addf %add3A_84, %get3A_88 : vector<16xf32>
      %get3A_90 = arith.constant 12 : i32
      %get3A_91 = arith.index_cast %get3A_90 : i32 to index
      %get3A_92 = arith.index_cast %mul3A_31 : i32 to index
      %get3A_93 = tpu.vector_load %arg8[%get3A_91, %get3A_92] {strides = array<i32>} : memref<16x1008xf32, #tpu.memory_space<vmem>>, vector<16xf32>,
      %add3A_94 = arith.addf %add3A_89, %get3A_93 : vector<16xf32>
      %get3A_95 = arith.constant 13 : i32
      %get3A_96 = arith.index_cast %get3A_95 : i32 to index
      %get3A_97 = arith.index_cast %mul3A_31 : i32 to index
      %get3A_98 = tpu.vector_load %arg8[%get3A_96, %get3A_97] {strides = array<i32>} : memref<16x1008xf32, #tpu.memory_space<vmem>>, vector<16xf32>,
      %add3A_99 = arith.addf %add3A_94, %get3A_98 : vector<16xf32>
      %get3A_100 = arith.constant 14 : i32
      %get3A_101 = arith.index_cast %get3A_100 : i32 to index
      %get3A_102 = arith.index_cast %mul3A_31 : i32 to index
      %get3A_103 = tpu.vector_load %arg8[%get3A_101, %get3A_102] {strides = array<i32>} : memref<16x1008xf32, #tpu.memory_space<vmem>>, vector<16xf32>,
      %add3A_104 = arith.addf %add3A_99, %get3A_103 : vector<16xf32>
      %get3A_105 = arith.constant 15 : i32
      %get3A_106 = arith.index_cast %get3A_105 : i32 to index
      %get3A_107 = arith.index_cast %mul3A_31 : i32 to index
      %get3A_108 = tpu.vector_load %arg8[%get3A_106, %get3A_107] {strides = array<i32>} : memref<16x1008xf32, #tpu.memory_space<vmem>>, vector<16xf32>,
      %add3A_109 = arith.addf %add3A_104, %get3A_108 : vector<16xf32>
      %swap3A = arith.constant 0 : i32
      %swap3A_110 = arith.index_cast %swap3A : i32 to index
      %swap3A_111 = arith.index_cast %mul3A_31 : i32 to index
      %swap3A_112 = tpu.vector_load %arg8[%swap3A_110, %swap3A_111] {strides = array<i32>} : memref<16x1008xf32, #tpu.memory_space<vmem>>, vector<16xf32>,
      tpu.vector_store %arg8[%swap3A_110, %swap3A_111], %add3A_109 {strides = array<i32>} : memref<16x1008xf32, #tpu.memory_space<vmem>>, vector<16xf32>,
    }
    %scan3A_28 = arith.constant 63 : i32
    %run_scoped3A = arith.constant 0 : i32
    "tpu.region"() ({
      %run_scoped3A_29 = tpu.sem_alloc : memref<!tpu.dma_semaphore, #tpu.memory_space<semaphore_mem>>
      %dma_start3A_30 = arith.constant 0 : i32
      %dma_start3A_31 = tpu.memref_slice %arg8[%run_scoped3A, %dma_start3A_30] : memref<16x1008xf32, #tpu.memory_space<vmem>> -> memref<1x1008xf32, #tpu.memory_space<vmem>>
      %dma_start3A_32 = tpu.memref_squeeze %dma_start3A_31 : memref<1x1008xf32, #tpu.memory_space<vmem>> -> memref<1008xf32, #tpu.memory_space<vmem>>
      %dma_start3A_33 = arith.constant 0 : i32
      %dma_start3A_34 = tpu.memref_slice %arg6[%add3A, %dma_start3A_33] : memref<32x1008xf32, #tpu.memory_space<hbm>> -> memref<1x1008xf32, #tpu.memory_space<hbm>>
      %dma_start3A_35 = tpu.memref_squeeze %dma_start3A_34 : memref<1x1008xf32, #tpu.memory_space<hbm>> -> memref<1008xf32, #tpu.memory_space<hbm>>
      %dma_start3A_36 = arith.constant 0 : i32
      %dma_start3A_37 = tpu.memref_slice %arg6[%add3A, %dma_start3A_36] : memref<32x1008xf32, #tpu.memory_space<hbm>> -> memref<1x1008xf32, #tpu.memory_space<hbm>>
      %dma_start3A_38 = tpu.memref_squeeze %dma_start3A_37 : memref<1x1008xf32, #tpu.memory_space<hbm>> -> memref<1008xf32, #tpu.memory_space<hbm>>
      %dma_start3A_39 = arith.constant 0 : i32
      %dma_start3A_40 = tpu.memref_slice %arg8[%run_scoped3A, %dma_start3A_39] : memref<16x1008xf32, #tpu.memory_space<vmem>> -> memref<1x1008xf32, #tpu.memory_space<vmem>>
      %dma_start3A_41 = tpu.memref_squeeze %dma_start3A_40 : memref<1x1008xf32, #tpu.memory_space<vmem>> -> memref<1008xf32, #tpu.memory_space<vmem>>
      tpu.enqueue_dma source(%dma_start3A_41 : memref<1008xf32, #tpu.memory_space<vmem>>) target(%dma_start3A_38 : memref<1008xf32, #tpu.memory_space<hbm>>) target_semaphore(%run_scoped3A_29 : memref<!tpu.dma_semaphore, #tpu.memory_space<semaphore_mem>>)
      %dma_wait3A = arith.constant 0 : i32
      %dma_wait3A_42 = tpu.memref_slice %arg8[%run_scoped3A, %dma_wait3A] : memref<16x1008xf32, #tpu.memory_space<vmem>> -> memref<1x1008xf32, #tpu.memory_space<vmem>>
      %dma_wait3A_43 = tpu.memref_squeeze %dma_wait3A_42 : memref<1x1008xf32, #tpu.memory_space<vmem>> -> memref<1008xf32, #tpu.memory_space<vmem>>
      %dma_wait3A_44 = arith.constant 0 : i32
      %dma_wait3A_45 = tpu.memref_slice %arg6[%add3A, %dma_wait3A_44] : memref<32x1008xf32, #tpu.memory_space<hbm>> -> memref<1x1008xf32, #tpu.memory_space<hbm>>
      %dma_wait3A_46 = tpu.memref_squeeze %dma_wait3A_45 : memref<1x1008xf32, #tpu.memory_space<hbm>> -> memref<1008xf32, #tpu.memory_space<hbm>>
      %dma_wait3A_47 = arith.constant 0 : i32
      %dma_wait3A_48 = tpu.memref_slice %arg6[%add3A, %dma_wait3A_47] : memref<32x1008xf32, #tpu.memory_space<hbm>> -> memref<1x1008xf32, #tpu.memory_space<hbm>>
      %dma_wait3A_49 = tpu.memref_squeeze %dma_wait3A_48 : memref<1x1008xf32, #tpu.memory_space<hbm>> -> memref<1008xf32, #tpu.memory_space<hbm>>
      %dma_wait3A_50 = arith.constant 0 : i32
      %dma_wait3A_51 = tpu.memref_slice %arg8[%run_scoped3A, %dma_wait3A_50] : memref<16x1008xf32, #tpu.memory_space<vmem>> -> memref<1x1008xf32, #tpu.memory_space<vmem>>
      %dma_wait3A_52 = tpu.memref_squeeze %dma_wait3A_51 : memref<1x1008xf32, #tpu.memory_space<vmem>> -> memref<1008xf32, #tpu.memory_space<vmem>>
      tpu.wait_dma2 semaphore(%run_scoped3A_29 : memref<!tpu.dma_semaphore, #tpu.memory_space<semaphore_mem>>) src(%dma_wait3A_52 : memref<1008xf32, #tpu.memory_space<vmem>>) dst(%dma_wait3A_49 : memref<1008xf32, #tpu.memory_space<hbm>>)
      tpu.yield
    }) : () -> ()
    return
  }
}

#map = affine_map<(d0, d1) -> (0)>
#map1 = affine_map<(d0, d1) -> (0, 0)>
module attributes {stable_mosaic.version = 14 : i64} {
  func.func @_sc_scatter_body(%arg0: i32, %arg1: i32, %arg2: memref<100000xi32, #tpu.memory_space<hbm>>, %arg3: memref<6400000xi32, #tpu.memory_space<hbm>>, %arg4: memref<6400000xi32, #tpu.memory_space<hbm>>, %arg5: memref<1280000xf32, #tpu.memory_space<hbm>>, %arg6: memref<32x1008xf32, #tpu.memory_space<hbm>>, %arg7: memref<100000xi32, #tpu.memory_space<vmem>>, %arg8: memref<16x1008xf32, #tpu.memory_space<vmem>>, %arg9: memref<2000xi32, #tpu.memory_space<vmem>>, %arg10: memref<2000xi32, #tpu.memory_space<vmem>>, %arg11: memref<2000xi32, #tpu.memory_space<vmem>>, %arg12: memref<2000xi32, #tpu.memory_space<vmem>>, %arg13: memref<2000xf32, #tpu.memory_space<vmem>>, %arg14: memref<2000xf32, #tpu.memory_space<vmem>>, %arg15: memref<!tpu.dma_semaphore, #tpu.memory_space<semaphore_mem>>, %arg16: memref<!tpu.dma_semaphore, #tpu.memory_space<semaphore_mem>>) attributes {dimension_semantics = [#tpu.dimension_semantics<core_parallel>, #tpu.dimension_semantics<subcore_parallel>], iteration_bounds = array<i64: 2, 16>, scalar_prefetch = 0 : i64, scratch_operands = 10 : i64, tpu.core_type = #tpu.core_type<sc_vector_subcore>, window_params = [{transform_indices = #map}, {transform_indices = #map}, {transform_indices = #map}, {transform_indices = #map}, {transform_indices = #map1}]} {
    %mul3A = arith.constant 2 : i32
    %mul3A_0 = arith.muli %arg1, %mul3A : i32
    %add3A = arith.addi %mul3A_0, %arg0 : i32
    %mul3A_1 = arith.constant 40000 : i32
    %mul3A_2 = arith.muli %add3A, %mul3A_1 : i32
    "tpu.region"() ({
      %run_scoped3A_29 = tpu.sem_alloc : memref<!tpu.dma_semaphore, #tpu.memory_space<semaphore_mem>>
      tpu.enqueue_dma source(%arg2 : memref<100000xi32, #tpu.memory_space<hbm>>) target(%arg7 : memref<100000xi32, #tpu.memory_space<vmem>>) target_semaphore(%run_scoped3A_29 : memref<!tpu.dma_semaphore, #tpu.memory_space<semaphore_mem>>)
      tpu.wait_dma2 semaphore(%run_scoped3A_29 : memref<!tpu.dma_semaphore, #tpu.memory_space<semaphore_mem>>) src(%arg2 : memref<100000xi32, #tpu.memory_space<hbm>>) dst(%arg7 : memref<100000xi32, #tpu.memory_space<vmem>>)
      tpu.yield
    }) : () -> ()
    %broadcast_in_dim3A = arith.constant 0.000000e+00 : f32
    %broadcast_in_dim3A_3 = vector.broadcast %broadcast_in_dim3A : f32 to vector<16xf32>
    %scan3A = arith.constant 0 : i32
    %scan3A_4 = arith.constant 63 : i32
    %scan3A_5 = arith.addi %scan3A, %scan3A_4 : i32
    %scan3A_6 = arith.constant 1 : i32
    scf.for %scan3A_29 = %scan3A to %scan3A_5 step %scan3A_6  : i32 {
      %mul3A_30 = arith.constant 16 : i32
      %mul3A_31 = arith.muli %scan3A_29, %mul3A_30 : i32
      %swap3A = arith.constant 0 : i32
      %swap3A_32 = arith.index_cast %swap3A : i32 to index
      %swap3A_33 = arith.index_cast %mul3A_31 : i32 to index
      %swap3A_34 = tpu.vector_load %arg8[%swap3A_32, %swap3A_33] {strides = array<i32>} : memref<16x1008xf32, #tpu.memory_space<vmem>>, vector<16xf32>,
      tpu.vector_store %arg8[%swap3A_32, %swap3A_33], %broadcast_in_dim3A_3 {strides = array<i32>} : memref<16x1008xf32, #tpu.memory_space<vmem>>, vector<16xf32>,
      %swap3A_35 = arith.constant 1 : i32
      %swap3A_36 = arith.index_cast %swap3A_35 : i32 to index
      %swap3A_37 = arith.index_cast %mul3A_31 : i32 to index
      %swap3A_38 = tpu.vector_load %arg8[%swap3A_36, %swap3A_37] {strides = array<i32>} : memref<16x1008xf32, #tpu.memory_space<vmem>>, vector<16xf32>,
      tpu.vector_store %arg8[%swap3A_36, %swap3A_37], %broadcast_in_dim3A_3 {strides = array<i32>} : memref<16x1008xf32, #tpu.memory_space<vmem>>, vector<16xf32>,
      %swap3A_39 = arith.constant 2 : i32
      %swap3A_40 = arith.index_cast %swap3A_39 : i32 to index
      %swap3A_41 = arith.index_cast %mul3A_31 : i32 to index
      %swap3A_42 = tpu.vector_load %arg8[%swap3A_40, %swap3A_41] {strides = array<i32>} : memref<16x1008xf32, #tpu.memory_space<vmem>>, vector<16xf32>,
      tpu.vector_store %arg8[%swap3A_40, %swap3A_41], %broadcast_in_dim3A_3 {strides = array<i32>} : memref<16x1008xf32, #tpu.memory_space<vmem>>, vector<16xf32>,
      %swap3A_43 = arith.constant 3 : i32
      %swap3A_44 = arith.index_cast %swap3A_43 : i32 to index
      %swap3A_45 = arith.index_cast %mul3A_31 : i32 to index
      %swap3A_46 = tpu.vector_load %arg8[%swap3A_44, %swap3A_45] {strides = array<i32>} : memref<16x1008xf32, #tpu.memory_space<vmem>>, vector<16xf32>,
      tpu.vector_store %arg8[%swap3A_44, %swap3A_45], %broadcast_in_dim3A_3 {strides = array<i32>} : memref<16x1008xf32, #tpu.memory_space<vmem>>, vector<16xf32>,
      %swap3A_47 = arith.constant 4 : i32
      %swap3A_48 = arith.index_cast %swap3A_47 : i32 to index
      %swap3A_49 = arith.index_cast %mul3A_31 : i32 to index
      %swap3A_50 = tpu.vector_load %arg8[%swap3A_48, %swap3A_49] {strides = array<i32>} : memref<16x1008xf32, #tpu.memory_space<vmem>>, vector<16xf32>,
      tpu.vector_store %arg8[%swap3A_48, %swap3A_49], %broadcast_in_dim3A_3 {strides = array<i32>} : memref<16x1008xf32, #tpu.memory_space<vmem>>, vector<16xf32>,
      %swap3A_51 = arith.constant 5 : i32
      %swap3A_52 = arith.index_cast %swap3A_51 : i32 to index
      %swap3A_53 = arith.index_cast %mul3A_31 : i32 to index
      %swap3A_54 = tpu.vector_load %arg8[%swap3A_52, %swap3A_53] {strides = array<i32>} : memref<16x1008xf32, #tpu.memory_space<vmem>>, vector<16xf32>,
      tpu.vector_store %arg8[%swap3A_52, %swap3A_53], %broadcast_in_dim3A_3 {strides = array<i32>} : memref<16x1008xf32, #tpu.memory_space<vmem>>, vector<16xf32>,
      %swap3A_55 = arith.constant 6 : i32
      %swap3A_56 = arith.index_cast %swap3A_55 : i32 to index
      %swap3A_57 = arith.index_cast %mul3A_31 : i32 to index
      %swap3A_58 = tpu.vector_load %arg8[%swap3A_56, %swap3A_57] {strides = array<i32>} : memref<16x1008xf32, #tpu.memory_space<vmem>>, vector<16xf32>,
      tpu.vector_store %arg8[%swap3A_56, %swap3A_57], %broadcast_in_dim3A_3 {strides = array<i32>} : memref<16x1008xf32, #tpu.memory_space<vmem>>, vector<16xf32>,
      %swap3A_59 = arith.constant 7 : i32
      %swap3A_60 = arith.index_cast %swap3A_59 : i32 to index
      %swap3A_61 = arith.index_cast %mul3A_31 : i32 to index
      %swap3A_62 = tpu.vector_load %arg8[%swap3A_60, %swap3A_61] {strides = array<i32>} : memref<16x1008xf32, #tpu.memory_space<vmem>>, vector<16xf32>,
      tpu.vector_store %arg8[%swap3A_60, %swap3A_61], %broadcast_in_dim3A_3 {strides = array<i32>} : memref<16x1008xf32, #tpu.memory_space<vmem>>, vector<16xf32>,
      %swap3A_63 = arith.constant 8 : i32
      %swap3A_64 = arith.index_cast %swap3A_63 : i32 to index
      %swap3A_65 = arith.index_cast %mul3A_31 : i32 to index
      %swap3A_66 = tpu.vector_load %arg8[%swap3A_64, %swap3A_65] {strides = array<i32>} : memref<16x1008xf32, #tpu.memory_space<vmem>>, vector<16xf32>,
      tpu.vector_store %arg8[%swap3A_64, %swap3A_65], %broadcast_in_dim3A_3 {strides = array<i32>} : memref<16x1008xf32, #tpu.memory_space<vmem>>, vector<16xf32>,
      %swap3A_67 = arith.constant 9 : i32
      %swap3A_68 = arith.index_cast %swap3A_67 : i32 to index
      %swap3A_69 = arith.index_cast %mul3A_31 : i32 to index
      %swap3A_70 = tpu.vector_load %arg8[%swap3A_68, %swap3A_69] {strides = array<i32>} : memref<16x1008xf32, #tpu.memory_space<vmem>>, vector<16xf32>,
      tpu.vector_store %arg8[%swap3A_68, %swap3A_69], %broadcast_in_dim3A_3 {strides = array<i32>} : memref<16x1008xf32, #tpu.memory_space<vmem>>, vector<16xf32>,
      %swap3A_71 = arith.constant 10 : i32
      %swap3A_72 = arith.index_cast %swap3A_71 : i32 to index
      %swap3A_73 = arith.index_cast %mul3A_31 : i32 to index
      %swap3A_74 = tpu.vector_load %arg8[%swap3A_72, %swap3A_73] {strides = array<i32>} : memref<16x1008xf32, #tpu.memory_space<vmem>>, vector<16xf32>,
      tpu.vector_store %arg8[%swap3A_72, %swap3A_73], %broadcast_in_dim3A_3 {strides = array<i32>} : memref<16x1008xf32, #tpu.memory_space<vmem>>, vector<16xf32>,
      %swap3A_75 = arith.constant 11 : i32
      %swap3A_76 = arith.index_cast %swap3A_75 : i32 to index
      %swap3A_77 = arith.index_cast %mul3A_31 : i32 to index
      %swap3A_78 = tpu.vector_load %arg8[%swap3A_76, %swap3A_77] {strides = array<i32>} : memref<16x1008xf32, #tpu.memory_space<vmem>>, vector<16xf32>,
      tpu.vector_store %arg8[%swap3A_76, %swap3A_77], %broadcast_in_dim3A_3 {strides = array<i32>} : memref<16x1008xf32, #tpu.memory_space<vmem>>, vector<16xf32>,
      %swap3A_79 = arith.constant 12 : i32
      %swap3A_80 = arith.index_cast %swap3A_79 : i32 to index
      %swap3A_81 = arith.index_cast %mul3A_31 : i32 to index
      %swap3A_82 = tpu.vector_load %arg8[%swap3A_80, %swap3A_81] {strides = array<i32>} : memref<16x1008xf32, #tpu.memory_space<vmem>>, vector<16xf32>,
      tpu.vector_store %arg8[%swap3A_80, %swap3A_81], %broadcast_in_dim3A_3 {strides = array<i32>} : memref<16x1008xf32, #tpu.memory_space<vmem>>, vector<16xf32>,
      %swap3A_83 = arith.constant 13 : i32
      %swap3A_84 = arith.index_cast %swap3A_83 : i32 to index
      %swap3A_85 = arith.index_cast %mul3A_31 : i32 to index
      %swap3A_86 = tpu.vector_load %arg8[%swap3A_84, %swap3A_85] {strides = array<i32>} : memref<16x1008xf32, #tpu.memory_space<vmem>>, vector<16xf32>,
      tpu.vector_store %arg8[%swap3A_84, %swap3A_85], %broadcast_in_dim3A_3 {strides = array<i32>} : memref<16x1008xf32, #tpu.memory_space<vmem>>, vector<16xf32>,
      %swap3A_87 = arith.constant 14 : i32
      %swap3A_88 = arith.index_cast %swap3A_87 : i32 to index
      %swap3A_89 = arith.index_cast %mul3A_31 : i32 to index
      %swap3A_90 = tpu.vector_load %arg8[%swap3A_88, %swap3A_89] {strides = array<i32>} : memref<16x1008xf32, #tpu.memory_space<vmem>>, vector<16xf32>,
      tpu.vector_store %arg8[%swap3A_88, %swap3A_89], %broadcast_in_dim3A_3 {strides = array<i32>} : memref<16x1008xf32, #tpu.memory_space<vmem>>, vector<16xf32>,
      %swap3A_91 = arith.constant 15 : i32
      %swap3A_92 = arith.index_cast %swap3A_91 : i32 to index
      %swap3A_93 = arith.index_cast %mul3A_31 : i32 to index
      %swap3A_94 = tpu.vector_load %arg8[%swap3A_92, %swap3A_93] {strides = array<i32>} : memref<16x1008xf32, #tpu.memory_space<vmem>>, vector<16xf32>,
      tpu.vector_store %arg8[%swap3A_92, %swap3A_93], %broadcast_in_dim3A_3 {strides = array<i32>} : memref<16x1008xf32, #tpu.memory_space<vmem>>, vector<16xf32>,
    }
    %scan3A_7 = arith.constant 63 : i32
    %iota3A = tpu.iota {dimensions = array<i32: 0>} : vector<16xi32>
    %add3A_8 = arith.constant 0 : i32
    %add3A_9 = arith.addi %mul3A_2, %add3A_8 : i32
    %add3A_10 = arith.constant 5120000 : i32
    %add3A_11 = arith.addi %add3A_10, %add3A_9 : i32
    %dma_start3A = tpu.memref_slice %arg3[%add3A_11] : memref<6400000xi32, #tpu.memory_space<hbm>> -> memref<2000xi32, #tpu.memory_space<hbm>>
    %dma_start3A_12 = tpu.memref_slice %arg3[%add3A_11] : memref<6400000xi32, #tpu.memory_space<hbm>> -> memref<2000xi32, #tpu.memory_space<hbm>>
    tpu.enqueue_dma source(%dma_start3A_12 : memref<2000xi32, #tpu.memory_space<hbm>>) target(%arg9 : memref<2000xi32, #tpu.memory_space<vmem>>) target_semaphore(%arg15 : memref<!tpu.dma_semaphore, #tpu.memory_space<semaphore_mem>>)
    %add3A_13 = arith.constant 5120000 : i32
    %add3A_14 = arith.addi %add3A_13, %add3A_9 : i32
    %dma_start3A_15 = tpu.memref_slice %arg4[%add3A_14] : memref<6400000xi32, #tpu.memory_space<hbm>> -> memref<2000xi32, #tpu.memory_space<hbm>>
    %dma_start3A_16 = tpu.memref_slice %arg4[%add3A_14] : memref<6400000xi32, #tpu.memory_space<hbm>> -> memref<2000xi32, #tpu.memory_space<hbm>>
    tpu.enqueue_dma source(%dma_start3A_16 : memref<2000xi32, #tpu.memory_space<hbm>>) target(%arg11 : memref<2000xi32, #tpu.memory_space<vmem>>) target_semaphore(%arg15 : memref<!tpu.dma_semaphore, #tpu.memory_space<semaphore_mem>>)
    %dma_start3A_17 = tpu.memref_slice %arg5[%add3A_9] : memref<1280000xf32, #tpu.memory_space<hbm>> -> memref<2000xf32, #tpu.memory_space<hbm>>
    %dma_start3A_18 = tpu.memref_slice %arg5[%add3A_9] : memref<1280000xf32, #tpu.memory_space<hbm>> -> memref<2000xf32, #tpu.memory_space<hbm>>
    tpu.enqueue_dma source(%dma_start3A_18 : memref<2000xf32, #tpu.memory_space<hbm>>) target(%arg13 : memref<2000xf32, #tpu.memory_space<vmem>>) target_semaphore(%arg15 : memref<!tpu.dma_semaphore, #tpu.memory_space<semaphore_mem>>)
    %scan3A_19 = arith.constant 0 : i32
    %scan3A_20 = arith.constant 10 : i32
    %scan3A_21 = arith.addi %scan3A_19, %scan3A_20 : i32
    %scan3A_22 = arith.constant 1 : i32
    scf.for %scan3A_29 = %scan3A_19 to %scan3A_21 step %scan3A_22  : i32 {
      %mul3A_30 = arith.constant 2 : i32
      %mul3A_31 = arith.muli %mul3A_30, %scan3A_29 : i32
      %add3A_32 = arith.constant 1 : i32
      %add3A_33 = arith.addi %mul3A_31, %add3A_32 : i32
      %mul3A_34 = arith.constant 2000 : i32
      %mul3A_35 = arith.muli %add3A_33, %mul3A_34 : i32
      %add3A_36 = arith.addi %mul3A_2, %mul3A_35 : i32
      %add3A_37 = arith.constant 5120000 : i32
      %add3A_38 = arith.addi %add3A_37, %add3A_36 : i32
      %dma_start3A_39 = tpu.memref_slice %arg3[%add3A_38] : memref<6400000xi32, #tpu.memory_space<hbm>> -> memref<2000xi32, #tpu.memory_space<hbm>>
      %dma_start3A_40 = tpu.memref_slice %arg3[%add3A_38] : memref<6400000xi32, #tpu.memory_space<hbm>> -> memref<2000xi32, #tpu.memory_space<hbm>>
      tpu.enqueue_dma source(%dma_start3A_40 : memref<2000xi32, #tpu.memory_space<hbm>>) target(%arg10 : memref<2000xi32, #tpu.memory_space<vmem>>) target_semaphore(%arg16 : memref<!tpu.dma_semaphore, #tpu.memory_space<semaphore_mem>>)
      %add3A_41 = arith.constant 5120000 : i32
      %add3A_42 = arith.addi %add3A_41, %add3A_36 : i32
      %dma_start3A_43 = tpu.memref_slice %arg4[%add3A_42] : memref<6400000xi32, #tpu.memory_space<hbm>> -> memref<2000xi32, #tpu.memory_space<hbm>>
      %dma_start3A_44 = tpu.memref_slice %arg4[%add3A_42] : memref<6400000xi32, #tpu.memory_space<hbm>> -> memref<2000xi32, #tpu.memory_space<hbm>>
      tpu.enqueue_dma source(%dma_start3A_44 : memref<2000xi32, #tpu.memory_space<hbm>>) target(%arg12 : memref<2000xi32, #tpu.memory_space<vmem>>) target_semaphore(%arg16 : memref<!tpu.dma_semaphore, #tpu.memory_space<semaphore_mem>>)
      %dma_start3A_45 = tpu.memref_slice %arg5[%add3A_36] : memref<1280000xf32, #tpu.memory_space<hbm>> -> memref<2000xf32, #tpu.memory_space<hbm>>
      %dma_start3A_46 = tpu.memref_slice %arg5[%add3A_36] : memref<1280000xf32, #tpu.memory_space<hbm>> -> memref<2000xf32, #tpu.memory_space<hbm>>
      tpu.enqueue_dma source(%dma_start3A_46 : memref<2000xf32, #tpu.memory_space<hbm>>) target(%arg14 : memref<2000xf32, #tpu.memory_space<vmem>>) target_semaphore(%arg16 : memref<!tpu.dma_semaphore, #tpu.memory_space<semaphore_mem>>)
      %dma_wait3A = arith.constant 0 : i32
      %dma_wait3A_47 = tpu.memref_slice %arg3[%dma_wait3A] : memref<6400000xi32, #tpu.memory_space<hbm>> -> memref<2000xi32, #tpu.memory_space<hbm>>
      %dma_wait3A_48 = arith.constant 0 : i32
      %dma_wait3A_49 = tpu.memref_slice %arg3[%dma_wait3A_48] : memref<6400000xi32, #tpu.memory_space<hbm>> -> memref<2000xi32, #tpu.memory_space<hbm>>
      tpu.wait_dma2 semaphore(%arg15 : memref<!tpu.dma_semaphore, #tpu.memory_space<semaphore_mem>>) src(%dma_wait3A_49 : memref<2000xi32, #tpu.memory_space<hbm>>) dst(%arg9 : memref<2000xi32, #tpu.memory_space<vmem>>)
      %dma_wait3A_50 = arith.constant 0 : i32
      %dma_wait3A_51 = tpu.memref_slice %arg4[%dma_wait3A_50] : memref<6400000xi32, #tpu.memory_space<hbm>> -> memref<2000xi32, #tpu.memory_space<hbm>>
      %dma_wait3A_52 = arith.constant 0 : i32
      %dma_wait3A_53 = tpu.memref_slice %arg4[%dma_wait3A_52] : memref<6400000xi32, #tpu.memory_space<hbm>> -> memref<2000xi32, #tpu.memory_space<hbm>>
      tpu.wait_dma2 semaphore(%arg15 : memref<!tpu.dma_semaphore, #tpu.memory_space<semaphore_mem>>) src(%dma_wait3A_53 : memref<2000xi32, #tpu.memory_space<hbm>>) dst(%arg11 : memref<2000xi32, #tpu.memory_space<vmem>>)
      %dma_wait3A_54 = arith.constant 0 : i32
      %dma_wait3A_55 = tpu.memref_slice %arg5[%dma_wait3A_54] : memref<1280000xf32, #tpu.memory_space<hbm>> -> memref<2000xf32, #tpu.memory_space<hbm>>
      %dma_wait3A_56 = arith.constant 0 : i32
      %dma_wait3A_57 = tpu.memref_slice %arg5[%dma_wait3A_56] : memref<1280000xf32, #tpu.memory_space<hbm>> -> memref<2000xf32, #tpu.memory_space<hbm>>
      tpu.wait_dma2 semaphore(%arg15 : memref<!tpu.dma_semaphore, #tpu.memory_space<semaphore_mem>>) src(%dma_wait3A_57 : memref<2000xf32, #tpu.memory_space<hbm>>) dst(%arg13 : memref<2000xf32, #tpu.memory_space<vmem>>)
      %parallel_loop3A = arith.constant 0 : i32
      %parallel_loop3A_58 = arith.constant 2000 : i32
      %parallel_loop3A_59 = arith.constant 16 : i32
      scf.for %parallel_loop3A_79 = %parallel_loop3A to %parallel_loop3A_58 step %parallel_loop3A_59  : i32 {
        %parallel_loop3A_80 = arith.index_cast %parallel_loop3A_79 : i32 to index
        %parallel_loop3A_81 = tpu.vector_load %arg9[%parallel_loop3A_80] {strides = array<i32>} : memref<2000xi32, #tpu.memory_space<vmem>>, vector<16xi32>,
        %parallel_loop3A_82 = arith.index_cast %parallel_loop3A_79 : i32 to index
        %parallel_loop3A_83 = tpu.vector_load %arg11[%parallel_loop3A_82] {strides = array<i32>} : memref<2000xi32, #tpu.memory_space<vmem>>, vector<16xi32>,
        %parallel_loop3A_84 = arith.index_cast %parallel_loop3A_79 : i32 to index
        %parallel_loop3A_85 = tpu.vector_load %arg13[%parallel_loop3A_84] {strides = array<i32>} : memref<2000xf32, #tpu.memory_space<vmem>>, vector<16xf32>,
        %parallel_loop3A_86 = tpu.vector_load_idx %arg7[%parallel_loop3A_81] : memref<100000xi32, #tpu.memory_space<vmem>>[vector<16xi32>], vector<16xi32>,
        %parallel_loop3A_87 = tpu.vector_load_idx %arg7[%parallel_loop3A_83] : memref<100000xi32, #tpu.memory_space<vmem>>[vector<16xi32>], vector<16xi32>,
        %parallel_loop3A_88 = arith.constant -1024 : i32
        %parallel_loop3A_89 = vector.broadcast %parallel_loop3A_88 : i32 to vector<16xi32>
        %parallel_loop3A_90 = arith.andi %parallel_loop3A_86, %parallel_loop3A_89 : vector<16xi32>
        %parallel_loop3A_91 = vector.bitcast %parallel_loop3A_90 : vector<16xi32> to vector<16xf32>
        %parallel_loop3A_92 = arith.constant -1024 : i32
        %parallel_loop3A_93 = vector.broadcast %parallel_loop3A_92 : i32 to vector<16xi32>
        %parallel_loop3A_94 = arith.andi %parallel_loop3A_87, %parallel_loop3A_93 : vector<16xi32>
        %parallel_loop3A_95 = vector.bitcast %parallel_loop3A_94 : vector<16xi32> to vector<16xf32>
        %parallel_loop3A_96 = arith.constant 1023 : i32
        %parallel_loop3A_97 = vector.broadcast %parallel_loop3A_96 : i32 to vector<16xi32>
        %parallel_loop3A_98 = arith.andi %parallel_loop3A_86, %parallel_loop3A_97 : vector<16xi32>
        %parallel_loop3A_99 = arith.mulf %parallel_loop3A_91, %parallel_loop3A_95 : vector<16xf32>
        %parallel_loop3A_100 = arith.mulf %parallel_loop3A_99, %parallel_loop3A_85 : vector<16xf32>
        tpu.vector_store_idx %arg8[%iota3A, %parallel_loop3A_98], %parallel_loop3A_100 {add = true} : memref<16x1008xf32, #tpu.memory_space<vmem>>[vector<16xi32>, vector<16xi32>], vector<16xf32>,
      } {sc.loop_unroll_factor = 4 : i64, sc.parallel_access}
      %add3A_60 = arith.constant 2 : i32
      %add3A_61 = arith.addi %mul3A_31, %add3A_60 : i32
      %lt3A = arith.constant 20 : i32
      %lt3A_62 = arith.cmpi slt, %add3A_61, %lt3A : i32
      %convert_element_type3A = arith.extui %lt3A_62 : i1 to i32
      %cond3A = arith.constant 0 : i32
      %cond3A_63 = arith.cmpi ne, %convert_element_type3A, %cond3A : i32
      scf.if %cond3A_63 {
        %add3A_79 = arith.constant 2 : i32
        %add3A_80 = arith.addi %mul3A_31, %add3A_79 : i32
        %mul3A_81 = arith.constant 2000 : i32
        %mul3A_82 = arith.muli %add3A_80, %mul3A_81 : i32
        %add3A_83 = arith.addi %mul3A_2, %mul3A_82 : i32
        %add3A_84 = arith.constant 5120000 : i32
        %add3A_85 = arith.addi %add3A_84, %add3A_83 : i32
        %dma_start3A_86 = tpu.memref_slice %arg3[%add3A_85] : memref<6400000xi32, #tpu.memory_space<hbm>> -> memref<2000xi32, #tpu.memory_space<hbm>>
        %dma_start3A_87 = tpu.memref_slice %arg3[%add3A_85] : memref<6400000xi32, #tpu.memory_space<hbm>> -> memref<2000xi32, #tpu.memory_space<hbm>>
        tpu.enqueue_dma source(%dma_start3A_87 : memref<2000xi32, #tpu.memory_space<hbm>>) target(%arg9 : memref<2000xi32, #tpu.memory_space<vmem>>) target_semaphore(%arg15 : memref<!tpu.dma_semaphore, #tpu.memory_space<semaphore_mem>>)
        %add3A_88 = arith.constant 5120000 : i32
        %add3A_89 = arith.addi %add3A_88, %add3A_83 : i32
        %dma_start3A_90 = tpu.memref_slice %arg4[%add3A_89] : memref<6400000xi32, #tpu.memory_space<hbm>> -> memref<2000xi32, #tpu.memory_space<hbm>>
        %dma_start3A_91 = tpu.memref_slice %arg4[%add3A_89] : memref<6400000xi32, #tpu.memory_space<hbm>> -> memref<2000xi32, #tpu.memory_space<hbm>>
        tpu.enqueue_dma source(%dma_start3A_91 : memref<2000xi32, #tpu.memory_space<hbm>>) target(%arg11 : memref<2000xi32, #tpu.memory_space<vmem>>) target_semaphore(%arg15 : memref<!tpu.dma_semaphore, #tpu.memory_space<semaphore_mem>>)
        %dma_start3A_92 = tpu.memref_slice %arg5[%add3A_83] : memref<1280000xf32, #tpu.memory_space<hbm>> -> memref<2000xf32, #tpu.memory_space<hbm>>
        %dma_start3A_93 = tpu.memref_slice %arg5[%add3A_83] : memref<1280000xf32, #tpu.memory_space<hbm>> -> memref<2000xf32, #tpu.memory_space<hbm>>
        tpu.enqueue_dma source(%dma_start3A_93 : memref<2000xf32, #tpu.memory_space<hbm>>) target(%arg13 : memref<2000xf32, #tpu.memory_space<vmem>>) target_semaphore(%arg15 : memref<!tpu.dma_semaphore, #tpu.memory_space<semaphore_mem>>)
      } else {
      }
      %dma_wait3A_64 = arith.constant 0 : i32
      %dma_wait3A_65 = tpu.memref_slice %arg3[%dma_wait3A_64] : memref<6400000xi32, #tpu.memory_space<hbm>> -> memref<2000xi32, #tpu.memory_space<hbm>>
      %dma_wait3A_66 = arith.constant 0 : i32
      %dma_wait3A_67 = tpu.memref_slice %arg3[%dma_wait3A_66] : memref<6400000xi32, #tpu.memory_space<hbm>> -> memref<2000xi32, #tpu.memory_space<hbm>>
      tpu.wait_dma2 semaphore(%arg16 : memref<!tpu.dma_semaphore, #tpu.memory_space<semaphore_mem>>) src(%dma_wait3A_67 : memref<2000xi32, #tpu.memory_space<hbm>>) dst(%arg10 : memref<2000xi32, #tpu.memory_space<vmem>>)
      %dma_wait3A_68 = arith.constant 0 : i32
      %dma_wait3A_69 = tpu.memref_slice %arg4[%dma_wait3A_68] : memref<6400000xi32, #tpu.memory_space<hbm>> -> memref<2000xi32, #tpu.memory_space<hbm>>
      %dma_wait3A_70 = arith.constant 0 : i32
      %dma_wait3A_71 = tpu.memref_slice %arg4[%dma_wait3A_70] : memref<6400000xi32, #tpu.memory_space<hbm>> -> memref<2000xi32, #tpu.memory_space<hbm>>
      tpu.wait_dma2 semaphore(%arg16 : memref<!tpu.dma_semaphore, #tpu.memory_space<semaphore_mem>>) src(%dma_wait3A_71 : memref<2000xi32, #tpu.memory_space<hbm>>) dst(%arg12 : memref<2000xi32, #tpu.memory_space<vmem>>)
      %dma_wait3A_72 = arith.constant 0 : i32
      %dma_wait3A_73 = tpu.memref_slice %arg5[%dma_wait3A_72] : memref<1280000xf32, #tpu.memory_space<hbm>> -> memref<2000xf32, #tpu.memory_space<hbm>>
      %dma_wait3A_74 = arith.constant 0 : i32
      %dma_wait3A_75 = tpu.memref_slice %arg5[%dma_wait3A_74] : memref<1280000xf32, #tpu.memory_space<hbm>> -> memref<2000xf32, #tpu.memory_space<hbm>>
      tpu.wait_dma2 semaphore(%arg16 : memref<!tpu.dma_semaphore, #tpu.memory_space<semaphore_mem>>) src(%dma_wait3A_75 : memref<2000xf32, #tpu.memory_space<hbm>>) dst(%arg14 : memref<2000xf32, #tpu.memory_space<vmem>>)
      %parallel_loop3A_76 = arith.constant 0 : i32
      %parallel_loop3A_77 = arith.constant 2000 : i32
      %parallel_loop3A_78 = arith.constant 16 : i32
      scf.for %parallel_loop3A_79 = %parallel_loop3A_76 to %parallel_loop3A_77 step %parallel_loop3A_78  : i32 {
        %parallel_loop3A_80 = arith.index_cast %parallel_loop3A_79 : i32 to index
        %parallel_loop3A_81 = tpu.vector_load %arg10[%parallel_loop3A_80] {strides = array<i32>} : memref<2000xi32, #tpu.memory_space<vmem>>, vector<16xi32>,
        %parallel_loop3A_82 = arith.index_cast %parallel_loop3A_79 : i32 to index
        %parallel_loop3A_83 = tpu.vector_load %arg12[%parallel_loop3A_82] {strides = array<i32>} : memref<2000xi32, #tpu.memory_space<vmem>>, vector<16xi32>,
        %parallel_loop3A_84 = arith.index_cast %parallel_loop3A_79 : i32 to index
        %parallel_loop3A_85 = tpu.vector_load %arg14[%parallel_loop3A_84] {strides = array<i32>} : memref<2000xf32, #tpu.memory_space<vmem>>, vector<16xf32>,
        %parallel_loop3A_86 = tpu.vector_load_idx %arg7[%parallel_loop3A_81] : memref<100000xi32, #tpu.memory_space<vmem>>[vector<16xi32>], vector<16xi32>,
        %parallel_loop3A_87 = tpu.vector_load_idx %arg7[%parallel_loop3A_83] : memref<100000xi32, #tpu.memory_space<vmem>>[vector<16xi32>], vector<16xi32>,
        %parallel_loop3A_88 = arith.constant -1024 : i32
        %parallel_loop3A_89 = vector.broadcast %parallel_loop3A_88 : i32 to vector<16xi32>
        %parallel_loop3A_90 = arith.andi %parallel_loop3A_86, %parallel_loop3A_89 : vector<16xi32>
        %parallel_loop3A_91 = vector.bitcast %parallel_loop3A_90 : vector<16xi32> to vector<16xf32>
        %parallel_loop3A_92 = arith.constant -1024 : i32
        %parallel_loop3A_93 = vector.broadcast %parallel_loop3A_92 : i32 to vector<16xi32>
        %parallel_loop3A_94 = arith.andi %parallel_loop3A_87, %parallel_loop3A_93 : vector<16xi32>
        %parallel_loop3A_95 = vector.bitcast %parallel_loop3A_94 : vector<16xi32> to vector<16xf32>
        %parallel_loop3A_96 = arith.constant 1023 : i32
        %parallel_loop3A_97 = vector.broadcast %parallel_loop3A_96 : i32 to vector<16xi32>
        %parallel_loop3A_98 = arith.andi %parallel_loop3A_86, %parallel_loop3A_97 : vector<16xi32>
        %parallel_loop3A_99 = arith.mulf %parallel_loop3A_91, %parallel_loop3A_95 : vector<16xf32>
        %parallel_loop3A_100 = arith.mulf %parallel_loop3A_99, %parallel_loop3A_85 : vector<16xf32>
        tpu.vector_store_idx %arg8[%iota3A, %parallel_loop3A_98], %parallel_loop3A_100 {add = true} : memref<16x1008xf32, #tpu.memory_space<vmem>>[vector<16xi32>, vector<16xi32>], vector<16xf32>,
      } {sc.loop_unroll_factor = 4 : i64, sc.parallel_access}
    }
    %scan3A_23 = arith.constant 10 : i32
    %scan3A_24 = arith.constant 0 : i32
    %scan3A_25 = arith.constant 63 : i32
    %scan3A_26 = arith.addi %scan3A_24, %scan3A_25 : i32
    %scan3A_27 = arith.constant 1 : i32
    scf.for %scan3A_29 = %scan3A_24 to %scan3A_26 step %scan3A_27  : i32 {
      %mul3A_30 = arith.constant 16 : i32
      %mul3A_31 = arith.muli %scan3A_29, %mul3A_30 : i32
      %get3A = arith.constant 0 : i32
      %get3A_32 = arith.index_cast %get3A : i32 to index
      %get3A_33 = arith.index_cast %mul3A_31 : i32 to index
      %get3A_34 = tpu.vector_load %arg8[%get3A_32, %get3A_33] {strides = array<i32>} : memref<16x1008xf32, #tpu.memory_space<vmem>>, vector<16xf32>,
      %get3A_35 = arith.constant 1 : i32
      %get3A_36 = arith.index_cast %get3A_35 : i32 to index
      %get3A_37 = arith.index_cast %mul3A_31 : i32 to index
      %get3A_38 = tpu.vector_load %arg8[%get3A_36, %get3A_37] {strides = array<i32>} : memref<16x1008xf32, #tpu.memory_space<vmem>>, vector<16xf32>,
      %add3A_39 = arith.addf %get3A_34, %get3A_38 : vector<16xf32>
      %get3A_40 = arith.constant 2 : i32
      %get3A_41 = arith.index_cast %get3A_40 : i32 to index
      %get3A_42 = arith.index_cast %mul3A_31 : i32 to index
      %get3A_43 = tpu.vector_load %arg8[%get3A_41, %get3A_42] {strides = array<i32>} : memref<16x1008xf32, #tpu.memory_space<vmem>>, vector<16xf32>,
      %add3A_44 = arith.addf %add3A_39, %get3A_43 : vector<16xf32>
      %get3A_45 = arith.constant 3 : i32
      %get3A_46 = arith.index_cast %get3A_45 : i32 to index
      %get3A_47 = arith.index_cast %mul3A_31 : i32 to index
      %get3A_48 = tpu.vector_load %arg8[%get3A_46, %get3A_47] {strides = array<i32>} : memref<16x1008xf32, #tpu.memory_space<vmem>>, vector<16xf32>,
      %add3A_49 = arith.addf %add3A_44, %get3A_48 : vector<16xf32>
      %get3A_50 = arith.constant 4 : i32
      %get3A_51 = arith.index_cast %get3A_50 : i32 to index
      %get3A_52 = arith.index_cast %mul3A_31 : i32 to index
      %get3A_53 = tpu.vector_load %arg8[%get3A_51, %get3A_52] {strides = array<i32>} : memref<16x1008xf32, #tpu.memory_space<vmem>>, vector<16xf32>,
      %add3A_54 = arith.addf %add3A_49, %get3A_53 : vector<16xf32>
      %get3A_55 = arith.constant 5 : i32
      %get3A_56 = arith.index_cast %get3A_55 : i32 to index
      %get3A_57 = arith.index_cast %mul3A_31 : i32 to index
      %get3A_58 = tpu.vector_load %arg8[%get3A_56, %get3A_57] {strides = array<i32>} : memref<16x1008xf32, #tpu.memory_space<vmem>>, vector<16xf32>,
      %add3A_59 = arith.addf %add3A_54, %get3A_58 : vector<16xf32>
      %get3A_60 = arith.constant 6 : i32
      %get3A_61 = arith.index_cast %get3A_60 : i32 to index
      %get3A_62 = arith.index_cast %mul3A_31 : i32 to index
      %get3A_63 = tpu.vector_load %arg8[%get3A_61, %get3A_62] {strides = array<i32>} : memref<16x1008xf32, #tpu.memory_space<vmem>>, vector<16xf32>,
      %add3A_64 = arith.addf %add3A_59, %get3A_63 : vector<16xf32>
      %get3A_65 = arith.constant 7 : i32
      %get3A_66 = arith.index_cast %get3A_65 : i32 to index
      %get3A_67 = arith.index_cast %mul3A_31 : i32 to index
      %get3A_68 = tpu.vector_load %arg8[%get3A_66, %get3A_67] {strides = array<i32>} : memref<16x1008xf32, #tpu.memory_space<vmem>>, vector<16xf32>,
      %add3A_69 = arith.addf %add3A_64, %get3A_68 : vector<16xf32>
      %get3A_70 = arith.constant 8 : i32
      %get3A_71 = arith.index_cast %get3A_70 : i32 to index
      %get3A_72 = arith.index_cast %mul3A_31 : i32 to index
      %get3A_73 = tpu.vector_load %arg8[%get3A_71, %get3A_72] {strides = array<i32>} : memref<16x1008xf32, #tpu.memory_space<vmem>>, vector<16xf32>,
      %add3A_74 = arith.addf %add3A_69, %get3A_73 : vector<16xf32>
      %get3A_75 = arith.constant 9 : i32
      %get3A_76 = arith.index_cast %get3A_75 : i32 to index
      %get3A_77 = arith.index_cast %mul3A_31 : i32 to index
      %get3A_78 = tpu.vector_load %arg8[%get3A_76, %get3A_77] {strides = array<i32>} : memref<16x1008xf32, #tpu.memory_space<vmem>>, vector<16xf32>,
      %add3A_79 = arith.addf %add3A_74, %get3A_78 : vector<16xf32>
      %get3A_80 = arith.constant 10 : i32
      %get3A_81 = arith.index_cast %get3A_80 : i32 to index
      %get3A_82 = arith.index_cast %mul3A_31 : i32 to index
      %get3A_83 = tpu.vector_load %arg8[%get3A_81, %get3A_82] {strides = array<i32>} : memref<16x1008xf32, #tpu.memory_space<vmem>>, vector<16xf32>,
      %add3A_84 = arith.addf %add3A_79, %get3A_83 : vector<16xf32>
      %get3A_85 = arith.constant 11 : i32
      %get3A_86 = arith.index_cast %get3A_85 : i32 to index
      %get3A_87 = arith.index_cast %mul3A_31 : i32 to index
      %get3A_88 = tpu.vector_load %arg8[%get3A_86, %get3A_87] {strides = array<i32>} : memref<16x1008xf32, #tpu.memory_space<vmem>>, vector<16xf32>,
      %add3A_89 = arith.addf %add3A_84, %get3A_88 : vector<16xf32>
      %get3A_90 = arith.constant 12 : i32
      %get3A_91 = arith.index_cast %get3A_90 : i32 to index
      %get3A_92 = arith.index_cast %mul3A_31 : i32 to index
      %get3A_93 = tpu.vector_load %arg8[%get3A_91, %get3A_92] {strides = array<i32>} : memref<16x1008xf32, #tpu.memory_space<vmem>>, vector<16xf32>,
      %add3A_94 = arith.addf %add3A_89, %get3A_93 : vector<16xf32>
      %get3A_95 = arith.constant 13 : i32
      %get3A_96 = arith.index_cast %get3A_95 : i32 to index
      %get3A_97 = arith.index_cast %mul3A_31 : i32 to index
      %get3A_98 = tpu.vector_load %arg8[%get3A_96, %get3A_97] {strides = array<i32>} : memref<16x1008xf32, #tpu.memory_space<vmem>>, vector<16xf32>,
      %add3A_99 = arith.addf %add3A_94, %get3A_98 : vector<16xf32>
      %get3A_100 = arith.constant 14 : i32
      %get3A_101 = arith.index_cast %get3A_100 : i32 to index
      %get3A_102 = arith.index_cast %mul3A_31 : i32 to index
      %get3A_103 = tpu.vector_load %arg8[%get3A_101, %get3A_102] {strides = array<i32>} : memref<16x1008xf32, #tpu.memory_space<vmem>>, vector<16xf32>,
      %add3A_104 = arith.addf %add3A_99, %get3A_103 : vector<16xf32>
      %get3A_105 = arith.constant 15 : i32
      %get3A_106 = arith.index_cast %get3A_105 : i32 to index
      %get3A_107 = arith.index_cast %mul3A_31 : i32 to index
      %get3A_108 = tpu.vector_load %arg8[%get3A_106, %get3A_107] {strides = array<i32>} : memref<16x1008xf32, #tpu.memory_space<vmem>>, vector<16xf32>,
      %add3A_109 = arith.addf %add3A_104, %get3A_108 : vector<16xf32>
      %swap3A = arith.constant 0 : i32
      %swap3A_110 = arith.index_cast %swap3A : i32 to index
      %swap3A_111 = arith.index_cast %mul3A_31 : i32 to index
      %swap3A_112 = tpu.vector_load %arg8[%swap3A_110, %swap3A_111] {strides = array<i32>} : memref<16x1008xf32, #tpu.memory_space<vmem>>, vector<16xf32>,
      tpu.vector_store %arg8[%swap3A_110, %swap3A_111], %add3A_109 {strides = array<i32>} : memref<16x1008xf32, #tpu.memory_space<vmem>>, vector<16xf32>,
    }
    %scan3A_28 = arith.constant 63 : i32
    %run_scoped3A = arith.constant 0 : i32
    "tpu.region"() ({
      %run_scoped3A_29 = tpu.sem_alloc : memref<!tpu.dma_semaphore, #tpu.memory_space<semaphore_mem>>
      %dma_start3A_30 = arith.constant 0 : i32
      %dma_start3A_31 = tpu.memref_slice %arg8[%run_scoped3A, %dma_start3A_30] : memref<16x1008xf32, #tpu.memory_space<vmem>> -> memref<1x1008xf32, #tpu.memory_space<vmem>>
      %dma_start3A_32 = tpu.memref_squeeze %dma_start3A_31 : memref<1x1008xf32, #tpu.memory_space<vmem>> -> memref<1008xf32, #tpu.memory_space<vmem>>
      %dma_start3A_33 = arith.constant 0 : i32
      %dma_start3A_34 = tpu.memref_slice %arg6[%add3A, %dma_start3A_33] : memref<32x1008xf32, #tpu.memory_space<hbm>> -> memref<1x1008xf32, #tpu.memory_space<hbm>>
      %dma_start3A_35 = tpu.memref_squeeze %dma_start3A_34 : memref<1x1008xf32, #tpu.memory_space<hbm>> -> memref<1008xf32, #tpu.memory_space<hbm>>
      %dma_start3A_36 = arith.constant 0 : i32
      %dma_start3A_37 = tpu.memref_slice %arg6[%add3A, %dma_start3A_36] : memref<32x1008xf32, #tpu.memory_space<hbm>> -> memref<1x1008xf32, #tpu.memory_space<hbm>>
      %dma_start3A_38 = tpu.memref_squeeze %dma_start3A_37 : memref<1x1008xf32, #tpu.memory_space<hbm>> -> memref<1008xf32, #tpu.memory_space<hbm>>
      %dma_start3A_39 = arith.constant 0 : i32
      %dma_start3A_40 = tpu.memref_slice %arg8[%run_scoped3A, %dma_start3A_39] : memref<16x1008xf32, #tpu.memory_space<vmem>> -> memref<1x1008xf32, #tpu.memory_space<vmem>>
      %dma_start3A_41 = tpu.memref_squeeze %dma_start3A_40 : memref<1x1008xf32, #tpu.memory_space<vmem>> -> memref<1008xf32, #tpu.memory_space<vmem>>
      tpu.enqueue_dma source(%dma_start3A_41 : memref<1008xf32, #tpu.memory_space<vmem>>) target(%dma_start3A_38 : memref<1008xf32, #tpu.memory_space<hbm>>) target_semaphore(%run_scoped3A_29 : memref<!tpu.dma_semaphore, #tpu.memory_space<semaphore_mem>>)
      %dma_wait3A = arith.constant 0 : i32
      %dma_wait3A_42 = tpu.memref_slice %arg8[%run_scoped3A, %dma_wait3A] : memref<16x1008xf32, #tpu.memory_space<vmem>> -> memref<1x1008xf32, #tpu.memory_space<vmem>>
      %dma_wait3A_43 = tpu.memref_squeeze %dma_wait3A_42 : memref<1x1008xf32, #tpu.memory_space<vmem>> -> memref<1008xf32, #tpu.memory_space<vmem>>
      %dma_wait3A_44 = arith.constant 0 : i32
      %dma_wait3A_45 = tpu.memref_slice %arg6[%add3A, %dma_wait3A_44] : memref<32x1008xf32, #tpu.memory_space<hbm>> -> memref<1x1008xf32, #tpu.memory_space<hbm>>
      %dma_wait3A_46 = tpu.memref_squeeze %dma_wait3A_45 : memref<1x1008xf32, #tpu.memory_space<hbm>> -> memref<1008xf32, #tpu.memory_space<hbm>>
      %dma_wait3A_47 = arith.constant 0 : i32
      %dma_wait3A_48 = tpu.memref_slice %arg6[%add3A, %dma_wait3A_47] : memref<32x1008xf32, #tpu.memory_space<hbm>> -> memref<1x1008xf32, #tpu.memory_space<hbm>>
      %dma_wait3A_49 = tpu.memref_squeeze %dma_wait3A_48 : memref<1x1008xf32, #tpu.memory_space<hbm>> -> memref<1008xf32, #tpu.memory_space<hbm>>
      %dma_wait3A_50 = arith.constant 0 : i32
      %dma_wait3A_51 = tpu.memref_slice %arg8[%run_scoped3A, %dma_wait3A_50] : memref<16x1008xf32, #tpu.memory_space<vmem>> -> memref<1x1008xf32, #tpu.memory_space<vmem>>
      %dma_wait3A_52 = tpu.memref_squeeze %dma_wait3A_51 : memref<1x1008xf32, #tpu.memory_space<vmem>> -> memref<1008xf32, #tpu.memory_space<vmem>>
      tpu.wait_dma2 semaphore(%run_scoped3A_29 : memref<!tpu.dma_semaphore, #tpu.memory_space<semaphore_mem>>) src(%dma_wait3A_52 : memref<1008xf32, #tpu.memory_space<vmem>>) dst(%dma_wait3A_49 : memref<1008xf32, #tpu.memory_space<hbm>>)
      tpu.yield
    }) : () -> ()
    return
  }
}

module attributes {stable_mosaic.version = 14 : i64} {
  func.func @_g_body(%arg0: i32, %arg1: memref<1000x128xf32, #tpu.memory_space<vmem>>, %arg2: memref<1000x128xf32, #tpu.memory_space<vmem>>, %arg3: memref<1000x128xf32, #tpu.memory_space<vmem>>, %arg4: memref<1000x128xf32, #tpu.memory_space<vmem>>) attributes {dimension_semantics = [#tpu.dimension_semantics<arbitrary>], iteration_bounds = array<i64: 10>, scalar_prefetch = 0 : i64, scratch_operands = 0 : i64, tpu.core_type = #tpu.core_type<tc>, window_params = [{transform_indices = @transform_0, window_bounds = array<i64: 1000, 128>}, {transform_indices = @transform_1, window_bounds = array<i64: 1000, 128>}, {transform_indices = @transform_2, window_bounds = array<i64: 1000, 128>}, {transform_indices = @transform_3, window_bounds = array<i64: 1000, 128>}]} {
    %get3A = arith.constant 0 : index
    %get3A_0 = arith.constant 0 : index
    %get3A_1 = vector.load %arg1[%get3A, %get3A_0] : memref<1000x128xf32, #tpu.memory_space<vmem>>, vector<1000x128xf32>
    %get3A_2 = arith.constant 0 : index
    %get3A_3 = arith.constant 0 : index
    %get3A_4 = vector.load %arg2[%get3A_2, %get3A_3] : memref<1000x128xf32, #tpu.memory_space<vmem>>, vector<1000x128xf32>
    %get3A_5 = arith.constant 0 : index
    %get3A_6 = arith.constant 0 : index
    %get3A_7 = vector.load %arg3[%get3A_5, %get3A_6] : memref<1000x128xf32, #tpu.memory_space<vmem>>, vector<1000x128xf32>
    %mul3A = arith.mulf %get3A_1, %get3A_1 : vector<1000x128xf32>
    %mul3A_8 = arith.mulf %get3A_4, %get3A_4 : vector<1000x128xf32>
    %add3A = arith.addf %mul3A, %mul3A_8 : vector<1000x128xf32>
    %mul3A_9 = arith.mulf %get3A_7, %get3A_7 : vector<1000x128xf32>
    %add3A_10 = arith.addf %add3A, %mul3A_9 : vector<1000x128xf32>
    %sqrt3A = math.sqrt %add3A_10 : vector<1000x128xf32>
    %sub3A = arith.constant 2.500000e+00 : f32
    %sub3A_11 = vector.broadcast %sub3A : f32 to vector<1000x128xf32>
    %sub3A_12 = arith.subf %sqrt3A, %sub3A_11 : vector<1000x128xf32>
    %mul3A_13 = arith.constant 2.000000e-01 : f32
    %mul3A_14 = vector.broadcast %mul3A_13 : f32 to vector<1000x128xf32>
    %mul3A_15 = arith.mulf %sub3A_12, %mul3A_14 : vector<1000x128xf32>
    %jit3A = arith.constant 0.000000e+00 : f32
    %jit3A_16 = arith.constant 1.000000e+00 : f32
    %max3A = vector.broadcast %jit3A : f32 to vector<1000x128xf32>
    %max3A_17 = arith.maximumf %max3A, %mul3A_15 : vector<1000x128xf32>
    %min3A = vector.broadcast %jit3A_16 : f32 to vector<1000x128xf32>
    %min3A_18 = arith.minimumf %min3A, %max3A_17 : vector<1000x128xf32>
    %mul3A_19 = arith.mulf %min3A_18, %min3A_18 : vector<1000x128xf32>
    %mul3A_20 = arith.mulf %mul3A_19, %min3A_18 : vector<1000x128xf32>
    %mul3A_21 = arith.constant 6.000000e+00 : f32
    %mul3A_22 = vector.broadcast %mul3A_21 : f32 to vector<1000x128xf32>
    %mul3A_23 = arith.mulf %mul3A_22, %min3A_18 : vector<1000x128xf32>
    %sub3A_24 = arith.constant 1.500000e+01 : f32
    %sub3A_25 = vector.broadcast %sub3A_24 : f32 to vector<1000x128xf32>
    %sub3A_26 = arith.subf %sub3A_25, %mul3A_23 : vector<1000x128xf32>
    %mul3A_27 = arith.mulf %min3A_18, %sub3A_26 : vector<1000x128xf32>
    %add3A_28 = arith.constant -1.000000e+01 : f32
    %add3A_29 = vector.broadcast %add3A_28 : f32 to vector<1000x128xf32>
    %add3A_30 = arith.addf %add3A_29, %mul3A_27 : vector<1000x128xf32>
    %mul3A_31 = arith.mulf %mul3A_20, %add3A_30 : vector<1000x128xf32>
    %add3A_32 = arith.constant 1.000000e+00 : f32
    %add3A_33 = vector.broadcast %add3A_32 : f32 to vector<1000x128xf32>
    %add3A_34 = arith.addf %add3A_33, %mul3A_31 : vector<1000x128xf32>
    %lt3A = arith.constant 1.000000e+01 : f32
    %lt3A_35 = vector.broadcast %lt3A : f32 to vector<1000x128xf32>
    %lt3A_36 = arith.cmpf olt, %sqrt3A, %lt3A_35 : vector<1000x128xf32>
    %div3A = arith.constant 1.000000e+00 : f32
    %div3A_37 = vector.broadcast %div3A : f32 to vector<1000x128xf32>
    %div3A_38 = arith.divf %div3A_37, %sqrt3A : vector<1000x128xf32>
    %mul3A_39 = arith.constant 0.00999999977 : f32
    %mul3A_40 = vector.broadcast %mul3A_39 : f32 to vector<1000x128xf32>
    %mul3A_41 = arith.mulf %sqrt3A, %mul3A_40 : vector<1000x128xf32>
    %add3A_42 = arith.addf %div3A_38, %mul3A_41 : vector<1000x128xf32>
    %sub3A_43 = arith.constant 2.000000e-01 : f32
    %sub3A_44 = vector.broadcast %sub3A_43 : f32 to vector<1000x128xf32>
    %sub3A_45 = arith.subf %add3A_42, %sub3A_44 : vector<1000x128xf32>
    %jit3A_46 = arith.constant 0.000000e+00 : f32
    %broadcast_in_dim3A = vector.broadcast %jit3A_46 : f32 to vector<1000x128xf32>
    %select_n3A = arith.select %lt3A_36, %sub3A_45, %broadcast_in_dim3A : vector<1000x128xi1>, vector<1000x128xf32>
    %mul3A_47 = arith.mulf %add3A_10, %add3A_10 : vector<1000x128xf32>
    %mul3A_48 = arith.mulf %mul3A_47, %mul3A_47 : vector<1000x128xf32>
    %mul3A_49 = arith.mulf %mul3A_48, %mul3A_48 : vector<1000x128xf32>
    %add3A_50 = arith.constant 2328306.5 : f32
    %add3A_51 = vector.broadcast %add3A_50 : f32 to vector<1000x128xf32>
    %add3A_52 = arith.addf %mul3A_49, %add3A_51 : vector<1000x128xf32>
    %rsqrt3A = math.rsqrt %add3A_52 : vector<1000x128xf32>
    %sqrt3A_53 = math.sqrt %rsqrt3A : vector<1000x128xf32>
    %sqrt3A_54 = math.sqrt %sqrt3A_53 : vector<1000x128xf32>
    %sqrt3A_55 = math.sqrt %sqrt3A_54 : vector<1000x128xf32>
    %sub3A_56 = arith.constant 1.000000e+00 : f32
    %sub3A_57 = vector.broadcast %sub3A_56 : f32 to vector<1000x128xf32>
    %sub3A_58 = arith.subf %sub3A_57, %add3A_34 : vector<1000x128xf32>
    %mul3A_59 = arith.constant 0.00999999977 : f32
    %mul3A_60 = vector.broadcast %mul3A_59 : f32 to vector<1000x128xf32>
    %mul3A_61 = arith.mulf %sub3A_58, %mul3A_60 : vector<1000x128xf32>
    %mul3A_62 = arith.mulf %mul3A_61, %sqrt3A : vector<1000x128xf32>
    %add3A_63 = arith.addf %sqrt3A_55, %mul3A_62 : vector<1000x128xf32>
    %sub3A_64 = arith.constant 2.000000e-01 : f32
    %sub3A_65 = vector.broadcast %sub3A_64 : f32 to vector<1000x128xf32>
    %sub3A_66 = arith.subf %add3A_63, %sub3A_65 : vector<1000x128xf32>
    %sub3A_67 = arith.subf %sub3A_66, %select_n3A : vector<1000x128xf32>
    %mul3A_68 = arith.mulf %add3A_34, %sub3A_67 : vector<1000x128xf32>
    %add3A_69 = arith.addf %mul3A_68, %select_n3A : vector<1000x128xf32>
    %swap3A = arith.constant 0 : index
    %swap3A_70 = arith.constant 0 : index
    %swap3A_71 = vector.load %arg4[%swap3A, %swap3A_70] : memref<1000x128xf32, #tpu.memory_space<vmem>>, vector<1000x128xf32>
    tpu.vector_store %arg4[%swap3A, %swap3A_70], %add3A_69 {strides = array<i32>} : memref<1000x128xf32, #tpu.memory_space<vmem>>, vector<1000x128xf32>,
    return
  }
  func.func @transform_0(%arg0: i32) -> (i32, i32) {
    %c0_i32 = arith.constant 0 : i32
    %c0_i32_0 = arith.constant 0 : i32
    return %arg0, %c0_i32 : i32, i32
  }
  func.func @transform_1(%arg0: i32) -> (i32, i32) {
    %c0_i32 = arith.constant 0 : i32
    %c0_i32_0 = arith.constant 0 : i32
    return %arg0, %c0_i32 : i32, i32
  }
  func.func @transform_2(%arg0: i32) -> (i32, i32) {
    %c0_i32 = arith.constant 0 : i32
    %c0_i32_0 = arith.constant 0 : i32
    return %arg0, %c0_i32 : i32, i32
  }
  func.func @transform_3(%arg0: i32) -> (i32, i32) {
    %c0_i32 = arith.constant 0 : i32
    %c0_i32_0 = arith.constant 0 : i32
    return %arg0, %c0_i32 : i32, i32
  }
}

</mosaic_0001>

<sc_bundles>
// kernel: kernel.12.cloned.1.call-start
scs
__scs_entry_jumppad:
0x0: {  	(pc) =	sbr.rel $0x88, $3  }
0x1: {  	(tag) =	ssettag $0x0;
	lr =	simm.s32 $0x1  }
0x2: {  	[smem:$0x3F9C] =	sst lr;
	_ =	strace $0xD0000000  }
0x3: {  	_ = 	snop  }
0x4: {  	_ = 	snop  }
0x5: {  	_ = 	snop  }
0x6: {  	_ = 	snop  }
0x7: {  	_ = 	snop  }
__scs_overlays_trampoline_lowered:
0x8: {  	[smem:$0x3FAB] =	sst s0  }
0x9: {  	[smem:$0x3FAC] =	sst s1  }
0xa: {  	[smem:$0x3FAD] =	sst s2  }
0xb: {  	[smem:$0x3FAE] =	sst s3  }
0xc: {  	[smem:$0x3FAF] =	sst s4  }
0xd: {  	[smem:$0x3FB0] =	sst s5  }
0xe: {  	[smem:$0x3FB1] =	sst s6  }
0xf: {  	[smem:$0x3FB2] =	sst s7  }
0x10: {  	[smem:$0x3FB3] =	sst s8  }
0x11: {  	[smem:$0x3FB4] =	sst s9;
	s0 =	simm.s32 @!p0 $0x0  }
0x12: {  	s1 =	sld [smem:$0x3F9A];
	s0 =	simm.s32 @p0 $0x1  }
0x13: {  	[smem:$0x3FB5] =	sst s0;
	s0 =	simm.s32 @!p1 $0x0  }
0x14: {  	s2 =	sld [smem:$0x3F99];
	s0 =	simm.s32 @p1 $0x1  }
0x15: {  	[smem:$0x3FB6] =	sst s0;
	s0 =	simm.s32 @!p2 $0x0  }
0x16: {  	s3 =	sld [smem:$0x3FDB];
	s0 =	simm.s32 @p2 $0x1  }
0x17: {  	s4 =	simm.s32 $0x1BF5;
	[smem:$0x3FB8] =	sst s0  }
0x18: {  	s0 =	sld [smem:$0x3F9B];
	_ =	swait.ge [sflag:s4], $0x0  }
0x19: {  	s7 =	sld [smem:$0x3F9C]  }
0x1a: {  	s8 =	sadd.s32 $0xFFFFE003, lr  }
0x1b: {  	s9 =	sadd.s32 $0xFFFFFEF7, lr;
	s5 =	simm.s32 $0xFFFFFFFF;
	p2 =	slt.u32 s8, $0xFFFFF086  }
0x1c: {  	p1 =	slt.u32 s9, $0xF7A;
	s5 =	simm.s32 @!p2 $0x0  }
0x1d: {  	s5 =	simm.s32 @p1 $0x1;
	p0 =	seq.s32 s7, s2  }
0x1e: {  	s7 =	smul.u32 @!p0 $0xF7A, s2;
	p2 =	seq.s32 @!p0 s5, $0x0  }
0x1f: {  	s9 =	smul.u32 $0xF7A, s1;
	s8 =	simm.s32 @!p0 $0x1BF5;
	p2 =	por !p2, p0  }
0x20: {  	[sflag:s8] =	ssyncset.s32 @!p0 $0xFFFFF086;
	s6 =	sadd.s32 @!p0 s3, s7;
	s7 =	simm.s32 @!p0 $0x108  }
0x21: {  	s3 =	sadd.s32 s3, s9;
	s6 =	sadd.s32 @!p0 $0x88, s6;
	s7 =	simm.s32 @p2 $0x1082  }
0x22: {  	[simem:s7], [sflag:s8] =	dma.local @!p0 [hbm:s6], $0xF7A  }
0x23: {  	s9 =	sor.u32 $0xD0000000, s2;
	s6 =	simm.s32 $0x108;
	_ =	swait.ge @!p0 [sflag:s8], $0x0  }
0x24: {  	s3 =	sadd.s32 $0x88, s3;
	s6 =	simm.s32 @!p1 $0x1082;
	[sflag:s4] =	ssyncset.s32 $0xFFFFF086  }
0x25: {  	[simem:s6], [sflag:s4] =	dma.local [hbm:s3], $0xF7A  }
0x26: {  	[smem:$0x3F9C] =	sst s1;
	(tag) =	ssettag s2;
	_ =	strace s9  }
0x27: {  	s1 =	sld [smem:$0x3FAC]  }
0x28: {  	s2 =	sld [smem:$0x3FAD]  }
0x29: {  	s4 =	sld [smem:$0x3FAF]  }
0x2a: {  	p0 =	seq.s32 s5, $0x0;
	s5 =	sld [smem:$0x3FB0]  }
0x2b: {  	s6 =	sld [smem:$0x3FB1]  }
0x2c: {  	s7 =	sld [smem:$0x3FB2]  }
0x2d: {  	s3 =	simm.s32 $0x108;
	s8 =	sld [smem:$0x3FB3]  }
0x2e: {  	s3 =	simm.s32 @!p0 $0x1082;
	s9 =	sld [smem:$0x3FB4]  }
0x2f: {  	lr =	sadd.s32 s0, s3;
	s0 =	sld [smem:$0x3FAB]  }
0x30: {  	s3 =	sld [smem:$0x3FAE]  }
0x31: {  	[smem:$0x3FB7] =	sst s10  }
0x32: {  	s10 =	sld [smem:$0x3FB5];
	_ =	sdelay $0x3  }
0x33: {  	p0 =	seq.s32 s10, $0x1;
	s10 =	sld [smem:$0x3FB7];
	_ =	sdelay $0x3  }
0x34: {  	[smem:$0x3FB7] =	sst s10  }
0x35: {  	s10 =	sld [smem:$0x3FB6];
	_ =	sdelay $0x3  }
0x36: {  	p1 =	seq.s32 s10, $0x1;
	s10 =	sld [smem:$0x3FB7];
	_ =	sdelay $0x3  }
0x37: {  	[smem:$0x3FB7] =	sst s10  }
0x38: {  	s10 =	sld [smem:$0x3FB8]  }
0x39: {  	_ = 	snop;
	(pc) =	sbr.ind lr, $3  }
0x3a: {  	_ = 	snop  }
0x3b: {  	_ = 	snop  }
0x3c: {  	p2 =	seq.s32 s10, $0x1;
	s10 =	sld [smem:$0x3FB7]  }
0x3d: {  	_ =	shalt  }
0x3e: {  	_ =	shalt  }
0x3f: {  	_ =	shalt  }
0x40: {  	_ =	shalt  }
0x41: {  	_ =	shalt  }
0x42: {  	_ =	shalt  }
0x43: {  	_ =	shalt  }
0x44: {  	_ =	shalt  }
0x45: {  	_ =	shalt  }
0x46: {  	_ =	shalt  }
0x47: {  	_ =	shalt  }
0x48: {  	_ =	shalt  }
0x49: {  	_ =	shalt  }
0x4a: {  	_ =	shalt  }
0x4b: {  	_ =	shalt  }
0x4c: {  	_ =	shalt  }
0x4d: {  	_ =	shalt  }
0x4e: {  	_ =	shalt  }
0x4f: {  	_ =	shalt  }
0x50: {  	_ =	shalt  }
0x51: {  	_ =	shalt  }
0x52: {  	_ =	shalt  }
0x53: {  	_ =	shalt  }
0x54: {  	_ =	shalt  }
0x55: {  	_ =	shalt  }
0x56: {  	_ =	shalt  }
0x57: {  	_ =	shalt  }
0x58: {  	_ =	shalt  }
0x59: {  	_ =	shalt  }
0x5a: {  	_ =	shalt  }
0x5b: {  	_ =	shalt  }
0x5c: {  	_ =	shalt  }
0x5d: {  	_ =	shalt  }
0x5e: {  	_ =	shalt  }
0x5f: {  	_ =	shalt  }
0x60: {  	_ =	shalt  }
0x61: {  	_ =	shalt  }
0x62: {  	_ =	shalt  }
0x63: {  	_ =	shalt  }
0x64: {  	_ =	shalt  }
0x65: {  	_ =	shalt  }
0x66: {  	_ =	shalt  }
0x67: {  	_ =	shalt  }
0x68: {  	_ =	shalt  }
0x69: {  	_ =	shalt  }
0x6a: {  	_ =	shalt  }
0x6b: {  	_ =	shalt  }
0x6c: {  	_ =	shalt  }
0x6d: {  	_ =	shalt  }
0x6e: {  	_ =	shalt  }
0x6f: {  	_ =	shalt  }
0x70: {  	_ =	shalt  }
0x71: {  	_ =	shalt  }
0x72: {  	_ =	shalt  }
0x73: {  	_ =	shalt  }
0x74: {  	_ =	shalt  }
0x75: {  	_ =	shalt  }
0x76: {  	_ =	shalt  }
0x77: {  	_ =	shalt  }
0x78: {  	_ =	shalt  }
0x79: {  	_ =	shalt  }
0x7a: {  	_ =	shalt  }
0x7b: {  	_ =	shalt  }
0x7c: {  	_ =	shalt  }
0x7d: {  	_ =	shalt  }
0x7e: {  	_ =	shalt  }
0x7f: {  	_ =	shalt  }
0x80: {  	_ =	shalt  }
0x81: {  	_ =	shalt  }
0x82: {  	_ =	shalt  }
0x83: {  	_ =	shalt  }
0x84: {  	_ =	shalt  }
0x85: {  	_ =	shalt  }
0x86: {  	_ =	shalt  }
0x87: {  	_ =	shalt  }
.Lfunc_end0:
.L_simem_size_0:
called_computation_lowered:
.L_overlay_start_0:
0x88: {  	s2 =	sld [smem:$0x3FD9]  }
0x89: {  	s3 =	sld [smem:$0x3FFE];
	_ =	sdelay $0x1  }
0x8a: {  	s1 =	srdreg.scid  }
0x8b: {  	s0 =	sand.u32 $0x1, s1  }
0x8c: {  	s17 =	sshll.u32 s0, $0xA;
	s2 =	sadd.s32 s3, s2  }
0x8d: {  	s2 =	sadd.s32 s2, s17  }
0x8e: {  	[smem:$0x3FC3] =	sst s2  }
0x8f: {  	_ = 	snop  }
0x90: {  	s18 =	sld [smem:$0x3FC7]  }
0x91: {  	s4 =	sld [smem:$0x3FC6];
	(tm) =	ssettm $0x1  }
0x92: {  	s19 =	sld [smem:$0x3FFB];
	_ =	sdelay $0x3  }
0x93: {  	_ =	strace s19  }
0x94: {  	s2 =	sld [smem:$0x3FFC];
	_ =	sdelay $0x3  }
0x95: {  	_ =	strace s2  }
0x96: {  	s2 =	sld [smem:$0x3FFD];
	_ =	sdelay $0x3  }
0x97: {  	_ =	strace s2  }
0x98: {  	_ =	strace $0x8FFFFFFF  }
0x99: {  	s20 =	sld [smem:$0x3FDB];
	_ =	sdelay $0x1  }
0x9a: {  	s5 =	simm.s32 $_scs_section_size  }
0x9b: {  	s6 =	simm.s32 $_size__tile_overlayer_lowered;
	s7 =	simm.s32 $_tile_overlayer_lowered  }
0x9c: {  	s8 =	simm.s32 $0x1BFF;
	s21 =	sshll.u32 s7, $0x1;
	s5 =	sadd.s32 s5, s20  }
0x9d: {  	s22 =	simm.s32 $0x0;
	s6 =	sshll.u32 s6, $0x1;
	s7 =	sadd.s32 s21, s5  }
0x9e: {  	[timem:s22], [sflag:s8] =	dma.local [hbm:s7], s6  }
0x9f: {  	_ =	swait.ge [sflag:s8], s6  }
0xa0: {  	s6 =	ssub.s32 $0x0, s6;
	[sflag:s8] =	ssyncset.done $0x0  }
0xa1: {  	[sflag:s8] =	ssyncadd.s32 s6;
	_ =	sdelay $0x1  }
0xa2: {  	s23 =	simm.s32 $0x1B8B  }
0xa3: {  	_ =	swait.ge [sflag:s23], $0x1  }
0xa4: {  	[sflag:s23] =	ssyncset.done $0x0  }
0xa5: {  	[sflag:s23] =	ssyncadd.s32 $0xFFFFFFFF  }
0xa6: {  	s6 =	sld [smem:$0x0]  }
0xa7: {  	s7 =	sand.u32 $0xFFFFFFFE, s1  }
0xa8: {  	p0 =	sne.s32 s1, s7  }
0xa9: {  	s7 =	sshll.u32 @p0 s7, $0xE  }
0xaa: {  	s7 =	sadd.s32 @p0 $0x11B8D, s7;
	s8 =	sshll.u32 @p0 s6, $0x11  }
0xab: {  	s7 =	sor.u32 @p0 s8, s7  }
0xac: {  	[sflag:s7] =	ssyncadd.remote.s32 @p0 $0x1;
	_ =	sdelay $0x1  }
0xad: {  	s7 =	simm.s32 @p0 $0x1B8D  }
0xae: {  	_ =	swait.eq @p0 [sflag:s7], $0x1  }
0xaf: {  	[sflag:s7] =	ssyncadd.s32 @p0 $0xFFFFFFFF  }
0xb0: {  	s8 =	sshll.u32 @!p0 s1, $0xE  }
0xb1: {  	s8 =	sor.u32 @!p0 $0x4000, s8;
	s7 =	simm.s32 @!p0 $0x1B8D  }
0xb2: {  	s6 =	sshll.u32 @!p0 s6, $0x11;
	s8 =	sadd.s32 @!p0 $0x11B8D, s8;
	_ =	swait.eq @!p0 [sflag:s7], $0x1  }
0xb3: {  	s6 =	sor.u32 @!p0 s6, s8;
	[sflag:s7] =	ssyncadd.s32 @!p0 $0xFFFFFFFF  }
0xb4: {  	s25 =	simm.s32 $0x1B8E;
	s24 =	sld [smem:$0x3FFE];
	[sflag:s6] =	ssyncadd.remote.s32 @!p0 $0x1  }
0xb5: {  	s26 =	simm.s32 $execute0_lowered;
	[smem:$0x3FD2] =	sst s25  }
0xb6: {  	s7 =	sshll.u32 s26, $0x1;
	_ =	strace $0x80000049;
	[dreg:$0x1] =	wrdreg $0xFFFFFFFF  }
0xb7: {  	s28 =	simm.s32 $_size_execute0_lowered;
	s5 =	sadd.s32 s5, s7;
	[dreg:$0x0] =	wrdreg $0x0  }
0xb8: {  	s7 =	sshll.u32 s28, $0x1;
	[dreg:$0x2] =	wrdreg s5  }
0xb9: {  	[dreg:$0x3] =	wrdreg s7  }
0xba: {  	[dreg:$0x4] =	wrdreg $0xC0  }
0xbb: {  	_ =	task [dreg:s22], $0x5FFFF  }
0xbc: {  	[dreg:$0x1] =	wrdreg $0xFFFFFFFF  }
0xbd: {  	[dreg:$0x0] =	wrdreg $0x60  }
0xbe: {  	[dreg:$0x2] =	wrdreg s24  }
0xbf: {  	[dreg:$0x3] =	wrdreg s18  }
0xc0: {  	[dreg:$0x4] =	wrdreg s4  }
0xc1: {  	[dreg:$0x5] =	wrdreg $0x9  }
0xc2: {  	_ =	task.clear_ibuf [dreg:s22], $0x6FFFF;
	_ =	strace $0x90000049  }
0xc3: {  	s29 =	simm.s32 $0x9;
	_ =	strace $0x8000004B  }
0xc4: {  	_ =	swait.ge [sflag:s29], $0x1  }
0xc5: {  	[sflag:s29] =	ssyncadd.s32 $0xFFFFFFFF  }
0xc6: {  	_ =	strace $0x9000004B  }
0xc7: {  	_ =	sfence  }
0xc8: {  	s30 =	sld [smem:$0x0];
	_ =	sdelay $0x2  }
0xc9: {  	s31 =	sshll.u32 s1, $0xD;
	s1 =	sshrl.u32 s1, $0x2  }
0xca: {  	s4 =	sand.u32 $0x4000, s31;
	s1 =	sadd.s32 s1, s30  }
0xcb: {  	s0 =	sor.u32 s4, s0;
	s1 =	sshll.u32 s1, $0x11  }
0xcc: {  	s0 =	sor.u32 s1, s0  }
0xcd: {  	s0 =	sadd.s32 $0x8F2B, s0  }
0xce: {  	[sflag:s0] =	ssyncadd.remote.s32 $0x1  }
0xcf: {  	_ =	sfence.sel $0xFFFF  }
0xd0: {  	[dreg:$0x0] =	wrdreg $0xFFFFFFFF;
	(pc) =	sbr.abs _section_cstart, $3  }
0xd1: {  	[dreg:$0x1] =	wrdreg $0xFFFFFFFF  }
0xd2: {  	_ =	task.clear_ibuf [dreg:s22], $0x2FFFF;
	_ =	strace $0x9FFFFFFF  }
0xd3: {  	(tm) =	ssettm $0x7FFFFFFF  }
tec
execute0_lowered:
.L_overlay_start_1:
0x0: {  	(tag) =	ssettag $0x1  }
0x1: {  	s0 =	rddreg [dreg:$0x0];
	v0 =	vimm.s32 $0x2380;
	vm0 =	vcmask $0x300  }
0x2: {  	s1 =	rddreg [dreg:$0x1];
	vm14 =	vcmask $0x704;
	v0 =	vsel vm0, $0x0, v0  }
0x3: {  	s2 =	rddreg [dreg:$0x2];
	s4 =	simm.s32 $0x0;
	s7 =	stileid.u32;
	vm15 =	vcmask $0xB08;
	v0 =	vsel vm14, $0x80, v0  }
0x4: {  	s3 =	srdreg.scid;
	vm4 =	vcmask $0xF0C;
	s14 =	simm.s32 $0x3;
	s18 =	simm.s32 $0x1CF00;
	v0 =	vsel vm15, $0x100, v0  }
0x5: {  	vm5 =	vcmask $0x1310;
	s19 =	simm.s32 $0x1DF00;
	s20 =	simm.s32 $0x1EF00;
	s21 =	simm.s32 $0x1;
	v0 =	vsel vm4, $0x180, v0  }
0x6: {  	vm6 =	vcmask $0x1714;
	s22 =	simm.s32 $0x18700;
	s23 =	simm.s32 $0x2;
	s28 =	simm.s32 $0x19700;
	v0 =	vsel vm5, $0x200, v0  }
0x7: {  	vm7 =	vcmask $0x1B18;
	s29 =	simm.s32 $0x19B00;
	s30 =	simm.s32 $0x19F00;
	s31 =	simm.s32 $0x1A300;
	v0 =	vsel vm6, $0x280, v0  }
0x8: {  	vm8 =	vcmask $0x1F1C;
	[smem:$0x7FF] =	sst s4;
	s3 =	sand.u32 $0x1, s3;
	s6 =	sshll.u32 s7, $0x1;
	v0 =	vsel vm7, $0x300, v0  }
0x9: {  	vm9 =	vcmask $0x2320;
	s5 =	sadd.s32 $0x18B400, s0;
	s7 =	sshll.u32 s7, $0x8;
	_ =	strace $0x8000004A;
	v0 =	vsel vm8, $0x380, v0  }
0xa: {  	vm10 =	vcmask $0x2724;
	s8 =	sor.u32 s3, s6;
	s7 =	sand.u32 $0xC00, s7;
	s3 =	ssub.s32 $0x2, s3;
	v0 =	vsel vm9, $0x2000, v0  }
0xb: {  	vm11 =	vcmask $0x2B28;
	s6 =	sadd.s32 $0x4000, s0;
	s11 =	smul.u32 $0x9C40, s8;
	s26 =	sshrl.u32 s3, $0x1;
	v0 =	vsel vm10, $0x2080, v0  }
0xc: {  	vm12 =	vcmask $0x2F2C;
	s0 =	sadd.s32 s7, s0;
	s10 =	sshll.u32 s8, $0x4;
	s3 =	ssub.s32 s3, s26;
	v0 =	vsel vm11, $0x2100, v0  }
0xd: {  	vm13 =	vcmask $0x3330;
	s12 =	sand.u32 $0x70, s10;
	s26 =	simm.s32 $0x19300;
	s9 =	sshrl.u32 s11, $0x3;
	v0 =	vsel vm12, $0x2180, v0  }
0xe: {  	vm14 =	vcmask $0x3734;
	s10 =	sadd.s32 $0x7D0, s11;
	s0 =	sadd.s32 s12, s0;
	s11 =	sadd.s32 $0xFA0, s11;
	v0 =	vsel vm13, $0x2200, v0  }
0xf: {  	vm15 =	vcmask $0x3B38;
	s13 =	smax.u32 s3, $0x1;
	s7 =	sadd.s32 s1, s9;
	s8 =	sadd.s32 s2, s9;
	v1 =	vsel vm14, $0x2280, v0  }
0x10: {  	s9 =	sadd.s32 s6, s9;
	s12 =	sadd.s32 $0x2B200, s0;
	s0 =	simm.s32 $0x0;
	v0 =	vimm.f32 $0.0e+00;
	v1 =	vsel vm15, $0x2300, v1  }
.LBB2_1:
0x11: {  	[tilespmem:s4], [sflag:$0x3] =	stream.linear.gather [hbm4b:s5+s4], $0x18700, $0x38;
	[tilespmem:$0x1F700] =	vst v63  }
0x12: {  	s3 =	sand.u32 $0x70, s4;
	s15 =	sand.u32 $0x1C00, s4;
	_ =	swait.ge [sflag:s14], $0x18700  }
0x13: {  	s3 =	sor.u32 s3, s15;
	[sflag:s14] =	ssyncset.done $0x0  }
0x14: {  	s17 =	sadd.s32 $0x18700, s3;
	[sflag:s14] =	ssyncadd.s32 $0xFFFE7900  }
0x15: {  	[tilespmem:s17+$0x280] =	vst v0  }
0x16: {  	[tilespmem:s17+$0x200] =	vst v0  }
0x17: {  	[tilespmem:s17+$0x180] =	vst v0  }
0x18: {  	[tilespmem:s17+$0x100] =	vst v0  }
0x19: {  	[tilespmem:s17+$0x80] =	vst v0  }
0x1a: {  	s24 =	sor.u32 s4, s4;
	s16 =	simm.s32 $0x0;
	s15 =	simm.s32 $0x10;
	[tilespmem:s3+$0x18700] =	vst v0  }
.LBB2_2:
0x1b: {  	p0 =	sne.s32 s15, $0x3E0;
	[tilespmem:s17+$0x300] =	vst v0;
	s17 =	sor.u32 $0x380, s24  }
0x1c: {  	[tilespmem:s17+$0x18700] =	vst v0  }
0x1d: {  	[tilespmem:s3+$0x1A700] =	vst v0  }
0x1e: {  	[tilespmem:s3+$0x1A780] =	vst v0  }
0x1f: {  	[tilespmem:s3+$0x1A800] =	vst v0  }
0x20: {  	[tilespmem:s3+$0x1A880] =	vst v0  }
0x21: {  	s16 =	sadd.s32 $0x80, s16;
	[tilespmem:s3+$0x1A900] =	vst v0  }
0x22: {  	s17 =	sand.u32 $0x70, s15;
	s24 =	sand.u32 $0x1C00, s16;
	[tilespmem:s3+$0x1A980] =	vst v0  }
0x23: {  	s24 =	sor.u32 s17, s24;
	[tilespmem:s3+$0x1AA00] =	vst v0  }
0x24: {  	s17 =	sadd.s32 $0x18700, s24;
	[tilespmem:s3+$0x1AA80] =	vst v0;
	s3 =	smov.u32 s24  }
0x25: {  	[tilespmem:s17+$0x280] =	vst v0  }
.Ltmp0:
0x26: {  	[tilespmem:s17+$0x200] =	vst v0;
	(pc) =	sbr.rel @p0 .LBB2_2-.Ltmp0, $4  }
0x27: {  	[tilespmem:s17+$0x180] =	vst v0  }
0x28: {  	[tilespmem:s17+$0x100] =	vst v0  }
0x29: {  	[tilespmem:s17+$0x80] =	vst v0  }
0x2a: {  	s24 =	sor.u32 s16, s15;
	s15 =	sadd.s32 $0x10, s15;
	[tilespmem:s3+$0x18700] =	vst v0  }
0x2b: {  	[tilespmem:s17+$0x300] =	vst v0;
	s15 =	sor.u32 $0x380, s24  }
0x2c: {  	[tilespmem:s15+$0x18700] =	vst v0  }
0x2d: {  	[tilespmem:s3+$0x1A700] =	vst v0  }
0x2e: {  	[tilespmem:s3+$0x1A780] =	vst v0  }
0x2f: {  	[tilespmem:s3+$0x1A800] =	vst v0  }
0x30: {  	[tilespmem:s3+$0x1A880] =	vst v0  }
0x31: {  	[tilespmem:s3+$0x1A900] =	vst v0  }
0x32: {  	[tilespmem:s3+$0x1A980] =	vst v0  }
0x33: {  	[tilespmem:s3+$0x1AA00] =	vst v0  }
0x34: {  	s17 =	simm.s32 $0x1C700;
	[tilespmem:s3+$0x1AA80] =	vst v0;
	s3 =	simm.s32 $0x0  }
0x35: {  	[tilespmem:s17], [sflag:$0x1] =	stream.linear.gather [hbm4b:s7+s3], $0x7D0, $0x38;
	[tilespmem:$0x1F700] =	vst v63  }
0x36: {  	s24 =	simm.s32 $0x1D700  }
0x37: {  	[tilespmem:s24], [sflag:$0x1] =	stream.linear.gather [hbm4b:s8+s3], $0x7D0, $0x38;
	[tilespmem:$0x1F700] =	vst v63  }
0x38: {  	s25 =	simm.s32 $0x1E700  }
0x39: {  	[tilespmem:s25], [sflag:$0x1] =	stream.linear.gather [hbm4b:s9+s3], $0x7D0, $0x38;
	[tilespmem:$0x1F700] =	vst v63  }
.LBB2_4:
0x3a: {  	s15 =	smul.u32 $0xFA0, s3;
	_ =	sdelay $0x1  }
0x3b: {  	s16 =	sadd.s32 s15, s10  }
0x3c: {  	s16 =	sshrl.u32 s16, $0x3  }
0x3d: {  	s17 =	sadd.s32 s1, s16  }
0x3e: {  	[tilespmem:s18], [sflag:$0x2] =	stream.linear.gather [hbm4b:s17+s4], $0x7D0, $0x38;
	[tilespmem:$0x1F700] =	vst v63  }
0x3f: {  	s24 =	sadd.s32 s2, s16  }
0x40: {  	[tilespmem:s19], [sflag:$0x2] =	stream.linear.gather [hbm4b:s24+s4], $0x7D0, $0x38;
	[tilespmem:$0x1F700] =	vst v63  }
0x41: {  	s16 =	sadd.s32 s6, s16  }
0x42: {  	[tilespmem:s20], [sflag:$0x2] =	stream.linear.gather [hbm4b:s16+s4], $0x7D0, $0x38;
	[tilespmem:$0x1F700] =	vst v63  }
0x43: {  	_ =	swait.ge [sflag:s21], $0x7D0  }
0x44: {  	[sflag:s21] =	ssyncset.done $0x0  }
0x45: {  	[sflag:s21] =	ssyncadd.s32 $0xFFFFF830  }
0x46: {  	_ =	swait.ge [sflag:s21], $0x7D0  }
0x47: {  	[sflag:s21] =	ssyncset.done $0x0  }
0x48: {  	[sflag:s21] =	ssyncadd.s32 $0xFFFFF830  }
0x49: {  	_ =	swait.ge [sflag:s21], $0x7D0  }
0x4a: {  	[sflag:s21] =	ssyncset.done $0x0  }
0x4b: {  	s25 =	simm.s32 $0x1C720;
	[sflag:s21] =	ssyncadd.s32 $0xFFFFF830  }
0x4c: {  	v2 =	vld [tilespmem:s25+$0x10]  }
0x4d: {  	v3 =	vld [tilespmem:s25+$0xFFFFFFF0]  }
0x4e: {  	s16 =	simm.s32 $0x1D720;
	v4 =	vld [tilespmem:s25+$0x0]  }
0x4f: {  	v5 =	vld [tilespmem:s16+$0x10]  }
0x50: {  	v6 =	vld [tilespmem:s25+$0xFFFFFFE0]  }
0x51: {  	v7 =	vld [tilespmem:s16+$0xFFFFFFE0]  }
0x52: {  	v8 =	vld [tilespmem:s16+$0xFFFFFFF0]  }
0x53: {  	v9 =	vld [tilespmem:s16+$0x0]  }
0x54: {  	v2 =	vld.idx.msk [tilespmem:v2+s4+$0x0], $0xffff  }
0x55: {  	v10 =	vld.idx.msk [tilespmem:v3+s4+$0x0], $0xffff  }
0x56: {  	v12 =	vld.idx.msk [tilespmem:v4+s4+$0x0], $0xffff  }
0x57: {  	v3 =	vld.idx.msk [tilespmem:v5+s4+$0x0], $0xffff  }
0x58: {  	v11 =	vld.idx.msk [tilespmem:v6+s4+$0x0], $0xffff  }
0x59: {  	v4 =	vld.idx.msk [tilespmem:v7+s4+$0x0], $0xffff  }
0x5a: {  	s17 =	simm.s32 $0x1E720;
	v6 =	vld.idx.msk [tilespmem:v8+s4+$0x0], $0xffff  }
0x5b: {  	v8 =	vld [tilespmem:s17+$0x10];
	v5 =	vshll.u32 v2, $0x3  }
0x5c: {  	v7 =	vand.u32 $0xFFFFFC00, v10;
	v13 =	vand.u32 $0x7F, v2;
	v14 =	vshll.u32 v10, $0x3  }
0x5d: {  	v9 =	vld.idx.msk [tilespmem:v9+s4+$0x0], $0xffff;
	v2 =	vand.u32 $0xFFFFFC00, v2;
	v3 =	vand.u32 $0xFFFFFC00, v3;
	v5 =	vand.u32 $0x1C00, v5  }
0x5e: {  	v15 =	vand.u32 $0xFFFFFC00, v12;
	v3 =	vmul.f32 v3, v2;
	v5 =	vor.u32 v5, v13  }
0x5f: {  	v4 =	vand.u32 $0xFFFFFC00, v4;
	v2 =	vld [tilespmem:s17+$0xFFFFFFE0];
	v13 =	vor.u32 v1, v5;
	v5 =	vand.u32 $0xFFFFFC00, v11  }
0x60: {  	v18 =	vmul.f32 v3, v8;
	v3 =	vld [tilespmem:s17+$0xFFFFFFF0];
	v5 =	vmul.f32 v4, v5;
	v4 =	vand.u32 $0xFFFFFC00, v6  }
0x61: {  	v16 =	vshll.u32 v11, $0x3;
	v17 =	vshll.u32 v12, $0x3;
	v6 =	vmul.f32 v4, v7;
	v4 =	vld [tilespmem:s17+$0x0]  }
0x62: {  	v10 =	vand.u32 $0x7F, v10;
	v9 =	vand.u32 $0xFFFFFC00, v9;
	v12 =	vand.u32 $0x7F, v12  }
0x63: {  	v16 =	vand.u32 $0x1C00, v16;
	v9 =	vmul.f32 v9, v15;
	v11 =	vand.u32 $0x7F, v11  }
0x64: {  	s24 =	simm.s32 $0x0;
	s25 =	simm.s32 $0x1C760;
	v8 =	vand.u32 $0x1C00, v14;
	v11 =	vor.u32 v16, v11;
	v7 =	vand.u32 $0x1C00, v17;
	[tilespmem:v13+s22+$0x0] =	vst.idx.add.f32.msk $0xffff, v18  }
.LBB2_5:
0x65: {  	v13 =	vld [tilespmem:s25+$0x10];
	s24 =	sadd.s32 $0x40, s24;
	v14 =	vmul.f32 v5, v2;
	v2 =	vor.u32 v8, v10;
	v5 =	vor.u32 v7, v12  }
0x66: {  	v8 =	vor.u32 v1, v11;
	v10 =	vmul.f32 v6, v3;
	v7 =	vld [tilespmem:s25+$0xFFFFFFF0];
	p0 =	slt.u32 s24, $0x780;
	v15 =	vmul.f32 v9, v4  }
0x67: {  	s16 =	sadd.s32 $0x40, s16;
	v9 =	vor.u32 v1, v2;
	v16 =	vor.u32 v1, v5;
	v3 =	vld [tilespmem:s25+$0x0]  }
0x68: {  	v2 =	vld [tilespmem:s16+$0x10]  }
0x69: {  	v4 =	vld [tilespmem:s25+$0xFFFFFFE0]  }
0x6a: {  	v5 =	vld [tilespmem:s16+$0xFFFFFFE0]  }
0x6b: {  	v6 =	vld [tilespmem:s16+$0xFFFFFFF0]  }
0x6c: {  	v11 =	vld [tilespmem:s16+$0x0]  }
0x6d: {  	v12 =	vld.idx.msk [tilespmem:v13+s4+$0x0], $0xffff  }
0x6e: {  	v13 =	vld.idx.msk [tilespmem:v7+s4+$0x0], $0xffff  }
0x6f: {  	v17 =	vld.idx.msk [tilespmem:v3+s4+$0x0], $0xffff  }
0x70: {  	v3 =	vld.idx.msk [tilespmem:v2+s4+$0x0], $0xffff  }
0x71: {  	v18 =	vld.idx.msk [tilespmem:v4+s4+$0x0], $0xffff  }
0x72: {  	v4 =	vld.idx.msk [tilespmem:v5+s4+$0x0], $0xffff  }
0x73: {  	s17 =	sadd.s32 $0x40, s17;
	v2 =	vshll.u32 v12, $0x3;
	v6 =	vld.idx.msk [tilespmem:v6+s4+$0x0], $0xffff  }
0x74: {  	v5 =	vand.u32 $0x7F, v12;
	v7 =	vand.u32 $0xFFFFFC00, v13;
	v2 =	vand.u32 $0x1C00, v2;
	v19 =	vld [tilespmem:s17+$0x10]  }
0x75: {  	v20 =	vshll.u32 v13, $0x3;
	v21 =	vand.u32 $0xFFFFFC00, v17;
	v5 =	vor.u32 v2, v5;
	v11 =	vld.idx.msk [tilespmem:v11+s4+$0x0], $0xffff  }
0x76: {  	v12 =	vand.u32 $0xFFFFFC00, v12;
	v22 =	vand.u32 $0xFFFFFC00, v3;
	v23 =	vor.u32 v1, v5;
	v2 =	vld [tilespmem:s17+$0xFFFFFFE0]  }
0x77: {  	v5 =	vand.u32 $0xFFFFFC00, v18;
	v24 =	vshll.u32 v18, $0x3;
	v12 =	vmul.f32 v22, v12;
	v3 =	vld [tilespmem:s17+$0xFFFFFFF0]  }
.Ltmp1:
0x78: {  	v25 =	vshll.u32 v17, $0x3;
	v22 =	vand.u32 $0xFFFFFC00, v4;
	v24 =	vand.u32 $0x1C00, v24;
	v4 =	vld [tilespmem:s17+$0x0];
	(pc) =	sbr.rel @p0 .LBB2_5-.Ltmp1, $4  }
0x79: {  	v5 =	vmul.f32 v22, v5;
	v6 =	vand.u32 $0xFFFFFC00, v6;
	v12 =	vmul.f32 v12, v19;
	[tilespmem:v8+s22+$0x0] =	vst.idx.add.f32.msk $0xffff, v14  }
0x7a: {  	v6 =	vmul.f32 v6, v7;
	v8 =	vand.u32 $0x1C00, v20;
	v7 =	vand.u32 $0x1C00, v25;
	[tilespmem:v9+s22+$0x0] =	vst.idx.add.f32.msk $0xffff, v10  }
0x7b: {  	v9 =	vand.u32 $0x7F, v18;
	v10 =	vand.u32 $0x7F, v13;
	v13 =	vand.u32 $0xFFFFFC00, v11;
	[tilespmem:v23+s22+$0x0] =	vst.idx.add.f32.msk $0xffff, v12  }
0x7c: {  	s25 =	sadd.s32 $0x40, s25;
	v11 =	vor.u32 v24, v9;
	v9 =	vmul.f32 v13, v21;
	v12 =	vand.u32 $0x7F, v17;
	[tilespmem:v16+s22+$0x0] =	vst.idx.add.f32.msk $0xffff, v15  }
0x7d: {  	v8 =	vor.u32 v8, v10;
	v10 =	vor.u32 v1, v11  }
0x7e: {  	v7 =	vor.u32 v7, v12;
	v8 =	vor.u32 v1, v8  }
0x7f: {  	v7 =	vor.u32 v1, v7  }
0x80: {  	v2 =	vmul.f32 v5, v2  }
0x81: {  	v3 =	vmul.f32 v6, v3  }
0x82: {  	v4 =	vmul.f32 v9, v4;
	[tilespmem:v10+s22+$0x0] =	vst.idx.add.f32.msk $0xffff, v2  }
0x83: {  	[tilespmem:v8+s22+$0x0] =	vst.idx.add.f32.msk $0xffff, v3  }
0x84: {  	[tilespmem:v7+s22+$0x0] =	vst.idx.add.f32.msk $0xffff, v4  }
0x85: {  	v2 =	vld [tilespmem:$0x1CEC0];
	_ =	sdelay $0x2  }
0x86: {  	v3 =	vld [tilespmem:$0x1DEC0];
	_ =	sdelay $0x4  }
0x87: {  	v2 =	vld.idx.msk [tilespmem:v2+s4+$0x0], $0xffff;
	_ =	sdelay $0x2  }
0x88: {  	v3 =	vld.idx.msk [tilespmem:v3+s4+$0x0], $0xffff;
	_ =	sdelay $0x1  }
0x89: {  	v4 =	vshll.u32 v2, $0x3  }
0x8a: {  	v5 =	vld [tilespmem:$0x1EEC0];
	v6 =	vand.u32 $0x7F, v2;
	v4 =	vand.u32 $0x1C00, v4  }
0x8b: {  	v4 =	vor.u32 v4, v6  }
0x8c: {  	v2 =	vand.u32 $0xFFFFFC00, v2;
	v3 =	vand.u32 $0xFFFFFC00, v3;
	v4 =	vor.u32 v1, v4  }
0x8d: {  	v2 =	vmul.f32 v3, v2  }
0x8e: {  	p0 =	seq.s32 s3, $0x9  }
0x8f: {  	s15 =	sadd.s32 @!p0 s15, s11;
	v2 =	vmul.f32 v2, v5  }
0x90: {  	s15 =	sshrl.u32 @!p0 s15, $0x3  }
0x91: {  	s17 =	simm.s32 @!p0 $0x0;
	s24 =	simm.s32 @!p0 $0x1C700;
	s16 =	sadd.s32 @!p0 s1, s15;
	[tilespmem:v4+s22+$0x0] =	vst.idx.add.f32.msk $0xffff, v2  }
0x92: {  	[tilespmem:s24], [sflag:$0x1] =	stream.linear.gather @!p0 [hbm4b:s16+s17], $0x7D0, $0x38;
	[tilespmem:$0x1F700] =	vst v63  }
0x93: {  	s16 =	sadd.s32 @!p0 s2, s15;
	s24 =	simm.s32 @!p0 $0x1D700  }
0x94: {  	[tilespmem:s24], [sflag:$0x1] =	stream.linear.gather @!p0 [hbm4b:s16+s17], $0x7D0, $0x38;
	[tilespmem:$0x1F700] =	vst v63  }
0x95: {  	s15 =	sadd.s32 @!p0 s6, s15;
	s16 =	simm.s32 @!p0 $0x1E700  }
0x96: {  	[tilespmem:s16], [sflag:$0x1] =	stream.linear.gather @!p0 [hbm4b:s15+s17], $0x7D0, $0x38;
	[tilespmem:$0x1F700] =	vst v63  }
0x97: {  	_ =	swait.ge [sflag:s23], $0x7D0  }
0x98: {  	[sflag:s23] =	ssyncset.done $0x0  }
0x99: {  	[sflag:s23] =	ssyncadd.s32 $0xFFFFF830  }
0x9a: {  	_ =	swait.ge [sflag:s23], $0x7D0  }
0x9b: {  	[sflag:s23] =	ssyncset.done $0x0  }
0x9c: {  	[sflag:s23] =	ssyncadd.s32 $0xFFFFF830  }
0x9d: {  	_ =	swait.ge [sflag:s23], $0x7D0  }
0x9e: {  	[sflag:s23] =	ssyncset.done $0x0  }
0x9f: {  	s25 =	simm.s32 $0x1CF20;
	[sflag:s23] =	ssyncadd.s32 $0xFFFFF830  }
0xa0: {  	v2 =	vld [tilespmem:s25+$0x10]  }
0xa1: {  	v3 =	vld [tilespmem:s25+$0xFFFFFFF0]  }
0xa2: {  	s15 =	simm.s32 $0x1DF20;
	v4 =	vld [tilespmem:s25+$0x0]  }
0xa3: {  	v5 =	vld [tilespmem:s15+$0x10]  }
0xa4: {  	v6 =	vld [tilespmem:s25+$0xFFFFFFE0]  }
0xa5: {  	v7 =	vld [tilespmem:s15+$0xFFFFFFE0]  }
0xa6: {  	v8 =	vld [tilespmem:s15+$0xFFFFFFF0]  }
0xa7: {  	v9 =	vld [tilespmem:s15+$0x0]  }
0xa8: {  	v2 =	vld.idx.msk [tilespmem:v2+s4+$0x0], $0xffff  }
0xa9: {  	v10 =	vld.idx.msk [tilespmem:v3+s4+$0x0], $0xffff  }
0xaa: {  	v12 =	vld.idx.msk [tilespmem:v4+s4+$0x0], $0xffff  }
0xab: {  	v3 =	vld.idx.msk [tilespmem:v5+s4+$0x0], $0xffff  }
0xac: {  	v11 =	vld.idx.msk [tilespmem:v6+s4+$0x0], $0xffff  }
0xad: {  	v4 =	vld.idx.msk [tilespmem:v7+s4+$0x0], $0xffff  }
0xae: {  	s16 =	simm.s32 $0x1EF20;
	v6 =	vld.idx.msk [tilespmem:v8+s4+$0x0], $0xffff  }
0xaf: {  	v8 =	vld [tilespmem:s16+$0x10];
	v5 =	vshll.u32 v2, $0x3  }
0xb0: {  	v7 =	vand.u32 $0xFFFFFC00, v10;
	v13 =	vand.u32 $0x7F, v2;
	v14 =	vshll.u32 v10, $0x3  }
0xb1: {  	v9 =	vld.idx.msk [tilespmem:v9+s4+$0x0], $0xffff;
	v2 =	vand.u32 $0xFFFFFC00, v2;
	v3 =	vand.u32 $0xFFFFFC00, v3;
	v5 =	vand.u32 $0x1C00, v5  }
0xb2: {  	v15 =	vand.u32 $0xFFFFFC00, v12;
	v3 =	vmul.f32 v3, v2;
	v5 =	vor.u32 v5, v13  }
0xb3: {  	v4 =	vand.u32 $0xFFFFFC00, v4;
	v2 =	vld [tilespmem:s16+$0xFFFFFFE0];
	v13 =	vor.u32 v1, v5;
	v5 =	vand.u32 $0xFFFFFC00, v11  }
0xb4: {  	v18 =	vmul.f32 v3, v8;
	v3 =	vld [tilespmem:s16+$0xFFFFFFF0];
	v5 =	vmul.f32 v4, v5;
	v4 =	vand.u32 $0xFFFFFC00, v6  }
0xb5: {  	v16 =	vshll.u32 v11, $0x3;
	v17 =	vshll.u32 v12, $0x3;
	v6 =	vmul.f32 v4, v7;
	v4 =	vld [tilespmem:s16+$0x0]  }
0xb6: {  	v10 =	vand.u32 $0x7F, v10;
	v9 =	vand.u32 $0xFFFFFC00, v9;
	v12 =	vand.u32 $0x7F, v12  }
0xb7: {  	v16 =	vand.u32 $0x1C00, v16;
	v9 =	vmul.f32 v9, v15;
	v11 =	vand.u32 $0x7F, v11  }
0xb8: {  	s24 =	simm.s32 $0x1CF60;
	s17 =	simm.s32 $0x0;
	v8 =	vand.u32 $0x1C00, v14;
	v11 =	vor.u32 v16, v11;
	v7 =	vand.u32 $0x1C00, v17;
	[tilespmem:v13+s22+$0x0] =	vst.idx.add.f32.msk $0xffff, v18  }
.LBB2_7:
0xb9: {  	v13 =	vld [tilespmem:s24+$0x10];
	s17 =	sadd.s32 $0x40, s17;
	v14 =	vmul.f32 v5, v2;
	v2 =	vor.u32 v8, v10;
	v5 =	vor.u32 v7, v12  }
0xba: {  	v8 =	vor.u32 v1, v11;
	v10 =	vmul.f32 v6, v3;
	v7 =	vld [tilespmem:s24+$0xFFFFFFF0];
	p0 =	slt.u32 s17, $0x780;
	v15 =	vmul.f32 v9, v4  }
0xbb: {  	s15 =	sadd.s32 $0x40, s15;
	v9 =	vor.u32 v1, v2;
	v16 =	vor.u32 v1, v5;
	v3 =	vld [tilespmem:s24+$0x0]  }
0xbc: {  	v2 =	vld [tilespmem:s15+$0x10]  }
0xbd: {  	v4 =	vld [tilespmem:s24+$0xFFFFFFE0]  }
0xbe: {  	v5 =	vld [tilespmem:s15+$0xFFFFFFE0]  }
0xbf: {  	v6 =	vld [tilespmem:s15+$0xFFFFFFF0]  }
0xc0: {  	v11 =	vld [tilespmem:s15+$0x0]  }
0xc1: {  	v12 =	vld.idx.msk [tilespmem:v13+s4+$0x0], $0xffff  }
0xc2: {  	v13 =	vld.idx.msk [tilespmem:v7+s4+$0x0], $0xffff  }
0xc3: {  	v17 =	vld.idx.msk [tilespmem:v3+s4+$0x0], $0xffff  }
0xc4: {  	v3 =	vld.idx.msk [tilespmem:v2+s4+$0x0], $0xffff  }
0xc5: {  	v18 =	vld.idx.msk [tilespmem:v4+s4+$0x0], $0xffff  }
0xc6: {  	v4 =	vld.idx.msk [tilespmem:v5+s4+$0x0], $0xffff  }
0xc7: {  	s16 =	sadd.s32 $0x40, s16;
	v2 =	vshll.u32 v12, $0x3;
	v6 =	vld.idx.msk [tilespmem:v6+s4+$0x0], $0xffff  }
0xc8: {  	v5 =	vand.u32 $0x7F, v12;
	v7 =	vand.u32 $0xFFFFFC00, v13;
	v2 =	vand.u32 $0x1C00, v2;
	v19 =	vld [tilespmem:s16+$0x10]  }
0xc9: {  	v20 =	vshll.u32 v13, $0x3;
	v21 =	vand.u32 $0xFFFFFC00, v17;
	v5 =	vor.u32 v2, v5;
	v11 =	vld.idx.msk [tilespmem:v11+s4+$0x0], $0xffff  }
0xca: {  	v12 =	vand.u32 $0xFFFFFC00, v12;
	v22 =	vand.u32 $0xFFFFFC00, v3;
	v23 =	vor.u32 v1, v5;
	v2 =	vld [tilespmem:s16+$0xFFFFFFE0]  }
0xcb: {  	v5 =	vand.u32 $0xFFFFFC00, v18;
	v24 =	vshll.u32 v18, $0x3;
	v12 =	vmul.f32 v22, v12;
	v3 =	vld [tilespmem:s16+$0xFFFFFFF0]  }
.Ltmp2:
0xcc: {  	v25 =	vshll.u32 v17, $0x3;
	v22 =	vand.u32 $0xFFFFFC00, v4;
	v24 =	vand.u32 $0x1C00, v24;
	v4 =	vld [tilespmem:s16+$0x0];
	(pc) =	sbr.rel @p0 .LBB2_7-.Ltmp2, $4  }
0xcd: {  	v5 =	vmul.f32 v22, v5;
	v6 =	vand.u32 $0xFFFFFC00, v6;
	v12 =	vmul.f32 v12, v19;
	[tilespmem:v8+s22+$0x0] =	vst.idx.add.f32.msk $0xffff, v14  }
0xce: {  	v6 =	vmul.f32 v6, v7;
	v8 =	vand.u32 $0x1C00, v20;
	v7 =	vand.u32 $0x1C00, v25;
	[tilespmem:v9+s22+$0x0] =	vst.idx.add.f32.msk $0xffff, v10  }
0xcf: {  	v9 =	vand.u32 $0x7F, v18;
	v10 =	vand.u32 $0x7F, v13;
	v13 =	vand.u32 $0xFFFFFC00, v11;
	[tilespmem:v23+s22+$0x0] =	vst.idx.add.f32.msk $0xffff, v12  }
0xd0: {  	s24 =	sadd.s32 $0x40, s24;
	v11 =	vor.u32 v24, v9;
	v9 =	vmul.f32 v13, v21;
	v12 =	vand.u32 $0x7F, v17;
	[tilespmem:v16+s22+$0x0] =	vst.idx.add.f32.msk $0xffff, v15  }
0xd1: {  	v8 =	vor.u32 v8, v10;
	v60 =	vor.u32 v1, v11  }
0xd2: {  	v7 =	vor.u32 v7, v12;
	v8 =	vor.u32 v1, v8  }
0xd3: {  	v7 =	vor.u32 v1, v7  }
0xd4: {  	v2 =	vmul.f32 v5, v2  }
0xd5: {  	v3 =	vmul.f32 v6, v3  }
0xd6: {  	v4 =	vmul.f32 v9, v4;
	[tilespmem:v60+s22+$0x0] =	vst.idx.add.f32.msk $0xffff, v2  }
0xd7: {  	[tilespmem:v8+s22+$0x0] =	vst.idx.add.f32.msk $0xffff, v3  }
0xd8: {  	[tilespmem:v7+s22+$0x0] =	vst.idx.add.f32.msk $0xffff, v4  }
0xd9: {  	v2 =	vld [tilespmem:$0x1D6C0];
	_ =	sdelay $0x2  }
0xda: {  	v3 =	vld [tilespmem:$0x1E6C0];
	_ =	sdelay $0x3  }
0xdb: {  	s15 =	simm.s32 $0x0  }
0xdc: {  	v2 =	vld.idx.msk [tilespmem:v2+s15+$0x0], $0xffff;
	_ =	sdelay $0x2  }
0xdd: {  	v3 =	vld.idx.msk [tilespmem:v3+s15+$0x0], $0xffff;
	_ =	sdelay $0x1  }
0xde: {  	v61 =	vshll.u32 v2, $0x3  }
0xdf: {  	v62 =	vld [tilespmem:$0x1F6C0];
	v63 =	vand.u32 $0x7F, v2;
	v4 =	vand.u32 $0x1C00, v61  }
0xe0: {  	s3 =	sadd.s32 $0x1, s3;
	v4 =	vor.u32 v4, v63  }
0xe1: {  	p0 =	sne.s32 s3, $0xA;
	v2 =	vand.u32 $0xFFFFFC00, v2;
	v3 =	vand.u32 $0xFFFFFC00, v3;
	v4 =	vor.u32 v1, v4  }
.Ltmp3:
0xe2: {  	v2 =	vmul.f32 v3, v2;
	(pc) =	sbr.rel @p0 .LBB2_4-.Ltmp3, $3  }
0xe3: {  	_ = 	snop  }
0xe4: {  	v2 =	vmul.f32 v2, v62;
	_ =	sdelay $0x1  }
0xe5: {  	[tilespmem:v4+s22+$0x0] =	vst.idx.add.f32.msk $0xffff, v2  }
0xe6: {  	s3 =	sand.u32 $0x70, s15;
	s16 =	sand.u32 $0x1C00, s15  }
0xe7: {  	s3 =	sor.u32 s3, s16  }
0xe8: {  	s16 =	sadd.s32 $0x18700, s3;
	v3 =	vld [tilespmem:s3+$0x18700]  }
0xe9: {  	v2 =	vld [tilespmem:s16+$0x80];
	_ =	sdelay $0x1  }
0xea: {  	v4 =	vld [tilespmem:s16+$0x100];
	_ =	sdelay $0x1  }
0xeb: {  	v5 =	vld [tilespmem:s16+$0x180]  }
0xec: {  	v2 =	vadd.f32 v2, v3  }
0xed: {  	v3 =	vld [tilespmem:s16+$0x200]  }
0xee: {  	v2 =	vadd.f32 v4, v2  }
0xef: {  	v56 =	vld [tilespmem:s16+$0x280]  }
0xf0: {  	v2 =	vadd.f32 v5, v2  }
0xf1: {  	s25 =	sor.u32 s15, s15;
	v57 =	vld [tilespmem:s16+$0x300]  }
0xf2: {  	s15 =	sor.u32 $0x380, s25;
	v2 =	vadd.f32 v3, v2  }
0xf3: {  	v3 =	vld [tilespmem:s15+$0x18700]  }
0xf4: {  	v2 =	vadd.f32 v56, v2  }
0xf5: {  	v58 =	vld [tilespmem:s3+$0x1A700]  }
0xf6: {  	v2 =	vadd.f32 v57, v2  }
0xf7: {  	v59 =	vld [tilespmem:s3+$0x1A780]  }
0xf8: {  	v2 =	vadd.f32 v3, v2  }
0xf9: {  	v3 =	vld [tilespmem:s3+$0x1A800]  }
0xfa: {  	v2 =	vadd.f32 v58, v2  }
0xfb: {  	v60 =	vld [tilespmem:s3+$0x1A880]  }
0xfc: {  	v2 =	vadd.f32 v59, v2  }
0xfd: {  	v61 =	vld [tilespmem:s3+$0x1A900]  }
0xfe: {  	v2 =	vadd.f32 v3, v2  }
0xff: {  	v3 =	vld [tilespmem:s3+$0x1A980]  }
0x100: {  	v2 =	vadd.f32 v60, v2  }
0x101: {  	v62 =	vld [tilespmem:s3+$0x1AA00]  }
0x102: {  	v2 =	vadd.f32 v61, v2  }
0x103: {  	v63 =	vld [tilespmem:s3+$0x1AA80]  }
0x104: {  	v2 =	vadd.f32 v3, v2;
	_ =	sdelay $0x1  }
0x105: {  	s16 =	simm.s32 $0x80;
	s15 =	simm.s32 $0x10;
	v2 =	vadd.f32 v62, v2  }
0x106: {  	s24 =	sand.u32 $0x1C00, s16;
	s17 =	sand.u32 $0x70, s15  }
0x107: {  	s24 =	sor.u32 s17, s24;
	s17 =	simm.s32 $0x20;
	v2 =	vadd.f32 v63, v2  }
.LBB2_10:
0x108: {  	p0 =	sne.s32 s17, $0x3E0;
	s25 =	sadd.s32 $0x18700, s24  }
0x109: {  	v3 =	vld [tilespmem:s25+$0x80];
	[tilespmem:s3+$0x18700] =	vst v2;
	s3 =	smov.u32 s24  }
0x10a: {  	v2 =	vld [tilespmem:s3+$0x18700];
	_ =	sdelay $0x1  }
0x10b: {  	v4 =	vld [tilespmem:s25+$0x100];
	_ =	sdelay $0x1  }
0x10c: {  	v5 =	vld [tilespmem:s25+$0x180]  }
0x10d: {  	v2 =	vadd.f32 v3, v2  }
0x10e: {  	v3 =	vld [tilespmem:s25+$0x200]  }
0x10f: {  	v2 =	vadd.f32 v4, v2  }
0x110: {  	v4 =	vld [tilespmem:s25+$0x280]  }
0x111: {  	v2 =	vadd.f32 v5, v2  }
0x112: {  	s24 =	sor.u32 s16, s15;
	s15 =	smov.u32 s17;
	v5 =	vld [tilespmem:s25+$0x300]  }
0x113: {  	s24 =	sor.u32 $0x380, s24;
	v2 =	vadd.f32 v3, v2  }
0x114: {  	v3 =	vld [tilespmem:s24+$0x18700]  }
0x115: {  	v2 =	vadd.f32 v4, v2  }
0x116: {  	v4 =	vld [tilespmem:s3+$0x1A700]  }
0x117: {  	v2 =	vadd.f32 v5, v2  }
0x118: {  	v5 =	vld [tilespmem:s3+$0x1A780]  }
0x119: {  	v2 =	vadd.f32 v3, v2  }
0x11a: {  	v3 =	vld [tilespmem:s3+$0x1A800]  }
0x11b: {  	v2 =	vadd.f32 v4, v2  }
0x11c: {  	v4 =	vld [tilespmem:s3+$0x1A880]  }
0x11d: {  	v2 =	vadd.f32 v5, v2  }
0x11e: {  	v5 =	vld [tilespmem:s3+$0x1A900]  }
0x11f: {  	v2 =	vadd.f32 v3, v2  }
0x120: {  	v3 =	vld [tilespmem:s3+$0x1A980]  }
0x121: {  	v2 =	vadd.f32 v4, v2  }
0x122: {  	v4 =	vld [tilespmem:s3+$0x1AA00]  }
0x123: {  	v2 =	vadd.f32 v5, v2  }
0x124: {  	v5 =	vld [tilespmem:s3+$0x1AA80]  }
.Ltmp4:
0x125: {  	v2 =	vadd.f32 v3, v2;
	(pc) =	sbr.rel @p0 .LBB2_10-.Ltmp4, $4  }
0x126: {  	_ = 	snop  }
0x127: {  	s16 =	sadd.s32 $0x80, s16;
	v2 =	vadd.f32 v4, v2  }
0x128: {  	s25 =	sand.u32 $0x1C00, s16;
	s24 =	sand.u32 $0x70, s17  }
0x129: {  	s17 =	sadd.s32 $0x10, s17;
	s24 =	sor.u32 s24, s25;
	v2 =	vadd.f32 v5, v2  }
0x12a: {  	s17 =	sadd.s32 $0x18700, s24  }
0x12b: {  	v3 =	vld [tilespmem:s17+$0x80];
	[tilespmem:s3+$0x18700] =	vst v2  }
0x12c: {  	v2 =	vld [tilespmem:s24+$0x18700];
	_ =	sdelay $0x1  }
0x12d: {  	v4 =	vld [tilespmem:s17+$0x100];
	_ =	sdelay $0x1  }
0x12e: {  	v5 =	vld [tilespmem:s17+$0x180]  }
0x12f: {  	v2 =	vadd.f32 v3, v2  }
0x130: {  	v3 =	vld [tilespmem:s17+$0x200]  }
0x131: {  	v2 =	vadd.f32 v4, v2  }
0x132: {  	v56 =	vld [tilespmem:s17+$0x280]  }
0x133: {  	v2 =	vadd.f32 v5, v2  }
0x134: {  	s15 =	sor.u32 s16, s15;
	v57 =	vld [tilespmem:s17+$0x300]  }
0x135: {  	s3 =	sor.u32 $0x380, s15;
	v2 =	vadd.f32 v3, v2  }
0x136: {  	v3 =	vld [tilespmem:s3+$0x18700]  }
0x137: {  	v2 =	vadd.f32 v56, v2  }
0x138: {  	v58 =	vld [tilespmem:s24+$0x1A700]  }
0x139: {  	v2 =	vadd.f32 v57, v2  }
0x13a: {  	v59 =	vld [tilespmem:s24+$0x1A780]  }
0x13b: {  	v2 =	vadd.f32 v3, v2  }
0x13c: {  	v3 =	vld [tilespmem:s24+$0x1A800]  }
0x13d: {  	v2 =	vadd.f32 v58, v2  }
0x13e: {  	v60 =	vld [tilespmem:s24+$0x1A880]  }
0x13f: {  	v2 =	vadd.f32 v59, v2  }
0x140: {  	v61 =	vld [tilespmem:s24+$0x1A900]  }
0x141: {  	v2 =	vadd.f32 v3, v2  }
0x142: {  	v3 =	vld [tilespmem:s24+$0x1A980]  }
0x143: {  	v2 =	vadd.f32 v60, v2  }
0x144: {  	v62 =	vld [tilespmem:s24+$0x1AA00]  }
0x145: {  	v2 =	vadd.f32 v61, v2  }
0x146: {  	v63 =	vld [tilespmem:s24+$0x1AA80]  }
0x147: {  	v2 =	vadd.f32 v3, v2;
	_ =	sdelay $0x1  }
0x148: {  	v2 =	vadd.f32 v62, v2;
	_ =	sdelay $0x1  }
0x149: {  	v2 =	vadd.f32 v63, v2;
	_ =	sdelay $0x1  }
0x14a: {  	[tilespmem:s24+$0x18700] =	vst v2  }
0x14b: {  	[hbm4b:s12+s4] =	stream.linear.scatter [tilespmem:s22], [sflag:$0x3], $0x80, $0x38;
	[tilespmem:$0x1F700] =	vst v63  }
0x14c: {  	s16 =	sadd.s32 $0x80, s12;
	s17 =	simm.s32 $0x18B00  }
0x14d: {  	[hbm4b:s16+s4] =	stream.linear.scatter [tilespmem:s17], [sflag:$0x3], $0x80, $0x38;
	[tilespmem:$0x1F700] =	vst v63  }
0x14e: {  	s25 =	simm.s32 $0x18F00;
	s24 =	sadd.s32 $0x100, s12  }
0x14f: {  	[hbm4b:s24+s4] =	stream.linear.scatter [tilespmem:s25], [sflag:$0x3], $0x80, $0x38;
	[tilespmem:$0x1F700] =	vst v63  }
0x150: {  	s15 =	sadd.s32 $0x180, s12  }
0x151: {  	[hbm4b:s15+s4] =	stream.linear.scatter [tilespmem:s26], [sflag:$0x3], $0x80, $0x38;
	[tilespmem:$0x1F700] =	vst v63  }
0x152: {  	s16 =	sadd.s32 $0x200, s12  }
0x153: {  	[hbm4b:s16+s4] =	stream.linear.scatter [tilespmem:s28], [sflag:$0x3], $0x80, $0x38;
	[tilespmem:$0x1F700] =	vst v63  }
0x154: {  	s0 =	sadd.s32 $0x1, s0;
	s17 =	sadd.s32 $0x280, s12  }
0x155: {  	[hbm4b:s17+s4] =	stream.linear.scatter [tilespmem:s29], [sflag:$0x3], $0x80, $0x38;
	[tilespmem:$0x1F700] =	vst v63  }
0x156: {  	p0 =	sne.s32 s0, s13;
	s24 =	sadd.s32 $0x300, s12  }
0x157: {  	[hbm4b:s24+s4] =	stream.linear.scatter [tilespmem:s30], [sflag:$0x3], $0x80, $0x38;
	[tilespmem:$0x1F700] =	vst v63  }
.Ltmp5:
0x158: {  	s25 =	sadd.s32 $0x380, s12;
	(pc) =	sbr.rel @p0 .LBB2_1-.Ltmp5, $4  }
0x159: {  	[hbm4b:s25+s4] =	stream.linear.scatter [tilespmem:s31], [sflag:$0x3], $0x80, $0x38;
	[tilespmem:$0x1F700] =	vst v63  }
0x15a: {  	_ =	swait.ge [sflag:s14], $0x400  }
0x15b: {  	[sflag:s14] =	ssyncset.done $0x0  }
0x15c: {  	[sflag:s14] =	ssyncadd.s32 $0xFFFFFC00  }
0x15d: {  	_ =	sfence.sel $0x180000  }
0x15e: {  	[bflag:$0x0] =	sbarrier.arrive $0xFFFF  }
0x15f: {  	_ =	strace $0x9000004A  }
0x160: {  	s0 =	stileid.u32;
	[bflag:$0x2] =	sbarrier.arrive $0xFFFF  }
0x161: {  	p0 =	sne.s32 s0, $0x0;
	s0 =	rddreg [dreg:$0x3]  }
0x162: {  	s0 =	sadd.s32 @!p0 $0x100000, s0  }
0x163: {  	[sflag:s0] =	ssyncadd.tile.s32 @!p0 $0x1;
	_ =	shalt  }
.Lfunc_end2:
_tile_overlayer_lowered:
.L_overlay_start_2:
0x164: {  	(tag) =	ssettag $0x2  }
0x165: {  	s0 =	rddreg [dreg:$0x0];
	s2 =	stileid.u32  }
0x166: {  	s1 =	rddreg [dreg:$0x1];
	p0 =	sne.s32 s2, $0x0  }
0x167: {  	s3 =	rddreg [dreg:$0x2];
	[bflag:$0x3] =	sbarrier.arrive $0xFFFF;
	s2 =	simm.s32 @!p0 $0x1C03  }
0x168: {  	[timem:s3], [sflag:s2] =	dma.local @!p0 [hbm:s0], s1  }
0x169: {  	s0 =	simm.s32 @!p0 $0x3  }
0x16a: {  	_ =	swait.ge @!p0 [sflag:s0], s1  }
0x16b: {  	s1 =	ssub.s32 @!p0 $0x0, s1;
	[sflag:s0] =	ssyncset.done @!p0 $0x0  }
0x16c: {  	[sflag:s0] =	ssyncadd.s32 @!p0 s1  }
0x16d: {  	[bflag:$0x3] =	sbarrier.arrive $0xFFFF  }
0x16e: {  	_ =	shalt  }

// kernel: kernel.15.cloned.1.call-start
scs
__scs_entry_jumppad:
0x0: {  	(pc) =	sbr.rel $0x88, $3  }
0x1: {  	(tag) =	ssettag $0x0;
	lr =	simm.s32 $0x1  }
0x2: {  	[smem:$0x3F9C] =	sst lr;
	_ =	strace $0xD0000000  }
0x3: {  	_ = 	snop  }
0x4: {  	_ = 	snop  }
0x5: {  	_ = 	snop  }
0x6: {  	_ = 	snop  }
0x7: {  	_ = 	snop  }
__scs_overlays_trampoline_lowered:
0x8: {  	[smem:$0x3FAB] =	sst s0  }
0x9: {  	[smem:$0x3FAC] =	sst s1  }
0xa: {  	[smem:$0x3FAD] =	sst s2  }
0xb: {  	[smem:$0x3FAE] =	sst s3  }
0xc: {  	[smem:$0x3FAF] =	sst s4  }
0xd: {  	[smem:$0x3FB0] =	sst s5  }
0xe: {  	[smem:$0x3FB1] =	sst s6  }
0xf: {  	[smem:$0x3FB2] =	sst s7  }
0x10: {  	[smem:$0x3FB3] =	sst s8  }
0x11: {  	[smem:$0x3FB4] =	sst s9;
	s0 =	simm.s32 @!p0 $0x0  }
0x12: {  	s1 =	sld [smem:$0x3F9A];
	s0 =	simm.s32 @p0 $0x1  }
0x13: {  	[smem:$0x3FB5] =	sst s0;
	s0 =	simm.s32 @!p1 $0x0  }
0x14: {  	s2 =	sld [smem:$0x3F99];
	s0 =	simm.s32 @p1 $0x1  }
0x15: {  	[smem:$0x3FB6] =	sst s0;
	s0 =	simm.s32 @!p2 $0x0  }
0x16: {  	s3 =	sld [smem:$0x3FDB];
	s0 =	simm.s32 @p2 $0x1  }
0x17: {  	s4 =	simm.s32 $0x1BF5;
	[smem:$0x3FB8] =	sst s0  }
0x18: {  	s0 =	sld [smem:$0x3F9B];
	_ =	swait.ge [sflag:s4], $0x0  }
0x19: {  	s7 =	sld [smem:$0x3F9C]  }
0x1a: {  	s8 =	sadd.s32 $0xFFFFE003, lr  }
0x1b: {  	s9 =	sadd.s32 $0xFFFFFEF7, lr;
	s5 =	simm.s32 $0xFFFFFFFF;
	p2 =	slt.u32 s8, $0xFFFFF086  }
0x1c: {  	p1 =	slt.u32 s9, $0xF7A;
	s5 =	simm.s32 @!p2 $0x0  }
0x1d: {  	s5 =	simm.s32 @p1 $0x1;
	p0 =	seq.s32 s7, s2  }
0x1e: {  	s7 =	smul.u32 @!p0 $0xF7A, s2;
	p2 =	seq.s32 @!p0 s5, $0x0  }
0x1f: {  	s9 =	smul.u32 $0xF7A, s1;
	s8 =	simm.s32 @!p0 $0x1BF5;
	p2 =	por !p2, p0  }
0x20: {  	[sflag:s8] =	ssyncset.s32 @!p0 $0xFFFFF086;
	s6 =	sadd.s32 @!p0 s3, s7;
	s7 =	simm.s32 @!p0 $0x108  }
0x21: {  	s3 =	sadd.s32 s3, s9;
	s6 =	sadd.s32 @!p0 $0x88, s6;
	s7 =	simm.s32 @p2 $0x1082  }
0x22: {  	[simem:s7], [sflag:s8] =	dma.local @!p0 [hbm:s6], $0xF7A  }
0x23: {  	s9 =	sor.u32 $0xD0000000, s2;
	s6 =	simm.s32 $0x108;
	_ =	swait.ge @!p0 [sflag:s8], $0x0  }
0x24: {  	s3 =	sadd.s32 $0x88, s3;
	s6 =	simm.s32 @!p1 $0x1082;
	[sflag:s4] =	ssyncset.s32 $0xFFFFF086  }
0x25: {  	[simem:s6], [sflag:s4] =	dma.local [hbm:s3], $0xF7A  }
0x26: {  	[smem:$0x3F9C] =	sst s1;
	(tag) =	ssettag s2;
	_ =	strace s9  }
0x27: {  	s1 =	sld [smem:$0x3FAC]  }
0x28: {  	s2 =	sld [smem:$0x3FAD]  }
0x29: {  	s4 =	sld [smem:$0x3FAF]  }
0x2a: {  	p0 =	seq.s32 s5, $0x0;
	s5 =	sld [smem:$0x3FB0]  }
0x2b: {  	s6 =	sld [smem:$0x3FB1]  }
0x2c: {  	s7 =	sld [smem:$0x3FB2]  }
0x2d: {  	s3 =	simm.s32 $0x108;
	s8 =	sld [smem:$0x3FB3]  }
0x2e: {  	s3 =	simm.s32 @!p0 $0x1082;
	s9 =	sld [smem:$0x3FB4]  }
0x2f: {  	lr =	sadd.s32 s0, s3;
	s0 =	sld [smem:$0x3FAB]  }
0x30: {  	s3 =	sld [smem:$0x3FAE]  }
0x31: {  	[smem:$0x3FB7] =	sst s10  }
0x32: {  	s10 =	sld [smem:$0x3FB5];
	_ =	sdelay $0x3  }
0x33: {  	p0 =	seq.s32 s10, $0x1;
	s10 =	sld [smem:$0x3FB7];
	_ =	sdelay $0x3  }
0x34: {  	[smem:$0x3FB7] =	sst s10  }
0x35: {  	s10 =	sld [smem:$0x3FB6];
	_ =	sdelay $0x3  }
0x36: {  	p1 =	seq.s32 s10, $0x1;
	s10 =	sld [smem:$0x3FB7];
	_ =	sdelay $0x3  }
0x37: {  	[smem:$0x3FB7] =	sst s10  }
0x38: {  	s10 =	sld [smem:$0x3FB8]  }
0x39: {  	_ = 	snop;
	(pc) =	sbr.ind lr, $3  }
0x3a: {  	_ = 	snop  }
0x3b: {  	_ = 	snop  }
0x3c: {  	p2 =	seq.s32 s10, $0x1;
	s10 =	sld [smem:$0x3FB7]  }
0x3d: {  	_ =	shalt  }
0x3e: {  	_ =	shalt  }
0x3f: {  	_ =	shalt  }
0x40: {  	_ =	shalt  }
0x41: {  	_ =	shalt  }
0x42: {  	_ =	shalt  }
0x43: {  	_ =	shalt  }
0x44: {  	_ =	shalt  }
0x45: {  	_ =	shalt  }
0x46: {  	_ =	shalt  }
0x47: {  	_ =	shalt  }
0x48: {  	_ =	shalt  }
0x49: {  	_ =	shalt  }
0x4a: {  	_ =	shalt  }
0x4b: {  	_ =	shalt  }
0x4c: {  	_ =	shalt  }
0x4d: {  	_ =	shalt  }
0x4e: {  	_ =	shalt  }
0x4f: {  	_ =	shalt  }
0x50: {  	_ =	shalt  }
0x51: {  	_ =	shalt  }
0x52: {  	_ =	shalt  }
0x53: {  	_ =	shalt  }
0x54: {  	_ =	shalt  }
0x55: {  	_ =	shalt  }
0x56: {  	_ =	shalt  }
0x57: {  	_ =	shalt  }
0x58: {  	_ =	shalt  }
0x59: {  	_ =	shalt  }
0x5a: {  	_ =	shalt  }
0x5b: {  	_ =	shalt  }
0x5c: {  	_ =	shalt  }
0x5d: {  	_ =	shalt  }
0x5e: {  	_ =	shalt  }
0x5f: {  	_ =	shalt  }
0x60: {  	_ =	shalt  }
0x61: {  	_ =	shalt  }
0x62: {  	_ =	shalt  }
0x63: {  	_ =	shalt  }
0x64: {  	_ =	shalt  }
0x65: {  	_ =	shalt  }
0x66: {  	_ =	shalt  }
0x67: {  	_ =	shalt  }
0x68: {  	_ =	shalt  }
0x69: {  	_ =	shalt  }
0x6a: {  	_ =	shalt  }
0x6b: {  	_ =	shalt  }
0x6c: {  	_ =	shalt  }
0x6d: {  	_ =	shalt  }
0x6e: {  	_ =	shalt  }
0x6f: {  	_ =	shalt  }
0x70: {  	_ =	shalt  }
0x71: {  	_ =	shalt  }
0x72: {  	_ =	shalt  }
0x73: {  	_ =	shalt  }
0x74: {  	_ =	shalt  }
0x75: {  	_ =	shalt  }
0x76: {  	_ =	shalt  }
0x77: {  	_ =	shalt  }
0x78: {  	_ =	shalt  }
0x79: {  	_ =	shalt  }
0x7a: {  	_ =	shalt  }
0x7b: {  	_ =	shalt  }
0x7c: {  	_ =	shalt  }
0x7d: {  	_ =	shalt  }
0x7e: {  	_ =	shalt  }
0x7f: {  	_ =	shalt  }
0x80: {  	_ =	shalt  }
0x81: {  	_ =	shalt  }
0x82: {  	_ =	shalt  }
0x83: {  	_ =	shalt  }
0x84: {  	_ =	shalt  }
0x85: {  	_ =	shalt  }
0x86: {  	_ =	shalt  }
0x87: {  	_ =	shalt  }
.Lfunc_end0:
.L_simem_size_0:
called_computation.1_lowered:
.L_overlay_start_0:
0x88: {  	s2 =	sld [smem:$0x3FD9]  }
0x89: {  	s3 =	sld [smem:$0x3FFE];
	_ =	sdelay $0x1  }
0x8a: {  	s1 =	srdreg.scid  }
0x8b: {  	s0 =	sand.u32 $0x1, s1  }
0x8c: {  	s17 =	sshll.u32 s0, $0xA;
	s2 =	sadd.s32 s3, s2  }
0x8d: {  	s2 =	sadd.s32 s2, s17  }
0x8e: {  	[smem:$0x3FC3] =	sst s2  }
0x8f: {  	_ = 	snop  }
0x90: {  	s2 =	sld [smem:$0x3FC7]  }
0x91: {  	s18 =	sld [smem:$0x3FC6];
	(tm) =	ssettm $0x1  }
0x92: {  	s4 =	sld [smem:$0x3FFB];
	_ =	sdelay $0x3  }
0x93: {  	_ =	strace s4  }
0x94: {  	s4 =	sld [smem:$0x3FFC];
	_ =	sdelay $0x3  }
0x95: {  	_ =	strace s4  }
0x96: {  	s4 =	sld [smem:$0x3FFD];
	_ =	sdelay $0x3  }
0x97: {  	_ =	strace s4  }
0x98: {  	_ =	strace $0x8FFFFFFF  }
0x99: {  	s19 =	sld [smem:$0x3FDB];
	_ =	sdelay $0x1  }
0x9a: {  	s5 =	simm.s32 $_scs_section_size  }
0x9b: {  	s6 =	simm.s32 $_size__tile_overlayer_lowered;
	s7 =	simm.s32 $_tile_overlayer_lowered  }
0x9c: {  	s22 =	simm.s32 $0x1BFF;
	s21 =	sshll.u32 s7, $0x1;
	s4 =	sadd.s32 s5, s19  }
0x9d: {  	s8 =	simm.s32 $0x0;
	s20 =	sshll.u32 s6, $0x1;
	s6 =	sadd.s32 s21, s4  }
0x9e: {  	[timem:s8], [sflag:s22] =	dma.local [hbm:s6], s20  }
0x9f: {  	_ =	swait.ge [sflag:s22], s20  }
0xa0: {  	s5 =	ssub.s32 $0x0, s20;
	[sflag:s22] =	ssyncset.done $0x0  }
0xa1: {  	[sflag:s22] =	ssyncadd.s32 s5;
	_ =	sdelay $0x1  }
0xa2: {  	s23 =	simm.s32 $0x1B8B  }
0xa3: {  	_ =	swait.ge [sflag:s23], $0x1  }
0xa4: {  	[sflag:s23] =	ssyncset.done $0x0  }
0xa5: {  	s25 =	simm.s32 $0x1B8E;
	s24 =	sld [smem:$0x3FFE];
	[sflag:s23] =	ssyncadd.s32 $0xFFFFFFFF  }
0xa6: {  	s26 =	simm.s32 $execute0_lowered;
	[smem:$0x3FD2] =	sst s25  }
0xa7: {  	s6 =	sshll.u32 s26, $0x1;
	_ =	strace $0x80000046;
	[dreg:$0x1] =	wrdreg $0xFFFFFFFF  }
0xa8: {  	s28 =	simm.s32 $_size_execute0_lowered;
	s4 =	sadd.s32 s4, s6;
	[dreg:$0x0] =	wrdreg $0x0  }
0xa9: {  	s6 =	sshll.u32 s28, $0x1;
	[dreg:$0x2] =	wrdreg s4  }
0xaa: {  	[dreg:$0x3] =	wrdreg s6  }
0xab: {  	[dreg:$0x4] =	wrdreg $0xC0  }
0xac: {  	_ =	task [dreg:s8], $0x5FFFF  }
0xad: {  	[dreg:$0x1] =	wrdreg $0xFFFFFFFF  }
0xae: {  	[dreg:$0x0] =	wrdreg $0x60  }
0xaf: {  	[dreg:$0x2] =	wrdreg s24  }
0xb0: {  	[dreg:$0x3] =	wrdreg s2  }
0xb1: {  	[dreg:$0x4] =	wrdreg s18  }
0xb2: {  	[dreg:$0x5] =	wrdreg $0xA  }
0xb3: {  	_ =	task.clear_ibuf [dreg:s8], $0x6FFFF;
	_ =	strace $0x90000046  }
0xb4: {  	s29 =	simm.s32 $0xA;
	_ =	strace $0x80000048  }
0xb5: {  	_ =	swait.ge [sflag:s29], $0x1  }
0xb6: {  	[sflag:s29] =	ssyncadd.s32 $0xFFFFFFFF  }
0xb7: {  	_ =	strace $0x90000048  }
0xb8: {  	_ =	sfence  }
0xb9: {  	s30 =	sld [smem:$0x0];
	_ =	sdelay $0x2  }
0xba: {  	s31 =	sshll.u32 s1, $0xD;
	s1 =	sshrl.u32 s1, $0x2  }
0xbb: {  	s3 =	sand.u32 $0x4000, s31;
	s1 =	sadd.s32 s1, s30  }
0xbc: {  	s0 =	sor.u32 s3, s0;
	s1 =	sshll.u32 s1, $0x11  }
0xbd: {  	s0 =	sor.u32 s1, s0  }
0xbe: {  	s0 =	sadd.s32 $0x8F2B, s0  }
0xbf: {  	[sflag:s0] =	ssyncadd.remote.s32 $0x1  }
0xc0: {  	_ =	sfence.sel $0xFFFF  }
0xc1: {  	[dreg:$0x0] =	wrdreg $0xFFFFFFFF;
	(pc) =	sbr.abs _section_cstart, $3  }
0xc2: {  	[dreg:$0x1] =	wrdreg $0xFFFFFFFF  }
0xc3: {  	_ =	task.clear_ibuf [dreg:s8], $0x2FFFF;
	_ =	strace $0x9FFFFFFF  }
0xc4: {  	(tm) =	ssettm $0x7FFFFFFF  }
0xc5: {  	_ =	shalt  }
tec
execute0_lowered:
.L_overlay_start_1:
0x0: {  	(tag) =	ssettag $0x1  }
0x1: {  	s0 =	rddreg [dreg:$0x0]  }
0x2: {  	s2 =	rddreg [dreg:$0x1];
	v0 =	vimm.s32 $0x2380;
	vm0 =	vcmask $0x300  }
0x3: {  	s3 =	rddreg [dreg:$0x2];
	vm14 =	vcmask $0x704;
	v0 =	vsel vm0, $0x0, v0  }
0x4: {  	s4 =	simm.s32 $0x0;
	s6 =	stileid.u32;
	s1 =	srdreg.scid;
	vm15 =	vcmask $0xB08;
	v0 =	vsel vm14, $0x80, v0  }
0x5: {  	vm4 =	vcmask $0xF0C;
	s14 =	simm.s32 $0x3;
	s18 =	simm.s32 $0x1CF00;
	s19 =	simm.s32 $0x1DF00;
	v0 =	vsel vm15, $0x100, v0  }
0x6: {  	vm5 =	vcmask $0x1310;
	s20 =	simm.s32 $0x1EF00;
	s21 =	simm.s32 $0x1;
	s22 =	simm.s32 $0x18700;
	v0 =	vsel vm4, $0x180, v0  }
0x7: {  	vm6 =	vcmask $0x1714;
	s23 =	simm.s32 $0x2;
	s28 =	simm.s32 $0x19700;
	s29 =	simm.s32 $0x19B00;
	v0 =	vsel vm5, $0x200, v0  }
0x8: {  	vm7 =	vcmask $0x1B18;
	s30 =	simm.s32 $0x19F00;
	s31 =	simm.s32 $0x1A300;
	[smem:$0x7FF] =	sst s4;
	v0 =	vsel vm6, $0x280, v0  }
0x9: {  	vm8 =	vcmask $0x1F1C;
	s1 =	sand.u32 $0x1, s1;
	s5 =	sshll.u32 s6, $0x1;
	s8 =	sshll.u32 s6, $0x8;
	v0 =	vsel vm7, $0x300, v0  }
0xa: {  	vm9 =	vcmask $0x2320;
	s6 =	sadd.s32 $0x18E600, s0;
	_ =	strace $0x80000047;
	s7 =	sor.u32 s1, s5;
	v0 =	vsel vm8, $0x380, v0  }
0xb: {  	vm10 =	vcmask $0x2724;
	s5 =	sadd.s32 $0x18B400, s0;
	s8 =	sand.u32 $0xC00, s8;
	s1 =	ssub.s32 $0x2, s1;
	v0 =	vsel vm9, $0x2000, v0  }
0xc: {  	vm11 =	vcmask $0x2B28;
	s11 =	smul.u32 $0x9C40, s7;
	s25 =	sshrl.u32 s1, $0x1;
	s10 =	sshll.u32 s7, $0x4;
	v0 =	vsel vm10, $0x2080, v0  }
0xd: {  	vm12 =	vcmask $0x2F2C;
	s0 =	sadd.s32 s8, s0;
	s1 =	ssub.s32 s1, s25;
	s12 =	sand.u32 $0x70, s10;
	v0 =	vsel vm11, $0x2100, v0  }
0xe: {  	vm13 =	vcmask $0x3330;
	s9 =	sshrl.u32 s11, $0x3;
	s10 =	sadd.s32 $0x7D0, s11;
	s0 =	sadd.s32 s12, s0;
	v0 =	vsel vm12, $0x2180, v0  }
0xf: {  	vm14 =	vcmask $0x3734;
	s11 =	sadd.s32 $0xFA0, s11;
	s13 =	smax.u32 s1, $0x1;
	s26 =	sadd.s32 $0x27100, s9;
	v0 =	vsel vm13, $0x2200, v0  }
0x10: {  	vm15 =	vcmask $0x3B38;
	s9 =	sadd.s32 s6, s9;
	s12 =	sadd.s32 $0x1B5800, s0;
	s0 =	simm.s32 $0x0;
	v1 =	vsel vm14, $0x2280, v0  }
0x11: {  	s7 =	sadd.s32 s2, s26;
	s8 =	sadd.s32 s3, s26;
	s26 =	simm.s32 $0x19300;
	v0 =	vimm.f32 $0.0e+00;
	v1 =	vsel vm15, $0x2300, v1  }
.LBB2_1:
0x12: {  	[tilespmem:s4], [sflag:$0x3] =	stream.linear.gather [hbm4b:s5+s4], $0x18700, $0x38;
	[tilespmem:$0x1F700] =	vst v63  }
0x13: {  	s1 =	sand.u32 $0x70, s4;
	s15 =	sand.u32 $0x1C00, s4;
	_ =	swait.ge [sflag:s14], $0x18700  }
0x14: {  	s1 =	sor.u32 s1, s15;
	[sflag:s14] =	ssyncset.done $0x0  }
0x15: {  	s17 =	sadd.s32 $0x18700, s1;
	[sflag:s14] =	ssyncadd.s32 $0xFFFE7900  }
0x16: {  	[tilespmem:s17+$0x280] =	vst v0  }
0x17: {  	[tilespmem:s17+$0x200] =	vst v0  }
0x18: {  	[tilespmem:s17+$0x180] =	vst v0  }
0x19: {  	[tilespmem:s17+$0x100] =	vst v0  }
0x1a: {  	[tilespmem:s17+$0x80] =	vst v0  }
0x1b: {  	s24 =	sor.u32 s4, s4;
	s16 =	simm.s32 $0x0;
	s15 =	simm.s32 $0x10;
	[tilespmem:s1+$0x18700] =	vst v0  }
.LBB2_2:
0x1c: {  	p0 =	sne.s32 s15, $0x3E0;
	[tilespmem:s17+$0x300] =	vst v0;
	s17 =	sor.u32 $0x380, s24  }
0x1d: {  	[tilespmem:s17+$0x18700] =	vst v0  }
0x1e: {  	[tilespmem:s1+$0x1A700] =	vst v0  }
0x1f: {  	[tilespmem:s1+$0x1A780] =	vst v0  }
0x20: {  	[tilespmem:s1+$0x1A800] =	vst v0  }
0x21: {  	[tilespmem:s1+$0x1A880] =	vst v0  }
0x22: {  	s16 =	sadd.s32 $0x80, s16;
	[tilespmem:s1+$0x1A900] =	vst v0  }
0x23: {  	s17 =	sand.u32 $0x70, s15;
	s24 =	sand.u32 $0x1C00, s16;
	[tilespmem:s1+$0x1A980] =	vst v0  }
0x24: {  	s24 =	sor.u32 s17, s24;
	[tilespmem:s1+$0x1AA00] =	vst v0  }
0x25: {  	s17 =	sadd.s32 $0x18700, s24;
	[tilespmem:s1+$0x1AA80] =	vst v0;
	s1 =	smov.u32 s24  }
0x26: {  	[tilespmem:s17+$0x280] =	vst v0  }
.Ltmp0:
0x27: {  	[tilespmem:s17+$0x200] =	vst v0;
	(pc) =	sbr.rel @p0 .LBB2_2-.Ltmp0, $4  }
0x28: {  	[tilespmem:s17+$0x180] =	vst v0  }
0x29: {  	[tilespmem:s17+$0x100] =	vst v0  }
0x2a: {  	[tilespmem:s17+$0x80] =	vst v0  }
0x2b: {  	s24 =	sor.u32 s16, s15;
	s15 =	sadd.s32 $0x10, s15;
	[tilespmem:s1+$0x18700] =	vst v0  }
0x2c: {  	[tilespmem:s17+$0x300] =	vst v0;
	s15 =	sor.u32 $0x380, s24  }
0x2d: {  	[tilespmem:s15+$0x18700] =	vst v0  }
0x2e: {  	[tilespmem:s1+$0x1A700] =	vst v0  }
0x2f: {  	[tilespmem:s1+$0x1A780] =	vst v0  }
0x30: {  	[tilespmem:s1+$0x1A800] =	vst v0  }
0x31: {  	[tilespmem:s1+$0x1A880] =	vst v0  }
0x32: {  	[tilespmem:s1+$0x1A900] =	vst v0  }
0x33: {  	[tilespmem:s1+$0x1A980] =	vst v0  }
0x34: {  	[tilespmem:s1+$0x1AA00] =	vst v0  }
0x35: {  	s17 =	simm.s32 $0x1C700;
	[tilespmem:s1+$0x1AA80] =	vst v0;
	s1 =	simm.s32 $0x0  }
0x36: {  	[tilespmem:s17], [sflag:$0x1] =	stream.linear.gather [hbm4b:s7+s1], $0x7D0, $0x38;
	[tilespmem:$0x1F700] =	vst v63  }
0x37: {  	s24 =	simm.s32 $0x1D700  }
0x38: {  	[tilespmem:s24], [sflag:$0x1] =	stream.linear.gather [hbm4b:s8+s1], $0x7D0, $0x38;
	[tilespmem:$0x1F700] =	vst v63  }
0x39: {  	s25 =	simm.s32 $0x1E700  }
0x3a: {  	[tilespmem:s25], [sflag:$0x1] =	stream.linear.gather [hbm4b:s9+s1], $0x7D0, $0x38;
	[tilespmem:$0x1F700] =	vst v63  }
.LBB2_4:
0x3b: {  	s15 =	smul.u32 $0xFA0, s1;
	_ =	sdelay $0x1  }
0x3c: {  	s16 =	sadd.s32 s15, s10  }
0x3d: {  	s16 =	sshrl.u32 s16, $0x3  }
0x3e: {  	s17 =	sadd.s32 $0x27100, s16  }
0x3f: {  	s24 =	sadd.s32 s2, s17  }
0x40: {  	[tilespmem:s18], [sflag:$0x2] =	stream.linear.gather [hbm4b:s24+s4], $0x7D0, $0x38;
	[tilespmem:$0x1F700] =	vst v63  }
0x41: {  	s17 =	sadd.s32 s3, s17  }
0x42: {  	[tilespmem:s19], [sflag:$0x2] =	stream.linear.gather [hbm4b:s17+s4], $0x7D0, $0x38;
	[tilespmem:$0x1F700] =	vst v63  }
0x43: {  	s16 =	sadd.s32 s6, s16  }
0x44: {  	[tilespmem:s20], [sflag:$0x2] =	stream.linear.gather [hbm4b:s16+s4], $0x7D0, $0x38;
	[tilespmem:$0x1F700] =	vst v63  }
0x45: {  	_ =	swait.ge [sflag:s21], $0x7D0  }
0x46: {  	[sflag:s21] =	ssyncset.done $0x0  }
0x47: {  	[sflag:s21] =	ssyncadd.s32 $0xFFFFF830  }
0x48: {  	_ =	swait.ge [sflag:s21], $0x7D0  }
0x49: {  	[sflag:s21] =	ssyncset.done $0x0  }
0x4a: {  	[sflag:s21] =	ssyncadd.s32 $0xFFFFF830  }
0x4b: {  	_ =	swait.ge [sflag:s21], $0x7D0  }
0x4c: {  	[sflag:s21] =	ssyncset.done $0x0  }
0x4d: {  	s25 =	simm.s32 $0x1C720;
	[sflag:s21] =	ssyncadd.s32 $0xFFFFF830  }
0x4e: {  	v2 =	vld [tilespmem:s25+$0x10]  }
0x4f: {  	v3 =	vld [tilespmem:s25+$0xFFFFFFF0]  }
0x50: {  	s16 =	simm.s32 $0x1D720;
	v4 =	vld [tilespmem:s25+$0x0]  }
0x51: {  	v5 =	vld [tilespmem:s16+$0x10]  }
0x52: {  	v6 =	vld [tilespmem:s25+$0xFFFFFFE0]  }
0x53: {  	v7 =	vld [tilespmem:s16+$0xFFFFFFE0]  }
0x54: {  	v8 =	vld [tilespmem:s16+$0xFFFFFFF0]  }
0x55: {  	v9 =	vld [tilespmem:s16+$0x0]  }
0x56: {  	v2 =	vld.idx.msk [tilespmem:v2+s4+$0x0], $0xffff  }
0x57: {  	v10 =	vld.idx.msk [tilespmem:v3+s4+$0x0], $0xffff  }
0x58: {  	v12 =	vld.idx.msk [tilespmem:v4+s4+$0x0], $0xffff  }
0x59: {  	v3 =	vld.idx.msk [tilespmem:v5+s4+$0x0], $0xffff  }
0x5a: {  	v11 =	vld.idx.msk [tilespmem:v6+s4+$0x0], $0xffff  }
0x5b: {  	v4 =	vld.idx.msk [tilespmem:v7+s4+$0x0], $0xffff  }
0x5c: {  	s17 =	simm.s32 $0x1E720;
	v6 =	vld.idx.msk [tilespmem:v8+s4+$0x0], $0xffff  }
0x5d: {  	v8 =	vld [tilespmem:s17+$0x10];
	v5 =	vshll.u32 v2, $0x3  }
0x5e: {  	v7 =	vand.u32 $0xFFFFFC00, v10;
	v13 =	vand.u32 $0x7F, v2;
	v14 =	vshll.u32 v10, $0x3  }
0x5f: {  	v9 =	vld.idx.msk [tilespmem:v9+s4+$0x0], $0xffff;
	v2 =	vand.u32 $0xFFFFFC00, v2;
	v3 =	vand.u32 $0xFFFFFC00, v3;
	v5 =	vand.u32 $0x1C00, v5  }
0x60: {  	v15 =	vand.u32 $0xFFFFFC00, v12;
	v3 =	vmul.f32 v3, v2;
	v5 =	vor.u32 v5, v13  }
0x61: {  	v4 =	vand.u32 $0xFFFFFC00, v4;
	v2 =	vld [tilespmem:s17+$0xFFFFFFE0];
	v13 =	vor.u32 v1, v5;
	v5 =	vand.u32 $0xFFFFFC00, v11  }
0x62: {  	v18 =	vmul.f32 v3, v8;
	v3 =	vld [tilespmem:s17+$0xFFFFFFF0];
	v5 =	vmul.f32 v4, v5;
	v4 =	vand.u32 $0xFFFFFC00, v6  }
0x63: {  	v16 =	vshll.u32 v11, $0x3;
	v17 =	vshll.u32 v12, $0x3;
	v6 =	vmul.f32 v4, v7;
	v4 =	vld [tilespmem:s17+$0x0]  }
0x64: {  	v10 =	vand.u32 $0x7F, v10;
	v9 =	vand.u32 $0xFFFFFC00, v9;
	v12 =	vand.u32 $0x7F, v12  }
0x65: {  	v16 =	vand.u32 $0x1C00, v16;
	v9 =	vmul.f32 v9, v15;
	v11 =	vand.u32 $0x7F, v11  }
0x66: {  	s24 =	simm.s32 $0x0;
	s25 =	simm.s32 $0x1C760;
	v8 =	vand.u32 $0x1C00, v14;
	v11 =	vor.u32 v16, v11;
	v7 =	vand.u32 $0x1C00, v17;
	[tilespmem:v13+s22+$0x0] =	vst.idx.add.f32.msk $0xffff, v18  }
.LBB2_5:
0x67: {  	v13 =	vld [tilespmem:s25+$0x10];
	s24 =	sadd.s32 $0x40, s24;
	v14 =	vmul.f32 v5, v2;
	v2 =	vor.u32 v8, v10;
	v5 =	vor.u32 v7, v12  }
0x68: {  	v8 =	vor.u32 v1, v11;
	v10 =	vmul.f32 v6, v3;
	v7 =	vld [tilespmem:s25+$0xFFFFFFF0];
	p0 =	slt.u32 s24, $0x780;
	v15 =	vmul.f32 v9, v4  }
0x69: {  	s16 =	sadd.s32 $0x40, s16;
	v9 =	vor.u32 v1, v2;
	v16 =	vor.u32 v1, v5;
	v3 =	vld [tilespmem:s25+$0x0]  }
0x6a: {  	v2 =	vld [tilespmem:s16+$0x10]  }
0x6b: {  	v4 =	vld [tilespmem:s25+$0xFFFFFFE0]  }
0x6c: {  	v5 =	vld [tilespmem:s16+$0xFFFFFFE0]  }
0x6d: {  	v6 =	vld [tilespmem:s16+$0xFFFFFFF0]  }
0x6e: {  	v11 =	vld [tilespmem:s16+$0x0]  }
0x6f: {  	v12 =	vld.idx.msk [tilespmem:v13+s4+$0x0], $0xffff  }
0x70: {  	v13 =	vld.idx.msk [tilespmem:v7+s4+$0x0], $0xffff  }
0x71: {  	v17 =	vld.idx.msk [tilespmem:v3+s4+$0x0], $0xffff  }
0x72: {  	v3 =	vld.idx.msk [tilespmem:v2+s4+$0x0], $0xffff  }
0x73: {  	v18 =	vld.idx.msk [tilespmem:v4+s4+$0x0], $0xffff  }
0x74: {  	v4 =	vld.idx.msk [tilespmem:v5+s4+$0x0], $0xffff  }
0x75: {  	s17 =	sadd.s32 $0x40, s17;
	v2 =	vshll.u32 v12, $0x3;
	v6 =	vld.idx.msk [tilespmem:v6+s4+$0x0], $0xffff  }
0x76: {  	v5 =	vand.u32 $0x7F, v12;
	v7 =	vand.u32 $0xFFFFFC00, v13;
	v2 =	vand.u32 $0x1C00, v2;
	v19 =	vld [tilespmem:s17+$0x10]  }
0x77: {  	v20 =	vshll.u32 v13, $0x3;
	v21 =	vand.u32 $0xFFFFFC00, v17;
	v5 =	vor.u32 v2, v5;
	v11 =	vld.idx.msk [tilespmem:v11+s4+$0x0], $0xffff  }
0x78: {  	v12 =	vand.u32 $0xFFFFFC00, v12;
	v22 =	vand.u32 $0xFFFFFC00, v3;
	v23 =	vor.u32 v1, v5;
	v2 =	vld [tilespmem:s17+$0xFFFFFFE0]  }
0x79: {  	v5 =	vand.u32 $0xFFFFFC00, v18;
	v24 =	vshll.u32 v18, $0x3;
	v12 =	vmul.f32 v22, v12;
	v3 =	vld [tilespmem:s17+$0xFFFFFFF0]  }
.Ltmp1:
0x7a: {  	v25 =	vshll.u32 v17, $0x3;
	v22 =	vand.u32 $0xFFFFFC00, v4;
	v24 =	vand.u32 $0x1C00, v24;
	v4 =	vld [tilespmem:s17+$0x0];
	(pc) =	sbr.rel @p0 .LBB2_5-.Ltmp1, $4  }
0x7b: {  	v5 =	vmul.f32 v22, v5;
	v6 =	vand.u32 $0xFFFFFC00, v6;
	v12 =	vmul.f32 v12, v19;
	[tilespmem:v8+s22+$0x0] =	vst.idx.add.f32.msk $0xffff, v14  }
0x7c: {  	v6 =	vmul.f32 v6, v7;
	v8 =	vand.u32 $0x1C00, v20;
	v7 =	vand.u32 $0x1C00, v25;
	[tilespmem:v9+s22+$0x0] =	vst.idx.add.f32.msk $0xffff, v10  }
0x7d: {  	v9 =	vand.u32 $0x7F, v18;
	v10 =	vand.u32 $0x7F, v13;
	v13 =	vand.u32 $0xFFFFFC00, v11;
	[tilespmem:v23+s22+$0x0] =	vst.idx.add.f32.msk $0xffff, v12  }
0x7e: {  	s25 =	sadd.s32 $0x40, s25;
	v11 =	vor.u32 v24, v9;
	v9 =	vmul.f32 v13, v21;
	v12 =	vand.u32 $0x7F, v17;
	[tilespmem:v16+s22+$0x0] =	vst.idx.add.f32.msk $0xffff, v15  }
0x7f: {  	v8 =	vor.u32 v8, v10;
	v10 =	vor.u32 v1, v11  }
0x80: {  	v7 =	vor.u32 v7, v12;
	v8 =	vor.u32 v1, v8  }
0x81: {  	v7 =	vor.u32 v1, v7  }
0x82: {  	v2 =	vmul.f32 v5, v2  }
0x83: {  	v3 =	vmul.f32 v6, v3  }
0x84: {  	v4 =	vmul.f32 v9, v4;
	[tilespmem:v10+s22+$0x0] =	vst.idx.add.f32.msk $0xffff, v2  }
0x85: {  	[tilespmem:v8+s22+$0x0] =	vst.idx.add.f32.msk $0xffff, v3  }
0x86: {  	[tilespmem:v7+s22+$0x0] =	vst.idx.add.f32.msk $0xffff, v4  }
0x87: {  	v2 =	vld [tilespmem:$0x1CEC0];
	_ =	sdelay $0x2  }
0x88: {  	v3 =	vld [tilespmem:$0x1DEC0];
	_ =	sdelay $0x4  }
0x89: {  	v2 =	vld.idx.msk [tilespmem:v2+s4+$0x0], $0xffff;
	_ =	sdelay $0x2  }
0x8a: {  	v3 =	vld.idx.msk [tilespmem:v3+s4+$0x0], $0xffff;
	_ =	sdelay $0x1  }
0x8b: {  	v4 =	vshll.u32 v2, $0x3  }
0x8c: {  	v5 =	vld [tilespmem:$0x1EEC0];
	v6 =	vand.u32 $0x7F, v2;
	v4 =	vand.u32 $0x1C00, v4  }
0x8d: {  	v4 =	vor.u32 v4, v6  }
0x8e: {  	v2 =	vand.u32 $0xFFFFFC00, v2;
	v3 =	vand.u32 $0xFFFFFC00, v3;
	v4 =	vor.u32 v1, v4  }
0x8f: {  	p0 =	seq.s32 s1, $0x9;
	v2 =	vmul.f32 v3, v2  }
0x90: {  	s15 =	sadd.s32 @!p0 s15, s11  }
0x91: {  	s15 =	sshrl.u32 @!p0 s15, $0x3;
	v2 =	vmul.f32 v2, v5  }
0x92: {  	s16 =	sadd.s32 @!p0 $0x27100, s15  }
0x93: {  	s24 =	simm.s32 @!p0 $0x0;
	s25 =	simm.s32 @!p0 $0x1C700;
	s17 =	sadd.s32 @!p0 s2, s16;
	[tilespmem:v4+s22+$0x0] =	vst.idx.add.f32.msk $0xffff, v2  }
0x94: {  	[tilespmem:s25], [sflag:$0x1] =	stream.linear.gather @!p0 [hbm4b:s17+s24], $0x7D0, $0x38;
	[tilespmem:$0x1F700] =	vst v63  }
0x95: {  	s16 =	sadd.s32 @!p0 s3, s16;
	s17 =	simm.s32 @!p0 $0x1D700  }
0x96: {  	[tilespmem:s17], [sflag:$0x1] =	stream.linear.gather @!p0 [hbm4b:s16+s24], $0x7D0, $0x38;
	[tilespmem:$0x1F700] =	vst v63  }
0x97: {  	s15 =	sadd.s32 @!p0 s6, s15;
	s16 =	simm.s32 @!p0 $0x1E700  }
0x98: {  	[tilespmem:s16], [sflag:$0x1] =	stream.linear.gather @!p0 [hbm4b:s15+s24], $0x7D0, $0x38;
	[tilespmem:$0x1F700] =	vst v63  }
0x99: {  	_ =	swait.ge [sflag:s23], $0x7D0  }
0x9a: {  	[sflag:s23] =	ssyncset.done $0x0  }
0x9b: {  	[sflag:s23] =	ssyncadd.s32 $0xFFFFF830  }
0x9c: {  	_ =	swait.ge [sflag:s23], $0x7D0  }
0x9d: {  	[sflag:s23] =	ssyncset.done $0x0  }
0x9e: {  	[sflag:s23] =	ssyncadd.s32 $0xFFFFF830  }
0x9f: {  	_ =	swait.ge [sflag:s23], $0x7D0  }
0xa0: {  	[sflag:s23] =	ssyncset.done $0x0  }
0xa1: {  	s25 =	simm.s32 $0x1CF20;
	[sflag:s23] =	ssyncadd.s32 $0xFFFFF830  }
0xa2: {  	v2 =	vld [tilespmem:s25+$0x10]  }
0xa3: {  	v3 =	vld [tilespmem:s25+$0xFFFFFFF0]  }
0xa4: {  	s15 =	simm.s32 $0x1DF20;
	v4 =	vld [tilespmem:s25+$0x0]  }
0xa5: {  	v5 =	vld [tilespmem:s15+$0x10]  }
0xa6: {  	v6 =	vld [tilespmem:s25+$0xFFFFFFE0]  }
0xa7: {  	v7 =	vld [tilespmem:s15+$0xFFFFFFE0]  }
0xa8: {  	v8 =	vld [tilespmem:s15+$0xFFFFFFF0]  }
0xa9: {  	v9 =	vld [tilespmem:s15+$0x0]  }
0xaa: {  	v2 =	vld.idx.msk [tilespmem:v2+s4+$0x0], $0xffff  }
0xab: {  	v10 =	vld.idx.msk [tilespmem:v3+s4+$0x0], $0xffff  }
0xac: {  	v12 =	vld.idx.msk [tilespmem:v4+s4+$0x0], $0xffff  }
0xad: {  	v3 =	vld.idx.msk [tilespmem:v5+s4+$0x0], $0xffff  }
0xae: {  	v11 =	vld.idx.msk [tilespmem:v6+s4+$0x0], $0xffff  }
0xaf: {  	v4 =	vld.idx.msk [tilespmem:v7+s4+$0x0], $0xffff  }
0xb0: {  	s16 =	simm.s32 $0x1EF20;
	v6 =	vld.idx.msk [tilespmem:v8+s4+$0x0], $0xffff  }
0xb1: {  	v8 =	vld [tilespmem:s16+$0x10];
	v5 =	vshll.u32 v2, $0x3  }
0xb2: {  	v7 =	vand.u32 $0xFFFFFC00, v10;
	v13 =	vand.u32 $0x7F, v2;
	v14 =	vshll.u32 v10, $0x3  }
0xb3: {  	v9 =	vld.idx.msk [tilespmem:v9+s4+$0x0], $0xffff;
	v2 =	vand.u32 $0xFFFFFC00, v2;
	v3 =	vand.u32 $0xFFFFFC00, v3;
	v5 =	vand.u32 $0x1C00, v5  }
0xb4: {  	v15 =	vand.u32 $0xFFFFFC00, v12;
	v3 =	vmul.f32 v3, v2;
	v5 =	vor.u32 v5, v13  }
0xb5: {  	v4 =	vand.u32 $0xFFFFFC00, v4;
	v2 =	vld [tilespmem:s16+$0xFFFFFFE0];
	v13 =	vor.u32 v1, v5;
	v5 =	vand.u32 $0xFFFFFC00, v11  }
0xb6: {  	v18 =	vmul.f32 v3, v8;
	v3 =	vld [tilespmem:s16+$0xFFFFFFF0];
	v5 =	vmul.f32 v4, v5;
	v4 =	vand.u32 $0xFFFFFC00, v6  }
0xb7: {  	v16 =	vshll.u32 v11, $0x3;
	v17 =	vshll.u32 v12, $0x3;
	v6 =	vmul.f32 v4, v7;
	v4 =	vld [tilespmem:s16+$0x0]  }
0xb8: {  	v10 =	vand.u32 $0x7F, v10;
	v9 =	vand.u32 $0xFFFFFC00, v9;
	v12 =	vand.u32 $0x7F, v12  }
0xb9: {  	v16 =	vand.u32 $0x1C00, v16;
	v9 =	vmul.f32 v9, v15;
	v11 =	vand.u32 $0x7F, v11  }
0xba: {  	s17 =	simm.s32 $0x0;
	s24 =	simm.s32 $0x1CF60;
	v8 =	vand.u32 $0x1C00, v14;
	v11 =	vor.u32 v16, v11;
	v7 =	vand.u32 $0x1C00, v17;
	[tilespmem:v13+s22+$0x0] =	vst.idx.add.f32.msk $0xffff, v18  }
.LBB2_7:
0xbb: {  	v13 =	vld [tilespmem:s24+$0x10];
	s17 =	sadd.s32 $0x40, s17;
	v14 =	vmul.f32 v5, v2;
	v2 =	vor.u32 v8, v10;
	v5 =	vor.u32 v7, v12  }
0xbc: {  	v8 =	vor.u32 v1, v11;
	v10 =	vmul.f32 v6, v3;
	v7 =	vld [tilespmem:s24+$0xFFFFFFF0];
	p0 =	slt.u32 s17, $0x780;
	v15 =	vmul.f32 v9, v4  }
0xbd: {  	s15 =	sadd.s32 $0x40, s15;
	v9 =	vor.u32 v1, v2;
	v16 =	vor.u32 v1, v5;
	v3 =	vld [tilespmem:s24+$0x0]  }
0xbe: {  	v2 =	vld [tilespmem:s15+$0x10]  }
0xbf: {  	v4 =	vld [tilespmem:s24+$0xFFFFFFE0]  }
0xc0: {  	v5 =	vld [tilespmem:s15+$0xFFFFFFE0]  }
0xc1: {  	v6 =	vld [tilespmem:s15+$0xFFFFFFF0]  }
0xc2: {  	v11 =	vld [tilespmem:s15+$0x0]  }
0xc3: {  	v12 =	vld.idx.msk [tilespmem:v13+s4+$0x0], $0xffff  }
0xc4: {  	v13 =	vld.idx.msk [tilespmem:v7+s4+$0x0], $0xffff  }
0xc5: {  	v17 =	vld.idx.msk [tilespmem:v3+s4+$0x0], $0xffff  }
0xc6: {  	v3 =	vld.idx.msk [tilespmem:v2+s4+$0x0], $0xffff  }
0xc7: {  	v18 =	vld.idx.msk [tilespmem:v4+s4+$0x0], $0xffff  }
0xc8: {  	v4 =	vld.idx.msk [tilespmem:v5+s4+$0x0], $0xffff  }
0xc9: {  	s16 =	sadd.s32 $0x40, s16;
	v2 =	vshll.u32 v12, $0x3;
	v6 =	vld.idx.msk [tilespmem:v6+s4+$0x0], $0xffff  }
0xca: {  	v5 =	vand.u32 $0x7F, v12;
	v7 =	vand.u32 $0xFFFFFC00, v13;
	v2 =	vand.u32 $0x1C00, v2;
	v19 =	vld [tilespmem:s16+$0x10]  }
0xcb: {  	v20 =	vshll.u32 v13, $0x3;
	v21 =	vand.u32 $0xFFFFFC00, v17;
	v5 =	vor.u32 v2, v5;
	v11 =	vld.idx.msk [tilespmem:v11+s4+$0x0], $0xffff  }
0xcc: {  	v12 =	vand.u32 $0xFFFFFC00, v12;
	v22 =	vand.u32 $0xFFFFFC00, v3;
	v23 =	vor.u32 v1, v5;
	v2 =	vld [tilespmem:s16+$0xFFFFFFE0]  }
0xcd: {  	v5 =	vand.u32 $0xFFFFFC00, v18;
	v24 =	vshll.u32 v18, $0x3;
	v12 =	vmul.f32 v22, v12;
	v3 =	vld [tilespmem:s16+$0xFFFFFFF0]  }
.Ltmp2:
0xce: {  	v25 =	vshll.u32 v17, $0x3;
	v22 =	vand.u32 $0xFFFFFC00, v4;
	v24 =	vand.u32 $0x1C00, v24;
	v4 =	vld [tilespmem:s16+$0x0];
	(pc) =	sbr.rel @p0 .LBB2_7-.Ltmp2, $4  }
0xcf: {  	v5 =	vmul.f32 v22, v5;
	v6 =	vand.u32 $0xFFFFFC00, v6;
	v12 =	vmul.f32 v12, v19;
	[tilespmem:v8+s22+$0x0] =	vst.idx.add.f32.msk $0xffff, v14  }
0xd0: {  	v6 =	vmul.f32 v6, v7;
	v8 =	vand.u32 $0x1C00, v20;
	v7 =	vand.u32 $0x1C00, v25;
	[tilespmem:v9+s22+$0x0] =	vst.idx.add.f32.msk $0xffff, v10  }
0xd1: {  	v9 =	vand.u32 $0x7F, v18;
	v10 =	vand.u32 $0x7F, v13;
	v13 =	vand.u32 $0xFFFFFC00, v11;
	[tilespmem:v23+s22+$0x0] =	vst.idx.add.f32.msk $0xffff, v12  }
0xd2: {  	s24 =	sadd.s32 $0x40, s24;
	v11 =	vor.u32 v24, v9;
	v9 =	vmul.f32 v13, v21;
	v12 =	vand.u32 $0x7F, v17;
	[tilespmem:v16+s22+$0x0] =	vst.idx.add.f32.msk $0xffff, v15  }
0xd3: {  	v8 =	vor.u32 v8, v10;
	v60 =	vor.u32 v1, v11  }
0xd4: {  	v7 =	vor.u32 v7, v12;
	v8 =	vor.u32 v1, v8  }
0xd5: {  	v7 =	vor.u32 v1, v7  }
0xd6: {  	v2 =	vmul.f32 v5, v2  }
0xd7: {  	v3 =	vmul.f32 v6, v3  }
0xd8: {  	v4 =	vmul.f32 v9, v4;
	[tilespmem:v60+s22+$0x0] =	vst.idx.add.f32.msk $0xffff, v2  }
0xd9: {  	[tilespmem:v8+s22+$0x0] =	vst.idx.add.f32.msk $0xffff, v3  }
0xda: {  	[tilespmem:v7+s22+$0x0] =	vst.idx.add.f32.msk $0xffff, v4  }
0xdb: {  	v2 =	vld [tilespmem:$0x1D6C0];
	_ =	sdelay $0x2  }
0xdc: {  	v3 =	vld [tilespmem:$0x1E6C0];
	_ =	sdelay $0x3  }
0xdd: {  	s15 =	simm.s32 $0x0  }
0xde: {  	v2 =	vld.idx.msk [tilespmem:v2+s15+$0x0], $0xffff;
	_ =	sdelay $0x2  }
0xdf: {  	v3 =	vld.idx.msk [tilespmem:v3+s15+$0x0], $0xffff;
	_ =	sdelay $0x1  }
0xe0: {  	v61 =	vshll.u32 v2, $0x3  }
0xe1: {  	v62 =	vld [tilespmem:$0x1F6C0];
	v63 =	vand.u32 $0x7F, v2;
	v4 =	vand.u32 $0x1C00, v61  }
0xe2: {  	s1 =	sadd.s32 $0x1, s1;
	v4 =	vor.u32 v4, v63  }
0xe3: {  	p0 =	sne.s32 s1, $0xA;
	v2 =	vand.u32 $0xFFFFFC00, v2;
	v3 =	vand.u32 $0xFFFFFC00, v3;
	v4 =	vor.u32 v1, v4  }
.Ltmp3:
0xe4: {  	v2 =	vmul.f32 v3, v2;
	(pc) =	sbr.rel @p0 .LBB2_4-.Ltmp3, $3  }
0xe5: {  	_ = 	snop  }
0xe6: {  	v2 =	vmul.f32 v2, v62;
	_ =	sdelay $0x1  }
0xe7: {  	[tilespmem:v4+s22+$0x0] =	vst.idx.add.f32.msk $0xffff, v2  }
0xe8: {  	s1 =	sand.u32 $0x70, s15;
	s16 =	sand.u32 $0x1C00, s15  }
0xe9: {  	s1 =	sor.u32 s1, s16  }
0xea: {  	s16 =	sadd.s32 $0x18700, s1;
	v3 =	vld [tilespmem:s1+$0x18700]  }
0xeb: {  	v2 =	vld [tilespmem:s16+$0x80];
	_ =	sdelay $0x1  }
0xec: {  	v4 =	vld [tilespmem:s16+$0x100];
	_ =	sdelay $0x1  }
0xed: {  	v5 =	vld [tilespmem:s16+$0x180]  }
0xee: {  	v2 =	vadd.f32 v2, v3  }
0xef: {  	v3 =	vld [tilespmem:s16+$0x200]  }
0xf0: {  	v2 =	vadd.f32 v4, v2  }
0xf1: {  	v56 =	vld [tilespmem:s16+$0x280]  }
0xf2: {  	v2 =	vadd.f32 v5, v2  }
0xf3: {  	s25 =	sor.u32 s15, s15;
	v57 =	vld [tilespmem:s16+$0x300]  }
0xf4: {  	s15 =	sor.u32 $0x380, s25;
	v2 =	vadd.f32 v3, v2  }
0xf5: {  	v3 =	vld [tilespmem:s15+$0x18700]  }
0xf6: {  	v2 =	vadd.f32 v56, v2  }
0xf7: {  	v58 =	vld [tilespmem:s1+$0x1A700]  }
0xf8: {  	v2 =	vadd.f32 v57, v2  }
0xf9: {  	v59 =	vld [tilespmem:s1+$0x1A780]  }
0xfa: {  	v2 =	vadd.f32 v3, v2  }
0xfb: {  	v3 =	vld [tilespmem:s1+$0x1A800]  }
0xfc: {  	v2 =	vadd.f32 v58, v2  }
0xfd: {  	v60 =	vld [tilespmem:s1+$0x1A880]  }
0xfe: {  	v2 =	vadd.f32 v59, v2  }
0xff: {  	v61 =	vld [tilespmem:s1+$0x1A900]  }
0x100: {  	v2 =	vadd.f32 v3, v2  }
0x101: {  	v3 =	vld [tilespmem:s1+$0x1A980]  }
0x102: {  	v2 =	vadd.f32 v60, v2  }
0x103: {  	v62 =	vld [tilespmem:s1+$0x1AA00]  }
0x104: {  	v2 =	vadd.f32 v61, v2  }
0x105: {  	v63 =	vld [tilespmem:s1+$0x1AA80]  }
0x106: {  	v2 =	vadd.f32 v3, v2;
	_ =	sdelay $0x1  }
0x107: {  	s16 =	simm.s32 $0x80;
	s15 =	simm.s32 $0x10;
	v2 =	vadd.f32 v62, v2  }
0x108: {  	s24 =	sand.u32 $0x1C00, s16;
	s17 =	sand.u32 $0x70, s15  }
0x109: {  	s24 =	sor.u32 s17, s24;
	s17 =	simm.s32 $0x20;
	v2 =	vadd.f32 v63, v2  }
.LBB2_10:
0x10a: {  	p0 =	sne.s32 s17, $0x3E0;
	s25 =	sadd.s32 $0x18700, s24  }
0x10b: {  	v3 =	vld [tilespmem:s25+$0x80];
	[tilespmem:s1+$0x18700] =	vst v2;
	s1 =	smov.u32 s24  }
0x10c: {  	v2 =	vld [tilespmem:s1+$0x18700];
	_ =	sdelay $0x1  }
0x10d: {  	v4 =	vld [tilespmem:s25+$0x100];
	_ =	sdelay $0x1  }
0x10e: {  	v5 =	vld [tilespmem:s25+$0x180]  }
0x10f: {  	v2 =	vadd.f32 v3, v2  }
0x110: {  	v3 =	vld [tilespmem:s25+$0x200]  }
0x111: {  	v2 =	vadd.f32 v4, v2  }
0x112: {  	v4 =	vld [tilespmem:s25+$0x280]  }
0x113: {  	v2 =	vadd.f32 v5, v2  }
0x114: {  	s24 =	sor.u32 s16, s15;
	s15 =	smov.u32 s17;
	v5 =	vld [tilespmem:s25+$0x300]  }
0x115: {  	s24 =	sor.u32 $0x380, s24;
	v2 =	vadd.f32 v3, v2  }
0x116: {  	v3 =	vld [tilespmem:s24+$0x18700]  }
0x117: {  	v2 =	vadd.f32 v4, v2  }
0x118: {  	v4 =	vld [tilespmem:s1+$0x1A700]  }
0x119: {  	v2 =	vadd.f32 v5, v2  }
0x11a: {  	v5 =	vld [tilespmem:s1+$0x1A780]  }
0x11b: {  	v2 =	vadd.f32 v3, v2  }
0x11c: {  	v3 =	vld [tilespmem:s1+$0x1A800]  }
0x11d: {  	v2 =	vadd.f32 v4, v2  }
0x11e: {  	v4 =	vld [tilespmem:s1+$0x1A880]  }
0x11f: {  	v2 =	vadd.f32 v5, v2  }
0x120: {  	v5 =	vld [tilespmem:s1+$0x1A900]  }
0x121: {  	v2 =	vadd.f32 v3, v2  }
0x122: {  	v3 =	vld [tilespmem:s1+$0x1A980]  }
0x123: {  	v2 =	vadd.f32 v4, v2  }
0x124: {  	v4 =	vld [tilespmem:s1+$0x1AA00]  }
0x125: {  	v2 =	vadd.f32 v5, v2  }
0x126: {  	v5 =	vld [tilespmem:s1+$0x1AA80]  }
.Ltmp4:
0x127: {  	v2 =	vadd.f32 v3, v2;
	(pc) =	sbr.rel @p0 .LBB2_10-.Ltmp4, $4  }
0x128: {  	_ = 	snop  }
0x129: {  	s16 =	sadd.s32 $0x80, s16;
	v2 =	vadd.f32 v4, v2  }
0x12a: {  	s25 =	sand.u32 $0x1C00, s16;
	s24 =	sand.u32 $0x70, s17  }
0x12b: {  	s17 =	sadd.s32 $0x10, s17;
	s24 =	sor.u32 s24, s25;
	v2 =	vadd.f32 v5, v2  }
0x12c: {  	s17 =	sadd.s32 $0x18700, s24  }
0x12d: {  	v3 =	vld [tilespmem:s17+$0x80];
	[tilespmem:s1+$0x18700] =	vst v2  }
0x12e: {  	v2 =	vld [tilespmem:s24+$0x18700];
	_ =	sdelay $0x1  }
0x12f: {  	v4 =	vld [tilespmem:s17+$0x100];
	_ =	sdelay $0x1  }
0x130: {  	v5 =	vld [tilespmem:s17+$0x180]  }
0x131: {  	v2 =	vadd.f32 v3, v2  }
0x132: {  	v3 =	vld [tilespmem:s17+$0x200]  }
0x133: {  	v2 =	vadd.f32 v4, v2  }
0x134: {  	v56 =	vld [tilespmem:s17+$0x280]  }
0x135: {  	v2 =	vadd.f32 v5, v2  }
0x136: {  	s15 =	sor.u32 s16, s15;
	v57 =	vld [tilespmem:s17+$0x300]  }
0x137: {  	s1 =	sor.u32 $0x380, s15;
	v2 =	vadd.f32 v3, v2  }
0x138: {  	v3 =	vld [tilespmem:s1+$0x18700]  }
0x139: {  	v2 =	vadd.f32 v56, v2  }
0x13a: {  	v58 =	vld [tilespmem:s24+$0x1A700]  }
0x13b: {  	v2 =	vadd.f32 v57, v2  }
0x13c: {  	v59 =	vld [tilespmem:s24+$0x1A780]  }
0x13d: {  	v2 =	vadd.f32 v3, v2  }
0x13e: {  	v3 =	vld [tilespmem:s24+$0x1A800]  }
0x13f: {  	v2 =	vadd.f32 v58, v2  }
0x140: {  	v60 =	vld [tilespmem:s24+$0x1A880]  }
0x141: {  	v2 =	vadd.f32 v59, v2  }
0x142: {  	v61 =	vld [tilespmem:s24+$0x1A900]  }
0x143: {  	v2 =	vadd.f32 v3, v2  }
0x144: {  	v3 =	vld [tilespmem:s24+$0x1A980]  }
0x145: {  	v2 =	vadd.f32 v60, v2  }
0x146: {  	v62 =	vld [tilespmem:s24+$0x1AA00]  }
0x147: {  	v2 =	vadd.f32 v61, v2  }
0x148: {  	v63 =	vld [tilespmem:s24+$0x1AA80]  }
0x149: {  	v2 =	vadd.f32 v3, v2;
	_ =	sdelay $0x1  }
0x14a: {  	v2 =	vadd.f32 v62, v2;
	_ =	sdelay $0x1  }
0x14b: {  	v2 =	vadd.f32 v63, v2;
	_ =	sdelay $0x1  }
0x14c: {  	[tilespmem:s24+$0x18700] =	vst v2  }
0x14d: {  	[hbm4b:s12+s4] =	stream.linear.scatter [tilespmem:s22], [sflag:$0x3], $0x80, $0x38;
	[tilespmem:$0x1F700] =	vst v63  }
0x14e: {  	s16 =	sadd.s32 $0x80, s12;
	s17 =	simm.s32 $0x18B00  }
0x14f: {  	[hbm4b:s16+s4] =	stream.linear.scatter [tilespmem:s17], [sflag:$0x3], $0x80, $0x38;
	[tilespmem:$0x1F700] =	vst v63  }
0x150: {  	s25 =	simm.s32 $0x18F00;
	s24 =	sadd.s32 $0x100, s12  }
0x151: {  	[hbm4b:s24+s4] =	stream.linear.scatter [tilespmem:s25], [sflag:$0x3], $0x80, $0x38;
	[tilespmem:$0x1F700] =	vst v63  }
0x152: {  	s15 =	sadd.s32 $0x180, s12  }
0x153: {  	[hbm4b:s15+s4] =	stream.linear.scatter [tilespmem:s26], [sflag:$0x3], $0x80, $0x38;
	[tilespmem:$0x1F700] =	vst v63  }
0x154: {  	s16 =	sadd.s32 $0x200, s12  }
0x155: {  	[hbm4b:s16+s4] =	stream.linear.scatter [tilespmem:s28], [sflag:$0x3], $0x80, $0x38;
	[tilespmem:$0x1F700] =	vst v63  }
0x156: {  	s0 =	sadd.s32 $0x1, s0;
	s17 =	sadd.s32 $0x280, s12  }
0x157: {  	[hbm4b:s17+s4] =	stream.linear.scatter [tilespmem:s29], [sflag:$0x3], $0x80, $0x38;
	[tilespmem:$0x1F700] =	vst v63  }
0x158: {  	p0 =	sne.s32 s0, s13;
	s24 =	sadd.s32 $0x300, s12  }
0x159: {  	[hbm4b:s24+s4] =	stream.linear.scatter [tilespmem:s30], [sflag:$0x3], $0x80, $0x38;
	[tilespmem:$0x1F700] =	vst v63  }
.Ltmp5:
0x15a: {  	s25 =	sadd.s32 $0x380, s12;
	(pc) =	sbr.rel @p0 .LBB2_1-.Ltmp5, $4  }
0x15b: {  	[hbm4b:s25+s4] =	stream.linear.scatter [tilespmem:s31], [sflag:$0x3], $0x80, $0x38;
	[tilespmem:$0x1F700] =	vst v63  }
0x15c: {  	_ =	swait.ge [sflag:s14], $0x400  }
0x15d: {  	[sflag:s14] =	ssyncset.done $0x0  }
0x15e: {  	[sflag:s14] =	ssyncadd.s32 $0xFFFFFC00  }
0x15f: {  	_ =	sfence.sel $0x180000  }
0x160: {  	[bflag:$0x0] =	sbarrier.arrive $0xFFFF  }
0x161: {  	_ =	strace $0x90000047  }
0x162: {  	s0 =	stileid.u32;
	[bflag:$0x2] =	sbarrier.arrive $0xFFFF  }
0x163: {  	p0 =	sne.s32 s0, $0x0;
	s0 =	rddreg [dreg:$0x3]  }
0x164: {  	s0 =	sadd.s32 @!p0 $0x100000, s0  }
0x165: {  	[sflag:s0] =	ssyncadd.tile.s32 @!p0 $0x1;
	_ =	shalt  }
.Lfunc_end2:
_tile_overlayer_lowered:
.L_overlay_start_2:
0x166: {  	(tag) =	ssettag $0x2  }
0x167: {  	s0 =	rddreg [dreg:$0x0];
	s2 =	stileid.u32  }
0x168: {  	s1 =	rddreg [dreg:$0x1];
	p0 =	sne.s32 s2, $0x0  }
0x169: {  	s3 =	rddreg [dreg:$0x2];
	[bflag:$0x3] =	sbarrier.arrive $0xFFFF;
	s2 =	simm.s32 @!p0 $0x1C03  }
0x16a: {  	[timem:s3], [sflag:s2] =	dma.local @!p0 [hbm:s0], s1  }
0x16b: {  	s0 =	simm.s32 @!p0 $0x3  }
0x16c: {  	_ =	swait.ge @!p0 [sflag:s0], s1  }
0x16d: {  	s1 =	ssub.s32 @!p0 $0x0, s1;
	[sflag:s0] =	ssyncset.done @!p0 $0x0  }
0x16e: {  	[sflag:s0] =	ssyncadd.s32 @!p0 s1  }
0x16f: {  	[bflag:$0x3] =	sbarrier.arrive $0xFFFF  }
0x170: {  	_ =	shalt  }

// kernel: kernel.18.cloned.1.call-start
scs
__scs_entry_jumppad:
0x0: {  	(pc) =	sbr.rel $0x88, $3  }
0x1: {  	(tag) =	ssettag $0x0;
	lr =	simm.s32 $0x1  }
0x2: {  	[smem:$0x3F9C] =	sst lr;
	_ =	strace $0xD0000000  }
0x3: {  	_ = 	snop  }
0x4: {  	_ = 	snop  }
0x5: {  	_ = 	snop  }
0x6: {  	_ = 	snop  }
0x7: {  	_ = 	snop  }
__scs_overlays_trampoline_lowered:
0x8: {  	[smem:$0x3FAB] =	sst s0  }
0x9: {  	[smem:$0x3FAC] =	sst s1  }
0xa: {  	[smem:$0x3FAD] =	sst s2  }
0xb: {  	[smem:$0x3FAE] =	sst s3  }
0xc: {  	[smem:$0x3FAF] =	sst s4  }
0xd: {  	[smem:$0x3FB0] =	sst s5  }
0xe: {  	[smem:$0x3FB1] =	sst s6  }
0xf: {  	[smem:$0x3FB2] =	sst s7  }
0x10: {  	[smem:$0x3FB3] =	sst s8  }
0x11: {  	[smem:$0x3FB4] =	sst s9;
	s0 =	simm.s32 @!p0 $0x0  }
0x12: {  	s1 =	sld [smem:$0x3F9A];
	s0 =	simm.s32 @p0 $0x1  }
0x13: {  	[smem:$0x3FB5] =	sst s0;
	s0 =	simm.s32 @!p1 $0x0  }
0x14: {  	s2 =	sld [smem:$0x3F99];
	s0 =	simm.s32 @p1 $0x1  }
0x15: {  	[smem:$0x3FB6] =	sst s0;
	s0 =	simm.s32 @!p2 $0x0  }
0x16: {  	s3 =	sld [smem:$0x3FDB];
	s0 =	simm.s32 @p2 $0x1  }
0x17: {  	s4 =	simm.s32 $0x1BF5;
	[smem:$0x3FB8] =	sst s0  }
0x18: {  	s0 =	sld [smem:$0x3F9B];
	_ =	swait.ge [sflag:s4], $0x0  }
0x19: {  	s7 =	sld [smem:$0x3F9C]  }
0x1a: {  	s8 =	sadd.s32 $0xFFFFE003, lr  }
0x1b: {  	s9 =	sadd.s32 $0xFFFFFEF7, lr;
	s5 =	simm.s32 $0xFFFFFFFF;
	p2 =	slt.u32 s8, $0xFFFFF086  }
0x1c: {  	p1 =	slt.u32 s9, $0xF7A;
	s5 =	simm.s32 @!p2 $0x0  }
0x1d: {  	s5 =	simm.s32 @p1 $0x1;
	p0 =	seq.s32 s7, s2  }
0x1e: {  	s7 =	smul.u32 @!p0 $0xF7A, s2;
	p2 =	seq.s32 @!p0 s5, $0x0  }
0x1f: {  	s9 =	smul.u32 $0xF7A, s1;
	s8 =	simm.s32 @!p0 $0x1BF5;
	p2 =	por !p2, p0  }
0x20: {  	[sflag:s8] =	ssyncset.s32 @!p0 $0xFFFFF086;
	s6 =	sadd.s32 @!p0 s3, s7;
	s7 =	simm.s32 @!p0 $0x108  }
0x21: {  	s3 =	sadd.s32 s3, s9;
	s6 =	sadd.s32 @!p0 $0x88, s6;
	s7 =	simm.s32 @p2 $0x1082  }
0x22: {  	[simem:s7], [sflag:s8] =	dma.local @!p0 [hbm:s6], $0xF7A  }
0x23: {  	s9 =	sor.u32 $0xD0000000, s2;
	s6 =	simm.s32 $0x108;
	_ =	swait.ge @!p0 [sflag:s8], $0x0  }
0x24: {  	s3 =	sadd.s32 $0x88, s3;
	s6 =	simm.s32 @!p1 $0x1082;
	[sflag:s4] =	ssyncset.s32 $0xFFFFF086  }
0x25: {  	[simem:s6], [sflag:s4] =	dma.local [hbm:s3], $0xF7A  }
0x26: {  	[smem:$0x3F9C] =	sst s1;
	(tag) =	ssettag s2;
	_ =	strace s9  }
0x27: {  	s1 =	sld [smem:$0x3FAC]  }
0x28: {  	s2 =	sld [smem:$0x3FAD]  }
0x29: {  	s4 =	sld [smem:$0x3FAF]  }
0x2a: {  	p0 =	seq.s32 s5, $0x0;
	s5 =	sld [smem:$0x3FB0]  }
0x2b: {  	s6 =	sld [smem:$0x3FB1]  }
0x2c: {  	s7 =	sld [smem:$0x3FB2]  }
0x2d: {  	s3 =	simm.s32 $0x108;
	s8 =	sld [smem:$0x3FB3]  }
0x2e: {  	s3 =	simm.s32 @!p0 $0x1082;
	s9 =	sld [smem:$0x3FB4]  }
0x2f: {  	lr =	sadd.s32 s0, s3;
	s0 =	sld [smem:$0x3FAB]  }
0x30: {  	s3 =	sld [smem:$0x3FAE]  }
0x31: {  	[smem:$0x3FB7] =	sst s10  }
0x32: {  	s10 =	sld [smem:$0x3FB5];
	_ =	sdelay $0x3  }
0x33: {  	p0 =	seq.s32 s10, $0x1;
	s10 =	sld [smem:$0x3FB7];
	_ =	sdelay $0x3  }
0x34: {  	[smem:$0x3FB7] =	sst s10  }
0x35: {  	s10 =	sld [smem:$0x3FB6];
	_ =	sdelay $0x3  }
0x36: {  	p1 =	seq.s32 s10, $0x1;
	s10 =	sld [smem:$0x3FB7];
	_ =	sdelay $0x3  }
0x37: {  	[smem:$0x3FB7] =	sst s10  }
0x38: {  	s10 =	sld [smem:$0x3FB8]  }
0x39: {  	_ = 	snop;
	(pc) =	sbr.ind lr, $3  }
0x3a: {  	_ = 	snop  }
0x3b: {  	_ = 	snop  }
0x3c: {  	p2 =	seq.s32 s10, $0x1;
	s10 =	sld [smem:$0x3FB7]  }
0x3d: {  	_ =	shalt  }
0x3e: {  	_ =	shalt  }
0x3f: {  	_ =	shalt  }
0x40: {  	_ =	shalt  }
0x41: {  	_ =	shalt  }
0x42: {  	_ =	shalt  }
0x43: {  	_ =	shalt  }
0x44: {  	_ =	shalt  }
0x45: {  	_ =	shalt  }
0x46: {  	_ =	shalt  }
0x47: {  	_ =	shalt  }
0x48: {  	_ =	shalt  }
0x49: {  	_ =	shalt  }
0x4a: {  	_ =	shalt  }
0x4b: {  	_ =	shalt  }
0x4c: {  	_ =	shalt  }
0x4d: {  	_ =	shalt  }
0x4e: {  	_ =	shalt  }
0x4f: {  	_ =	shalt  }
0x50: {  	_ =	shalt  }
0x51: {  	_ =	shalt  }
0x52: {  	_ =	shalt  }
0x53: {  	_ =	shalt  }
0x54: {  	_ =	shalt  }
0x55: {  	_ =	shalt  }
0x56: {  	_ =	shalt  }
0x57: {  	_ =	shalt  }
0x58: {  	_ =	shalt  }
0x59: {  	_ =	shalt  }
0x5a: {  	_ =	shalt  }
0x5b: {  	_ =	shalt  }
0x5c: {  	_ =	shalt  }
0x5d: {  	_ =	shalt  }
0x5e: {  	_ =	shalt  }
0x5f: {  	_ =	shalt  }
0x60: {  	_ =	shalt  }
0x61: {  	_ =	shalt  }
0x62: {  	_ =	shalt  }
0x63: {  	_ =	shalt  }
0x64: {  	_ =	shalt  }
0x65: {  	_ =	shalt  }
0x66: {  	_ =	shalt  }
0x67: {  	_ =	shalt  }
0x68: {  	_ =	shalt  }
0x69: {  	_ =	shalt  }
0x6a: {  	_ =	shalt  }
0x6b: {  	_ =	shalt  }
0x6c: {  	_ =	shalt  }
0x6d: {  	_ =	shalt  }
0x6e: {  	_ =	shalt  }
0x6f: {  	_ =	shalt  }
0x70: {  	_ =	shalt  }
0x71: {  	_ =	shalt  }
0x72: {  	_ =	shalt  }
0x73: {  	_ =	shalt  }
0x74: {  	_ =	shalt  }
0x75: {  	_ =	shalt  }
0x76: {  	_ =	shalt  }
0x77: {  	_ =	shalt  }
0x78: {  	_ =	shalt  }
0x79: {  	_ =	shalt  }
0x7a: {  	_ =	shalt  }
0x7b: {  	_ =	shalt  }
0x7c: {  	_ =	shalt  }
0x7d: {  	_ =	shalt  }
0x7e: {  	_ =	shalt  }
0x7f: {  	_ =	shalt  }
0x80: {  	_ =	shalt  }
0x81: {  	_ =	shalt  }
0x82: {  	_ =	shalt  }
0x83: {  	_ =	shalt  }
0x84: {  	_ =	shalt  }
0x85: {  	_ =	shalt  }
0x86: {  	_ =	shalt  }
0x87: {  	_ =	shalt  }
.Lfunc_end0:
.L_simem_size_0:
called_computation.2_lowered:
.L_overlay_start_0:
0x88: {  	s2 =	sld [smem:$0x3FD9]  }
0x89: {  	s3 =	sld [smem:$0x3FFE];
	_ =	sdelay $0x1  }
0x8a: {  	s1 =	srdreg.scid  }
0x8b: {  	s0 =	sand.u32 $0x1, s1  }
0x8c: {  	s17 =	sshll.u32 s0, $0xA;
	s2 =	sadd.s32 s3, s2  }
0x8d: {  	s2 =	sadd.s32 s2, s17  }
0x8e: {  	[smem:$0x3FC3] =	sst s2  }
0x8f: {  	_ = 	snop  }
0x90: {  	s18 =	sld [smem:$0x3FC7]  }
0x91: {  	s4 =	sld [smem:$0x3FC6];
	(tm) =	ssettm $0x1  }
0x92: {  	s19 =	sld [smem:$0x3FFB];
	_ =	sdelay $0x3  }
0x93: {  	_ =	strace s19  }
0x94: {  	s2 =	sld [smem:$0x3FFC];
	_ =	sdelay $0x3  }
0x95: {  	_ =	strace s2  }
0x96: {  	s2 =	sld [smem:$0x3FFD];
	_ =	sdelay $0x3  }
0x97: {  	_ =	strace s2  }
0x98: {  	_ =	strace $0x8FFFFFFF  }
0x99: {  	s20 =	sld [smem:$0x3FDB];
	_ =	sdelay $0x1  }
0x9a: {  	s5 =	simm.s32 $_scs_section_size  }
0x9b: {  	s6 =	simm.s32 $_size__tile_overlayer_lowered;
	s7 =	simm.s32 $_tile_overlayer_lowered  }
0x9c: {  	s8 =	simm.s32 $0x1BFF;
	s21 =	sshll.u32 s7, $0x1;
	s5 =	sadd.s32 s5, s20  }
0x9d: {  	s22 =	simm.s32 $0x0;
	s6 =	sshll.u32 s6, $0x1;
	s7 =	sadd.s32 s21, s5  }
0x9e: {  	[timem:s22], [sflag:s8] =	dma.local [hbm:s7], s6  }
0x9f: {  	_ =	swait.ge [sflag:s8], s6  }
0xa0: {  	s6 =	ssub.s32 $0x0, s6;
	[sflag:s8] =	ssyncset.done $0x0  }
0xa1: {  	[sflag:s8] =	ssyncadd.s32 s6;
	_ =	sdelay $0x1  }
0xa2: {  	s23 =	simm.s32 $0x1B8B  }
0xa3: {  	_ =	swait.ge [sflag:s23], $0x1  }
0xa4: {  	[sflag:s23] =	ssyncset.done $0x0  }
0xa5: {  	[sflag:s23] =	ssyncadd.s32 $0xFFFFFFFF  }
0xa6: {  	s6 =	sld [smem:$0x0]  }
0xa7: {  	s7 =	sand.u32 $0xFFFFFFFE, s1  }
0xa8: {  	p0 =	sne.s32 s1, s7  }
0xa9: {  	s7 =	sshll.u32 @p0 s7, $0xE  }
0xaa: {  	s7 =	sadd.s32 @p0 $0x11B8D, s7;
	s8 =	sshll.u32 @p0 s6, $0x11  }
0xab: {  	s7 =	sor.u32 @p0 s8, s7  }
0xac: {  	[sflag:s7] =	ssyncadd.remote.s32 @p0 $0x1;
	_ =	sdelay $0x1  }
0xad: {  	s7 =	simm.s32 @p0 $0x1B8D  }
0xae: {  	_ =	swait.eq @p0 [sflag:s7], $0x1  }
0xaf: {  	[sflag:s7] =	ssyncadd.s32 @p0 $0xFFFFFFFF  }
0xb0: {  	s8 =	sshll.u32 @!p0 s1, $0xE  }
0xb1: {  	s8 =	sor.u32 @!p0 $0x4000, s8;
	s7 =	simm.s32 @!p0 $0x1B8D  }
0xb2: {  	s6 =	sshll.u32 @!p0 s6, $0x11;
	s8 =	sadd.s32 @!p0 $0x11B8D, s8;
	_ =	swait.eq @!p0 [sflag:s7], $0x1  }
0xb3: {  	s6 =	sor.u32 @!p0 s6, s8;
	[sflag:s7] =	ssyncadd.s32 @!p0 $0xFFFFFFFF  }
0xb4: {  	s25 =	simm.s32 $0x1B8E;
	s24 =	sld [smem:$0x3FFE];
	[sflag:s6] =	ssyncadd.remote.s32 @!p0 $0x1  }
0xb5: {  	s26 =	simm.s32 $execute0_lowered;
	[smem:$0x3FD2] =	sst s25  }
0xb6: {  	s7 =	sshll.u32 s26, $0x1;
	_ =	strace $0x8000004C;
	[dreg:$0x1] =	wrdreg $0xFFFFFFFF  }
0xb7: {  	s28 =	simm.s32 $_size_execute0_lowered;
	s5 =	sadd.s32 s5, s7;
	[dreg:$0x0] =	wrdreg $0x0  }
0xb8: {  	s7 =	sshll.u32 s28, $0x1;
	[dreg:$0x2] =	wrdreg s5  }
0xb9: {  	[dreg:$0x3] =	wrdreg s7  }
0xba: {  	[dreg:$0x4] =	wrdreg $0xC0  }
0xbb: {  	_ =	task [dreg:s22], $0x5FFFF  }
0xbc: {  	[dreg:$0x1] =	wrdreg $0xFFFFFFFF  }
0xbd: {  	[dreg:$0x0] =	wrdreg $0x60  }
0xbe: {  	[dreg:$0x2] =	wrdreg s24  }
0xbf: {  	[dreg:$0x3] =	wrdreg s18  }
0xc0: {  	[dreg:$0x4] =	wrdreg s4  }
0xc1: {  	[dreg:$0x5] =	wrdreg $0xB  }
0xc2: {  	_ =	task.clear_ibuf [dreg:s22], $0x6FFFF;
	_ =	strace $0x9000004C  }
0xc3: {  	s29 =	simm.s32 $0xB;
	_ =	strace $0x8000004E  }
0xc4: {  	_ =	swait.ge [sflag:s29], $0x1  }
0xc5: {  	[sflag:s29] =	ssyncadd.s32 $0xFFFFFFFF  }
0xc6: {  	_ =	strace $0x9000004E  }
0xc7: {  	_ =	sfence  }
0xc8: {  	s30 =	sld [smem:$0x0];
	_ =	sdelay $0x2  }
0xc9: {  	s31 =	sshll.u32 s1, $0xD;
	s1 =	sshrl.u32 s1, $0x2  }
0xca: {  	s4 =	sand.u32 $0x4000, s31;
	s1 =	sadd.s32 s1, s30  }
0xcb: {  	s0 =	sor.u32 s4, s0;
	s1 =	sshll.u32 s1, $0x11  }
0xcc: {  	s0 =	sor.u32 s1, s0  }
0xcd: {  	s0 =	sadd.s32 $0x8F2B, s0  }
0xce: {  	[sflag:s0] =	ssyncadd.remote.s32 $0x1  }
0xcf: {  	_ =	sfence.sel $0xFFFF  }
0xd0: {  	[dreg:$0x0] =	wrdreg $0xFFFFFFFF;
	(pc) =	sbr.abs _section_cstart, $3  }
0xd1: {  	[dreg:$0x1] =	wrdreg $0xFFFFFFFF  }
0xd2: {  	_ =	task.clear_ibuf [dreg:s22], $0x2FFFF;
	_ =	strace $0x9FFFFFFF  }
0xd3: {  	(tm) =	ssettm $0x7FFFFFFF  }
tec
execute0_lowered:
.L_overlay_start_1:
0x0: {  	(tag) =	ssettag $0x1  }
0x1: {  	s0 =	rddreg [dreg:$0x0]  }
0x2: {  	s2 =	rddreg [dreg:$0x1];
	v0 =	vimm.s32 $0x2380;
	vm0 =	vcmask $0x300  }
0x3: {  	s3 =	rddreg [dreg:$0x2];
	vm14 =	vcmask $0x704;
	v0 =	vsel vm0, $0x0, v0  }
0x4: {  	s4 =	simm.s32 $0x0;
	s6 =	stileid.u32;
	s1 =	srdreg.scid;
	vm15 =	vcmask $0xB08;
	v0 =	vsel vm14, $0x80, v0  }
0x5: {  	vm4 =	vcmask $0xF0C;
	s14 =	simm.s32 $0x3;
	s18 =	simm.s32 $0x1CF00;
	s19 =	simm.s32 $0x1DF00;
	v0 =	vsel vm15, $0x100, v0  }
0x6: {  	vm5 =	vcmask $0x1310;
	s20 =	simm.s32 $0x1EF00;
	s21 =	simm.s32 $0x1;
	s22 =	simm.s32 $0x18700;
	v0 =	vsel vm4, $0x180, v0  }
0x7: {  	vm6 =	vcmask $0x1714;
	s23 =	simm.s32 $0x2;
	s28 =	simm.s32 $0x19700;
	s29 =	simm.s32 $0x19B00;
	v0 =	vsel vm5, $0x200, v0  }
0x8: {  	vm7 =	vcmask $0x1B18;
	s30 =	simm.s32 $0x19F00;
	s31 =	simm.s32 $0x1A300;
	[smem:$0x7FF] =	sst s4;
	v0 =	vsel vm6, $0x280, v0  }
0x9: {  	vm8 =	vcmask $0x1F1C;
	s1 =	sand.u32 $0x1, s1;
	s5 =	sshll.u32 s6, $0x1;
	s8 =	sshll.u32 s6, $0x8;
	v0 =	vsel vm7, $0x300, v0  }
0xa: {  	vm9 =	vcmask $0x2320;
	s6 =	sadd.s32 $0x2C200, s0;
	_ =	strace $0x8000004D;
	s7 =	sor.u32 s1, s5;
	v0 =	vsel vm8, $0x380, v0  }
0xb: {  	vm10 =	vcmask $0x2724;
	s5 =	sadd.s32 $0x18B400, s0;
	s8 =	sand.u32 $0xC00, s8;
	s1 =	ssub.s32 $0x2, s1;
	v0 =	vsel vm9, $0x2000, v0  }
0xc: {  	vm11 =	vcmask $0x2B28;
	s11 =	smul.u32 $0x9C40, s7;
	s25 =	sshrl.u32 s1, $0x1;
	s10 =	sshll.u32 s7, $0x4;
	v0 =	vsel vm10, $0x2080, v0  }
0xd: {  	vm12 =	vcmask $0x2F2C;
	s0 =	sadd.s32 s8, s0;
	s1 =	ssub.s32 s1, s25;
	s12 =	sand.u32 $0x70, s10;
	v0 =	vsel vm11, $0x2100, v0  }
0xe: {  	vm13 =	vcmask $0x3330;
	s9 =	sshrl.u32 s11, $0x3;
	s10 =	sadd.s32 $0x7D0, s11;
	s0 =	sadd.s32 s12, s0;
	v0 =	vsel vm12, $0x2180, v0  }
0xf: {  	vm14 =	vcmask $0x3734;
	s11 =	sadd.s32 $0xFA0, s11;
	s13 =	smax.u32 s1, $0x1;
	s26 =	sadd.s32 $0x4E200, s9;
	v0 =	vsel vm13, $0x2200, v0  }
0x10: {  	vm15 =	vcmask $0x3B38;
	s9 =	sadd.s32 s6, s9;
	s12 =	sadd.s32 $0x53400, s0;
	s0 =	simm.s32 $0x0;
	v1 =	vsel vm14, $0x2280, v0  }
0x11: {  	s7 =	sadd.s32 s2, s26;
	s8 =	sadd.s32 s3, s26;
	s26 =	simm.s32 $0x19300;
	v0 =	vimm.f32 $0.0e+00;
	v1 =	vsel vm15, $0x2300, v1  }
.LBB2_1:
0x12: {  	[tilespmem:s4], [sflag:$0x3] =	stream.linear.gather [hbm4b:s5+s4], $0x18700, $0x38;
	[tilespmem:$0x1F700] =	vst v63  }
0x13: {  	s1 =	sand.u32 $0x70, s4;
	s15 =	sand.u32 $0x1C00, s4;
	_ =	swait.ge [sflag:s14], $0x18700  }
0x14: {  	s1 =	sor.u32 s1, s15;
	[sflag:s14] =	ssyncset.done $0x0  }
0x15: {  	s17 =	sadd.s32 $0x18700, s1;
	[sflag:s14] =	ssyncadd.s32 $0xFFFE7900  }
0x16: {  	[tilespmem:s17+$0x280] =	vst v0  }
0x17: {  	[tilespmem:s17+$0x200] =	vst v0  }
0x18: {  	[tilespmem:s17+$0x180] =	vst v0  }
0x19: {  	[tilespmem:s17+$0x100] =	vst v0  }
0x1a: {  	[tilespmem:s17+$0x80] =	vst v0  }
0x1b: {  	s24 =	sor.u32 s4, s4;
	s16 =	simm.s32 $0x0;
	s15 =	simm.s32 $0x10;
	[tilespmem:s1+$0x18700] =	vst v0  }
.LBB2_2:
0x1c: {  	p0 =	sne.s32 s15, $0x3E0;
	[tilespmem:s17+$0x300] =	vst v0;
	s17 =	sor.u32 $0x380, s24  }
0x1d: {  	[tilespmem:s17+$0x18700] =	vst v0  }
0x1e: {  	[tilespmem:s1+$0x1A700] =	vst v0  }
0x1f: {  	[tilespmem:s1+$0x1A780] =	vst v0  }
0x20: {  	[tilespmem:s1+$0x1A800] =	vst v0  }
0x21: {  	[tilespmem:s1+$0x1A880] =	vst v0  }
0x22: {  	s16 =	sadd.s32 $0x80, s16;
	[tilespmem:s1+$0x1A900] =	vst v0  }
0x23: {  	s17 =	sand.u32 $0x70, s15;
	s24 =	sand.u32 $0x1C00, s16;
	[tilespmem:s1+$0x1A980] =	vst v0  }
0x24: {  	s24 =	sor.u32 s17, s24;
	[tilespmem:s1+$0x1AA00] =	vst v0  }
0x25: {  	s17 =	sadd.s32 $0x18700, s24;
	[tilespmem:s1+$0x1AA80] =	vst v0;
	s1 =	smov.u32 s24  }
0x26: {  	[tilespmem:s17+$0x280] =	vst v0  }
.Ltmp0:
0x27: {  	[tilespmem:s17+$0x200] =	vst v0;
	(pc) =	sbr.rel @p0 .LBB2_2-.Ltmp0, $4  }
0x28: {  	[tilespmem:s17+$0x180] =	vst v0  }
0x29: {  	[tilespmem:s17+$0x100] =	vst v0  }
0x2a: {  	[tilespmem:s17+$0x80] =	vst v0  }
0x2b: {  	s24 =	sor.u32 s16, s15;
	s15 =	sadd.s32 $0x10, s15;
	[tilespmem:s1+$0x18700] =	vst v0  }
0x2c: {  	[tilespmem:s17+$0x300] =	vst v0;
	s15 =	sor.u32 $0x380, s24  }
0x2d: {  	[tilespmem:s15+$0x18700] =	vst v0  }
0x2e: {  	[tilespmem:s1+$0x1A700] =	vst v0  }
0x2f: {  	[tilespmem:s1+$0x1A780] =	vst v0  }
0x30: {  	[tilespmem:s1+$0x1A800] =	vst v0  }
0x31: {  	[tilespmem:s1+$0x1A880] =	vst v0  }
0x32: {  	[tilespmem:s1+$0x1A900] =	vst v0  }
0x33: {  	[tilespmem:s1+$0x1A980] =	vst v0  }
0x34: {  	[tilespmem:s1+$0x1AA00] =	vst v0  }
0x35: {  	s17 =	simm.s32 $0x1C700;
	[tilespmem:s1+$0x1AA80] =	vst v0;
	s1 =	simm.s32 $0x0  }
0x36: {  	[tilespmem:s17], [sflag:$0x1] =	stream.linear.gather [hbm4b:s7+s1], $0x7D0, $0x38;
	[tilespmem:$0x1F700] =	vst v63  }
0x37: {  	s24 =	simm.s32 $0x1D700  }
0x38: {  	[tilespmem:s24], [sflag:$0x1] =	stream.linear.gather [hbm4b:s8+s1], $0x7D0, $0x38;
	[tilespmem:$0x1F700] =	vst v63  }
0x39: {  	s25 =	simm.s32 $0x1E700  }
0x3a: {  	[tilespmem:s25], [sflag:$0x1] =	stream.linear.gather [hbm4b:s9+s1], $0x7D0, $0x38;
	[tilespmem:$0x1F700] =	vst v63  }
.LBB2_4:
0x3b: {  	s15 =	smul.u32 $0xFA0, s1;
	_ =	sdelay $0x1  }
0x3c: {  	s16 =	sadd.s32 s15, s10  }
0x3d: {  	s16 =	sshrl.u32 s16, $0x3  }
0x3e: {  	s17 =	sadd.s32 $0x4E200, s16  }
0x3f: {  	s24 =	sadd.s32 s2, s17  }
0x40: {  	[tilespmem:s18], [sflag:$0x2] =	stream.linear.gather [hbm4b:s24+s4], $0x7D0, $0x38;
	[tilespmem:$0x1F700] =	vst v63  }
0x41: {  	s17 =	sadd.s32 s3, s17  }
0x42: {  	[tilespmem:s19], [sflag:$0x2] =	stream.linear.gather [hbm4b:s17+s4], $0x7D0, $0x38;
	[tilespmem:$0x1F700] =	vst v63  }
0x43: {  	s16 =	sadd.s32 s6, s16  }
0x44: {  	[tilespmem:s20], [sflag:$0x2] =	stream.linear.gather [hbm4b:s16+s4], $0x7D0, $0x38;
	[tilespmem:$0x1F700] =	vst v63  }
0x45: {  	_ =	swait.ge [sflag:s21], $0x7D0  }
0x46: {  	[sflag:s21] =	ssyncset.done $0x0  }
0x47: {  	[sflag:s21] =	ssyncadd.s32 $0xFFFFF830  }
0x48: {  	_ =	swait.ge [sflag:s21], $0x7D0  }
0x49: {  	[sflag:s21] =	ssyncset.done $0x0  }
0x4a: {  	[sflag:s21] =	ssyncadd.s32 $0xFFFFF830  }
0x4b: {  	_ =	swait.ge [sflag:s21], $0x7D0  }
0x4c: {  	[sflag:s21] =	ssyncset.done $0x0  }
0x4d: {  	s25 =	simm.s32 $0x1C720;
	[sflag:s21] =	ssyncadd.s32 $0xFFFFF830  }
0x4e: {  	v2 =	vld [tilespmem:s25+$0x10]  }
0x4f: {  	v3 =	vld [tilespmem:s25+$0xFFFFFFF0]  }
0x50: {  	s16 =	simm.s32 $0x1D720;
	v4 =	vld [tilespmem:s25+$0x0]  }
0x51: {  	v5 =	vld [tilespmem:s16+$0x10]  }
0x52: {  	v6 =	vld [tilespmem:s25+$0xFFFFFFE0]  }
0x53: {  	v7 =	vld [tilespmem:s16+$0xFFFFFFE0]  }
0x54: {  	v8 =	vld [tilespmem:s16+$0xFFFFFFF0]  }
0x55: {  	v9 =	vld [tilespmem:s16+$0x0]  }
0x56: {  	v2 =	vld.idx.msk [tilespmem:v2+s4+$0x0], $0xffff  }
0x57: {  	v10 =	vld.idx.msk [tilespmem:v3+s4+$0x0], $0xffff  }
0x58: {  	v12 =	vld.idx.msk [tilespmem:v4+s4+$0x0], $0xffff  }
0x59: {  	v3 =	vld.idx.msk [tilespmem:v5+s4+$0x0], $0xffff  }
0x5a: {  	v11 =	vld.idx.msk [tilespmem:v6+s4+$0x0], $0xffff  }
0x5b: {  	v4 =	vld.idx.msk [tilespmem:v7+s4+$0x0], $0xffff  }
0x5c: {  	s17 =	simm.s32 $0x1E720;
	v6 =	vld.idx.msk [tilespmem:v8+s4+$0x0], $0xffff  }
0x5d: {  	v8 =	vld [tilespmem:s17+$0x10];
	v5 =	vshll.u32 v2, $0x3  }
0x5e: {  	v7 =	vand.u32 $0xFFFFFC00, v10;
	v13 =	vand.u32 $0x7F, v2;
	v14 =	vshll.u32 v10, $0x3  }
0x5f: {  	v9 =	vld.idx.msk [tilespmem:v9+s4+$0x0], $0xffff;
	v2 =	vand.u32 $0xFFFFFC00, v2;
	v3 =	vand.u32 $0xFFFFFC00, v3;
	v5 =	vand.u32 $0x1C00, v5  }
0x60: {  	v15 =	vand.u32 $0xFFFFFC00, v12;
	v3 =	vmul.f32 v3, v2;
	v5 =	vor.u32 v5, v13  }
0x61: {  	v4 =	vand.u32 $0xFFFFFC00, v4;
	v2 =	vld [tilespmem:s17+$0xFFFFFFE0];
	v13 =	vor.u32 v1, v5;
	v5 =	vand.u32 $0xFFFFFC00, v11  }
0x62: {  	v18 =	vmul.f32 v3, v8;
	v3 =	vld [tilespmem:s17+$0xFFFFFFF0];
	v5 =	vmul.f32 v4, v5;
	v4 =	vand.u32 $0xFFFFFC00, v6  }
0x63: {  	v16 =	vshll.u32 v11, $0x3;
	v17 =	vshll.u32 v12, $0x3;
	v6 =	vmul.f32 v4, v7;
	v4 =	vld [tilespmem:s17+$0x0]  }
0x64: {  	v10 =	vand.u32 $0x7F, v10;
	v9 =	vand.u32 $0xFFFFFC00, v9;
	v12 =	vand.u32 $0x7F, v12  }
0x65: {  	v16 =	vand.u32 $0x1C00, v16;
	v9 =	vmul.f32 v9, v15;
	v11 =	vand.u32 $0x7F, v11  }
0x66: {  	s24 =	simm.s32 $0x0;
	s25 =	simm.s32 $0x1C760;
	v8 =	vand.u32 $0x1C00, v14;
	v11 =	vor.u32 v16, v11;
	v7 =	vand.u32 $0x1C00, v17;
	[tilespmem:v13+s22+$0x0] =	vst.idx.add.f32.msk $0xffff, v18  }
.LBB2_5:
0x67: {  	v13 =	vld [tilespmem:s25+$0x10];
	s24 =	sadd.s32 $0x40, s24;
	v14 =	vmul.f32 v5, v2;
	v2 =	vor.u32 v8, v10;
	v5 =	vor.u32 v7, v12  }
0x68: {  	v8 =	vor.u32 v1, v11;
	v10 =	vmul.f32 v6, v3;
	v7 =	vld [tilespmem:s25+$0xFFFFFFF0];
	p0 =	slt.u32 s24, $0x780;
	v15 =	vmul.f32 v9, v4  }
0x69: {  	s16 =	sadd.s32 $0x40, s16;
	v9 =	vor.u32 v1, v2;
	v16 =	vor.u32 v1, v5;
	v3 =	vld [tilespmem:s25+$0x0]  }
0x6a: {  	v2 =	vld [tilespmem:s16+$0x10]  }
0x6b: {  	v4 =	vld [tilespmem:s25+$0xFFFFFFE0]  }
0x6c: {  	v5 =	vld [tilespmem:s16+$0xFFFFFFE0]  }
0x6d: {  	v6 =	vld [tilespmem:s16+$0xFFFFFFF0]  }
0x6e: {  	v11 =	vld [tilespmem:s16+$0x0]  }
0x6f: {  	v12 =	vld.idx.msk [tilespmem:v13+s4+$0x0], $0xffff  }
0x70: {  	v13 =	vld.idx.msk [tilespmem:v7+s4+$0x0], $0xffff  }
0x71: {  	v17 =	vld.idx.msk [tilespmem:v3+s4+$0x0], $0xffff  }
0x72: {  	v3 =	vld.idx.msk [tilespmem:v2+s4+$0x0], $0xffff  }
0x73: {  	v18 =	vld.idx.msk [tilespmem:v4+s4+$0x0], $0xffff  }
0x74: {  	v4 =	vld.idx.msk [tilespmem:v5+s4+$0x0], $0xffff  }
0x75: {  	s17 =	sadd.s32 $0x40, s17;
	v2 =	vshll.u32 v12, $0x3;
	v6 =	vld.idx.msk [tilespmem:v6+s4+$0x0], $0xffff  }
0x76: {  	v5 =	vand.u32 $0x7F, v12;
	v7 =	vand.u32 $0xFFFFFC00, v13;
	v2 =	vand.u32 $0x1C00, v2;
	v19 =	vld [tilespmem:s17+$0x10]  }
0x77: {  	v20 =	vshll.u32 v13, $0x3;
	v21 =	vand.u32 $0xFFFFFC00, v17;
	v5 =	vor.u32 v2, v5;
	v11 =	vld.idx.msk [tilespmem:v11+s4+$0x0], $0xffff  }
0x78: {  	v12 =	vand.u32 $0xFFFFFC00, v12;
	v22 =	vand.u32 $0xFFFFFC00, v3;
	v23 =	vor.u32 v1, v5;
	v2 =	vld [tilespmem:s17+$0xFFFFFFE0]  }
0x79: {  	v5 =	vand.u32 $0xFFFFFC00, v18;
	v24 =	vshll.u32 v18, $0x3;
	v12 =	vmul.f32 v22, v12;
	v3 =	vld [tilespmem:s17+$0xFFFFFFF0]  }
.Ltmp1:
0x7a: {  	v25 =	vshll.u32 v17, $0x3;
	v22 =	vand.u32 $0xFFFFFC00, v4;
	v24 =	vand.u32 $0x1C00, v24;
	v4 =	vld [tilespmem:s17+$0x0];
	(pc) =	sbr.rel @p0 .LBB2_5-.Ltmp1, $4  }
0x7b: {  	v5 =	vmul.f32 v22, v5;
	v6 =	vand.u32 $0xFFFFFC00, v6;
	v12 =	vmul.f32 v12, v19;
	[tilespmem:v8+s22+$0x0] =	vst.idx.add.f32.msk $0xffff, v14  }
0x7c: {  	v6 =	vmul.f32 v6, v7;
	v8 =	vand.u32 $0x1C00, v20;
	v7 =	vand.u32 $0x1C00, v25;
	[tilespmem:v9+s22+$0x0] =	vst.idx.add.f32.msk $0xffff, v10  }
0x7d: {  	v9 =	vand.u32 $0x7F, v18;
	v10 =	vand.u32 $0x7F, v13;
	v13 =	vand.u32 $0xFFFFFC00, v11;
	[tilespmem:v23+s22+$0x0] =	vst.idx.add.f32.msk $0xffff, v12  }
0x7e: {  	s25 =	sadd.s32 $0x40, s25;
	v11 =	vor.u32 v24, v9;
	v9 =	vmul.f32 v13, v21;
	v12 =	vand.u32 $0x7F, v17;
	[tilespmem:v16+s22+$0x0] =	vst.idx.add.f32.msk $0xffff, v15  }
0x7f: {  	v8 =	vor.u32 v8, v10;
	v10 =	vor.u32 v1, v11  }
0x80: {  	v7 =	vor.u32 v7, v12;
	v8 =	vor.u32 v1, v8  }
0x81: {  	v7 =	vor.u32 v1, v7  }
0x82: {  	v2 =	vmul.f32 v5, v2  }
0x83: {  	v3 =	vmul.f32 v6, v3  }
0x84: {  	v4 =	vmul.f32 v9, v4;
	[tilespmem:v10+s22+$0x0] =	vst.idx.add.f32.msk $0xffff, v2  }
0x85: {  	[tilespmem:v8+s22+$0x0] =	vst.idx.add.f32.msk $0xffff, v3  }
0x86: {  	[tilespmem:v7+s22+$0x0] =	vst.idx.add.f32.msk $0xffff, v4  }
0x87: {  	v2 =	vld [tilespmem:$0x1CEC0];
	_ =	sdelay $0x2  }
0x88: {  	v3 =	vld [tilespmem:$0x1DEC0];
	_ =	sdelay $0x4  }
0x89: {  	v2 =	vld.idx.msk [tilespmem:v2+s4+$0x0], $0xffff;
	_ =	sdelay $0x2  }
0x8a: {  	v3 =	vld.idx.msk [tilespmem:v3+s4+$0x0], $0xffff;
	_ =	sdelay $0x1  }
0x8b: {  	v4 =	vshll.u32 v2, $0x3  }
0x8c: {  	v5 =	vld [tilespmem:$0x1EEC0];
	v6 =	vand.u32 $0x7F, v2;
	v4 =	vand.u32 $0x1C00, v4  }
0x8d: {  	v4 =	vor.u32 v4, v6  }
0x8e: {  	v2 =	vand.u32 $0xFFFFFC00, v2;
	v3 =	vand.u32 $0xFFFFFC00, v3;
	v4 =	vor.u32 v1, v4  }
0x8f: {  	p0 =	seq.s32 s1, $0x9;
	v2 =	vmul.f32 v3, v2  }
0x90: {  	s15 =	sadd.s32 @!p0 s15, s11  }
0x91: {  	s15 =	sshrl.u32 @!p0 s15, $0x3;
	v2 =	vmul.f32 v2, v5  }
0x92: {  	s16 =	sadd.s32 @!p0 $0x4E200, s15  }
0x93: {  	s24 =	simm.s32 @!p0 $0x0;
	s25 =	simm.s32 @!p0 $0x1C700;
	s17 =	sadd.s32 @!p0 s2, s16;
	[tilespmem:v4+s22+$0x0] =	vst.idx.add.f32.msk $0xffff, v2  }
0x94: {  	[tilespmem:s25], [sflag:$0x1] =	stream.linear.gather @!p0 [hbm4b:s17+s24], $0x7D0, $0x38;
	[tilespmem:$0x1F700] =	vst v63  }
0x95: {  	s16 =	sadd.s32 @!p0 s3, s16;
	s17 =	simm.s32 @!p0 $0x1D700  }
0x96: {  	[tilespmem:s17], [sflag:$0x1] =	stream.linear.gather @!p0 [hbm4b:s16+s24], $0x7D0, $0x38;
	[tilespmem:$0x1F700] =	vst v63  }
0x97: {  	s15 =	sadd.s32 @!p0 s6, s15;
	s16 =	simm.s32 @!p0 $0x1E700  }
0x98: {  	[tilespmem:s16], [sflag:$0x1] =	stream.linear.gather @!p0 [hbm4b:s15+s24], $0x7D0, $0x38;
	[tilespmem:$0x1F700] =	vst v63  }
0x99: {  	_ =	swait.ge [sflag:s23], $0x7D0  }
0x9a: {  	[sflag:s23] =	ssyncset.done $0x0  }
0x9b: {  	[sflag:s23] =	ssyncadd.s32 $0xFFFFF830  }
0x9c: {  	_ =	swait.ge [sflag:s23], $0x7D0  }
0x9d: {  	[sflag:s23] =	ssyncset.done $0x0  }
0x9e: {  	[sflag:s23] =	ssyncadd.s32 $0xFFFFF830  }
0x9f: {  	_ =	swait.ge [sflag:s23], $0x7D0  }
0xa0: {  	[sflag:s23] =	ssyncset.done $0x0  }
0xa1: {  	s25 =	simm.s32 $0x1CF20;
	[sflag:s23] =	ssyncadd.s32 $0xFFFFF830  }
0xa2: {  	v2 =	vld [tilespmem:s25+$0x10]  }
0xa3: {  	v3 =	vld [tilespmem:s25+$0xFFFFFFF0]  }
0xa4: {  	s15 =	simm.s32 $0x1DF20;
	v4 =	vld [tilespmem:s25+$0x0]  }
0xa5: {  	v5 =	vld [tilespmem:s15+$0x10]  }
0xa6: {  	v6 =	vld [tilespmem:s25+$0xFFFFFFE0]  }
0xa7: {  	v7 =	vld [tilespmem:s15+$0xFFFFFFE0]  }
0xa8: {  	v8 =	vld [tilespmem:s15+$0xFFFFFFF0]  }
0xa9: {  	v9 =	vld [tilespmem:s15+$0x0]  }
0xaa: {  	v2 =	vld.idx.msk [tilespmem:v2+s4+$0x0], $0xffff  }
0xab: {  	v10 =	vld.idx.msk [tilespmem:v3+s4+$0x0], $0xffff  }
0xac: {  	v12 =	vld.idx.msk [tilespmem:v4+s4+$0x0], $0xffff  }
0xad: {  	v3 =	vld.idx.msk [tilespmem:v5+s4+$0x0], $0xffff  }
0xae: {  	v11 =	vld.idx.msk [tilespmem:v6+s4+$0x0], $0xffff  }
0xaf: {  	v4 =	vld.idx.msk [tilespmem:v7+s4+$0x0], $0xffff  }
0xb0: {  	s16 =	simm.s32 $0x1EF20;
	v6 =	vld.idx.msk [tilespmem:v8+s4+$0x0], $0xffff  }
0xb1: {  	v8 =	vld [tilespmem:s16+$0x10];
	v5 =	vshll.u32 v2, $0x3  }
0xb2: {  	v7 =	vand.u32 $0xFFFFFC00, v10;
	v13 =	vand.u32 $0x7F, v2;
	v14 =	vshll.u32 v10, $0x3  }
0xb3: {  	v9 =	vld.idx.msk [tilespmem:v9+s4+$0x0], $0xffff;
	v2 =	vand.u32 $0xFFFFFC00, v2;
	v3 =	vand.u32 $0xFFFFFC00, v3;
	v5 =	vand.u32 $0x1C00, v5  }
0xb4: {  	v15 =	vand.u32 $0xFFFFFC00, v12;
	v3 =	vmul.f32 v3, v2;
	v5 =	vor.u32 v5, v13  }
0xb5: {  	v4 =	vand.u32 $0xFFFFFC00, v4;
	v2 =	vld [tilespmem:s16+$0xFFFFFFE0];
	v13 =	vor.u32 v1, v5;
	v5 =	vand.u32 $0xFFFFFC00, v11  }
0xb6: {  	v18 =	vmul.f32 v3, v8;
	v3 =	vld [tilespmem:s16+$0xFFFFFFF0];
	v5 =	vmul.f32 v4, v5;
	v4 =	vand.u32 $0xFFFFFC00, v6  }
0xb7: {  	v16 =	vshll.u32 v11, $0x3;
	v17 =	vshll.u32 v12, $0x3;
	v6 =	vmul.f32 v4, v7;
	v4 =	vld [tilespmem:s16+$0x0]  }
0xb8: {  	v10 =	vand.u32 $0x7F, v10;
	v9 =	vand.u32 $0xFFFFFC00, v9;
	v12 =	vand.u32 $0x7F, v12  }
0xb9: {  	v16 =	vand.u32 $0x1C00, v16;
	v9 =	vmul.f32 v9, v15;
	v11 =	vand.u32 $0x7F, v11  }
0xba: {  	s17 =	simm.s32 $0x0;
	s24 =	simm.s32 $0x1CF60;
	v8 =	vand.u32 $0x1C00, v14;
	v11 =	vor.u32 v16, v11;
	v7 =	vand.u32 $0x1C00, v17;
	[tilespmem:v13+s22+$0x0] =	vst.idx.add.f32.msk $0xffff, v18  }
.LBB2_7:
0xbb: {  	v13 =	vld [tilespmem:s24+$0x10];
	s17 =	sadd.s32 $0x40, s17;
	v14 =	vmul.f32 v5, v2;
	v2 =	vor.u32 v8, v10;
	v5 =	vor.u32 v7, v12  }
0xbc: {  	v8 =	vor.u32 v1, v11;
	v10 =	vmul.f32 v6, v3;
	v7 =	vld [tilespmem:s24+$0xFFFFFFF0];
	p0 =	slt.u32 s17, $0x780;
	v15 =	vmul.f32 v9, v4  }
0xbd: {  	s15 =	sadd.s32 $0x40, s15;
	v9 =	vor.u32 v1, v2;
	v16 =	vor.u32 v1, v5;
	v3 =	vld [tilespmem:s24+$0x0]  }
0xbe: {  	v2 =	vld [tilespmem:s15+$0x10]  }
0xbf: {  	v4 =	vld [tilespmem:s24+$0xFFFFFFE0]  }
0xc0: {  	v5 =	vld [tilespmem:s15+$0xFFFFFFE0]  }
0xc1: {  	v6 =	vld [tilespmem:s15+$0xFFFFFFF0]  }
0xc2: {  	v11 =	vld [tilespmem:s15+$0x0]  }
0xc3: {  	v12 =	vld.idx.msk [tilespmem:v13+s4+$0x0], $0xffff  }
0xc4: {  	v13 =	vld.idx.msk [tilespmem:v7+s4+$0x0], $0xffff  }
0xc5: {  	v17 =	vld.idx.msk [tilespmem:v3+s4+$0x0], $0xffff  }
0xc6: {  	v3 =	vld.idx.msk [tilespmem:v2+s4+$0x0], $0xffff  }
0xc7: {  	v18 =	vld.idx.msk [tilespmem:v4+s4+$0x0], $0xffff  }
0xc8: {  	v4 =	vld.idx.msk [tilespmem:v5+s4+$0x0], $0xffff  }
0xc9: {  	s16 =	sadd.s32 $0x40, s16;
	v2 =	vshll.u32 v12, $0x3;
	v6 =	vld.idx.msk [tilespmem:v6+s4+$0x0], $0xffff  }
0xca: {  	v5 =	vand.u32 $0x7F, v12;
	v7 =	vand.u32 $0xFFFFFC00, v13;
	v2 =	vand.u32 $0x1C00, v2;
	v19 =	vld [tilespmem:s16+$0x10]  }
0xcb: {  	v20 =	vshll.u32 v13, $0x3;
	v21 =	vand.u32 $0xFFFFFC00, v17;
	v5 =	vor.u32 v2, v5;
	v11 =	vld.idx.msk [tilespmem:v11+s4+$0x0], $0xffff  }
0xcc: {  	v12 =	vand.u32 $0xFFFFFC00, v12;
	v22 =	vand.u32 $0xFFFFFC00, v3;
	v23 =	vor.u32 v1, v5;
	v2 =	vld [tilespmem:s16+$0xFFFFFFE0]  }
0xcd: {  	v5 =	vand.u32 $0xFFFFFC00, v18;
	v24 =	vshll.u32 v18, $0x3;
	v12 =	vmul.f32 v22, v12;
	v3 =	vld [tilespmem:s16+$0xFFFFFFF0]  }
.Ltmp2:
0xce: {  	v25 =	vshll.u32 v17, $0x3;
	v22 =	vand.u32 $0xFFFFFC00, v4;
	v24 =	vand.u32 $0x1C00, v24;
	v4 =	vld [tilespmem:s16+$0x0];
	(pc) =	sbr.rel @p0 .LBB2_7-.Ltmp2, $4  }
0xcf: {  	v5 =	vmul.f32 v22, v5;
	v6 =	vand.u32 $0xFFFFFC00, v6;
	v12 =	vmul.f32 v12, v19;
	[tilespmem:v8+s22+$0x0] =	vst.idx.add.f32.msk $0xffff, v14  }
0xd0: {  	v6 =	vmul.f32 v6, v7;
	v8 =	vand.u32 $0x1C00, v20;
	v7 =	vand.u32 $0x1C00, v25;
	[tilespmem:v9+s22+$0x0] =	vst.idx.add.f32.msk $0xffff, v10  }
0xd1: {  	v9 =	vand.u32 $0x7F, v18;
	v10 =	vand.u32 $0x7F, v13;
	v13 =	vand.u32 $0xFFFFFC00, v11;
	[tilespmem:v23+s22+$0x0] =	vst.idx.add.f32.msk $0xffff, v12  }
0xd2: {  	s24 =	sadd.s32 $0x40, s24;
	v11 =	vor.u32 v24, v9;
	v9 =	vmul.f32 v13, v21;
	v12 =	vand.u32 $0x7F, v17;
	[tilespmem:v16+s22+$0x0] =	vst.idx.add.f32.msk $0xffff, v15  }
0xd3: {  	v8 =	vor.u32 v8, v10;
	v60 =	vor.u32 v1, v11  }
0xd4: {  	v7 =	vor.u32 v7, v12;
	v8 =	vor.u32 v1, v8  }
0xd5: {  	v7 =	vor.u32 v1, v7  }
0xd6: {  	v2 =	vmul.f32 v5, v2  }
0xd7: {  	v3 =	vmul.f32 v6, v3  }
0xd8: {  	v4 =	vmul.f32 v9, v4;
	[tilespmem:v60+s22+$0x0] =	vst.idx.add.f32.msk $0xffff, v2  }
0xd9: {  	[tilespmem:v8+s22+$0x0] =	vst.idx.add.f32.msk $0xffff, v3  }
0xda: {  	[tilespmem:v7+s22+$0x0] =	vst.idx.add.f32.msk $0xffff, v4  }
0xdb: {  	v2 =	vld [tilespmem:$0x1D6C0];
	_ =	sdelay $0x2  }
0xdc: {  	v3 =	vld [tilespmem:$0x1E6C0];
	_ =	sdelay $0x3  }
0xdd: {  	s15 =	simm.s32 $0x0  }
0xde: {  	v2 =	vld.idx.msk [tilespmem:v2+s15+$0x0], $0xffff;
	_ =	sdelay $0x2  }
0xdf: {  	v3 =	vld.idx.msk [tilespmem:v3+s15+$0x0], $0xffff;
	_ =	sdelay $0x1  }
0xe0: {  	v61 =	vshll.u32 v2, $0x3  }
0xe1: {  	v62 =	vld [tilespmem:$0x1F6C0];
	v63 =	vand.u32 $0x7F, v2;
	v4 =	vand.u32 $0x1C00, v61  }
0xe2: {  	s1 =	sadd.s32 $0x1, s1;
	v4 =	vor.u32 v4, v63  }
0xe3: {  	p0 =	sne.s32 s1, $0xA;
	v2 =	vand.u32 $0xFFFFFC00, v2;
	v3 =	vand.u32 $0xFFFFFC00, v3;
	v4 =	vor.u32 v1, v4  }
.Ltmp3:
0xe4: {  	v2 =	vmul.f32 v3, v2;
	(pc) =	sbr.rel @p0 .LBB2_4-.Ltmp3, $3  }
0xe5: {  	_ = 	snop  }
0xe6: {  	v2 =	vmul.f32 v2, v62;
	_ =	sdelay $0x1  }
0xe7: {  	[tilespmem:v4+s22+$0x0] =	vst.idx.add.f32.msk $0xffff, v2  }
0xe8: {  	s1 =	sand.u32 $0x70, s15;
	s16 =	sand.u32 $0x1C00, s15  }
0xe9: {  	s1 =	sor.u32 s1, s16  }
0xea: {  	s16 =	sadd.s32 $0x18700, s1;
	v3 =	vld [tilespmem:s1+$0x18700]  }
0xeb: {  	v2 =	vld [tilespmem:s16+$0x80];
	_ =	sdelay $0x1  }
0xec: {  	v4 =	vld [tilespmem:s16+$0x100];
	_ =	sdelay $0x1  }
0xed: {  	v5 =	vld [tilespmem:s16+$0x180]  }
0xee: {  	v2 =	vadd.f32 v2, v3  }
0xef: {  	v3 =	vld [tilespmem:s16+$0x200]  }
0xf0: {  	v2 =	vadd.f32 v4, v2  }
0xf1: {  	v56 =	vld [tilespmem:s16+$0x280]  }
0xf2: {  	v2 =	vadd.f32 v5, v2  }
0xf3: {  	s25 =	sor.u32 s15, s15;
	v57 =	vld [tilespmem:s16+$0x300]  }
0xf4: {  	s15 =	sor.u32 $0x380, s25;
	v2 =	vadd.f32 v3, v2  }
0xf5: {  	v3 =	vld [tilespmem:s15+$0x18700]  }
0xf6: {  	v2 =	vadd.f32 v56, v2  }
0xf7: {  	v58 =	vld [tilespmem:s1+$0x1A700]  }
0xf8: {  	v2 =	vadd.f32 v57, v2  }
0xf9: {  	v59 =	vld [tilespmem:s1+$0x1A780]  }
0xfa: {  	v2 =	vadd.f32 v3, v2  }
0xfb: {  	v3 =	vld [tilespmem:s1+$0x1A800]  }
0xfc: {  	v2 =	vadd.f32 v58, v2  }
0xfd: {  	v60 =	vld [tilespmem:s1+$0x1A880]  }
0xfe: {  	v2 =	vadd.f32 v59, v2  }
0xff: {  	v61 =	vld [tilespmem:s1+$0x1A900]  }
0x100: {  	v2 =	vadd.f32 v3, v2  }
0x101: {  	v3 =	vld [tilespmem:s1+$0x1A980]  }
0x102: {  	v2 =	vadd.f32 v60, v2  }
0x103: {  	v62 =	vld [tilespmem:s1+$0x1AA00]  }
0x104: {  	v2 =	vadd.f32 v61, v2  }
0x105: {  	v63 =	vld [tilespmem:s1+$0x1AA80]  }
0x106: {  	v2 =	vadd.f32 v3, v2;
	_ =	sdelay $0x1  }
0x107: {  	s16 =	simm.s32 $0x80;
	s15 =	simm.s32 $0x10;
	v2 =	vadd.f32 v62, v2  }
0x108: {  	s24 =	sand.u32 $0x1C00, s16;
	s17 =	sand.u32 $0x70, s15  }
0x109: {  	s24 =	sor.u32 s17, s24;
	s17 =	simm.s32 $0x20;
	v2 =	vadd.f32 v63, v2  }
.LBB2_10:
0x10a: {  	p0 =	sne.s32 s17, $0x3E0;
	s25 =	sadd.s32 $0x18700, s24  }
0x10b: {  	v3 =	vld [tilespmem:s25+$0x80];
	[tilespmem:s1+$0x18700] =	vst v2;
	s1 =	smov.u32 s24  }
0x10c: {  	v2 =	vld [tilespmem:s1+$0x18700];
	_ =	sdelay $0x1  }
0x10d: {  	v4 =	vld [tilespmem:s25+$0x100];
	_ =	sdelay $0x1  }
0x10e: {  	v5 =	vld [tilespmem:s25+$0x180]  }
0x10f: {  	v2 =	vadd.f32 v3, v2  }
0x110: {  	v3 =	vld [tilespmem:s25+$0x200]  }
0x111: {  	v2 =	vadd.f32 v4, v2  }
0x112: {  	v4 =	vld [tilespmem:s25+$0x280]  }
0x113: {  	v2 =	vadd.f32 v5, v2  }
0x114: {  	s24 =	sor.u32 s16, s15;
	s15 =	smov.u32 s17;
	v5 =	vld [tilespmem:s25+$0x300]  }
0x115: {  	s24 =	sor.u32 $0x380, s24;
	v2 =	vadd.f32 v3, v2  }
0x116: {  	v3 =	vld [tilespmem:s24+$0x18700]  }
0x117: {  	v2 =	vadd.f32 v4, v2  }
0x118: {  	v4 =	vld [tilespmem:s1+$0x1A700]  }
0x119: {  	v2 =	vadd.f32 v5, v2  }
0x11a: {  	v5 =	vld [tilespmem:s1+$0x1A780]  }
0x11b: {  	v2 =	vadd.f32 v3, v2  }
0x11c: {  	v3 =	vld [tilespmem:s1+$0x1A800]  }
0x11d: {  	v2 =	vadd.f32 v4, v2  }
0x11e: {  	v4 =	vld [tilespmem:s1+$0x1A880]  }
0x11f: {  	v2 =	vadd.f32 v5, v2  }
0x120: {  	v5 =	vld [tilespmem:s1+$0x1A900]  }
0x121: {  	v2 =	vadd.f32 v3, v2  }
0x122: {  	v3 =	vld [tilespmem:s1+$0x1A980]  }
0x123: {  	v2 =	vadd.f32 v4, v2  }
0x124: {  	v4 =	vld [tilespmem:s1+$0x1AA00]  }
0x125: {  	v2 =	vadd.f32 v5, v2  }
0x126: {  	v5 =	vld [tilespmem:s1+$0x1AA80]  }
.Ltmp4:
0x127: {  	v2 =	vadd.f32 v3, v2;
	(pc) =	sbr.rel @p0 .LBB2_10-.Ltmp4, $4  }
0x128: {  	_ = 	snop  }
0x129: {  	s16 =	sadd.s32 $0x80, s16;
	v2 =	vadd.f32 v4, v2  }
0x12a: {  	s25 =	sand.u32 $0x1C00, s16;
	s24 =	sand.u32 $0x70, s17  }
0x12b: {  	s17 =	sadd.s32 $0x10, s17;
	s24 =	sor.u32 s24, s25;
	v2 =	vadd.f32 v5, v2  }
0x12c: {  	s17 =	sadd.s32 $0x18700, s24  }
0x12d: {  	v3 =	vld [tilespmem:s17+$0x80];
	[tilespmem:s1+$0x18700] =	vst v2  }
0x12e: {  	v2 =	vld [tilespmem:s24+$0x18700];
	_ =	sdelay $0x1  }
0x12f: {  	v4 =	vld [tilespmem:s17+$0x100];
	_ =	sdelay $0x1  }
0x130: {  	v5 =	vld [tilespmem:s17+$0x180]  }
0x131: {  	v2 =	vadd.f32 v3, v2  }
0x132: {  	v3 =	vld [tilespmem:s17+$0x200]  }
0x133: {  	v2 =	vadd.f32 v4, v2  }
0x134: {  	v56 =	vld [tilespmem:s17+$0x280]  }
0x135: {  	v2 =	vadd.f32 v5, v2  }
0x136: {  	s15 =	sor.u32 s16, s15;
	v57 =	vld [tilespmem:s17+$0x300]  }
0x137: {  	s1 =	sor.u32 $0x380, s15;
	v2 =	vadd.f32 v3, v2  }
0x138: {  	v3 =	vld [tilespmem:s1+$0x18700]  }
0x139: {  	v2 =	vadd.f32 v56, v2  }
0x13a: {  	v58 =	vld [tilespmem:s24+$0x1A700]  }
0x13b: {  	v2 =	vadd.f32 v57, v2  }
0x13c: {  	v59 =	vld [tilespmem:s24+$0x1A780]  }
0x13d: {  	v2 =	vadd.f32 v3, v2  }
0x13e: {  	v3 =	vld [tilespmem:s24+$0x1A800]  }
0x13f: {  	v2 =	vadd.f32 v58, v2  }
0x140: {  	v60 =	vld [tilespmem:s24+$0x1A880]  }
0x141: {  	v2 =	vadd.f32 v59, v2  }
0x142: {  	v61 =	vld [tilespmem:s24+$0x1A900]  }
0x143: {  	v2 =	vadd.f32 v3, v2  }
0x144: {  	v3 =	vld [tilespmem:s24+$0x1A980]  }
0x145: {  	v2 =	vadd.f32 v60, v2  }
0x146: {  	v62 =	vld [tilespmem:s24+$0x1AA00]  }
0x147: {  	v2 =	vadd.f32 v61, v2  }
0x148: {  	v63 =	vld [tilespmem:s24+$0x1AA80]  }
0x149: {  	v2 =	vadd.f32 v3, v2;
	_ =	sdelay $0x1  }
0x14a: {  	v2 =	vadd.f32 v62, v2;
	_ =	sdelay $0x1  }
0x14b: {  	v2 =	vadd.f32 v63, v2;
	_ =	sdelay $0x1  }
0x14c: {  	[tilespmem:s24+$0x18700] =	vst v2  }
0x14d: {  	[hbm4b:s12+s4] =	stream.linear.scatter [tilespmem:s22], [sflag:$0x3], $0x80, $0x38;
	[tilespmem:$0x1F700] =	vst v63  }
0x14e: {  	s16 =	sadd.s32 $0x80, s12;
	s17 =	simm.s32 $0x18B00  }
0x14f: {  	[hbm4b:s16+s4] =	stream.linear.scatter [tilespmem:s17], [sflag:$0x3], $0x80, $0x38;
	[tilespmem:$0x1F700] =	vst v63  }
0x150: {  	s25 =	simm.s32 $0x18F00;
	s24 =	sadd.s32 $0x100, s12  }
0x151: {  	[hbm4b:s24+s4] =	stream.linear.scatter [tilespmem:s25], [sflag:$0x3], $0x80, $0x38;
	[tilespmem:$0x1F700] =	vst v63  }
0x152: {  	s15 =	sadd.s32 $0x180, s12  }
0x153: {  	[hbm4b:s15+s4] =	stream.linear.scatter [tilespmem:s26], [sflag:$0x3], $0x80, $0x38;
	[tilespmem:$0x1F700] =	vst v63  }
0x154: {  	s16 =	sadd.s32 $0x200, s12  }
0x155: {  	[hbm4b:s16+s4] =	stream.linear.scatter [tilespmem:s28], [sflag:$0x3], $0x80, $0x38;
	[tilespmem:$0x1F700] =	vst v63  }
0x156: {  	s0 =	sadd.s32 $0x1, s0;
	s17 =	sadd.s32 $0x280, s12  }
0x157: {  	[hbm4b:s17+s4] =	stream.linear.scatter [tilespmem:s29], [sflag:$0x3], $0x80, $0x38;
	[tilespmem:$0x1F700] =	vst v63  }
0x158: {  	p0 =	sne.s32 s0, s13;
	s24 =	sadd.s32 $0x300, s12  }
0x159: {  	[hbm4b:s24+s4] =	stream.linear.scatter [tilespmem:s30], [sflag:$0x3], $0x80, $0x38;
	[tilespmem:$0x1F700] =	vst v63  }
.Ltmp5:
0x15a: {  	s25 =	sadd.s32 $0x380, s12;
	(pc) =	sbr.rel @p0 .LBB2_1-.Ltmp5, $4  }
0x15b: {  	[hbm4b:s25+s4] =	stream.linear.scatter [tilespmem:s31], [sflag:$0x3], $0x80, $0x38;
	[tilespmem:$0x1F700] =	vst v63  }
0x15c: {  	_ =	swait.ge [sflag:s14], $0x400  }
0x15d: {  	[sflag:s14] =	ssyncset.done $0x0  }
0x15e: {  	[sflag:s14] =	ssyncadd.s32 $0xFFFFFC00  }
0x15f: {  	_ =	sfence.sel $0x180000  }
0x160: {  	[bflag:$0x0] =	sbarrier.arrive $0xFFFF  }
0x161: {  	_ =	strace $0x9000004D  }
0x162: {  	s0 =	stileid.u32;
	[bflag:$0x2] =	sbarrier.arrive $0xFFFF  }
0x163: {  	p0 =	sne.s32 s0, $0x0;
	s0 =	rddreg [dreg:$0x3]  }
0x164: {  	s0 =	sadd.s32 @!p0 $0x100000, s0  }
0x165: {  	[sflag:s0] =	ssyncadd.tile.s32 @!p0 $0x1;
	_ =	shalt  }
.Lfunc_end2:
_tile_overlayer_lowered:
.L_overlay_start_2:
0x166: {  	(tag) =	ssettag $0x2  }
0x167: {  	s0 =	rddreg [dreg:$0x0];
	s2 =	stileid.u32  }
0x168: {  	s1 =	rddreg [dreg:$0x1];
	p0 =	sne.s32 s2, $0x0  }
0x169: {  	s3 =	rddreg [dreg:$0x2];
	[bflag:$0x3] =	sbarrier.arrive $0xFFFF;
	s2 =	simm.s32 @!p0 $0x1C03  }
0x16a: {  	[timem:s3], [sflag:s2] =	dma.local @!p0 [hbm:s0], s1  }
0x16b: {  	s0 =	simm.s32 @!p0 $0x3  }
0x16c: {  	_ =	swait.ge @!p0 [sflag:s0], s1  }
0x16d: {  	s1 =	ssub.s32 @!p0 $0x0, s1;
	[sflag:s0] =	ssyncset.done @!p0 $0x0  }
0x16e: {  	[sflag:s0] =	ssyncadd.s32 @!p0 s1  }
0x16f: {  	[bflag:$0x3] =	sbarrier.arrive $0xFFFF  }
0x170: {  	_ =	shalt  }

// kernel: kernel.21.cloned.1.call-start
scs
__scs_entry_jumppad:
0x0: {  	(pc) =	sbr.rel $0x88, $3  }
0x1: {  	(tag) =	ssettag $0x0;
	lr =	simm.s32 $0x1  }
0x2: {  	[smem:$0x3F9C] =	sst lr;
	_ =	strace $0xD0000000  }
0x3: {  	_ = 	snop  }
0x4: {  	_ = 	snop  }
0x5: {  	_ = 	snop  }
0x6: {  	_ = 	snop  }
0x7: {  	_ = 	snop  }
__scs_overlays_trampoline_lowered:
0x8: {  	[smem:$0x3FAB] =	sst s0  }
0x9: {  	[smem:$0x3FAC] =	sst s1  }
0xa: {  	[smem:$0x3FAD] =	sst s2  }
0xb: {  	[smem:$0x3FAE] =	sst s3  }
0xc: {  	[smem:$0x3FAF] =	sst s4  }
0xd: {  	[smem:$0x3FB0] =	sst s5  }
0xe: {  	[smem:$0x3FB1] =	sst s6  }
0xf: {  	[smem:$0x3FB2] =	sst s7  }
0x10: {  	[smem:$0x3FB3] =	sst s8  }
0x11: {  	[smem:$0x3FB4] =	sst s9;
	s0 =	simm.s32 @!p0 $0x0  }
0x12: {  	s1 =	sld [smem:$0x3F9A];
	s0 =	simm.s32 @p0 $0x1  }
0x13: {  	[smem:$0x3FB5] =	sst s0;
	s0 =	simm.s32 @!p1 $0x0  }
0x14: {  	s2 =	sld [smem:$0x3F99];
	s0 =	simm.s32 @p1 $0x1  }
0x15: {  	[smem:$0x3FB6] =	sst s0;
	s0 =	simm.s32 @!p2 $0x0  }
0x16: {  	s3 =	sld [smem:$0x3FDB];
	s0 =	simm.s32 @p2 $0x1  }
0x17: {  	s4 =	simm.s32 $0x1BF5;
	[smem:$0x3FB8] =	sst s0  }
0x18: {  	s0 =	sld [smem:$0x3F9B];
	_ =	swait.ge [sflag:s4], $0x0  }
0x19: {  	s7 =	sld [smem:$0x3F9C]  }
0x1a: {  	s8 =	sadd.s32 $0xFFFFE003, lr  }
0x1b: {  	s9 =	sadd.s32 $0xFFFFFEF7, lr;
	s5 =	simm.s32 $0xFFFFFFFF;
	p2 =	slt.u32 s8, $0xFFFFF086  }
0x1c: {  	p1 =	slt.u32 s9, $0xF7A;
	s5 =	simm.s32 @!p2 $0x0  }
0x1d: {  	s5 =	simm.s32 @p1 $0x1;
	p0 =	seq.s32 s7, s2  }
0x1e: {  	s7 =	smul.u32 @!p0 $0xF7A, s2;
	p2 =	seq.s32 @!p0 s5, $0x0  }
0x1f: {  	s9 =	smul.u32 $0xF7A, s1;
	s8 =	simm.s32 @!p0 $0x1BF5;
	p2 =	por !p2, p0  }
0x20: {  	[sflag:s8] =	ssyncset.s32 @!p0 $0xFFFFF086;
	s6 =	sadd.s32 @!p0 s3, s7;
	s7 =	simm.s32 @!p0 $0x108  }
0x21: {  	s3 =	sadd.s32 s3, s9;
	s6 =	sadd.s32 @!p0 $0x88, s6;
	s7 =	simm.s32 @p2 $0x1082  }
0x22: {  	[simem:s7], [sflag:s8] =	dma.local @!p0 [hbm:s6], $0xF7A  }
0x23: {  	s9 =	sor.u32 $0xD0000000, s2;
	s6 =	simm.s32 $0x108;
	_ =	swait.ge @!p0 [sflag:s8], $0x0  }
0x24: {  	s3 =	sadd.s32 $0x88, s3;
	s6 =	simm.s32 @!p1 $0x1082;
	[sflag:s4] =	ssyncset.s32 $0xFFFFF086  }
0x25: {  	[simem:s6], [sflag:s4] =	dma.local [hbm:s3], $0xF7A  }
0x26: {  	[smem:$0x3F9C] =	sst s1;
	(tag) =	ssettag s2;
	_ =	strace s9  }
0x27: {  	s1 =	sld [smem:$0x3FAC]  }
0x28: {  	s2 =	sld [smem:$0x3FAD]  }
0x29: {  	s4 =	sld [smem:$0x3FAF]  }
0x2a: {  	p0 =	seq.s32 s5, $0x0;
	s5 =	sld [smem:$0x3FB0]  }
0x2b: {  	s6 =	sld [smem:$0x3FB1]  }
0x2c: {  	s7 =	sld [smem:$0x3FB2]  }
0x2d: {  	s3 =	simm.s32 $0x108;
	s8 =	sld [smem:$0x3FB3]  }
0x2e: {  	s3 =	simm.s32 @!p0 $0x1082;
	s9 =	sld [smem:$0x3FB4]  }
0x2f: {  	lr =	sadd.s32 s0, s3;
	s0 =	sld [smem:$0x3FAB]  }
0x30: {  	s3 =	sld [smem:$0x3FAE]  }
0x31: {  	[smem:$0x3FB7] =	sst s10  }
0x32: {  	s10 =	sld [smem:$0x3FB5];
	_ =	sdelay $0x3  }
0x33: {  	p0 =	seq.s32 s10, $0x1;
	s10 =	sld [smem:$0x3FB7];
	_ =	sdelay $0x3  }
0x34: {  	[smem:$0x3FB7] =	sst s10  }
0x35: {  	s10 =	sld [smem:$0x3FB6];
	_ =	sdelay $0x3  }
0x36: {  	p1 =	seq.s32 s10, $0x1;
	s10 =	sld [smem:$0x3FB7];
	_ =	sdelay $0x3  }
0x37: {  	[smem:$0x3FB7] =	sst s10  }
0x38: {  	s10 =	sld [smem:$0x3FB8]  }
0x39: {  	_ = 	snop;
	(pc) =	sbr.ind lr, $3  }
0x3a: {  	_ = 	snop  }
0x3b: {  	_ = 	snop  }
0x3c: {  	p2 =	seq.s32 s10, $0x1;
	s10 =	sld [smem:$0x3FB7]  }
0x3d: {  	_ =	shalt  }
0x3e: {  	_ =	shalt  }
0x3f: {  	_ =	shalt  }
0x40: {  	_ =	shalt  }
0x41: {  	_ =	shalt  }
0x42: {  	_ =	shalt  }
0x43: {  	_ =	shalt  }
0x44: {  	_ =	shalt  }
0x45: {  	_ =	shalt  }
0x46: {  	_ =	shalt  }
0x47: {  	_ =	shalt  }
0x48: {  	_ =	shalt  }
0x49: {  	_ =	shalt  }
0x4a: {  	_ =	shalt  }
0x4b: {  	_ =	shalt  }
0x4c: {  	_ =	shalt  }
0x4d: {  	_ =	shalt  }
0x4e: {  	_ =	shalt  }
0x4f: {  	_ =	shalt  }
0x50: {  	_ =	shalt  }
0x51: {  	_ =	shalt  }
0x52: {  	_ =	shalt  }
0x53: {  	_ =	shalt  }
0x54: {  	_ =	shalt  }
0x55: {  	_ =	shalt  }
0x56: {  	_ =	shalt  }
0x57: {  	_ =	shalt  }
0x58: {  	_ =	shalt  }
0x59: {  	_ =	shalt  }
0x5a: {  	_ =	shalt  }
0x5b: {  	_ =	shalt  }
0x5c: {  	_ =	shalt  }
0x5d: {  	_ =	shalt  }
0x5e: {  	_ =	shalt  }
0x5f: {  	_ =	shalt  }
0x60: {  	_ =	shalt  }
0x61: {  	_ =	shalt  }
0x62: {  	_ =	shalt  }
0x63: {  	_ =	shalt  }
0x64: {  	_ =	shalt  }
0x65: {  	_ =	shalt  }
0x66: {  	_ =	shalt  }
0x67: {  	_ =	shalt  }
0x68: {  	_ =	shalt  }
0x69: {  	_ =	shalt  }
0x6a: {  	_ =	shalt  }
0x6b: {  	_ =	shalt  }
0x6c: {  	_ =	shalt  }
0x6d: {  	_ =	shalt  }
0x6e: {  	_ =	shalt  }
0x6f: {  	_ =	shalt  }
0x70: {  	_ =	shalt  }
0x71: {  	_ =	shalt  }
0x72: {  	_ =	shalt  }
0x73: {  	_ =	shalt  }
0x74: {  	_ =	shalt  }
0x75: {  	_ =	shalt  }
0x76: {  	_ =	shalt  }
0x77: {  	_ =	shalt  }
0x78: {  	_ =	shalt  }
0x79: {  	_ =	shalt  }
0x7a: {  	_ =	shalt  }
0x7b: {  	_ =	shalt  }
0x7c: {  	_ =	shalt  }
0x7d: {  	_ =	shalt  }
0x7e: {  	_ =	shalt  }
0x7f: {  	_ =	shalt  }
0x80: {  	_ =	shalt  }
0x81: {  	_ =	shalt  }
0x82: {  	_ =	shalt  }
0x83: {  	_ =	shalt  }
0x84: {  	_ =	shalt  }
0x85: {  	_ =	shalt  }
0x86: {  	_ =	shalt  }
0x87: {  	_ =	shalt  }
.Lfunc_end0:
.L_simem_size_0:
called_computation.3_lowered:
.L_overlay_start_0:
0x88: {  	s2 =	sld [smem:$0x3FD9]  }
0x89: {  	s3 =	sld [smem:$0x3FFE];
	_ =	sdelay $0x1  }
0x8a: {  	s1 =	srdreg.scid  }
0x8b: {  	s0 =	sand.u32 $0x1, s1  }
0x8c: {  	s17 =	sshll.u32 s0, $0xA;
	s2 =	sadd.s32 s3, s2  }
0x8d: {  	s2 =	sadd.s32 s2, s17  }
0x8e: {  	[smem:$0x3FC3] =	sst s2  }
0x8f: {  	_ = 	snop  }
0x90: {  	s18 =	sld [smem:$0x3FC7]  }
0x91: {  	s4 =	sld [smem:$0x3FC6];
	(tm) =	ssettm $0x1  }
0x92: {  	s19 =	sld [smem:$0x3FFB];
	_ =	sdelay $0x3  }
0x93: {  	_ =	strace s19  }
0x94: {  	s2 =	sld [smem:$0x3FFC];
	_ =	sdelay $0x3  }
0x95: {  	_ =	strace s2  }
0x96: {  	s2 =	sld [smem:$0x3FFD];
	_ =	sdelay $0x3  }
0x97: {  	_ =	strace s2  }
0x98: {  	_ =	strace $0x8FFFFFFF  }
0x99: {  	s20 =	sld [smem:$0x3FDB];
	_ =	sdelay $0x1  }
0x9a: {  	s5 =	simm.s32 $_scs_section_size  }
0x9b: {  	s6 =	simm.s32 $_size__tile_overlayer_lowered;
	s7 =	simm.s32 $_tile_overlayer_lowered  }
0x9c: {  	s8 =	simm.s32 $0x1BFF;
	s21 =	sshll.u32 s7, $0x1;
	s5 =	sadd.s32 s5, s20  }
0x9d: {  	s22 =	simm.s32 $0x0;
	s6 =	sshll.u32 s6, $0x1;
	s7 =	sadd.s32 s21, s5  }
0x9e: {  	[timem:s22], [sflag:s8] =	dma.local [hbm:s7], s6  }
0x9f: {  	_ =	swait.ge [sflag:s8], s6  }
0xa0: {  	s6 =	ssub.s32 $0x0, s6;
	[sflag:s8] =	ssyncset.done $0x0  }
0xa1: {  	[sflag:s8] =	ssyncadd.s32 s6;
	_ =	sdelay $0x1  }
0xa2: {  	s23 =	simm.s32 $0x1B8B  }
0xa3: {  	_ =	swait.ge [sflag:s23], $0x1  }
0xa4: {  	[sflag:s23] =	ssyncset.done $0x0  }
0xa5: {  	[sflag:s23] =	ssyncadd.s32 $0xFFFFFFFF  }
0xa6: {  	s6 =	sld [smem:$0x0]  }
0xa7: {  	s7 =	sand.u32 $0xFFFFFFFE, s1  }
0xa8: {  	p0 =	sne.s32 s1, s7  }
0xa9: {  	s7 =	sshll.u32 @p0 s7, $0xE  }
0xaa: {  	s7 =	sadd.s32 @p0 $0x11B8D, s7;
	s8 =	sshll.u32 @p0 s6, $0x11  }
0xab: {  	s7 =	sor.u32 @p0 s8, s7  }
0xac: {  	[sflag:s7] =	ssyncadd.remote.s32 @p0 $0x1;
	_ =	sdelay $0x1  }
0xad: {  	s7 =	simm.s32 @p0 $0x1B8D  }
0xae: {  	_ =	swait.eq @p0 [sflag:s7], $0x1  }
0xaf: {  	[sflag:s7] =	ssyncadd.s32 @p0 $0xFFFFFFFF  }
0xb0: {  	s8 =	sshll.u32 @!p0 s1, $0xE  }
0xb1: {  	s8 =	sor.u32 @!p0 $0x4000, s8;
	s7 =	simm.s32 @!p0 $0x1B8D  }
0xb2: {  	s6 =	sshll.u32 @!p0 s6, $0x11;
	s8 =	sadd.s32 @!p0 $0x11B8D, s8;
	_ =	swait.eq @!p0 [sflag:s7], $0x1  }
0xb3: {  	s6 =	sor.u32 @!p0 s6, s8;
	[sflag:s7] =	ssyncadd.s32 @!p0 $0xFFFFFFFF  }
0xb4: {  	s25 =	simm.s32 $0x1B8E;
	s24 =	sld [smem:$0x3FFE];
	[sflag:s6] =	ssyncadd.remote.s32 @!p0 $0x1  }
0xb5: {  	s26 =	simm.s32 $execute0_lowered;
	[smem:$0x3FD2] =	sst s25  }
0xb6: {  	s7 =	sshll.u32 s26, $0x1;
	_ =	strace $0x8000004F;
	[dreg:$0x1] =	wrdreg $0xFFFFFFFF  }
0xb7: {  	s28 =	simm.s32 $_size_execute0_lowered;
	s5 =	sadd.s32 s5, s7;
	[dreg:$0x0] =	wrdreg $0x0  }
0xb8: {  	s7 =	sshll.u32 s28, $0x1;
	[dreg:$0x2] =	wrdreg s5  }
0xb9: {  	[dreg:$0x3] =	wrdreg s7  }
0xba: {  	[dreg:$0x4] =	wrdreg $0xC0  }
0xbb: {  	_ =	task [dreg:s22], $0x5FFFF  }
0xbc: {  	[dreg:$0x1] =	wrdreg $0xFFFFFFFF  }
0xbd: {  	[dreg:$0x0] =	wrdreg $0x60  }
0xbe: {  	[dreg:$0x2] =	wrdreg s24  }
0xbf: {  	[dreg:$0x3] =	wrdreg s18  }
0xc0: {  	[dreg:$0x4] =	wrdreg s4  }
0xc1: {  	[dreg:$0x5] =	wrdreg $0xC  }
0xc2: {  	_ =	task.clear_ibuf [dreg:s22], $0x6FFFF;
	_ =	strace $0x9000004F  }
0xc3: {  	s29 =	simm.s32 $0xC;
	_ =	strace $0x80000051  }
0xc4: {  	_ =	swait.ge [sflag:s29], $0x1  }
0xc5: {  	[sflag:s29] =	ssyncadd.s32 $0xFFFFFFFF  }
0xc6: {  	_ =	strace $0x90000051  }
0xc7: {  	_ =	sfence  }
0xc8: {  	s30 =	sld [smem:$0x0];
	_ =	sdelay $0x2  }
0xc9: {  	s31 =	sshll.u32 s1, $0xD;
	s1 =	sshrl.u32 s1, $0x2  }
0xca: {  	s4 =	sand.u32 $0x4000, s31;
	s1 =	sadd.s32 s1, s30  }
0xcb: {  	s0 =	sor.u32 s4, s0;
	s1 =	sshll.u32 s1, $0x11  }
0xcc: {  	s0 =	sor.u32 s1, s0  }
0xcd: {  	s0 =	sadd.s32 $0x8F2B, s0  }
0xce: {  	[sflag:s0] =	ssyncadd.remote.s32 $0x1  }
0xcf: {  	_ =	sfence.sel $0xFFFF  }
0xd0: {  	[dreg:$0x0] =	wrdreg $0xFFFFFFFF;
	(pc) =	sbr.abs _section_cstart, $3  }
0xd1: {  	[dreg:$0x1] =	wrdreg $0xFFFFFFFF  }
0xd2: {  	_ =	task.clear_ibuf [dreg:s22], $0x2FFFF;
	_ =	strace $0x9FFFFFFF  }
0xd3: {  	(tm) =	ssettm $0x7FFFFFFF  }
tec
execute0_lowered:
.L_overlay_start_1:
0x0: {  	(tag) =	ssettag $0x1  }
0x1: {  	s0 =	rddreg [dreg:$0x0]  }
0x2: {  	s2 =	rddreg [dreg:$0x1];
	v0 =	vimm.s32 $0x2380;
	vm0 =	vcmask $0x300  }
0x3: {  	s3 =	rddreg [dreg:$0x2];
	vm14 =	vcmask $0x704;
	v0 =	vsel vm0, $0x0, v0  }
0x4: {  	s4 =	simm.s32 $0x0;
	s6 =	stileid.u32;
	s1 =	srdreg.scid;
	vm15 =	vcmask $0xB08;
	v0 =	vsel vm14, $0x80, v0  }
0x5: {  	vm4 =	vcmask $0xF0C;
	s14 =	simm.s32 $0x3;
	s18 =	simm.s32 $0x1CF00;
	s19 =	simm.s32 $0x1DF00;
	v0 =	vsel vm15, $0x100, v0  }
0x6: {  	vm5 =	vcmask $0x1310;
	s20 =	simm.s32 $0x1EF00;
	s21 =	simm.s32 $0x1;
	s22 =	simm.s32 $0x18700;
	v0 =	vsel vm4, $0x180, v0  }
0x7: {  	vm6 =	vcmask $0x1714;
	s23 =	simm.s32 $0x2;
	s28 =	simm.s32 $0x19700;
	s29 =	simm.s32 $0x19B00;
	v0 =	vsel vm5, $0x200, v0  }
0x8: {  	vm7 =	vcmask $0x1B18;
	s30 =	simm.s32 $0x19F00;
	s31 =	simm.s32 $0x1A300;
	[smem:$0x7FF] =	sst s4;
	v0 =	vsel vm6, $0x280, v0  }
0x9: {  	vm8 =	vcmask $0x1F1C;
	s1 =	sand.u32 $0x1, s1;
	s5 =	sshll.u32 s6, $0x1;
	s8 =	sshll.u32 s6, $0x8;
	v0 =	vsel vm7, $0x300, v0  }
0xa: {  	vm9 =	vcmask $0x2320;
	s6 =	sadd.s32 $0x54400, s0;
	_ =	strace $0x80000050;
	s7 =	sor.u32 s1, s5;
	v0 =	vsel vm8, $0x380, v0  }
0xb: {  	vm10 =	vcmask $0x2724;
	s5 =	sadd.s32 $0x18B400, s0;
	s8 =	sand.u32 $0xC00, s8;
	s1 =	ssub.s32 $0x2, s1;
	v0 =	vsel vm9, $0x2000, v0  }
0xc: {  	vm11 =	vcmask $0x2B28;
	s11 =	smul.u32 $0x9C40, s7;
	s25 =	sshrl.u32 s1, $0x1;
	s10 =	sshll.u32 s7, $0x4;
	v0 =	vsel vm10, $0x2080, v0  }
0xd: {  	vm12 =	vcmask $0x2F2C;
	s0 =	sadd.s32 s8, s0;
	s1 =	ssub.s32 s1, s25;
	s12 =	sand.u32 $0x70, s10;
	v0 =	vsel vm11, $0x2100, v0  }
0xe: {  	vm13 =	vcmask $0x3330;
	s9 =	sshrl.u32 s11, $0x3;
	s10 =	sadd.s32 $0x7D0, s11;
	s0 =	sadd.s32 s12, s0;
	v0 =	vsel vm12, $0x2180, v0  }
0xf: {  	vm14 =	vcmask $0x3734;
	s11 =	sadd.s32 $0xFA0, s11;
	s13 =	smax.u32 s1, $0x1;
	s26 =	sadd.s32 $0x75300, s9;
	v0 =	vsel vm13, $0x2200, v0  }
0x10: {  	vm15 =	vcmask $0x3B38;
	s9 =	sadd.s32 s6, s9;
	s12 =	sadd.s32 $0x7B600, s0;
	s0 =	simm.s32 $0x0;
	v1 =	vsel vm14, $0x2280, v0  }
0x11: {  	s7 =	sadd.s32 s2, s26;
	s8 =	sadd.s32 s3, s26;
	s26 =	simm.s32 $0x19300;
	v0 =	vimm.f32 $0.0e+00;
	v1 =	vsel vm15, $0x2300, v1  }
.LBB2_1:
0x12: {  	[tilespmem:s4], [sflag:$0x3] =	stream.linear.gather [hbm4b:s5+s4], $0x18700, $0x38;
	[tilespmem:$0x1F700] =	vst v63  }
0x13: {  	s1 =	sand.u32 $0x70, s4;
	s15 =	sand.u32 $0x1C00, s4;
	_ =	swait.ge [sflag:s14], $0x18700  }
0x14: {  	s1 =	sor.u32 s1, s15;
	[sflag:s14] =	ssyncset.done $0x0  }
0x15: {  	s17 =	sadd.s32 $0x18700, s1;
	[sflag:s14] =	ssyncadd.s32 $0xFFFE7900  }
0x16: {  	[tilespmem:s17+$0x280] =	vst v0  }
0x17: {  	[tilespmem:s17+$0x200] =	vst v0  }
0x18: {  	[tilespmem:s17+$0x180] =	vst v0  }
0x19: {  	[tilespmem:s17+$0x100] =	vst v0  }
0x1a: {  	[tilespmem:s17+$0x80] =	vst v0  }
0x1b: {  	s24 =	sor.u32 s4, s4;
	s16 =	simm.s32 $0x0;
	s15 =	simm.s32 $0x10;
	[tilespmem:s1+$0x18700] =	vst v0  }
.LBB2_2:
0x1c: {  	p0 =	sne.s32 s15, $0x3E0;
	[tilespmem:s17+$0x300] =	vst v0;
	s17 =	sor.u32 $0x380, s24  }
0x1d: {  	[tilespmem:s17+$0x18700] =	vst v0  }
0x1e: {  	[tilespmem:s1+$0x1A700] =	vst v0  }
0x1f: {  	[tilespmem:s1+$0x1A780] =	vst v0  }
0x20: {  	[tilespmem:s1+$0x1A800] =	vst v0  }
0x21: {  	[tilespmem:s1+$0x1A880] =	vst v0  }
0x22: {  	s16 =	sadd.s32 $0x80, s16;
	[tilespmem:s1+$0x1A900] =	vst v0  }
0x23: {  	s17 =	sand.u32 $0x70, s15;
	s24 =	sand.u32 $0x1C00, s16;
	[tilespmem:s1+$0x1A980] =	vst v0  }
0x24: {  	s24 =	sor.u32 s17, s24;
	[tilespmem:s1+$0x1AA00] =	vst v0  }
0x25: {  	s17 =	sadd.s32 $0x18700, s24;
	[tilespmem:s1+$0x1AA80] =	vst v0;
	s1 =	smov.u32 s24  }
0x26: {  	[tilespmem:s17+$0x280] =	vst v0  }
.Ltmp0:
0x27: {  	[tilespmem:s17+$0x200] =	vst v0;
	(pc) =	sbr.rel @p0 .LBB2_2-.Ltmp0, $4  }
0x28: {  	[tilespmem:s17+$0x180] =	vst v0  }
0x29: {  	[tilespmem:s17+$0x100] =	vst v0  }
0x2a: {  	[tilespmem:s17+$0x80] =	vst v0  }
0x2b: {  	s24 =	sor.u32 s16, s15;
	s15 =	sadd.s32 $0x10, s15;
	[tilespmem:s1+$0x18700] =	vst v0  }
0x2c: {  	[tilespmem:s17+$0x300] =	vst v0;
	s15 =	sor.u32 $0x380, s24  }
0x2d: {  	[tilespmem:s15+$0x18700] =	vst v0  }
0x2e: {  	[tilespmem:s1+$0x1A700] =	vst v0  }
0x2f: {  	[tilespmem:s1+$0x1A780] =	vst v0  }
0x30: {  	[tilespmem:s1+$0x1A800] =	vst v0  }
0x31: {  	[tilespmem:s1+$0x1A880] =	vst v0  }
0x32: {  	[tilespmem:s1+$0x1A900] =	vst v0  }
0x33: {  	[tilespmem:s1+$0x1A980] =	vst v0  }
0x34: {  	[tilespmem:s1+$0x1AA00] =	vst v0  }
0x35: {  	s17 =	simm.s32 $0x1C700;
	[tilespmem:s1+$0x1AA80] =	vst v0;
	s1 =	simm.s32 $0x0  }
0x36: {  	[tilespmem:s17], [sflag:$0x1] =	stream.linear.gather [hbm4b:s7+s1], $0x7D0, $0x38;
	[tilespmem:$0x1F700] =	vst v63  }
0x37: {  	s24 =	simm.s32 $0x1D700  }
0x38: {  	[tilespmem:s24], [sflag:$0x1] =	stream.linear.gather [hbm4b:s8+s1], $0x7D0, $0x38;
	[tilespmem:$0x1F700] =	vst v63  }
0x39: {  	s25 =	simm.s32 $0x1E700  }
0x3a: {  	[tilespmem:s25], [sflag:$0x1] =	stream.linear.gather [hbm4b:s9+s1], $0x7D0, $0x38;
	[tilespmem:$0x1F700] =	vst v63  }
.LBB2_4:
0x3b: {  	s15 =	smul.u32 $0xFA0, s1;
	_ =	sdelay $0x1  }
0x3c: {  	s16 =	sadd.s32 s15, s10  }
0x3d: {  	s16 =	sshrl.u32 s16, $0x3  }
0x3e: {  	s17 =	sadd.s32 $0x75300, s16  }
0x3f: {  	s24 =	sadd.s32 s2, s17  }
0x40: {  	[tilespmem:s18], [sflag:$0x2] =	stream.linear.gather [hbm4b:s24+s4], $0x7D0, $0x38;
	[tilespmem:$0x1F700] =	vst v63  }
0x41: {  	s17 =	sadd.s32 s3, s17  }
0x42: {  	[tilespmem:s19], [sflag:$0x2] =	stream.linear.gather [hbm4b:s17+s4], $0x7D0, $0x38;
	[tilespmem:$0x1F700] =	vst v63  }
0x43: {  	s16 =	sadd.s32 s6, s16  }
0x44: {  	[tilespmem:s20], [sflag:$0x2] =	stream.linear.gather [hbm4b:s16+s4], $0x7D0, $0x38;
	[tilespmem:$0x1F700] =	vst v63  }
0x45: {  	_ =	swait.ge [sflag:s21], $0x7D0  }
0x46: {  	[sflag:s21] =	ssyncset.done $0x0  }
0x47: {  	[sflag:s21] =	ssyncadd.s32 $0xFFFFF830  }
0x48: {  	_ =	swait.ge [sflag:s21], $0x7D0  }
0x49: {  	[sflag:s21] =	ssyncset.done $0x0  }
0x4a: {  	[sflag:s21] =	ssyncadd.s32 $0xFFFFF830  }
0x4b: {  	_ =	swait.ge [sflag:s21], $0x7D0  }
0x4c: {  	[sflag:s21] =	ssyncset.done $0x0  }
0x4d: {  	s25 =	simm.s32 $0x1C720;
	[sflag:s21] =	ssyncadd.s32 $0xFFFFF830  }
0x4e: {  	v2 =	vld [tilespmem:s25+$0x10]  }
0x4f: {  	v3 =	vld [tilespmem:s25+$0xFFFFFFF0]  }
0x50: {  	s16 =	simm.s32 $0x1D720;
	v4 =	vld [tilespmem:s25+$0x0]  }
0x51: {  	v5 =	vld [tilespmem:s16+$0x10]  }
0x52: {  	v6 =	vld [tilespmem:s25+$0xFFFFFFE0]  }
0x53: {  	v7 =	vld [tilespmem:s16+$0xFFFFFFE0]  }
0x54: {  	v8 =	vld [tilespmem:s16+$0xFFFFFFF0]  }
0x55: {  	v9 =	vld [tilespmem:s16+$0x0]  }
0x56: {  	v2 =	vld.idx.msk [tilespmem:v2+s4+$0x0], $0xffff  }
0x57: {  	v10 =	vld.idx.msk [tilespmem:v3+s4+$0x0], $0xffff  }
0x58: {  	v12 =	vld.idx.msk [tilespmem:v4+s4+$0x0], $0xffff  }
0x59: {  	v3 =	vld.idx.msk [tilespmem:v5+s4+$0x0], $0xffff  }
0x5a: {  	v11 =	vld.idx.msk [tilespmem:v6+s4+$0x0], $0xffff  }
0x5b: {  	v4 =	vld.idx.msk [tilespmem:v7+s4+$0x0], $0xffff  }
0x5c: {  	s17 =	simm.s32 $0x1E720;
	v6 =	vld.idx.msk [tilespmem:v8+s4+$0x0], $0xffff  }
0x5d: {  	v8 =	vld [tilespmem:s17+$0x10];
	v5 =	vshll.u32 v2, $0x3  }
0x5e: {  	v7 =	vand.u32 $0xFFFFFC00, v10;
	v13 =	vand.u32 $0x7F, v2;
	v14 =	vshll.u32 v10, $0x3  }
0x5f: {  	v9 =	vld.idx.msk [tilespmem:v9+s4+$0x0], $0xffff;
	v2 =	vand.u32 $0xFFFFFC00, v2;
	v3 =	vand.u32 $0xFFFFFC00, v3;
	v5 =	vand.u32 $0x1C00, v5  }
0x60: {  	v15 =	vand.u32 $0xFFFFFC00, v12;
	v3 =	vmul.f32 v3, v2;
	v5 =	vor.u32 v5, v13  }
0x61: {  	v4 =	vand.u32 $0xFFFFFC00, v4;
	v2 =	vld [tilespmem:s17+$0xFFFFFFE0];
	v13 =	vor.u32 v1, v5;
	v5 =	vand.u32 $0xFFFFFC00, v11  }
0x62: {  	v18 =	vmul.f32 v3, v8;
	v3 =	vld [tilespmem:s17+$0xFFFFFFF0];
	v5 =	vmul.f32 v4, v5;
	v4 =	vand.u32 $0xFFFFFC00, v6  }
0x63: {  	v16 =	vshll.u32 v11, $0x3;
	v17 =	vshll.u32 v12, $0x3;
	v6 =	vmul.f32 v4, v7;
	v4 =	vld [tilespmem:s17+$0x0]  }
0x64: {  	v10 =	vand.u32 $0x7F, v10;
	v9 =	vand.u32 $0xFFFFFC00, v9;
	v12 =	vand.u32 $0x7F, v12  }
0x65: {  	v16 =	vand.u32 $0x1C00, v16;
	v9 =	vmul.f32 v9, v15;
	v11 =	vand.u32 $0x7F, v11  }
0x66: {  	s24 =	simm.s32 $0x0;
	s25 =	simm.s32 $0x1C760;
	v8 =	vand.u32 $0x1C00, v14;
	v11 =	vor.u32 v16, v11;
	v7 =	vand.u32 $0x1C00, v17;
	[tilespmem:v13+s22+$0x0] =	vst.idx.add.f32.msk $0xffff, v18  }
.LBB2_5:
0x67: {  	v13 =	vld [tilespmem:s25+$0x10];
	s24 =	sadd.s32 $0x40, s24;
	v14 =	vmul.f32 v5, v2;
	v2 =	vor.u32 v8, v10;
	v5 =	vor.u32 v7, v12  }
0x68: {  	v8 =	vor.u32 v1, v11;
	v10 =	vmul.f32 v6, v3;
	v7 =	vld [tilespmem:s25+$0xFFFFFFF0];
	p0 =	slt.u32 s24, $0x780;
	v15 =	vmul.f32 v9, v4  }
0x69: {  	s16 =	sadd.s32 $0x40, s16;
	v9 =	vor.u32 v1, v2;
	v16 =	vor.u32 v1, v5;
	v3 =	vld [tilespmem:s25+$0x0]  }
0x6a: {  	v2 =	vld [tilespmem:s16+$0x10]  }
0x6b: {  	v4 =	vld [tilespmem:s25+$0xFFFFFFE0]  }
0x6c: {  	v5 =	vld [tilespmem:s16+$0xFFFFFFE0]  }
0x6d: {  	v6 =	vld [tilespmem:s16+$0xFFFFFFF0]  }
0x6e: {  	v11 =	vld [tilespmem:s16+$0x0]  }
0x6f: {  	v12 =	vld.idx.msk [tilespmem:v13+s4+$0x0], $0xffff  }
0x70: {  	v13 =	vld.idx.msk [tilespmem:v7+s4+$0x0], $0xffff  }
0x71: {  	v17 =	vld.idx.msk [tilespmem:v3+s4+$0x0], $0xffff  }
0x72: {  	v3 =	vld.idx.msk [tilespmem:v2+s4+$0x0], $0xffff  }
0x73: {  	v18 =	vld.idx.msk [tilespmem:v4+s4+$0x0], $0xffff  }
0x74: {  	v4 =	vld.idx.msk [tilespmem:v5+s4+$0x0], $0xffff  }
0x75: {  	s17 =	sadd.s32 $0x40, s17;
	v2 =	vshll.u32 v12, $0x3;
	v6 =	vld.idx.msk [tilespmem:v6+s4+$0x0], $0xffff  }
0x76: {  	v5 =	vand.u32 $0x7F, v12;
	v7 =	vand.u32 $0xFFFFFC00, v13;
	v2 =	vand.u32 $0x1C00, v2;
	v19 =	vld [tilespmem:s17+$0x10]  }
0x77: {  	v20 =	vshll.u32 v13, $0x3;
	v21 =	vand.u32 $0xFFFFFC00, v17;
	v5 =	vor.u32 v2, v5;
	v11 =	vld.idx.msk [tilespmem:v11+s4+$0x0], $0xffff  }
0x78: {  	v12 =	vand.u32 $0xFFFFFC00, v12;
	v22 =	vand.u32 $0xFFFFFC00, v3;
	v23 =	vor.u32 v1, v5;
	v2 =	vld [tilespmem:s17+$0xFFFFFFE0]  }
0x79: {  	v5 =	vand.u32 $0xFFFFFC00, v18;
	v24 =	vshll.u32 v18, $0x3;
	v12 =	vmul.f32 v22, v12;
	v3 =	vld [tilespmem:s17+$0xFFFFFFF0]  }
.Ltmp1:
0x7a: {  	v25 =	vshll.u32 v17, $0x3;
	v22 =	vand.u32 $0xFFFFFC00, v4;
	v24 =	vand.u32 $0x1C00, v24;
	v4 =	vld [tilespmem:s17+$0x0];
	(pc) =	sbr.rel @p0 .LBB2_5-.Ltmp1, $4  }
0x7b: {  	v5 =	vmul.f32 v22, v5;
	v6 =	vand.u32 $0xFFFFFC00, v6;
	v12 =	vmul.f32 v12, v19;
	[tilespmem:v8+s22+$0x0] =	vst.idx.add.f32.msk $0xffff, v14  }
0x7c: {  	v6 =	vmul.f32 v6, v7;
	v8 =	vand.u32 $0x1C00, v20;
	v7 =	vand.u32 $0x1C00, v25;
	[tilespmem:v9+s22+$0x0] =	vst.idx.add.f32.msk $0xffff, v10  }
0x7d: {  	v9 =	vand.u32 $0x7F, v18;
	v10 =	vand.u32 $0x7F, v13;
	v13 =	vand.u32 $0xFFFFFC00, v11;
	[tilespmem:v23+s22+$0x0] =	vst.idx.add.f32.msk $0xffff, v12  }
0x7e: {  	s25 =	sadd.s32 $0x40, s25;
	v11 =	vor.u32 v24, v9;
	v9 =	vmul.f32 v13, v21;
	v12 =	vand.u32 $0x7F, v17;
	[tilespmem:v16+s22+$0x0] =	vst.idx.add.f32.msk $0xffff, v15  }
0x7f: {  	v8 =	vor.u32 v8, v10;
	v10 =	vor.u32 v1, v11  }
0x80: {  	v7 =	vor.u32 v7, v12;
	v8 =	vor.u32 v1, v8  }
0x81: {  	v7 =	vor.u32 v1, v7  }
0x82: {  	v2 =	vmul.f32 v5, v2  }
0x83: {  	v3 =	vmul.f32 v6, v3  }
0x84: {  	v4 =	vmul.f32 v9, v4;
	[tilespmem:v10+s22+$0x0] =	vst.idx.add.f32.msk $0xffff, v2  }
0x85: {  	[tilespmem:v8+s22+$0x0] =	vst.idx.add.f32.msk $0xffff, v3  }
0x86: {  	[tilespmem:v7+s22+$0x0] =	vst.idx.add.f32.msk $0xffff, v4  }
0x87: {  	v2 =	vld [tilespmem:$0x1CEC0];
	_ =	sdelay $0x2  }
0x88: {  	v3 =	vld [tilespmem:$0x1DEC0];
	_ =	sdelay $0x4  }
0x89: {  	v2 =	vld.idx.msk [tilespmem:v2+s4+$0x0], $0xffff;
	_ =	sdelay $0x2  }
0x8a: {  	v3 =	vld.idx.msk [tilespmem:v3+s4+$0x0], $0xffff;
	_ =	sdelay $0x1  }
0x8b: {  	v4 =	vshll.u32 v2, $0x3  }
0x8c: {  	v5 =	vld [tilespmem:$0x1EEC0];
	v6 =	vand.u32 $0x7F, v2;
	v4 =	vand.u32 $0x1C00, v4  }
0x8d: {  	v4 =	vor.u32 v4, v6  }
0x8e: {  	v2 =	vand.u32 $0xFFFFFC00, v2;
	v3 =	vand.u32 $0xFFFFFC00, v3;
	v4 =	vor.u32 v1, v4  }
0x8f: {  	p0 =	seq.s32 s1, $0x9;
	v2 =	vmul.f32 v3, v2  }
0x90: {  	s15 =	sadd.s32 @!p0 s15, s11  }
0x91: {  	s15 =	sshrl.u32 @!p0 s15, $0x3;
	v2 =	vmul.f32 v2, v5  }
0x92: {  	s16 =	sadd.s32 @!p0 $0x75300, s15  }
0x93: {  	s24 =	simm.s32 @!p0 $0x0;
	s25 =	simm.s32 @!p0 $0x1C700;
	s17 =	sadd.s32 @!p0 s2, s16;
	[tilespmem:v4+s22+$0x0] =	vst.idx.add.f32.msk $0xffff, v2  }
0x94: {  	[tilespmem:s25], [sflag:$0x1] =	stream.linear.gather @!p0 [hbm4b:s17+s24], $0x7D0, $0x38;
	[tilespmem:$0x1F700] =	vst v63  }
0x95: {  	s16 =	sadd.s32 @!p0 s3, s16;
	s17 =	simm.s32 @!p0 $0x1D700  }
0x96: {  	[tilespmem:s17], [sflag:$0x1] =	stream.linear.gather @!p0 [hbm4b:s16+s24], $0x7D0, $0x38;
	[tilespmem:$0x1F700] =	vst v63  }
0x97: {  	s15 =	sadd.s32 @!p0 s6, s15;
	s16 =	simm.s32 @!p0 $0x1E700  }
0x98: {  	[tilespmem:s16], [sflag:$0x1] =	stream.linear.gather @!p0 [hbm4b:s15+s24], $0x7D0, $0x38;
	[tilespmem:$0x1F700] =	vst v63  }
0x99: {  	_ =	swait.ge [sflag:s23], $0x7D0  }
0x9a: {  	[sflag:s23] =	ssyncset.done $0x0  }
0x9b: {  	[sflag:s23] =	ssyncadd.s32 $0xFFFFF830  }
0x9c: {  	_ =	swait.ge [sflag:s23], $0x7D0  }
0x9d: {  	[sflag:s23] =	ssyncset.done $0x0  }
0x9e: {  	[sflag:s23] =	ssyncadd.s32 $0xFFFFF830  }
0x9f: {  	_ =	swait.ge [sflag:s23], $0x7D0  }
0xa0: {  	[sflag:s23] =	ssyncset.done $0x0  }
0xa1: {  	s25 =	simm.s32 $0x1CF20;
	[sflag:s23] =	ssyncadd.s32 $0xFFFFF830  }
0xa2: {  	v2 =	vld [tilespmem:s25+$0x10]  }
0xa3: {  	v3 =	vld [tilespmem:s25+$0xFFFFFFF0]  }
0xa4: {  	s15 =	simm.s32 $0x1DF20;
	v4 =	vld [tilespmem:s25+$0x0]  }
0xa5: {  	v5 =	vld [tilespmem:s15+$0x10]  }
0xa6: {  	v6 =	vld [tilespmem:s25+$0xFFFFFFE0]  }
0xa7: {  	v7 =	vld [tilespmem:s15+$0xFFFFFFE0]  }
0xa8: {  	v8 =	vld [tilespmem:s15+$0xFFFFFFF0]  }
0xa9: {  	v9 =	vld [tilespmem:s15+$0x0]  }
0xaa: {  	v2 =	vld.idx.msk [tilespmem:v2+s4+$0x0], $0xffff  }
0xab: {  	v10 =	vld.idx.msk [tilespmem:v3+s4+$0x0], $0xffff  }
0xac: {  	v12 =	vld.idx.msk [tilespmem:v4+s4+$0x0], $0xffff  }
0xad: {  	v3 =	vld.idx.msk [tilespmem:v5+s4+$0x0], $0xffff  }
0xae: {  	v11 =	vld.idx.msk [tilespmem:v6+s4+$0x0], $0xffff  }
0xaf: {  	v4 =	vld.idx.msk [tilespmem:v7+s4+$0x0], $0xffff  }
0xb0: {  	s16 =	simm.s32 $0x1EF20;
	v6 =	vld.idx.msk [tilespmem:v8+s4+$0x0], $0xffff  }
0xb1: {  	v8 =	vld [tilespmem:s16+$0x10];
	v5 =	vshll.u32 v2, $0x3  }
0xb2: {  	v7 =	vand.u32 $0xFFFFFC00, v10;
	v13 =	vand.u32 $0x7F, v2;
	v14 =	vshll.u32 v10, $0x3  }
0xb3: {  	v9 =	vld.idx.msk [tilespmem:v9+s4+$0x0], $0xffff;
	v2 =	vand.u32 $0xFFFFFC00, v2;
	v3 =	vand.u32 $0xFFFFFC00, v3;
	v5 =	vand.u32 $0x1C00, v5  }
0xb4: {  	v15 =	vand.u32 $0xFFFFFC00, v12;
	v3 =	vmul.f32 v3, v2;
	v5 =	vor.u32 v5, v13  }
0xb5: {  	v4 =	vand.u32 $0xFFFFFC00, v4;
	v2 =	vld [tilespmem:s16+$0xFFFFFFE0];
	v13 =	vor.u32 v1, v5;
	v5 =	vand.u32 $0xFFFFFC00, v11  }
0xb6: {  	v18 =	vmul.f32 v3, v8;
	v3 =	vld [tilespmem:s16+$0xFFFFFFF0];
	v5 =	vmul.f32 v4, v5;
	v4 =	vand.u32 $0xFFFFFC00, v6  }
0xb7: {  	v16 =	vshll.u32 v11, $0x3;
	v17 =	vshll.u32 v12, $0x3;
	v6 =	vmul.f32 v4, v7;
	v4 =	vld [tilespmem:s16+$0x0]  }
0xb8: {  	v10 =	vand.u32 $0x7F, v10;
	v9 =	vand.u32 $0xFFFFFC00, v9;
	v12 =	vand.u32 $0x7F, v12  }
0xb9: {  	v16 =	vand.u32 $0x1C00, v16;
	v9 =	vmul.f32 v9, v15;
	v11 =	vand.u32 $0x7F, v11  }
0xba: {  	s17 =	simm.s32 $0x0;
	s24 =	simm.s32 $0x1CF60;
	v8 =	vand.u32 $0x1C00, v14;
	v11 =	vor.u32 v16, v11;
	v7 =	vand.u32 $0x1C00, v17;
	[tilespmem:v13+s22+$0x0] =	vst.idx.add.f32.msk $0xffff, v18  }
.LBB2_7:
0xbb: {  	v13 =	vld [tilespmem:s24+$0x10];
	s17 =	sadd.s32 $0x40, s17;
	v14 =	vmul.f32 v5, v2;
	v2 =	vor.u32 v8, v10;
	v5 =	vor.u32 v7, v12  }
0xbc: {  	v8 =	vor.u32 v1, v11;
	v10 =	vmul.f32 v6, v3;
	v7 =	vld [tilespmem:s24+$0xFFFFFFF0];
	p0 =	slt.u32 s17, $0x780;
	v15 =	vmul.f32 v9, v4  }
0xbd: {  	s15 =	sadd.s32 $0x40, s15;
	v9 =	vor.u32 v1, v2;
	v16 =	vor.u32 v1, v5;
	v3 =	vld [tilespmem:s24+$0x0]  }
0xbe: {  	v2 =	vld [tilespmem:s15+$0x10]  }
0xbf: {  	v4 =	vld [tilespmem:s24+$0xFFFFFFE0]  }
0xc0: {  	v5 =	vld [tilespmem:s15+$0xFFFFFFE0]  }
0xc1: {  	v6 =	vld [tilespmem:s15+$0xFFFFFFF0]  }
0xc2: {  	v11 =	vld [tilespmem:s15+$0x0]  }
0xc3: {  	v12 =	vld.idx.msk [tilespmem:v13+s4+$0x0], $0xffff  }
0xc4: {  	v13 =	vld.idx.msk [tilespmem:v7+s4+$0x0], $0xffff  }
0xc5: {  	v17 =	vld.idx.msk [tilespmem:v3+s4+$0x0], $0xffff  }
0xc6: {  	v3 =	vld.idx.msk [tilespmem:v2+s4+$0x0], $0xffff  }
0xc7: {  	v18 =	vld.idx.msk [tilespmem:v4+s4+$0x0], $0xffff  }
0xc8: {  	v4 =	vld.idx.msk [tilespmem:v5+s4+$0x0], $0xffff  }
0xc9: {  	s16 =	sadd.s32 $0x40, s16;
	v2 =	vshll.u32 v12, $0x3;
	v6 =	vld.idx.msk [tilespmem:v6+s4+$0x0], $0xffff  }
0xca: {  	v5 =	vand.u32 $0x7F, v12;
	v7 =	vand.u32 $0xFFFFFC00, v13;
	v2 =	vand.u32 $0x1C00, v2;
	v19 =	vld [tilespmem:s16+$0x10]  }
0xcb: {  	v20 =	vshll.u32 v13, $0x3;
	v21 =	vand.u32 $0xFFFFFC00, v17;
	v5 =	vor.u32 v2, v5;
	v11 =	vld.idx.msk [tilespmem:v11+s4+$0x0], $0xffff  }
0xcc: {  	v12 =	vand.u32 $0xFFFFFC00, v12;
	v22 =	vand.u32 $0xFFFFFC00, v3;
	v23 =	vor.u32 v1, v5;
	v2 =	vld [tilespmem:s16+$0xFFFFFFE0]  }
0xcd: {  	v5 =	vand.u32 $0xFFFFFC00, v18;
	v24 =	vshll.u32 v18, $0x3;
	v12 =	vmul.f32 v22, v12;
	v3 =	vld [tilespmem:s16+$0xFFFFFFF0]  }
.Ltmp2:
0xce: {  	v25 =	vshll.u32 v17, $0x3;
	v22 =	vand.u32 $0xFFFFFC00, v4;
	v24 =	vand.u32 $0x1C00, v24;
	v4 =	vld [tilespmem:s16+$0x0];
	(pc) =	sbr.rel @p0 .LBB2_7-.Ltmp2, $4  }
0xcf: {  	v5 =	vmul.f32 v22, v5;
	v6 =	vand.u32 $0xFFFFFC00, v6;
	v12 =	vmul.f32 v12, v19;
	[tilespmem:v8+s22+$0x0] =	vst.idx.add.f32.msk $0xffff, v14  }
0xd0: {  	v6 =	vmul.f32 v6, v7;
	v8 =	vand.u32 $0x1C00, v20;
	v7 =	vand.u32 $0x1C00, v25;
	[tilespmem:v9+s22+$0x0] =	vst.idx.add.f32.msk $0xffff, v10  }
0xd1: {  	v9 =	vand.u32 $0x7F, v18;
	v10 =	vand.u32 $0x7F, v13;
	v13 =	vand.u32 $0xFFFFFC00, v11;
	[tilespmem:v23+s22+$0x0] =	vst.idx.add.f32.msk $0xffff, v12  }
0xd2: {  	s24 =	sadd.s32 $0x40, s24;
	v11 =	vor.u32 v24, v9;
	v9 =	vmul.f32 v13, v21;
	v12 =	vand.u32 $0x7F, v17;
	[tilespmem:v16+s22+$0x0] =	vst.idx.add.f32.msk $0xffff, v15  }
0xd3: {  	v8 =	vor.u32 v8, v10;
	v60 =	vor.u32 v1, v11  }
0xd4: {  	v7 =	vor.u32 v7, v12;
	v8 =	vor.u32 v1, v8  }
0xd5: {  	v7 =	vor.u32 v1, v7  }
0xd6: {  	v2 =	vmul.f32 v5, v2  }
0xd7: {  	v3 =	vmul.f32 v6, v3  }
0xd8: {  	v4 =	vmul.f32 v9, v4;
	[tilespmem:v60+s22+$0x0] =	vst.idx.add.f32.msk $0xffff, v2  }
0xd9: {  	[tilespmem:v8+s22+$0x0] =	vst.idx.add.f32.msk $0xffff, v3  }
0xda: {  	[tilespmem:v7+s22+$0x0] =	vst.idx.add.f32.msk $0xffff, v4  }
0xdb: {  	v2 =	vld [tilespmem:$0x1D6C0];
	_ =	sdelay $0x2  }
0xdc: {  	v3 =	vld [tilespmem:$0x1E6C0];
	_ =	sdelay $0x3  }
0xdd: {  	s15 =	simm.s32 $0x0  }
0xde: {  	v2 =	vld.idx.msk [tilespmem:v2+s15+$0x0], $0xffff;
	_ =	sdelay $0x2  }
0xdf: {  	v3 =	vld.idx.msk [tilespmem:v3+s15+$0x0], $0xffff;
	_ =	sdelay $0x1  }
0xe0: {  	v61 =	vshll.u32 v2, $0x3  }
0xe1: {  	v62 =	vld [tilespmem:$0x1F6C0];
	v63 =	vand.u32 $0x7F, v2;
	v4 =	vand.u32 $0x1C00, v61  }
0xe2: {  	s1 =	sadd.s32 $0x1, s1;
	v4 =	vor.u32 v4, v63  }
0xe3: {  	p0 =	sne.s32 s1, $0xA;
	v2 =	vand.u32 $0xFFFFFC00, v2;
	v3 =	vand.u32 $0xFFFFFC00, v3;
	v4 =	vor.u32 v1, v4  }
.Ltmp3:
0xe4: {  	v2 =	vmul.f32 v3, v2;
	(pc) =	sbr.rel @p0 .LBB2_4-.Ltmp3, $3  }
0xe5: {  	_ = 	snop  }
0xe6: {  	v2 =	vmul.f32 v2, v62;
	_ =	sdelay $0x1  }
0xe7: {  	[tilespmem:v4+s22+$0x0] =	vst.idx.add.f32.msk $0xffff, v2  }
0xe8: {  	s1 =	sand.u32 $0x70, s15;
	s16 =	sand.u32 $0x1C00, s15  }
0xe9: {  	s1 =	sor.u32 s1, s16  }
0xea: {  	s16 =	sadd.s32 $0x18700, s1;
	v3 =	vld [tilespmem:s1+$0x18700]  }
0xeb: {  	v2 =	vld [tilespmem:s16+$0x80];
	_ =	sdelay $0x1  }
0xec: {  	v4 =	vld [tilespmem:s16+$0x100];
	_ =	sdelay $0x1  }
0xed: {  	v5 =	vld [tilespmem:s16+$0x180]  }
0xee: {  	v2 =	vadd.f32 v2, v3  }
0xef: {  	v3 =	vld [tilespmem:s16+$0x200]  }
0xf0: {  	v2 =	vadd.f32 v4, v2  }
0xf1: {  	v56 =	vld [tilespmem:s16+$0x280]  }
0xf2: {  	v2 =	vadd.f32 v5, v2  }
0xf3: {  	s25 =	sor.u32 s15, s15;
	v57 =	vld [tilespmem:s16+$0x300]  }
0xf4: {  	s15 =	sor.u32 $0x380, s25;
	v2 =	vadd.f32 v3, v2  }
0xf5: {  	v3 =	vld [tilespmem:s15+$0x18700]  }
0xf6: {  	v2 =	vadd.f32 v56, v2  }
0xf7: {  	v58 =	vld [tilespmem:s1+$0x1A700]  }
0xf8: {  	v2 =	vadd.f32 v57, v2  }
0xf9: {  	v59 =	vld [tilespmem:s1+$0x1A780]  }
0xfa: {  	v2 =	vadd.f32 v3, v2  }
0xfb: {  	v3 =	vld [tilespmem:s1+$0x1A800]  }
0xfc: {  	v2 =	vadd.f32 v58, v2  }
0xfd: {  	v60 =	vld [tilespmem:s1+$0x1A880]  }
0xfe: {  	v2 =	vadd.f32 v59, v2  }
0xff: {  	v61 =	vld [tilespmem:s1+$0x1A900]  }
0x100: {  	v2 =	vadd.f32 v3, v2  }
0x101: {  	v3 =	vld [tilespmem:s1+$0x1A980]  }
0x102: {  	v2 =	vadd.f32 v60, v2  }
0x103: {  	v62 =	vld [tilespmem:s1+$0x1AA00]  }
0x104: {  	v2 =	vadd.f32 v61, v2  }
0x105: {  	v63 =	vld [tilespmem:s1+$0x1AA80]  }
0x106: {  	v2 =	vadd.f32 v3, v2;
	_ =	sdelay $0x1  }
0x107: {  	s16 =	simm.s32 $0x80;
	s15 =	simm.s32 $0x10;
	v2 =	vadd.f32 v62, v2  }
0x108: {  	s24 =	sand.u32 $0x1C00, s16;
	s17 =	sand.u32 $0x70, s15  }
0x109: {  	s24 =	sor.u32 s17, s24;
	s17 =	simm.s32 $0x20;
	v2 =	vadd.f32 v63, v2  }
.LBB2_10:
0x10a: {  	p0 =	sne.s32 s17, $0x3E0;
	s25 =	sadd.s32 $0x18700, s24  }
0x10b: {  	v3 =	vld [tilespmem:s25+$0x80];
	[tilespmem:s1+$0x18700] =	vst v2;
	s1 =	smov.u32 s24  }
0x10c: {  	v2 =	vld [tilespmem:s1+$0x18700];
	_ =	sdelay $0x1  }
0x10d: {  	v4 =	vld [tilespmem:s25+$0x100];
	_ =	sdelay $0x1  }
0x10e: {  	v5 =	vld [tilespmem:s25+$0x180]  }
0x10f: {  	v2 =	vadd.f32 v3, v2  }
0x110: {  	v3 =	vld [tilespmem:s25+$0x200]  }
0x111: {  	v2 =	vadd.f32 v4, v2  }
0x112: {  	v4 =	vld [tilespmem:s25+$0x280]  }
0x113: {  	v2 =	vadd.f32 v5, v2  }
0x114: {  	s24 =	sor.u32 s16, s15;
	s15 =	smov.u32 s17;
	v5 =	vld [tilespmem:s25+$0x300]  }
0x115: {  	s24 =	sor.u32 $0x380, s24;
	v2 =	vadd.f32 v3, v2  }
0x116: {  	v3 =	vld [tilespmem:s24+$0x18700]  }
0x117: {  	v2 =	vadd.f32 v4, v2  }
0x118: {  	v4 =	vld [tilespmem:s1+$0x1A700]  }
0x119: {  	v2 =	vadd.f32 v5, v2  }
0x11a: {  	v5 =	vld [tilespmem:s1+$0x1A780]  }
0x11b: {  	v2 =	vadd.f32 v3, v2  }
0x11c: {  	v3 =	vld [tilespmem:s1+$0x1A800]  }
0x11d: {  	v2 =	vadd.f32 v4, v2  }
0x11e: {  	v4 =	vld [tilespmem:s1+$0x1A880]  }
0x11f: {  	v2 =	vadd.f32 v5, v2  }
0x120: {  	v5 =	vld [tilespmem:s1+$0x1A900]  }
0x121: {  	v2 =	vadd.f32 v3, v2  }
0x122: {  	v3 =	vld [tilespmem:s1+$0x1A980]  }
0x123: {  	v2 =	vadd.f32 v4, v2  }
0x124: {  	v4 =	vld [tilespmem:s1+$0x1AA00]  }
0x125: {  	v2 =	vadd.f32 v5, v2  }
0x126: {  	v5 =	vld [tilespmem:s1+$0x1AA80]  }
.Ltmp4:
0x127: {  	v2 =	vadd.f32 v3, v2;
	(pc) =	sbr.rel @p0 .LBB2_10-.Ltmp4, $4  }
0x128: {  	_ = 	snop  }
0x129: {  	s16 =	sadd.s32 $0x80, s16;
	v2 =	vadd.f32 v4, v2  }
0x12a: {  	s25 =	sand.u32 $0x1C00, s16;
	s24 =	sand.u32 $0x70, s17  }
0x12b: {  	s17 =	sadd.s32 $0x10, s17;
	s24 =	sor.u32 s24, s25;
	v2 =	vadd.f32 v5, v2  }
0x12c: {  	s17 =	sadd.s32 $0x18700, s24  }
0x12d: {  	v3 =	vld [tilespmem:s17+$0x80];
	[tilespmem:s1+$0x18700] =	vst v2  }
0x12e: {  	v2 =	vld [tilespmem:s24+$0x18700];
	_ =	sdelay $0x1  }
0x12f: {  	v4 =	vld [tilespmem:s17+$0x100];
	_ =	sdelay $0x1  }
0x130: {  	v5 =	vld [tilespmem:s17+$0x180]  }
0x131: {  	v2 =	vadd.f32 v3, v2  }
0x132: {  	v3 =	vld [tilespmem:s17+$0x200]  }
0x133: {  	v2 =	vadd.f32 v4, v2  }
0x134: {  	v56 =	vld [tilespmem:s17+$0x280]  }
0x135: {  	v2 =	vadd.f32 v5, v2  }
0x136: {  	s15 =	sor.u32 s16, s15;
	v57 =	vld [tilespmem:s17+$0x300]  }
0x137: {  	s1 =	sor.u32 $0x380, s15;
	v2 =	vadd.f32 v3, v2  }
0x138: {  	v3 =	vld [tilespmem:s1+$0x18700]  }
0x139: {  	v2 =	vadd.f32 v56, v2  }
0x13a: {  	v58 =	vld [tilespmem:s24+$0x1A700]  }
0x13b: {  	v2 =	vadd.f32 v57, v2  }
0x13c: {  	v59 =	vld [tilespmem:s24+$0x1A780]  }
0x13d: {  	v2 =	vadd.f32 v3, v2  }
0x13e: {  	v3 =	vld [tilespmem:s24+$0x1A800]  }
0x13f: {  	v2 =	vadd.f32 v58, v2  }
0x140: {  	v60 =	vld [tilespmem:s24+$0x1A880]  }
0x141: {  	v2 =	vadd.f32 v59, v2  }
0x142: {  	v61 =	vld [tilespmem:s24+$0x1A900]  }
0x143: {  	v2 =	vadd.f32 v3, v2  }
0x144: {  	v3 =	vld [tilespmem:s24+$0x1A980]  }
0x145: {  	v2 =	vadd.f32 v60, v2  }
0x146: {  	v62 =	vld [tilespmem:s24+$0x1AA00]  }
0x147: {  	v2 =	vadd.f32 v61, v2  }
0x148: {  	v63 =	vld [tilespmem:s24+$0x1AA80]  }
0x149: {  	v2 =	vadd.f32 v3, v2;
	_ =	sdelay $0x1  }
0x14a: {  	v2 =	vadd.f32 v62, v2;
	_ =	sdelay $0x1  }
0x14b: {  	v2 =	vadd.f32 v63, v2;
	_ =	sdelay $0x1  }
0x14c: {  	[tilespmem:s24+$0x18700] =	vst v2  }
0x14d: {  	[hbm4b:s12+s4] =	stream.linear.scatter [tilespmem:s22], [sflag:$0x3], $0x80, $0x38;
	[tilespmem:$0x1F700] =	vst v63  }
0x14e: {  	s16 =	sadd.s32 $0x80, s12;
	s17 =	simm.s32 $0x18B00  }
0x14f: {  	[hbm4b:s16+s4] =	stream.linear.scatter [tilespmem:s17], [sflag:$0x3], $0x80, $0x38;
	[tilespmem:$0x1F700] =	vst v63  }
0x150: {  	s25 =	simm.s32 $0x18F00;
	s24 =	sadd.s32 $0x100, s12  }
0x151: {  	[hbm4b:s24+s4] =	stream.linear.scatter [tilespmem:s25], [sflag:$0x3], $0x80, $0x38;
	[tilespmem:$0x1F700] =	vst v63  }
0x152: {  	s15 =	sadd.s32 $0x180, s12  }
0x153: {  	[hbm4b:s15+s4] =	stream.linear.scatter [tilespmem:s26], [sflag:$0x3], $0x80, $0x38;
	[tilespmem:$0x1F700] =	vst v63  }
0x154: {  	s16 =	sadd.s32 $0x200, s12  }
0x155: {  	[hbm4b:s16+s4] =	stream.linear.scatter [tilespmem:s28], [sflag:$0x3], $0x80, $0x38;
	[tilespmem:$0x1F700] =	vst v63  }
0x156: {  	s0 =	sadd.s32 $0x1, s0;
	s17 =	sadd.s32 $0x280, s12  }
0x157: {  	[hbm4b:s17+s4] =	stream.linear.scatter [tilespmem:s29], [sflag:$0x3], $0x80, $0x38;
	[tilespmem:$0x1F700] =	vst v63  }
0x158: {  	p0 =	sne.s32 s0, s13;
	s24 =	sadd.s32 $0x300, s12  }
0x159: {  	[hbm4b:s24+s4] =	stream.linear.scatter [tilespmem:s30], [sflag:$0x3], $0x80, $0x38;
	[tilespmem:$0x1F700] =	vst v63  }
.Ltmp5:
0x15a: {  	s25 =	sadd.s32 $0x380, s12;
	(pc) =	sbr.rel @p0 .LBB2_1-.Ltmp5, $4  }
0x15b: {  	[hbm4b:s25+s4] =	stream.linear.scatter [tilespmem:s31], [sflag:$0x3], $0x80, $0x38;
	[tilespmem:$0x1F700] =	vst v63  }
0x15c: {  	_ =	swait.ge [sflag:s14], $0x400  }
0x15d: {  	[sflag:s14] =	ssyncset.done $0x0  }
0x15e: {  	[sflag:s14] =	ssyncadd.s32 $0xFFFFFC00  }
0x15f: {  	_ =	sfence.sel $0x180000  }
0x160: {  	[bflag:$0x0] =	sbarrier.arrive $0xFFFF  }
0x161: {  	_ =	strace $0x90000050  }
0x162: {  	s0 =	stileid.u32;
	[bflag:$0x2] =	sbarrier.arrive $0xFFFF  }
0x163: {  	p0 =	sne.s32 s0, $0x0;
	s0 =	rddreg [dreg:$0x3]  }
0x164: {  	s0 =	sadd.s32 @!p0 $0x100000, s0  }
0x165: {  	[sflag:s0] =	ssyncadd.tile.s32 @!p0 $0x1;
	_ =	shalt  }
.Lfunc_end2:
_tile_overlayer_lowered:
.L_overlay_start_2:
0x166: {  	(tag) =	ssettag $0x2  }
0x167: {  	s0 =	rddreg [dreg:$0x0];
	s2 =	stileid.u32  }
0x168: {  	s1 =	rddreg [dreg:$0x1];
	p0 =	sne.s32 s2, $0x0  }
0x169: {  	s3 =	rddreg [dreg:$0x2];
	[bflag:$0x3] =	sbarrier.arrive $0xFFFF;
	s2 =	simm.s32 @!p0 $0x1C03  }
0x16a: {  	[timem:s3], [sflag:s2] =	dma.local @!p0 [hbm:s0], s1  }
0x16b: {  	s0 =	simm.s32 @!p0 $0x3  }
0x16c: {  	_ =	swait.ge @!p0 [sflag:s0], s1  }
0x16d: {  	s1 =	ssub.s32 @!p0 $0x0, s1;
	[sflag:s0] =	ssyncset.done @!p0 $0x0  }
0x16e: {  	[sflag:s0] =	ssyncadd.s32 @!p0 s1  }
0x16f: {  	[bflag:$0x3] =	sbarrier.arrive $0xFFFF  }
0x170: {  	_ =	shalt  }

// kernel: kernel.24.cloned.1.call-start
scs
__scs_entry_jumppad:
0x0: {  	(pc) =	sbr.rel $0x88, $3  }
0x1: {  	(tag) =	ssettag $0x0;
	lr =	simm.s32 $0x1  }
0x2: {  	[smem:$0x3F9C] =	sst lr;
	_ =	strace $0xD0000000  }
0x3: {  	_ = 	snop  }
0x4: {  	_ = 	snop  }
0x5: {  	_ = 	snop  }
0x6: {  	_ = 	snop  }
0x7: {  	_ = 	snop  }
__scs_overlays_trampoline_lowered:
0x8: {  	[smem:$0x3FAB] =	sst s0  }
0x9: {  	[smem:$0x3FAC] =	sst s1  }
0xa: {  	[smem:$0x3FAD] =	sst s2  }
0xb: {  	[smem:$0x3FAE] =	sst s3  }
0xc: {  	[smem:$0x3FAF] =	sst s4  }
0xd: {  	[smem:$0x3FB0] =	sst s5  }
0xe: {  	[smem:$0x3FB1] =	sst s6  }
0xf: {  	[smem:$0x3FB2] =	sst s7  }
0x10: {  	[smem:$0x3FB3] =	sst s8  }
0x11: {  	[smem:$0x3FB4] =	sst s9;
	s0 =	simm.s32 @!p0 $0x0  }
0x12: {  	s1 =	sld [smem:$0x3F9A];
	s0 =	simm.s32 @p0 $0x1  }
0x13: {  	[smem:$0x3FB5] =	sst s0;
	s0 =	simm.s32 @!p1 $0x0  }
0x14: {  	s2 =	sld [smem:$0x3F99];
	s0 =	simm.s32 @p1 $0x1  }
0x15: {  	[smem:$0x3FB6] =	sst s0;
	s0 =	simm.s32 @!p2 $0x0  }
0x16: {  	s3 =	sld [smem:$0x3FDB];
	s0 =	simm.s32 @p2 $0x1  }
0x17: {  	s4 =	simm.s32 $0x1BF5;
	[smem:$0x3FB8] =	sst s0  }
0x18: {  	s0 =	sld [smem:$0x3F9B];
	_ =	swait.ge [sflag:s4], $0x0  }
0x19: {  	s7 =	sld [smem:$0x3F9C]  }
0x1a: {  	s8 =	sadd.s32 $0xFFFFE003, lr  }
0x1b: {  	s9 =	sadd.s32 $0xFFFFFEF7, lr;
	s5 =	simm.s32 $0xFFFFFFFF;
	p2 =	slt.u32 s8, $0xFFFFF086  }
0x1c: {  	p1 =	slt.u32 s9, $0xF7A;
	s5 =	simm.s32 @!p2 $0x0  }
0x1d: {  	s5 =	simm.s32 @p1 $0x1;
	p0 =	seq.s32 s7, s2  }
0x1e: {  	s7 =	smul.u32 @!p0 $0xF7A, s2;
	p2 =	seq.s32 @!p0 s5, $0x0  }
0x1f: {  	s9 =	smul.u32 $0xF7A, s1;
	s8 =	simm.s32 @!p0 $0x1BF5;
	p2 =	por !p2, p0  }
0x20: {  	[sflag:s8] =	ssyncset.s32 @!p0 $0xFFFFF086;
	s6 =	sadd.s32 @!p0 s3, s7;
	s7 =	simm.s32 @!p0 $0x108  }
0x21: {  	s3 =	sadd.s32 s3, s9;
	s6 =	sadd.s32 @!p0 $0x88, s6;
	s7 =	simm.s32 @p2 $0x1082  }
0x22: {  	[simem:s7], [sflag:s8] =	dma.local @!p0 [hbm:s6], $0xF7A  }
0x23: {  	s9 =	sor.u32 $0xD0000000, s2;
	s6 =	simm.s32 $0x108;
	_ =	swait.ge @!p0 [sflag:s8], $0x0  }
0x24: {  	s3 =	sadd.s32 $0x88, s3;
	s6 =	simm.s32 @!p1 $0x1082;
	[sflag:s4] =	ssyncset.s32 $0xFFFFF086  }
0x25: {  	[simem:s6], [sflag:s4] =	dma.local [hbm:s3], $0xF7A  }
0x26: {  	[smem:$0x3F9C] =	sst s1;
	(tag) =	ssettag s2;
	_ =	strace s9  }
0x27: {  	s1 =	sld [smem:$0x3FAC]  }
0x28: {  	s2 =	sld [smem:$0x3FAD]  }
0x29: {  	s4 =	sld [smem:$0x3FAF]  }
0x2a: {  	p0 =	seq.s32 s5, $0x0;
	s5 =	sld [smem:$0x3FB0]  }
0x2b: {  	s6 =	sld [smem:$0x3FB1]  }
0x2c: {  	s7 =	sld [smem:$0x3FB2]  }
0x2d: {  	s3 =	simm.s32 $0x108;
	s8 =	sld [smem:$0x3FB3]  }
0x2e: {  	s3 =	simm.s32 @!p0 $0x1082;
	s9 =	sld [smem:$0x3FB4]  }
0x2f: {  	lr =	sadd.s32 s0, s3;
	s0 =	sld [smem:$0x3FAB]  }
0x30: {  	s3 =	sld [smem:$0x3FAE]  }
0x31: {  	[smem:$0x3FB7] =	sst s10  }
0x32: {  	s10 =	sld [smem:$0x3FB5];
	_ =	sdelay $0x3  }
0x33: {  	p0 =	seq.s32 s10, $0x1;
	s10 =	sld [smem:$0x3FB7];
	_ =	sdelay $0x3  }
0x34: {  	[smem:$0x3FB7] =	sst s10  }
0x35: {  	s10 =	sld [smem:$0x3FB6];
	_ =	sdelay $0x3  }
0x36: {  	p1 =	seq.s32 s10, $0x1;
	s10 =	sld [smem:$0x3FB7];
	_ =	sdelay $0x3  }
0x37: {  	[smem:$0x3FB7] =	sst s10  }
0x38: {  	s10 =	sld [smem:$0x3FB8]  }
0x39: {  	_ = 	snop;
	(pc) =	sbr.ind lr, $3  }
0x3a: {  	_ = 	snop  }
0x3b: {  	_ = 	snop  }
0x3c: {  	p2 =	seq.s32 s10, $0x1;
	s10 =	sld [smem:$0x3FB7]  }
0x3d: {  	_ =	shalt  }
0x3e: {  	_ =	shalt  }
0x3f: {  	_ =	shalt  }
0x40: {  	_ =	shalt  }
0x41: {  	_ =	shalt  }
0x42: {  	_ =	shalt  }
0x43: {  	_ =	shalt  }
0x44: {  	_ =	shalt  }
0x45: {  	_ =	shalt  }
0x46: {  	_ =	shalt  }
0x47: {  	_ =	shalt  }
0x48: {  	_ =	shalt  }
0x49: {  	_ =	shalt  }
0x4a: {  	_ =	shalt  }
0x4b: {  	_ =	shalt  }
0x4c: {  	_ =	shalt  }
0x4d: {  	_ =	shalt  }
0x4e: {  	_ =	shalt  }
0x4f: {  	_ =	shalt  }
0x50: {  	_ =	shalt  }
0x51: {  	_ =	shalt  }
0x52: {  	_ =	shalt  }
0x53: {  	_ =	shalt  }
0x54: {  	_ =	shalt  }
0x55: {  	_ =	shalt  }
0x56: {  	_ =	shalt  }
0x57: {  	_ =	shalt  }
0x58: {  	_ =	shalt  }
0x59: {  	_ =	shalt  }
0x5a: {  	_ =	shalt  }
0x5b: {  	_ =	shalt  }
0x5c: {  	_ =	shalt  }
0x5d: {  	_ =	shalt  }
0x5e: {  	_ =	shalt  }
0x5f: {  	_ =	shalt  }
0x60: {  	_ =	shalt  }
0x61: {  	_ =	shalt  }
0x62: {  	_ =	shalt  }
0x63: {  	_ =	shalt  }
0x64: {  	_ =	shalt  }
0x65: {  	_ =	shalt  }
0x66: {  	_ =	shalt  }
0x67: {  	_ =	shalt  }
0x68: {  	_ =	shalt  }
0x69: {  	_ =	shalt  }
0x6a: {  	_ =	shalt  }
0x6b: {  	_ =	shalt  }
0x6c: {  	_ =	shalt  }
0x6d: {  	_ =	shalt  }
0x6e: {  	_ =	shalt  }
0x6f: {  	_ =	shalt  }
0x70: {  	_ =	shalt  }
0x71: {  	_ =	shalt  }
0x72: {  	_ =	shalt  }
0x73: {  	_ =	shalt  }
0x74: {  	_ =	shalt  }
0x75: {  	_ =	shalt  }
0x76: {  	_ =	shalt  }
0x77: {  	_ =	shalt  }
0x78: {  	_ =	shalt  }
0x79: {  	_ =	shalt  }
0x7a: {  	_ =	shalt  }
0x7b: {  	_ =	shalt  }
0x7c: {  	_ =	shalt  }
0x7d: {  	_ =	shalt  }
0x7e: {  	_ =	shalt  }
0x7f: {  	_ =	shalt  }
0x80: {  	_ =	shalt  }
0x81: {  	_ =	shalt  }
0x82: {  	_ =	shalt  }
0x83: {  	_ =	shalt  }
0x84: {  	_ =	shalt  }
0x85: {  	_ =	shalt  }
0x86: {  	_ =	shalt  }
0x87: {  	_ =	shalt  }
.Lfunc_end0:
.L_simem_size_0:
called_computation.4_lowered:
.L_overlay_start_0:
0x88: {  	s2 =	sld [smem:$0x3FD9]  }
0x89: {  	s3 =	sld [smem:$0x3FFE];
	_ =	sdelay $0x1  }
0x8a: {  	s1 =	srdreg.scid  }
0x8b: {  	s0 =	sand.u32 $0x1, s1  }
0x8c: {  	s17 =	sshll.u32 s0, $0xA;
	s2 =	sadd.s32 s3, s2  }
0x8d: {  	s2 =	sadd.s32 s2, s17  }
0x8e: {  	[smem:$0x3FC3] =	sst s2  }
0x8f: {  	_ = 	snop  }
0x90: {  	s18 =	sld [smem:$0x3FC7]  }
0x91: {  	s4 =	sld [smem:$0x3FC6];
	(tm) =	ssettm $0x1  }
0x92: {  	s19 =	sld [smem:$0x3FFB];
	_ =	sdelay $0x3  }
0x93: {  	_ =	strace s19  }
0x94: {  	s2 =	sld [smem:$0x3FFC];
	_ =	sdelay $0x3  }
0x95: {  	_ =	strace s2  }
0x96: {  	s2 =	sld [smem:$0x3FFD];
	_ =	sdelay $0x3  }
0x97: {  	_ =	strace s2  }
0x98: {  	_ =	strace $0x8FFFFFFF  }
0x99: {  	s20 =	sld [smem:$0x3FDB];
	_ =	sdelay $0x1  }
0x9a: {  	s5 =	simm.s32 $_scs_section_size  }
0x9b: {  	s6 =	simm.s32 $_size__tile_overlayer_lowered;
	s7 =	simm.s32 $_tile_overlayer_lowered  }
0x9c: {  	s8 =	simm.s32 $0x1BFF;
	s21 =	sshll.u32 s7, $0x1;
	s5 =	sadd.s32 s5, s20  }
0x9d: {  	s22 =	simm.s32 $0x0;
	s6 =	sshll.u32 s6, $0x1;
	s7 =	sadd.s32 s21, s5  }
0x9e: {  	[timem:s22], [sflag:s8] =	dma.local [hbm:s7], s6  }
0x9f: {  	_ =	swait.ge [sflag:s8], s6  }
0xa0: {  	s6 =	ssub.s32 $0x0, s6;
	[sflag:s8] =	ssyncset.done $0x0  }
0xa1: {  	[sflag:s8] =	ssyncadd.s32 s6;
	_ =	sdelay $0x1  }
0xa2: {  	s23 =	simm.s32 $0x1B8B  }
0xa3: {  	_ =	swait.ge [sflag:s23], $0x1  }
0xa4: {  	[sflag:s23] =	ssyncset.done $0x0  }
0xa5: {  	[sflag:s23] =	ssyncadd.s32 $0xFFFFFFFF  }
0xa6: {  	s6 =	sld [smem:$0x0]  }
0xa7: {  	s7 =	sand.u32 $0xFFFFFFFE, s1  }
0xa8: {  	p0 =	sne.s32 s1, s7  }
0xa9: {  	s7 =	sshll.u32 @p0 s7, $0xE  }
0xaa: {  	s7 =	sadd.s32 @p0 $0x11B8D, s7;
	s8 =	sshll.u32 @p0 s6, $0x11  }
0xab: {  	s7 =	sor.u32 @p0 s8, s7  }
0xac: {  	[sflag:s7] =	ssyncadd.remote.s32 @p0 $0x1;
	_ =	sdelay $0x1  }
0xad: {  	s7 =	simm.s32 @p0 $0x1B8D  }
0xae: {  	_ =	swait.eq @p0 [sflag:s7], $0x1  }
0xaf: {  	[sflag:s7] =	ssyncadd.s32 @p0 $0xFFFFFFFF  }
0xb0: {  	s8 =	sshll.u32 @!p0 s1, $0xE  }
0xb1: {  	s8 =	sor.u32 @!p0 $0x4000, s8;
	s7 =	simm.s32 @!p0 $0x1B8D  }
0xb2: {  	s6 =	sshll.u32 @!p0 s6, $0x11;
	s8 =	sadd.s32 @!p0 $0x11B8D, s8;
	_ =	swait.eq @!p0 [sflag:s7], $0x1  }
0xb3: {  	s6 =	sor.u32 @!p0 s6, s8;
	[sflag:s7] =	ssyncadd.s32 @!p0 $0xFFFFFFFF  }
0xb4: {  	s25 =	simm.s32 $0x1B8E;
	s24 =	sld [smem:$0x3FFE];
	[sflag:s6] =	ssyncadd.remote.s32 @!p0 $0x1  }
0xb5: {  	s26 =	simm.s32 $execute0_lowered;
	[smem:$0x3FD2] =	sst s25  }
0xb6: {  	s7 =	sshll.u32 s26, $0x1;
	_ =	strace $0x80000052;
	[dreg:$0x1] =	wrdreg $0xFFFFFFFF  }
0xb7: {  	s28 =	simm.s32 $_size_execute0_lowered;
	s5 =	sadd.s32 s5, s7;
	[dreg:$0x0] =	wrdreg $0x0  }
0xb8: {  	s7 =	sshll.u32 s28, $0x1;
	[dreg:$0x2] =	wrdreg s5  }
0xb9: {  	[dreg:$0x3] =	wrdreg s7  }
0xba: {  	[dreg:$0x4] =	wrdreg $0xC0  }
0xbb: {  	_ =	task [dreg:s22], $0x5FFFF  }
0xbc: {  	[dreg:$0x1] =	wrdreg $0xFFFFFFFF  }
0xbd: {  	[dreg:$0x0] =	wrdreg $0x60  }
0xbe: {  	[dreg:$0x2] =	wrdreg s24  }
0xbf: {  	[dreg:$0x3] =	wrdreg s18  }
0xc0: {  	[dreg:$0x4] =	wrdreg s4  }
0xc1: {  	[dreg:$0x5] =	wrdreg $0xD  }
0xc2: {  	_ =	task.clear_ibuf [dreg:s22], $0x6FFFF;
	_ =	strace $0x90000052  }
0xc3: {  	s29 =	simm.s32 $0xD;
	_ =	strace $0x80000054  }
0xc4: {  	_ =	swait.ge [sflag:s29], $0x1  }
0xc5: {  	[sflag:s29] =	ssyncadd.s32 $0xFFFFFFFF  }
0xc6: {  	_ =	strace $0x90000054  }
0xc7: {  	_ =	sfence  }
0xc8: {  	s30 =	sld [smem:$0x0];
	_ =	sdelay $0x2  }
0xc9: {  	s31 =	sshll.u32 s1, $0xD;
	s1 =	sshrl.u32 s1, $0x2  }
0xca: {  	s4 =	sand.u32 $0x4000, s31;
	s1 =	sadd.s32 s1, s30  }
0xcb: {  	s0 =	sor.u32 s4, s0;
	s1 =	sshll.u32 s1, $0x11  }
0xcc: {  	s0 =	sor.u32 s1, s0  }
0xcd: {  	s0 =	sadd.s32 $0x8F2B, s0  }
0xce: {  	[sflag:s0] =	ssyncadd.remote.s32 $0x1  }
0xcf: {  	_ =	sfence.sel $0xFFFF  }
0xd0: {  	[dreg:$0x0] =	wrdreg $0xFFFFFFFF;
	(pc) =	sbr.abs _section_cstart, $3  }
0xd1: {  	[dreg:$0x1] =	wrdreg $0xFFFFFFFF  }
0xd2: {  	_ =	task.clear_ibuf [dreg:s22], $0x2FFFF;
	_ =	strace $0x9FFFFFFF  }
0xd3: {  	(tm) =	ssettm $0x7FFFFFFF  }
tec
execute0_lowered:
.L_overlay_start_1:
0x0: {  	(tag) =	ssettag $0x1  }
0x1: {  	s0 =	rddreg [dreg:$0x0]  }
0x2: {  	s2 =	rddreg [dreg:$0x1];
	v0 =	vimm.s32 $0x2380;
	vm0 =	vcmask $0x300  }
0x3: {  	s3 =	rddreg [dreg:$0x2];
	vm14 =	vcmask $0x704;
	v0 =	vsel vm0, $0x0, v0  }
0x4: {  	s4 =	simm.s32 $0x0;
	s6 =	stileid.u32;
	s1 =	srdreg.scid;
	vm15 =	vcmask $0xB08;
	v0 =	vsel vm14, $0x80, v0  }
0x5: {  	vm4 =	vcmask $0xF0C;
	s14 =	simm.s32 $0x3;
	s18 =	simm.s32 $0x1CF00;
	s19 =	simm.s32 $0x1DF00;
	v0 =	vsel vm15, $0x100, v0  }
0x6: {  	vm5 =	vcmask $0x1310;
	s20 =	simm.s32 $0x1EF00;
	s21 =	simm.s32 $0x1;
	s22 =	simm.s32 $0x18700;
	v0 =	vsel vm4, $0x180, v0  }
0x7: {  	vm6 =	vcmask $0x1714;
	s23 =	simm.s32 $0x2;
	s28 =	simm.s32 $0x19700;
	s29 =	simm.s32 $0x19B00;
	v0 =	vsel vm5, $0x200, v0  }
0x8: {  	vm7 =	vcmask $0x1B18;
	s30 =	simm.s32 $0x19F00;
	s31 =	simm.s32 $0x1A300;
	[smem:$0x7FF] =	sst s4;
	v0 =	vsel vm6, $0x280, v0  }
0x9: {  	vm8 =	vcmask $0x1F1C;
	s1 =	sand.u32 $0x1, s1;
	s5 =	sshll.u32 s6, $0x1;
	s8 =	sshll.u32 s6, $0x8;
	v0 =	vsel vm7, $0x300, v0  }
0xa: {  	vm9 =	vcmask $0x2320;
	s6 =	sadd.s32 $0x7C600, s0;
	_ =	strace $0x80000053;
	s7 =	sor.u32 s1, s5;
	v0 =	vsel vm8, $0x380, v0  }
0xb: {  	vm10 =	vcmask $0x2724;
	s5 =	sadd.s32 $0x18B400, s0;
	s8 =	sand.u32 $0xC00, s8;
	s1 =	ssub.s32 $0x2, s1;
	v0 =	vsel vm9, $0x2000, v0  }
0xc: {  	vm11 =	vcmask $0x2B28;
	s11 =	smul.u32 $0x9C40, s7;
	s25 =	sshrl.u32 s1, $0x1;
	s10 =	sshll.u32 s7, $0x4;
	v0 =	vsel vm10, $0x2080, v0  }
0xd: {  	vm12 =	vcmask $0x2F2C;
	s0 =	sadd.s32 s8, s0;
	s1 =	ssub.s32 s1, s25;
	s12 =	sand.u32 $0x70, s10;
	v0 =	vsel vm11, $0x2100, v0  }
0xe: {  	vm13 =	vcmask $0x3330;
	s9 =	sshrl.u32 s11, $0x3;
	s10 =	sadd.s32 $0x7D0, s11;
	s0 =	sadd.s32 s12, s0;
	v0 =	vsel vm12, $0x2180, v0  }
0xf: {  	vm14 =	vcmask $0x3734;
	s11 =	sadd.s32 $0xFA0, s11;
	s13 =	smax.u32 s1, $0x1;
	s26 =	sadd.s32 $0x9C400, s9;
	v0 =	vsel vm13, $0x2200, v0  }
0x10: {  	vm15 =	vcmask $0x3B38;
	s9 =	sadd.s32 s6, s9;
	s12 =	sadd.s32 $0xA3800, s0;
	s0 =	simm.s32 $0x0;
	v1 =	vsel vm14, $0x2280, v0  }
0x11: {  	s7 =	sadd.s32 s2, s26;
	s8 =	sadd.s32 s3, s26;
	s26 =	simm.s32 $0x19300;
	v0 =	vimm.f32 $0.0e+00;
	v1 =	vsel vm15, $0x2300, v1  }
.LBB2_1:
0x12: {  	[tilespmem:s4], [sflag:$0x3] =	stream.linear.gather [hbm4b:s5+s4], $0x18700, $0x38;
	[tilespmem:$0x1F700] =	vst v63  }
0x13: {  	s1 =	sand.u32 $0x70, s4;
	s15 =	sand.u32 $0x1C00, s4;
	_ =	swait.ge [sflag:s14], $0x18700  }
0x14: {  	s1 =	sor.u32 s1, s15;
	[sflag:s14] =	ssyncset.done $0x0  }
0x15: {  	s17 =	sadd.s32 $0x18700, s1;
	[sflag:s14] =	ssyncadd.s32 $0xFFFE7900  }
0x16: {  	[tilespmem:s17+$0x280] =	vst v0  }
0x17: {  	[tilespmem:s17+$0x200] =	vst v0  }
0x18: {  	[tilespmem:s17+$0x180] =	vst v0  }
0x19: {  	[tilespmem:s17+$0x100] =	vst v0  }
0x1a: {  	[tilespmem:s17+$0x80] =	vst v0  }
0x1b: {  	s24 =	sor.u32 s4, s4;
	s16 =	simm.s32 $0x0;
	s15 =	simm.s32 $0x10;
	[tilespmem:s1+$0x18700] =	vst v0  }
.LBB2_2:
0x1c: {  	p0 =	sne.s32 s15, $0x3E0;
	[tilespmem:s17+$0x300] =	vst v0;
	s17 =	sor.u32 $0x380, s24  }
0x1d: {  	[tilespmem:s17+$0x18700] =	vst v0  }
0x1e: {  	[tilespmem:s1+$0x1A700] =	vst v0  }
0x1f: {  	[tilespmem:s1+$0x1A780] =	vst v0  }
0x20: {  	[tilespmem:s1+$0x1A800] =	vst v0  }
0x21: {  	[tilespmem:s1+$0x1A880] =	vst v0  }
0x22: {  	s16 =	sadd.s32 $0x80, s16;
	[tilespmem:s1+$0x1A900] =	vst v0  }
0x23: {  	s17 =	sand.u32 $0x70, s15;
	s24 =	sand.u32 $0x1C00, s16;
	[tilespmem:s1+$0x1A980] =	vst v0  }
0x24: {  	s24 =	sor.u32 s17, s24;
	[tilespmem:s1+$0x1AA00] =	vst v0  }
0x25: {  	s17 =	sadd.s32 $0x18700, s24;
	[tilespmem:s1+$0x1AA80] =	vst v0;
	s1 =	smov.u32 s24  }
0x26: {  	[tilespmem:s17+$0x280] =	vst v0  }
.Ltmp0:
0x27: {  	[tilespmem:s17+$0x200] =	vst v0;
	(pc) =	sbr.rel @p0 .LBB2_2-.Ltmp0, $4  }
0x28: {  	[tilespmem:s17+$0x180] =	vst v0  }
0x29: {  	[tilespmem:s17+$0x100] =	vst v0  }
0x2a: {  	[tilespmem:s17+$0x80] =	vst v0  }
0x2b: {  	s24 =	sor.u32 s16, s15;
	s15 =	sadd.s32 $0x10, s15;
	[tilespmem:s1+$0x18700] =	vst v0  }
0x2c: {  	[tilespmem:s17+$0x300] =	vst v0;
	s15 =	sor.u32 $0x380, s24  }
0x2d: {  	[tilespmem:s15+$0x18700] =	vst v0  }
0x2e: {  	[tilespmem:s1+$0x1A700] =	vst v0  }
0x2f: {  	[tilespmem:s1+$0x1A780] =	vst v0  }
0x30: {  	[tilespmem:s1+$0x1A800] =	vst v0  }
0x31: {  	[tilespmem:s1+$0x1A880] =	vst v0  }
0x32: {  	[tilespmem:s1+$0x1A900] =	vst v0  }
0x33: {  	[tilespmem:s1+$0x1A980] =	vst v0  }
0x34: {  	[tilespmem:s1+$0x1AA00] =	vst v0  }
0x35: {  	s17 =	simm.s32 $0x1C700;
	[tilespmem:s1+$0x1AA80] =	vst v0;
	s1 =	simm.s32 $0x0  }
0x36: {  	[tilespmem:s17], [sflag:$0x1] =	stream.linear.gather [hbm4b:s7+s1], $0x7D0, $0x38;
	[tilespmem:$0x1F700] =	vst v63  }
0x37: {  	s24 =	simm.s32 $0x1D700  }
0x38: {  	[tilespmem:s24], [sflag:$0x1] =	stream.linear.gather [hbm4b:s8+s1], $0x7D0, $0x38;
	[tilespmem:$0x1F700] =	vst v63  }
0x39: {  	s25 =	simm.s32 $0x1E700  }
0x3a: {  	[tilespmem:s25], [sflag:$0x1] =	stream.linear.gather [hbm4b:s9+s1], $0x7D0, $0x38;
	[tilespmem:$0x1F700] =	vst v63  }
.LBB2_4:
0x3b: {  	s15 =	smul.u32 $0xFA0, s1;
	_ =	sdelay $0x1  }
0x3c: {  	s16 =	sadd.s32 s15, s10  }
0x3d: {  	s16 =	sshrl.u32 s16, $0x3  }
0x3e: {  	s17 =	sadd.s32 $0x9C400, s16  }
0x3f: {  	s24 =	sadd.s32 s2, s17  }
0x40: {  	[tilespmem:s18], [sflag:$0x2] =	stream.linear.gather [hbm4b:s24+s4], $0x7D0, $0x38;
	[tilespmem:$0x1F700] =	vst v63  }
0x41: {  	s17 =	sadd.s32 s3, s17  }
0x42: {  	[tilespmem:s19], [sflag:$0x2] =	stream.linear.gather [hbm4b:s17+s4], $0x7D0, $0x38;
	[tilespmem:$0x1F700] =	vst v63  }
0x43: {  	s16 =	sadd.s32 s6, s16  }
0x44: {  	[tilespmem:s20], [sflag:$0x2] =	stream.linear.gather [hbm4b:s16+s4], $0x7D0, $0x38;
	[tilespmem:$0x1F700] =	vst v63  }
0x45: {  	_ =	swait.ge [sflag:s21], $0x7D0  }
0x46: {  	[sflag:s21] =	ssyncset.done $0x0  }
0x47: {  	[sflag:s21] =	ssyncadd.s32 $0xFFFFF830  }
0x48: {  	_ =	swait.ge [sflag:s21], $0x7D0  }
0x49: {  	[sflag:s21] =	ssyncset.done $0x0  }
0x4a: {  	[sflag:s21] =	ssyncadd.s32 $0xFFFFF830  }
0x4b: {  	_ =	swait.ge [sflag:s21], $0x7D0  }
0x4c: {  	[sflag:s21] =	ssyncset.done $0x0  }
0x4d: {  	s25 =	simm.s32 $0x1C720;
	[sflag:s21] =	ssyncadd.s32 $0xFFFFF830  }
0x4e: {  	v2 =	vld [tilespmem:s25+$0x10]  }
0x4f: {  	v3 =	vld [tilespmem:s25+$0xFFFFFFF0]  }
0x50: {  	s16 =	simm.s32 $0x1D720;
	v4 =	vld [tilespmem:s25+$0x0]  }
0x51: {  	v5 =	vld [tilespmem:s16+$0x10]  }
0x52: {  	v6 =	vld [tilespmem:s25+$0xFFFFFFE0]  }
0x53: {  	v7 =	vld [tilespmem:s16+$0xFFFFFFE0]  }
0x54: {  	v8 =	vld [tilespmem:s16+$0xFFFFFFF0]  }
0x55: {  	v9 =	vld [tilespmem:s16+$0x0]  }
0x56: {  	v2 =	vld.idx.msk [tilespmem:v2+s4+$0x0], $0xffff  }
0x57: {  	v10 =	vld.idx.msk [tilespmem:v3+s4+$0x0], $0xffff  }
0x58: {  	v12 =	vld.idx.msk [tilespmem:v4+s4+$0x0], $0xffff  }
0x59: {  	v3 =	vld.idx.msk [tilespmem:v5+s4+$0x0], $0xffff  }
0x5a: {  	v11 =	vld.idx.msk [tilespmem:v6+s4+$0x0], $0xffff  }
0x5b: {  	v4 =	vld.idx.msk [tilespmem:v7+s4+$0x0], $0xffff  }
0x5c: {  	s17 =	simm.s32 $0x1E720;
	v6 =	vld.idx.msk [tilespmem:v8+s4+$0x0], $0xffff  }
0x5d: {  	v8 =	vld [tilespmem:s17+$0x10];
	v5 =	vshll.u32 v2, $0x3  }
0x5e: {  	v7 =	vand.u32 $0xFFFFFC00, v10;
	v13 =	vand.u32 $0x7F, v2;
	v14 =	vshll.u32 v10, $0x3  }
0x5f: {  	v9 =	vld.idx.msk [tilespmem:v9+s4+$0x0], $0xffff;
	v2 =	vand.u32 $0xFFFFFC00, v2;
	v3 =	vand.u32 $0xFFFFFC00, v3;
	v5 =	vand.u32 $0x1C00, v5  }
0x60: {  	v15 =	vand.u32 $0xFFFFFC00, v12;
	v3 =	vmul.f32 v3, v2;
	v5 =	vor.u32 v5, v13  }
0x61: {  	v4 =	vand.u32 $0xFFFFFC00, v4;
	v2 =	vld [tilespmem:s17+$0xFFFFFFE0];
	v13 =	vor.u32 v1, v5;
	v5 =	vand.u32 $0xFFFFFC00, v11  }
0x62: {  	v18 =	vmul.f32 v3, v8;
	v3 =	vld [tilespmem:s17+$0xFFFFFFF0];
	v5 =	vmul.f32 v4, v5;
	v4 =	vand.u32 $0xFFFFFC00, v6  }
0x63: {  	v16 =	vshll.u32 v11, $0x3;
	v17 =	vshll.u32 v12, $0x3;
	v6 =	vmul.f32 v4, v7;
	v4 =	vld [tilespmem:s17+$0x0]  }
0x64: {  	v10 =	vand.u32 $0x7F, v10;
	v9 =	vand.u32 $0xFFFFFC00, v9;
	v12 =	vand.u32 $0x7F, v12  }
0x65: {  	v16 =	vand.u32 $0x1C00, v16;
	v9 =	vmul.f32 v9, v15;
	v11 =	vand.u32 $0x7F, v11  }
0x66: {  	s24 =	simm.s32 $0x0;
	s25 =	simm.s32 $0x1C760;
	v8 =	vand.u32 $0x1C00, v14;
	v11 =	vor.u32 v16, v11;
	v7 =	vand.u32 $0x1C00, v17;
	[tilespmem:v13+s22+$0x0] =	vst.idx.add.f32.msk $0xffff, v18  }
.LBB2_5:
0x67: {  	v13 =	vld [tilespmem:s25+$0x10];
	s24 =	sadd.s32 $0x40, s24;
	v14 =	vmul.f32 v5, v2;
	v2 =	vor.u32 v8, v10;
	v5 =	vor.u32 v7, v12  }
0x68: {  	v8 =	vor.u32 v1, v11;
	v10 =	vmul.f32 v6, v3;
	v7 =	vld [tilespmem:s25+$0xFFFFFFF0];
	p0 =	slt.u32 s24, $0x780;
	v15 =	vmul.f32 v9, v4  }
0x69: {  	s16 =	sadd.s32 $0x40, s16;
	v9 =	vor.u32 v1, v2;
	v16 =	vor.u32 v1, v5;
	v3 =	vld [tilespmem:s25+$0x0]  }
0x6a: {  	v2 =	vld [tilespmem:s16+$0x10]  }
0x6b: {  	v4 =	vld [tilespmem:s25+$0xFFFFFFE0]  }
0x6c: {  	v5 =	vld [tilespmem:s16+$0xFFFFFFE0]  }
0x6d: {  	v6 =	vld [tilespmem:s16+$0xFFFFFFF0]  }
0x6e: {  	v11 =	vld [tilespmem:s16+$0x0]  }
0x6f: {  	v12 =	vld.idx.msk [tilespmem:v13+s4+$0x0], $0xffff  }
0x70: {  	v13 =	vld.idx.msk [tilespmem:v7+s4+$0x0], $0xffff  }
0x71: {  	v17 =	vld.idx.msk [tilespmem:v3+s4+$0x0], $0xffff  }
0x72: {  	v3 =	vld.idx.msk [tilespmem:v2+s4+$0x0], $0xffff  }
0x73: {  	v18 =	vld.idx.msk [tilespmem:v4+s4+$0x0], $0xffff  }
0x74: {  	v4 =	vld.idx.msk [tilespmem:v5+s4+$0x0], $0xffff  }
0x75: {  	s17 =	sadd.s32 $0x40, s17;
	v2 =	vshll.u32 v12, $0x3;
	v6 =	vld.idx.msk [tilespmem:v6+s4+$0x0], $0xffff  }
0x76: {  	v5 =	vand.u32 $0x7F, v12;
	v7 =	vand.u32 $0xFFFFFC00, v13;
	v2 =	vand.u32 $0x1C00, v2;
	v19 =	vld [tilespmem:s17+$0x10]  }
0x77: {  	v20 =	vshll.u32 v13, $0x3;
	v21 =	vand.u32 $0xFFFFFC00, v17;
	v5 =	vor.u32 v2, v5;
	v11 =	vld.idx.msk [tilespmem:v11+s4+$0x0], $0xffff  }
0x78: {  	v12 =	vand.u32 $0xFFFFFC00, v12;
	v22 =	vand.u32 $0xFFFFFC00, v3;
	v23 =	vor.u32 v1, v5;
	v2 =	vld [tilespmem:s17+$0xFFFFFFE0]  }
0x79: {  	v5 =	vand.u32 $0xFFFFFC00, v18;
	v24 =	vshll.u32 v18, $0x3;
	v12 =	vmul.f32 v22, v12;
	v3 =	vld [tilespmem:s17+$0xFFFFFFF0]  }
.Ltmp1:
0x7a: {  	v25 =	vshll.u32 v17, $0x3;
	v22 =	vand.u32 $0xFFFFFC00, v4;
	v24 =	vand.u32 $0x1C00, v24;
	v4 =	vld [tilespmem:s17+$0x0];
	(pc) =	sbr.rel @p0 .LBB2_5-.Ltmp1, $4  }
0x7b: {  	v5 =	vmul.f32 v22, v5;
	v6 =	vand.u32 $0xFFFFFC00, v6;
	v12 =	vmul.f32 v12, v19;
	[tilespmem:v8+s22+$0x0] =	vst.idx.add.f32.msk $0xffff, v14  }
0x7c: {  	v6 =	vmul.f32 v6, v7;
	v8 =	vand.u32 $0x1C00, v20;
	v7 =	vand.u32 $0x1C00, v25;
	[tilespmem:v9+s22+$0x0] =	vst.idx.add.f32.msk $0xffff, v10  }
0x7d: {  	v9 =	vand.u32 $0x7F, v18;
	v10 =	vand.u32 $0x7F, v13;
	v13 =	vand.u32 $0xFFFFFC00, v11;
	[tilespmem:v23+s22+$0x0] =	vst.idx.add.f32.msk $0xffff, v12  }
0x7e: {  	s25 =	sadd.s32 $0x40, s25;
	v11 =	vor.u32 v24, v9;
	v9 =	vmul.f32 v13, v21;
	v12 =	vand.u32 $0x7F, v17;
	[tilespmem:v16+s22+$0x0] =	vst.idx.add.f32.msk $0xffff, v15  }
0x7f: {  	v8 =	vor.u32 v8, v10;
	v10 =	vor.u32 v1, v11  }
0x80: {  	v7 =	vor.u32 v7, v12;
	v8 =	vor.u32 v1, v8  }
0x81: {  	v7 =	vor.u32 v1, v7  }
0x82: {  	v2 =	vmul.f32 v5, v2  }
0x83: {  	v3 =	vmul.f32 v6, v3  }
0x84: {  	v4 =	vmul.f32 v9, v4;
	[tilespmem:v10+s22+$0x0] =	vst.idx.add.f32.msk $0xffff, v2  }
0x85: {  	[tilespmem:v8+s22+$0x0] =	vst.idx.add.f32.msk $0xffff, v3  }
0x86: {  	[tilespmem:v7+s22+$0x0] =	vst.idx.add.f32.msk $0xffff, v4  }
0x87: {  	v2 =	vld [tilespmem:$0x1CEC0];
	_ =	sdelay $0x2  }
0x88: {  	v3 =	vld [tilespmem:$0x1DEC0];
	_ =	sdelay $0x4  }
0x89: {  	v2 =	vld.idx.msk [tilespmem:v2+s4+$0x0], $0xffff;
	_ =	sdelay $0x2  }
0x8a: {  	v3 =	vld.idx.msk [tilespmem:v3+s4+$0x0], $0xffff;
	_ =	sdelay $0x1  }
0x8b: {  	v4 =	vshll.u32 v2, $0x3  }
0x8c: {  	v5 =	vld [tilespmem:$0x1EEC0];
	v6 =	vand.u32 $0x7F, v2;
	v4 =	vand.u32 $0x1C00, v4  }
0x8d: {  	v4 =	vor.u32 v4, v6  }
0x8e: {  	v2 =	vand.u32 $0xFFFFFC00, v2;
	v3 =	vand.u32 $0xFFFFFC00, v3;
	v4 =	vor.u32 v1, v4  }
0x8f: {  	p0 =	seq.s32 s1, $0x9;
	v2 =	vmul.f32 v3, v2  }
0x90: {  	s15 =	sadd.s32 @!p0 s15, s11  }
0x91: {  	s15 =	sshrl.u32 @!p0 s15, $0x3;
	v2 =	vmul.f32 v2, v5  }
0x92: {  	s16 =	sadd.s32 @!p0 $0x9C400, s15  }
0x93: {  	s24 =	simm.s32 @!p0 $0x0;
	s25 =	simm.s32 @!p0 $0x1C700;
	s17 =	sadd.s32 @!p0 s2, s16;
	[tilespmem:v4+s22+$0x0] =	vst.idx.add.f32.msk $0xffff, v2  }
0x94: {  	[tilespmem:s25], [sflag:$0x1] =	stream.linear.gather @!p0 [hbm4b:s17+s24], $0x7D0, $0x38;
	[tilespmem:$0x1F700] =	vst v63  }
0x95: {  	s16 =	sadd.s32 @!p0 s3, s16;
	s17 =	simm.s32 @!p0 $0x1D700  }
0x96: {  	[tilespmem:s17], [sflag:$0x1] =	stream.linear.gather @!p0 [hbm4b:s16+s24], $0x7D0, $0x38;
	[tilespmem:$0x1F700] =	vst v63  }
0x97: {  	s15 =	sadd.s32 @!p0 s6, s15;
	s16 =	simm.s32 @!p0 $0x1E700  }
0x98: {  	[tilespmem:s16], [sflag:$0x1] =	stream.linear.gather @!p0 [hbm4b:s15+s24], $0x7D0, $0x38;
	[tilespmem:$0x1F700] =	vst v63  }
0x99: {  	_ =	swait.ge [sflag:s23], $0x7D0  }
0x9a: {  	[sflag:s23] =	ssyncset.done $0x0  }
0x9b: {  	[sflag:s23] =	ssyncadd.s32 $0xFFFFF830  }
0x9c: {  	_ =	swait.ge [sflag:s23], $0x7D0  }
0x9d: {  	[sflag:s23] =	ssyncset.done $0x0  }
0x9e: {  	[sflag:s23] =	ssyncadd.s32 $0xFFFFF830  }
0x9f: {  	_ =	swait.ge [sflag:s23], $0x7D0  }
0xa0: {  	[sflag:s23] =	ssyncset.done $0x0  }
0xa1: {  	s25 =	simm.s32 $0x1CF20;
	[sflag:s23] =	ssyncadd.s32 $0xFFFFF830  }
0xa2: {  	v2 =	vld [tilespmem:s25+$0x10]  }
0xa3: {  	v3 =	vld [tilespmem:s25+$0xFFFFFFF0]  }
0xa4: {  	s15 =	simm.s32 $0x1DF20;
	v4 =	vld [tilespmem:s25+$0x0]  }
0xa5: {  	v5 =	vld [tilespmem:s15+$0x10]  }
0xa6: {  	v6 =	vld [tilespmem:s25+$0xFFFFFFE0]  }
0xa7: {  	v7 =	vld [tilespmem:s15+$0xFFFFFFE0]  }
0xa8: {  	v8 =	vld [tilespmem:s15+$0xFFFFFFF0]  }
0xa9: {  	v9 =	vld [tilespmem:s15+$0x0]  }
0xaa: {  	v2 =	vld.idx.msk [tilespmem:v2+s4+$0x0], $0xffff  }
0xab: {  	v10 =	vld.idx.msk [tilespmem:v3+s4+$0x0], $0xffff  }
0xac: {  	v12 =	vld.idx.msk [tilespmem:v4+s4+$0x0], $0xffff  }
0xad: {  	v3 =	vld.idx.msk [tilespmem:v5+s4+$0x0], $0xffff  }
0xae: {  	v11 =	vld.idx.msk [tilespmem:v6+s4+$0x0], $0xffff  }
0xaf: {  	v4 =	vld.idx.msk [tilespmem:v7+s4+$0x0], $0xffff  }
0xb0: {  	s16 =	simm.s32 $0x1EF20;
	v6 =	vld.idx.msk [tilespmem:v8+s4+$0x0], $0xffff  }
0xb1: {  	v8 =	vld [tilespmem:s16+$0x10];
	v5 =	vshll.u32 v2, $0x3  }
0xb2: {  	v7 =	vand.u32 $0xFFFFFC00, v10;
	v13 =	vand.u32 $0x7F, v2;
	v14 =	vshll.u32 v10, $0x3  }
0xb3: {  	v9 =	vld.idx.msk [tilespmem:v9+s4+$0x0], $0xffff;
	v2 =	vand.u32 $0xFFFFFC00, v2;
	v3 =	vand.u32 $0xFFFFFC00, v3;
	v5 =	vand.u32 $0x1C00, v5  }
0xb4: {  	v15 =	vand.u32 $0xFFFFFC00, v12;
	v3 =	vmul.f32 v3, v2;
	v5 =	vor.u32 v5, v13  }
0xb5: {  	v4 =	vand.u32 $0xFFFFFC00, v4;
	v2 =	vld [tilespmem:s16+$0xFFFFFFE0];
	v13 =	vor.u32 v1, v5;
	v5 =	vand.u32 $0xFFFFFC00, v11  }
0xb6: {  	v18 =	vmul.f32 v3, v8;
	v3 =	vld [tilespmem:s16+$0xFFFFFFF0];
	v5 =	vmul.f32 v4, v5;
	v4 =	vand.u32 $0xFFFFFC00, v6  }
0xb7: {  	v16 =	vshll.u32 v11, $0x3;
	v17 =	vshll.u32 v12, $0x3;
	v6 =	vmul.f32 v4, v7;
	v4 =	vld [tilespmem:s16+$0x0]  }
0xb8: {  	v10 =	vand.u32 $0x7F, v10;
	v9 =	vand.u32 $0xFFFFFC00, v9;
	v12 =	vand.u32 $0x7F, v12  }
0xb9: {  	v16 =	vand.u32 $0x1C00, v16;
	v9 =	vmul.f32 v9, v15;
	v11 =	vand.u32 $0x7F, v11  }
0xba: {  	s17 =	simm.s32 $0x0;
	s24 =	simm.s32 $0x1CF60;
	v8 =	vand.u32 $0x1C00, v14;
	v11 =	vor.u32 v16, v11;
	v7 =	vand.u32 $0x1C00, v17;
	[tilespmem:v13+s22+$0x0] =	vst.idx.add.f32.msk $0xffff, v18  }
.LBB2_7:
0xbb: {  	v13 =	vld [tilespmem:s24+$0x10];
	s17 =	sadd.s32 $0x40, s17;
	v14 =	vmul.f32 v5, v2;
	v2 =	vor.u32 v8, v10;
	v5 =	vor.u32 v7, v12  }
0xbc: {  	v8 =	vor.u32 v1, v11;
	v10 =	vmul.f32 v6, v3;
	v7 =	vld [tilespmem:s24+$0xFFFFFFF0];
	p0 =	slt.u32 s17, $0x780;
	v15 =	vmul.f32 v9, v4  }
0xbd: {  	s15 =	sadd.s32 $0x40, s15;
	v9 =	vor.u32 v1, v2;
	v16 =	vor.u32 v1, v5;
	v3 =	vld [tilespmem:s24+$0x0]  }
0xbe: {  	v2 =	vld [tilespmem:s15+$0x10]  }
0xbf: {  	v4 =	vld [tilespmem:s24+$0xFFFFFFE0]  }
0xc0: {  	v5 =	vld [tilespmem:s15+$0xFFFFFFE0]  }
0xc1: {  	v6 =	vld [tilespmem:s15+$0xFFFFFFF0]  }
0xc2: {  	v11 =	vld [tilespmem:s15+$0x0]  }
0xc3: {  	v12 =	vld.idx.msk [tilespmem:v13+s4+$0x0], $0xffff  }
0xc4: {  	v13 =	vld.idx.msk [tilespmem:v7+s4+$0x0], $0xffff  }
0xc5: {  	v17 =	vld.idx.msk [tilespmem:v3+s4+$0x0], $0xffff  }
0xc6: {  	v3 =	vld.idx.msk [tilespmem:v2+s4+$0x0], $0xffff  }
0xc7: {  	v18 =	vld.idx.msk [tilespmem:v4+s4+$0x0], $0xffff  }
0xc8: {  	v4 =	vld.idx.msk [tilespmem:v5+s4+$0x0], $0xffff  }
0xc9: {  	s16 =	sadd.s32 $0x40, s16;
	v2 =	vshll.u32 v12, $0x3;
	v6 =	vld.idx.msk [tilespmem:v6+s4+$0x0], $0xffff  }
0xca: {  	v5 =	vand.u32 $0x7F, v12;
	v7 =	vand.u32 $0xFFFFFC00, v13;
	v2 =	vand.u32 $0x1C00, v2;
	v19 =	vld [tilespmem:s16+$0x10]  }
0xcb: {  	v20 =	vshll.u32 v13, $0x3;
	v21 =	vand.u32 $0xFFFFFC00, v17;
	v5 =	vor.u32 v2, v5;
	v11 =	vld.idx.msk [tilespmem:v11+s4+$0x0], $0xffff  }
0xcc: {  	v12 =	vand.u32 $0xFFFFFC00, v12;
	v22 =	vand.u32 $0xFFFFFC00, v3;
	v23 =	vor.u32 v1, v5;
	v2 =	vld [tilespmem:s16+$0xFFFFFFE0]  }
0xcd: {  	v5 =	vand.u32 $0xFFFFFC00, v18;
	v24 =	vshll.u32 v18, $0x3;
	v12 =	vmul.f32 v22, v12;
	v3 =	vld [tilespmem:s16+$0xFFFFFFF0]  }
.Ltmp2:
0xce: {  	v25 =	vshll.u32 v17, $0x3;
	v22 =	vand.u32 $0xFFFFFC00, v4;
	v24 =	vand.u32 $0x1C00, v24;
	v4 =	vld [tilespmem:s16+$0x0];
	(pc) =	sbr.rel @p0 .LBB2_7-.Ltmp2, $4  }
0xcf: {  	v5 =	vmul.f32 v22, v5;
	v6 =	vand.u32 $0xFFFFFC00, v6;
	v12 =	vmul.f32 v12, v19;
	[tilespmem:v8+s22+$0x0] =	vst.idx.add.f32.msk $0xffff, v14  }
0xd0: {  	v6 =	vmul.f32 v6, v7;
	v8 =	vand.u32 $0x1C00, v20;
	v7 =	vand.u32 $0x1C00, v25;
	[tilespmem:v9+s22+$0x0] =	vst.idx.add.f32.msk $0xffff, v10  }
0xd1: {  	v9 =	vand.u32 $0x7F, v18;
	v10 =	vand.u32 $0x7F, v13;
	v13 =	vand.u32 $0xFFFFFC00, v11;
	[tilespmem:v23+s22+$0x0] =	vst.idx.add.f32.msk $0xffff, v12  }
0xd2: {  	s24 =	sadd.s32 $0x40, s24;
	v11 =	vor.u32 v24, v9;
	v9 =	vmul.f32 v13, v21;
	v12 =	vand.u32 $0x7F, v17;
	[tilespmem:v16+s22+$0x0] =	vst.idx.add.f32.msk $0xffff, v15  }
0xd3: {  	v8 =	vor.u32 v8, v10;
	v60 =	vor.u32 v1, v11  }
0xd4: {  	v7 =	vor.u32 v7, v12;
	v8 =	vor.u32 v1, v8  }
0xd5: {  	v7 =	vor.u32 v1, v7  }
0xd6: {  	v2 =	vmul.f32 v5, v2  }
0xd7: {  	v3 =	vmul.f32 v6, v3  }
0xd8: {  	v4 =	vmul.f32 v9, v4;
	[tilespmem:v60+s22+$0x0] =	vst.idx.add.f32.msk $0xffff, v2  }
0xd9: {  	[tilespmem:v8+s22+$0x0] =	vst.idx.add.f32.msk $0xffff, v3  }
0xda: {  	[tilespmem:v7+s22+$0x0] =	vst.idx.add.f32.msk $0xffff, v4  }
0xdb: {  	v2 =	vld [tilespmem:$0x1D6C0];
	_ =	sdelay $0x2  }
0xdc: {  	v3 =	vld [tilespmem:$0x1E6C0];
	_ =	sdelay $0x3  }
0xdd: {  	s15 =	simm.s32 $0x0  }
0xde: {  	v2 =	vld.idx.msk [tilespmem:v2+s15+$0x0], $0xffff;
	_ =	sdelay $0x2  }
0xdf: {  	v3 =	vld.idx.msk [tilespmem:v3+s15+$0x0], $0xffff;
	_ =	sdelay $0x1  }
0xe0: {  	v61 =	vshll.u32 v2, $0x3  }
0xe1: {  	v62 =	vld [tilespmem:$0x1F6C0];
	v63 =	vand.u32 $0x7F, v2;
	v4 =	vand.u32 $0x1C00, v61  }
0xe2: {  	s1 =	sadd.s32 $0x1, s1;
	v4 =	vor.u32 v4, v63  }
0xe3: {  	p0 =	sne.s32 s1, $0xA;
	v2 =	vand.u32 $0xFFFFFC00, v2;
	v3 =	vand.u32 $0xFFFFFC00, v3;
	v4 =	vor.u32 v1, v4  }
.Ltmp3:
0xe4: {  	v2 =	vmul.f32 v3, v2;
	(pc) =	sbr.rel @p0 .LBB2_4-.Ltmp3, $3  }
0xe5: {  	_ = 	snop  }
0xe6: {  	v2 =	vmul.f32 v2, v62;
	_ =	sdelay $0x1  }
0xe7: {  	[tilespmem:v4+s22+$0x0] =	vst.idx.add.f32.msk $0xffff, v2  }
0xe8: {  	s1 =	sand.u32 $0x70, s15;
	s16 =	sand.u32 $0x1C00, s15  }
0xe9: {  	s1 =	sor.u32 s1, s16  }
0xea: {  	s16 =	sadd.s32 $0x18700, s1;
	v3 =	vld [tilespmem:s1+$0x18700]  }
0xeb: {  	v2 =	vld [tilespmem:s16+$0x80];
	_ =	sdelay $0x1  }
0xec: {  	v4 =	vld [tilespmem:s16+$0x100];
	_ =	sdelay $0x1  }
0xed: {  	v5 =	vld [tilespmem:s16+$0x180]  }
0xee: {  	v2 =	vadd.f32 v2, v3  }
0xef: {  	v3 =	vld [tilespmem:s16+$0x200]  }
0xf0: {  	v2 =	vadd.f32 v4, v2  }
0xf1: {  	v56 =	vld [tilespmem:s16+$0x280]  }
0xf2: {  	v2 =	vadd.f32 v5, v2  }
0xf3: {  	s25 =	sor.u32 s15, s15;
	v57 =	vld [tilespmem:s16+$0x300]  }
0xf4: {  	s15 =	sor.u32 $0x380, s25;
	v2 =	vadd.f32 v3, v2  }
0xf5: {  	v3 =	vld [tilespmem:s15+$0x18700]  }
0xf6: {  	v2 =	vadd.f32 v56, v2  }
0xf7: {  	v58 =	vld [tilespmem:s1+$0x1A700]  }
0xf8: {  	v2 =	vadd.f32 v57, v2  }
0xf9: {  	v59 =	vld [tilespmem:s1+$0x1A780]  }
0xfa: {  	v2 =	vadd.f32 v3, v2  }
0xfb: {  	v3 =	vld [tilespmem:s1+$0x1A800]  }
0xfc: {  	v2 =	vadd.f32 v58, v2  }
0xfd: {  	v60 =	vld [tilespmem:s1+$0x1A880]  }
0xfe: {  	v2 =	vadd.f32 v59, v2  }
0xff: {  	v61 =	vld [tilespmem:s1+$0x1A900]  }
0x100: {  	v2 =	vadd.f32 v3, v2  }
0x101: {  	v3 =	vld [tilespmem:s1+$0x1A980]  }
0x102: {  	v2 =	vadd.f32 v60, v2  }
0x103: {  	v62 =	vld [tilespmem:s1+$0x1AA00]  }
0x104: {  	v2 =	vadd.f32 v61, v2  }
0x105: {  	v63 =	vld [tilespmem:s1+$0x1AA80]  }
0x106: {  	v2 =	vadd.f32 v3, v2;
	_ =	sdelay $0x1  }
0x107: {  	s16 =	simm.s32 $0x80;
	s15 =	simm.s32 $0x10;
	v2 =	vadd.f32 v62, v2  }
0x108: {  	s24 =	sand.u32 $0x1C00, s16;
	s17 =	sand.u32 $0x70, s15  }
0x109: {  	s24 =	sor.u32 s17, s24;
	s17 =	simm.s32 $0x20;
	v2 =	vadd.f32 v63, v2  }
.LBB2_10:
0x10a: {  	p0 =	sne.s32 s17, $0x3E0;
	s25 =	sadd.s32 $0x18700, s24  }
0x10b: {  	v3 =	vld [tilespmem:s25+$0x80];
	[tilespmem:s1+$0x18700] =	vst v2;
	s1 =	smov.u32 s24  }
0x10c: {  	v2 =	vld [tilespmem:s1+$0x18700];
	_ =	sdelay $0x1  }
0x10d: {  	v4 =	vld [tilespmem:s25+$0x100];
	_ =	sdelay $0x1  }
0x10e: {  	v5 =	vld [tilespmem:s25+$0x180]  }
0x10f: {  	v2 =	vadd.f32 v3, v2  }
0x110: {  	v3 =	vld [tilespmem:s25+$0x200]  }
0x111: {  	v2 =	vadd.f32 v4, v2  }
0x112: {  	v4 =	vld [tilespmem:s25+$0x280]  }
0x113: {  	v2 =	vadd.f32 v5, v2  }
0x114: {  	s24 =	sor.u32 s16, s15;
	s15 =	smov.u32 s17;
	v5 =	vld [tilespmem:s25+$0x300]  }
0x115: {  	s24 =	sor.u32 $0x380, s24;
	v2 =	vadd.f32 v3, v2  }
0x116: {  	v3 =	vld [tilespmem:s24+$0x18700]  }
0x117: {  	v2 =	vadd.f32 v4, v2  }
0x118: {  	v4 =	vld [tilespmem:s1+$0x1A700]  }
0x119: {  	v2 =	vadd.f32 v5, v2  }
0x11a: {  	v5 =	vld [tilespmem:s1+$0x1A780]  }
0x11b: {  	v2 =	vadd.f32 v3, v2  }
0x11c: {  	v3 =	vld [tilespmem:s1+$0x1A800]  }
0x11d: {  	v2 =	vadd.f32 v4, v2  }
0x11e: {  	v4 =	vld [tilespmem:s1+$0x1A880]  }
0x11f: {  	v2 =	vadd.f32 v5, v2  }
0x120: {  	v5 =	vld [tilespmem:s1+$0x1A900]  }
0x121: {  	v2 =	vadd.f32 v3, v2  }
0x122: {  	v3 =	vld [tilespmem:s1+$0x1A980]  }
0x123: {  	v2 =	vadd.f32 v4, v2  }
0x124: {  	v4 =	vld [tilespmem:s1+$0x1AA00]  }
0x125: {  	v2 =	vadd.f32 v5, v2  }
0x126: {  	v5 =	vld [tilespmem:s1+$0x1AA80]  }
.Ltmp4:
0x127: {  	v2 =	vadd.f32 v3, v2;
	(pc) =	sbr.rel @p0 .LBB2_10-.Ltmp4, $4  }
0x128: {  	_ = 	snop  }
0x129: {  	s16 =	sadd.s32 $0x80, s16;
	v2 =	vadd.f32 v4, v2  }
0x12a: {  	s25 =	sand.u32 $0x1C00, s16;
	s24 =	sand.u32 $0x70, s17  }
0x12b: {  	s17 =	sadd.s32 $0x10, s17;
	s24 =	sor.u32 s24, s25;
	v2 =	vadd.f32 v5, v2  }
0x12c: {  	s17 =	sadd.s32 $0x18700, s24  }
0x12d: {  	v3 =	vld [tilespmem:s17+$0x80];
	[tilespmem:s1+$0x18700] =	vst v2  }
0x12e: {  	v2 =	vld [tilespmem:s24+$0x18700];
	_ =	sdelay $0x1  }
0x12f: {  	v4 =	vld [tilespmem:s17+$0x100];
	_ =	sdelay $0x1  }
0x130: {  	v5 =	vld [tilespmem:s17+$0x180]  }
0x131: {  	v2 =	vadd.f32 v3, v2  }
0x132: {  	v3 =	vld [tilespmem:s17+$0x200]  }
0x133: {  	v2 =	vadd.f32 v4, v2  }
0x134: {  	v56 =	vld [tilespmem:s17+$0x280]  }
0x135: {  	v2 =	vadd.f32 v5, v2  }
0x136: {  	s15 =	sor.u32 s16, s15;
	v57 =	vld [tilespmem:s17+$0x300]  }
0x137: {  	s1 =	sor.u32 $0x380, s15;
	v2 =	vadd.f32 v3, v2  }
0x138: {  	v3 =	vld [tilespmem:s1+$0x18700]  }
0x139: {  	v2 =	vadd.f32 v56, v2  }
0x13a: {  	v58 =	vld [tilespmem:s24+$0x1A700]  }
0x13b: {  	v2 =	vadd.f32 v57, v2  }
0x13c: {  	v59 =	vld [tilespmem:s24+$0x1A780]  }
0x13d: {  	v2 =	vadd.f32 v3, v2  }
0x13e: {  	v3 =	vld [tilespmem:s24+$0x1A800]  }
0x13f: {  	v2 =	vadd.f32 v58, v2  }
0x140: {  	v60 =	vld [tilespmem:s24+$0x1A880]  }
0x141: {  	v2 =	vadd.f32 v59, v2  }
0x142: {  	v61 =	vld [tilespmem:s24+$0x1A900]  }
0x143: {  	v2 =	vadd.f32 v3, v2  }
0x144: {  	v3 =	vld [tilespmem:s24+$0x1A980]  }
0x145: {  	v2 =	vadd.f32 v60, v2  }
0x146: {  	v62 =	vld [tilespmem:s24+$0x1AA00]  }
0x147: {  	v2 =	vadd.f32 v61, v2  }
0x148: {  	v63 =	vld [tilespmem:s24+$0x1AA80]  }
0x149: {  	v2 =	vadd.f32 v3, v2;
	_ =	sdelay $0x1  }
0x14a: {  	v2 =	vadd.f32 v62, v2;
	_ =	sdelay $0x1  }
0x14b: {  	v2 =	vadd.f32 v63, v2;
	_ =	sdelay $0x1  }
0x14c: {  	[tilespmem:s24+$0x18700] =	vst v2  }
0x14d: {  	[hbm4b:s12+s4] =	stream.linear.scatter [tilespmem:s22], [sflag:$0x3], $0x80, $0x38;
	[tilespmem:$0x1F700] =	vst v63  }
0x14e: {  	s16 =	sadd.s32 $0x80, s12;
	s17 =	simm.s32 $0x18B00  }
0x14f: {  	[hbm4b:s16+s4] =	stream.linear.scatter [tilespmem:s17], [sflag:$0x3], $0x80, $0x38;
	[tilespmem:$0x1F700] =	vst v63  }
0x150: {  	s25 =	simm.s32 $0x18F00;
	s24 =	sadd.s32 $0x100, s12  }
0x151: {  	[hbm4b:s24+s4] =	stream.linear.scatter [tilespmem:s25], [sflag:$0x3], $0x80, $0x38;
	[tilespmem:$0x1F700] =	vst v63  }
0x152: {  	s15 =	sadd.s32 $0x180, s12  }
0x153: {  	[hbm4b:s15+s4] =	stream.linear.scatter [tilespmem:s26], [sflag:$0x3], $0x80, $0x38;
	[tilespmem:$0x1F700] =	vst v63  }
0x154: {  	s16 =	sadd.s32 $0x200, s12  }
0x155: {  	[hbm4b:s16+s4] =	stream.linear.scatter [tilespmem:s28], [sflag:$0x3], $0x80, $0x38;
	[tilespmem:$0x1F700] =	vst v63  }
0x156: {  	s0 =	sadd.s32 $0x1, s0;
	s17 =	sadd.s32 $0x280, s12  }
0x157: {  	[hbm4b:s17+s4] =	stream.linear.scatter [tilespmem:s29], [sflag:$0x3], $0x80, $0x38;
	[tilespmem:$0x1F700] =	vst v63  }
0x158: {  	p0 =	sne.s32 s0, s13;
	s24 =	sadd.s32 $0x300, s12  }
0x159: {  	[hbm4b:s24+s4] =	stream.linear.scatter [tilespmem:s30], [sflag:$0x3], $0x80, $0x38;
	[tilespmem:$0x1F700] =	vst v63  }
.Ltmp5:
0x15a: {  	s25 =	sadd.s32 $0x380, s12;
	(pc) =	sbr.rel @p0 .LBB2_1-.Ltmp5, $4  }
0x15b: {  	[hbm4b:s25+s4] =	stream.linear.scatter [tilespmem:s31], [sflag:$0x3], $0x80, $0x38;
	[tilespmem:$0x1F700] =	vst v63  }
0x15c: {  	_ =	swait.ge [sflag:s14], $0x400  }
0x15d: {  	[sflag:s14] =	ssyncset.done $0x0  }
0x15e: {  	[sflag:s14] =	ssyncadd.s32 $0xFFFFFC00  }
0x15f: {  	_ =	sfence.sel $0x180000  }
0x160: {  	[bflag:$0x0] =	sbarrier.arrive $0xFFFF  }
0x161: {  	_ =	strace $0x90000053  }
0x162: {  	s0 =	stileid.u32;
	[bflag:$0x2] =	sbarrier.arrive $0xFFFF  }
0x163: {  	p0 =	sne.s32 s0, $0x0;
	s0 =	rddreg [dreg:$0x3]  }
0x164: {  	s0 =	sadd.s32 @!p0 $0x100000, s0  }
0x165: {  	[sflag:s0] =	ssyncadd.tile.s32 @!p0 $0x1;
	_ =	shalt  }
.Lfunc_end2:
_tile_overlayer_lowered:
.L_overlay_start_2:
0x166: {  	(tag) =	ssettag $0x2  }
0x167: {  	s0 =	rddreg [dreg:$0x0];
	s2 =	stileid.u32  }
0x168: {  	s1 =	rddreg [dreg:$0x1];
	p0 =	sne.s32 s2, $0x0  }
0x169: {  	s3 =	rddreg [dreg:$0x2];
	[bflag:$0x3] =	sbarrier.arrive $0xFFFF;
	s2 =	simm.s32 @!p0 $0x1C03  }
0x16a: {  	[timem:s3], [sflag:s2] =	dma.local @!p0 [hbm:s0], s1  }
0x16b: {  	s0 =	simm.s32 @!p0 $0x3  }
0x16c: {  	_ =	swait.ge @!p0 [sflag:s0], s1  }
0x16d: {  	s1 =	ssub.s32 @!p0 $0x0, s1;
	[sflag:s0] =	ssyncset.done @!p0 $0x0  }
0x16e: {  	[sflag:s0] =	ssyncadd.s32 @!p0 s1  }
0x16f: {  	[bflag:$0x3] =	sbarrier.arrive $0xFFFF  }
0x170: {  	_ =	shalt  }

</sc_bundles>
